<compile_context>
chip_gen: v7x
topology: tpu7x:2x2x1
jax: 0.10.2.dev20260603
libtpu: 0.0.44.dev20260713+nightly
codegen_flags: <defaults>
</compile_context>

<pallas_src>
import functools

import jax
import jax.numpy as jnp
from jax import lax
from jax.experimental import pallas as pl
from jax.experimental.pallas import tpu as pltpu
from jax.experimental.pallas import tpu_sc as plsc

B = 32
D = 64
T = 1024
K = 1024
_LANES = 16
_PB = 8
_Q = 256
_NQ = T // _Q


def _tc_body(x_ref, emb_ref, idx_ref, lsum_ref):
    step = pl.program_id(0)
    emb = emb_ref[...]
    emb2 = emb + emb
    en2 = jnp.sum(emb * emb, axis=1)
    acc = jnp.float32(0.0)
    for j in range(_PB):
        xb = x_ref[j]
        mm2 = lax.dot_general(emb2, xb, (((1,), (0,)), ((), ())),
                              preferred_element_type=jnp.float32)
        xn2 = jnp.sum(xb * xb, axis=0)
        dist = (xn2[None, :] + en2[:, None]) - mm2
        m = jnp.min(dist, axis=0)
        hit = dist == m[None, :]
        iota = lax.broadcasted_iota(jnp.int32, (K, T), 0)
        idxs = jnp.min(jnp.where(hit, iota, K), axis=0)
        idx_ref[j, 0, :] = idxs
        acc = acc + jnp.sum(m)
    prev = jnp.where(step == 0, 0.0, lsum_ref[0, 0])
    lsum_ref[0, 0] = prev + acc


_tc_call = pl.pallas_call(
    _tc_body,
    grid=(B // _PB,),
    in_specs=[
        pl.BlockSpec((_PB, D, T), lambda i: (i, 0, 0)),
        pl.BlockSpec((K, D), lambda i: (0, 0)),
    ],
    out_specs=[
        pl.BlockSpec((_PB, 1, T), lambda i: (i, 0, 0)),
        pl.BlockSpec((1, 1), lambda i: (0, 0), memory_space=pltpu.SMEM),
    ],
    out_shape=[
        jax.ShapeDtypeStruct((B, 1, T), jnp.int32),
        jax.ShapeDtypeStruct((1, 1), jnp.float32),
    ],
)


@functools.cache
def _make_sc_gather():
    mesh = plsc.VectorSubcoreMesh(core_axis_name="c", subcore_axis_name="s")

    @functools.partial(
        pl.kernel,
        mesh=mesh,
        out_type=jax.ShapeDtypeStruct((B, D, T), jnp.float32),
        compiler_params=pltpu.CompilerParams(needs_layout_passes=False),
        scratch_types=[
            pltpu.VMEM((D * K,), jnp.float32),
            pltpu.VMEM((T,), jnp.int32),
            pltpu.VMEM((D, T // 2), jnp.float32),
        ],
    )
    def _sc_gather(idx_hbm, embt_hbm, out_hbm, emb_v, idx_v, out_v):
        c = lax.axis_index("c")
        s = lax.axis_index("s")
        b = s * 2 + c
        pltpu.sync_copy(embt_hbm, emb_v)
        pltpu.sync_copy(idx_hbm.at[b, 0], idx_v)
        for h in range(2):
            @plsc.parallel_loop(0, (T // 2) // _LANES, unroll=2)
            def body(g, _h=h):
                idxv = idx_v[pl.ds(_h * (T // 2) + g * _LANES, _LANES)]
                for d in range(D):
                    val = plsc.load_gather(emb_v, [idxv + d * K])
                    out_v[d, pl.ds(g * _LANES, _LANES)] = val

            pltpu.sync_copy(out_v, out_hbm.at[b, :, pl.ds(h * (T // 2), T // 2)])

    return _sc_gather


def kernel(x, embedding):
    embt = jnp.reshape(jnp.transpose(embedding), (D * K,))
    idx3, lsum = _tc_call(x, embedding)
    indexes = jnp.reshape(idx3, (B, T))
    values = _make_sc_gather()(idx3, embt)
    loss = jnp.reshape(lsum, ()) * (2.0 / (B * T * D))
    return (values, indexes, loss)

# --- scband reference (transcript-rebuilt; emitter-appended) ---
"""Pipeline reference for scband-vq-24670292148591 (READ-ONLY COPY).

The authoritative reference and input builder live on the scoring server;
editing this copy changes nothing except your own understanding.
"""

import jax, jax.numpy as jnp
import numpy as np

CODEBOOK_SIZE = 1024
CODEWORD_SIZE = 64

def setup_inputs(seed: int = 0) -> dict:
    key = jax.random.key(seed)
    k1, k2 = jax.random.split(key)
    x = jax.random.normal(k1, (32, CODEWORD_SIZE, 1024), dtype=jnp.float32)
    embedding = jax.random.normal(k2, (CODEBOOK_SIZE, CODEWORD_SIZE), dtype=jnp.float32)
    return {"x": x, "embedding": embedding}

def reference(x, embedding):
    # x: [B, D, T] -> [B, T, D]
    xt = jnp.transpose(x, (0, 2, 1))
    # squared L2 distance to every codeword: [B, T, K]
    dist = (jnp.sum(xt ** 2, axis=2, keepdims=True)
            + jnp.sum(embedding ** 2, axis=1)
            - 2.0 * jnp.matmul(xt, embedding.T))
    indexes = jnp.argmin(dist, axis=2)  # [B, T] int
    one_hot = jax.nn.one_hot(indexes, CODEBOOK_SIZE, dtype=jnp.float32)
    values = jnp.matmul(one_hot, embedding)  # [B, T, D]
    loss1 = jnp.mean((jax.lax.stop_gradient(xt) - values) ** 2)
    loss2 = jnp.mean((xt - jax.lax.stop_gradient(values)) ** 2)
    values_out = jnp.transpose(values, (0, 2, 1))  # [B, D, T]
    return (values_out, indexes, loss1 + loss2)

if __name__ == "__main__":
    import jax
    _d = setup_inputs()
    print(jax.jit(kernel)(*tuple(_d.values())))

</pallas_src>

<mosaic_0001>
#map = affine_map<(d0, d1) -> (0, 0, 0)>
#map1 = affine_map<(d0, d1) -> (0)>
module attributes {stable_mosaic.version = 14 : i64} {
  func.func @_sc_gather(%arg0: i32, %arg1: i32, %arg2: memref<32x1x1024xi32, #tpu.memory_space<hbm>>, %arg3: memref<65536xf32, #tpu.memory_space<hbm>>, %arg4: memref<32x64x1024xf32, #tpu.memory_space<hbm>>, %arg5: memref<65536xf32, #tpu.memory_space<vmem>>, %arg6: memref<1024xi32, #tpu.memory_space<vmem>>, %arg7: memref<64x512xf32, #tpu.memory_space<vmem>>) attributes {dimension_semantics = [#tpu.dimension_semantics<core_parallel>, #tpu.dimension_semantics<subcore_parallel>], iteration_bounds = array<i64: 2, 16>, scalar_prefetch = 0 : i64, scratch_operands = 3 : i64, tpu.core_type = #tpu.core_type<sc_vector_subcore>, window_params = [{transform_indices = #map}, {transform_indices = #map1}, {transform_indices = #map}]} {
    %mul3A = arith.constant 2 : i32
    %mul3A_0 = arith.muli %arg1, %mul3A : i32
    %add3A = arith.addi %mul3A_0, %arg0 : i32
    "tpu.region"() ({
      %run_scoped3A_6 = tpu.sem_alloc : memref<!tpu.dma_semaphore, #tpu.memory_space<semaphore_mem>>
      tpu.enqueue_dma source(%arg3 : memref<65536xf32, #tpu.memory_space<hbm>>) target(%arg5 : memref<65536xf32, #tpu.memory_space<vmem>>) target_semaphore(%run_scoped3A_6 : memref<!tpu.dma_semaphore, #tpu.memory_space<semaphore_mem>>)
      tpu.wait_dma2 semaphore(%run_scoped3A_6 : memref<!tpu.dma_semaphore, #tpu.memory_space<semaphore_mem>>) src(%arg3 : memref<65536xf32, #tpu.memory_space<hbm>>) dst(%arg5 : memref<65536xf32, #tpu.memory_space<vmem>>)
      tpu.yield
    }) : () -> ()
    %run_scoped3A = arith.constant 0 : i32
    "tpu.region"() ({
      %run_scoped3A_6 = tpu.sem_alloc : memref<!tpu.dma_semaphore, #tpu.memory_space<semaphore_mem>>
      %dma_start3A = arith.constant 0 : i32
      %dma_start3A_7 = tpu.memref_slice %arg2[%add3A, %run_scoped3A, %dma_start3A] : memref<32x1x1024xi32, #tpu.memory_space<hbm>> -> memref<1x1x1024xi32, #tpu.memory_space<hbm>>
      %dma_start3A_8 = tpu.memref_squeeze %dma_start3A_7 : memref<1x1x1024xi32, #tpu.memory_space<hbm>> -> memref<1024xi32, #tpu.memory_space<hbm>>
      %dma_start3A_9 = arith.constant 0 : i32
      %dma_start3A_10 = tpu.memref_slice %arg2[%add3A, %run_scoped3A, %dma_start3A_9] : memref<32x1x1024xi32, #tpu.memory_space<hbm>> -> memref<1x1x1024xi32, #tpu.memory_space<hbm>>
      %dma_start3A_11 = tpu.memref_squeeze %dma_start3A_10 : memref<1x1x1024xi32, #tpu.memory_space<hbm>> -> memref<1024xi32, #tpu.memory_space<hbm>>
      tpu.enqueue_dma source(%dma_start3A_11 : memref<1024xi32, #tpu.memory_space<hbm>>) target(%arg6 : memref<1024xi32, #tpu.memory_space<vmem>>) target_semaphore(%run_scoped3A_6 : memref<!tpu.dma_semaphore, #tpu.memory_space<semaphore_mem>>)
      %dma_wait3A = arith.constant 0 : i32
      %dma_wait3A_12 = tpu.memref_slice %arg2[%add3A, %run_scoped3A, %dma_wait3A] : memref<32x1x1024xi32, #tpu.memory_space<hbm>> -> memref<1x1x1024xi32, #tpu.memory_space<hbm>>
      %dma_wait3A_13 = tpu.memref_squeeze %dma_wait3A_12 : memref<1x1x1024xi32, #tpu.memory_space<hbm>> -> memref<1024xi32, #tpu.memory_space<hbm>>
      %dma_wait3A_14 = arith.constant 0 : i32
      %dma_wait3A_15 = tpu.memref_slice %arg2[%add3A, %run_scoped3A, %dma_wait3A_14] : memref<32x1x1024xi32, #tpu.memory_space<hbm>> -> memref<1x1x1024xi32, #tpu.memory_space<hbm>>
      %dma_wait3A_16 = tpu.memref_squeeze %dma_wait3A_15 : memref<1x1x1024xi32, #tpu.memory_space<hbm>> -> memref<1024xi32, #tpu.memory_space<hbm>>
      tpu.wait_dma2 semaphore(%run_scoped3A_6 : memref<!tpu.dma_semaphore, #tpu.memory_space<semaphore_mem>>) src(%dma_wait3A_16 : memref<1024xi32, #tpu.memory_space<hbm>>) dst(%arg6 : memref<1024xi32, #tpu.memory_space<vmem>>)
      tpu.yield
    }) : () -> ()
    %parallel_loop3A = arith.constant 0 : i32
    %parallel_loop3A_1 = arith.constant 32 : i32
    %parallel_loop3A_2 = arith.constant 1 : i32
    scf.for %parallel_loop3A_6 = %parallel_loop3A to %parallel_loop3A_1 step %parallel_loop3A_2  : i32 {
      %parallel_loop3A_7 = arith.constant 16 : i32
      %parallel_loop3A_8 = arith.muli %parallel_loop3A_6, %parallel_loop3A_7 : i32
      %parallel_loop3A_9 = arith.constant 0 : i32
      %parallel_loop3A_10 = arith.addi %parallel_loop3A_9, %parallel_loop3A_8 : i32
      %parallel_loop3A_11 = arith.index_cast %parallel_loop3A_10 : i32 to index
      %parallel_loop3A_12 = tpu.vector_load %arg6[%parallel_loop3A_11] {strides = array<i32>} : memref<1024xi32, #tpu.memory_space<vmem>>, vector<16xi32>,
      %parallel_loop3A_13 = arith.constant 0 : i32
      %parallel_loop3A_14 = vector.broadcast %parallel_loop3A_13 : i32 to vector<16xi32>
      %parallel_loop3A_15 = arith.addi %parallel_loop3A_12, %parallel_loop3A_14 : vector<16xi32>
      %parallel_loop3A_16 = tpu.vector_load_idx %arg5[%parallel_loop3A_15] : memref<65536xf32, #tpu.memory_space<vmem>>[vector<16xi32>], vector<16xf32>,
      %parallel_loop3A_17 = arith.constant 16 : i32
      %parallel_loop3A_18 = arith.muli %parallel_loop3A_6, %parallel_loop3A_17 : i32
      %parallel_loop3A_19 = arith.constant 0 : i32
      %parallel_loop3A_20 = arith.index_cast %parallel_loop3A_19 : i32 to index
      %parallel_loop3A_21 = arith.index_cast %parallel_loop3A_18 : i32 to index
      %parallel_loop3A_22 = tpu.vector_load %arg7[%parallel_loop3A_20, %parallel_loop3A_21] {strides = array<i32>} : memref<64x512xf32, #tpu.memory_space<vmem>>, vector<16xf32>,
      tpu.vector_store %arg7[%parallel_loop3A_20, %parallel_loop3A_21], %parallel_loop3A_16 {strides = array<i32>} : memref<64x512xf32, #tpu.memory_space<vmem>>, vector<16xf32>,
      %parallel_loop3A_23 = arith.constant 1024 : i32
      %parallel_loop3A_24 = vector.broadcast %parallel_loop3A_23 : i32 to vector<16xi32>
      %parallel_loop3A_25 = arith.addi %parallel_loop3A_12, %parallel_loop3A_24 : vector<16xi32>
      %parallel_loop3A_26 = tpu.vector_load_idx %arg5[%parallel_loop3A_25] : memref<65536xf32, #tpu.memory_space<vmem>>[vector<16xi32>], vector<16xf32>,
      %parallel_loop3A_27 = arith.constant 16 : i32
      %parallel_loop3A_28 = arith.muli %parallel_loop3A_6, %parallel_loop3A_27 : i32
      %parallel_loop3A_29 = arith.constant 1 : i32
      %parallel_loop3A_30 = arith.index_cast %parallel_loop3A_29 : i32 to index
      %parallel_loop3A_31 = arith.index_cast %parallel_loop3A_28 : i32 to index
      %parallel_loop3A_32 = tpu.vector_load %arg7[%parallel_loop3A_30, %parallel_loop3A_31] {strides = array<i32>} : memref<64x512xf32, #tpu.memory_space<vmem>>, vector<16xf32>,
      tpu.vector_store %arg7[%parallel_loop3A_30, %parallel_loop3A_31], %parallel_loop3A_26 {strides = array<i32>} : memref<64x512xf32, #tpu.memory_space<vmem>>, vector<16xf32>,
      %parallel_loop3A_33 = arith.constant 2048 : i32
      %parallel_loop3A_34 = vector.broadcast %parallel_loop3A_33 : i32 to vector<16xi32>
      %parallel_loop3A_35 = arith.addi %parallel_loop3A_12, %parallel_loop3A_34 : vector<16xi32>
      %parallel_loop3A_36 = tpu.vector_load_idx %arg5[%parallel_loop3A_35] : memref<65536xf32, #tpu.memory_space<vmem>>[vector<16xi32>], vector<16xf32>,
      %parallel_loop3A_37 = arith.constant 16 : i32
      %parallel_loop3A_38 = arith.muli %parallel_loop3A_6, %parallel_loop3A_37 : i32
      %parallel_loop3A_39 = arith.constant 2 : i32
      %parallel_loop3A_40 = arith.index_cast %parallel_loop3A_39 : i32 to index
      %parallel_loop3A_41 = arith.index_cast %parallel_loop3A_38 : i32 to index
      %parallel_loop3A_42 = tpu.vector_load %arg7[%parallel_loop3A_40, %parallel_loop3A_41] {strides = array<i32>} : memref<64x512xf32, #tpu.memory_space<vmem>>, vector<16xf32>,
      tpu.vector_store %arg7[%parallel_loop3A_40, %parallel_loop3A_41], %parallel_loop3A_36 {strides = array<i32>} : memref<64x512xf32, #tpu.memory_space<vmem>>, vector<16xf32>,
      %parallel_loop3A_43 = arith.constant 3072 : i32
      %parallel_loop3A_44 = vector.broadcast %parallel_loop3A_43 : i32 to vector<16xi32>
      %parallel_loop3A_45 = arith.addi %parallel_loop3A_12, %parallel_loop3A_44 : vector<16xi32>
      %parallel_loop3A_46 = tpu.vector_load_idx %arg5[%parallel_loop3A_45] : memref<65536xf32, #tpu.memory_space<vmem>>[vector<16xi32>], vector<16xf32>,
      %parallel_loop3A_47 = arith.constant 16 : i32
      %parallel_loop3A_48 = arith.muli %parallel_loop3A_6, %parallel_loop3A_47 : i32
      %parallel_loop3A_49 = arith.constant 3 : i32
      %parallel_loop3A_50 = arith.index_cast %parallel_loop3A_49 : i32 to index
      %parallel_loop3A_51 = arith.index_cast %parallel_loop3A_48 : i32 to index
      %parallel_loop3A_52 = tpu.vector_load %arg7[%parallel_loop3A_50, %parallel_loop3A_51] {strides = array<i32>} : memref<64x512xf32, #tpu.memory_space<vmem>>, vector<16xf32>,
      tpu.vector_store %arg7[%parallel_loop3A_50, %parallel_loop3A_51], %parallel_loop3A_46 {strides = array<i32>} : memref<64x512xf32, #tpu.memory_space<vmem>>, vector<16xf32>,
      %parallel_loop3A_53 = arith.constant 4096 : i32
      %parallel_loop3A_54 = vector.broadcast %parallel_loop3A_53 : i32 to vector<16xi32>
      %parallel_loop3A_55 = arith.addi %parallel_loop3A_12, %parallel_loop3A_54 : vector<16xi32>
      %parallel_loop3A_56 = tpu.vector_load_idx %arg5[%parallel_loop3A_55] : memref<65536xf32, #tpu.memory_space<vmem>>[vector<16xi32>], vector<16xf32>,
      %parallel_loop3A_57 = arith.constant 16 : i32
      %parallel_loop3A_58 = arith.muli %parallel_loop3A_6, %parallel_loop3A_57 : i32
      %parallel_loop3A_59 = arith.constant 4 : i32
      %parallel_loop3A_60 = arith.index_cast %parallel_loop3A_59 : i32 to index
      %parallel_loop3A_61 = arith.index_cast %parallel_loop3A_58 : i32 to index
      %parallel_loop3A_62 = tpu.vector_load %arg7[%parallel_loop3A_60, %parallel_loop3A_61] {strides = array<i32>} : memref<64x512xf32, #tpu.memory_space<vmem>>, vector<16xf32>,
      tpu.vector_store %arg7[%parallel_loop3A_60, %parallel_loop3A_61], %parallel_loop3A_56 {strides = array<i32>} : memref<64x512xf32, #tpu.memory_space<vmem>>, vector<16xf32>,
      %parallel_loop3A_63 = arith.constant 5120 : i32
      %parallel_loop3A_64 = vector.broadcast %parallel_loop3A_63 : i32 to vector<16xi32>
      %parallel_loop3A_65 = arith.addi %parallel_loop3A_12, %parallel_loop3A_64 : vector<16xi32>
      %parallel_loop3A_66 = tpu.vector_load_idx %arg5[%parallel_loop3A_65] : memref<65536xf32, #tpu.memory_space<vmem>>[vector<16xi32>], vector<16xf32>,
      %parallel_loop3A_67 = arith.constant 16 : i32
      %parallel_loop3A_68 = arith.muli %parallel_loop3A_6, %parallel_loop3A_67 : i32
      %parallel_loop3A_69 = arith.constant 5 : i32
      %parallel_loop3A_70 = arith.index_cast %parallel_loop3A_69 : i32 to index
      %parallel_loop3A_71 = arith.index_cast %parallel_loop3A_68 : i32 to index
      %parallel_loop3A_72 = tpu.vector_load %arg7[%parallel_loop3A_70, %parallel_loop3A_71] {strides = array<i32>} : memref<64x512xf32, #tpu.memory_space<vmem>>, vector<16xf32>,
      tpu.vector_store %arg7[%parallel_loop3A_70, %parallel_loop3A_71], %parallel_loop3A_66 {strides = array<i32>} : memref<64x512xf32, #tpu.memory_space<vmem>>, vector<16xf32>,
      %parallel_loop3A_73 = arith.constant 6144 : i32
      %parallel_loop3A_74 = vector.broadcast %parallel_loop3A_73 : i32 to vector<16xi32>
      %parallel_loop3A_75 = arith.addi %parallel_loop3A_12, %parallel_loop3A_74 : vector<16xi32>
      %parallel_loop3A_76 = tpu.vector_load_idx %arg5[%parallel_loop3A_75] : memref<65536xf32, #tpu.memory_space<vmem>>[vector<16xi32>], vector<16xf32>,
      %parallel_loop3A_77 = arith.constant 16 : i32
      %parallel_loop3A_78 = arith.muli %parallel_loop3A_6, %parallel_loop3A_77 : i32
      %parallel_loop3A_79 = arith.constant 6 : i32
      %parallel_loop3A_80 = arith.index_cast %parallel_loop3A_79 : i32 to index
      %parallel_loop3A_81 = arith.index_cast %parallel_loop3A_78 : i32 to index
      %parallel_loop3A_82 = tpu.vector_load %arg7[%parallel_loop3A_80, %parallel_loop3A_81] {strides = array<i32>} : memref<64x512xf32, #tpu.memory_space<vmem>>, vector<16xf32>,
      tpu.vector_store %arg7[%parallel_loop3A_80, %parallel_loop3A_81], %parallel_loop3A_76 {strides = array<i32>} : memref<64x512xf32, #tpu.memory_space<vmem>>, vector<16xf32>,
      %parallel_loop3A_83 = arith.constant 7168 : i32
      %parallel_loop3A_84 = vector.broadcast %parallel_loop3A_83 : i32 to vector<16xi32>
      %parallel_loop3A_85 = arith.addi %parallel_loop3A_12, %parallel_loop3A_84 : vector<16xi32>
      %parallel_loop3A_86 = tpu.vector_load_idx %arg5[%parallel_loop3A_85] : memref<65536xf32, #tpu.memory_space<vmem>>[vector<16xi32>], vector<16xf32>,
      %parallel_loop3A_87 = arith.constant 16 : i32
      %parallel_loop3A_88 = arith.muli %parallel_loop3A_6, %parallel_loop3A_87 : i32
      %parallel_loop3A_89 = arith.constant 7 : i32
      %parallel_loop3A_90 = arith.index_cast %parallel_loop3A_89 : i32 to index
      %parallel_loop3A_91 = arith.index_cast %parallel_loop3A_88 : i32 to index
      %parallel_loop3A_92 = tpu.vector_load %arg7[%parallel_loop3A_90, %parallel_loop3A_91] {strides = array<i32>} : memref<64x512xf32, #tpu.memory_space<vmem>>, vector<16xf32>,
      tpu.vector_store %arg7[%parallel_loop3A_90, %parallel_loop3A_91], %parallel_loop3A_86 {strides = array<i32>} : memref<64x512xf32, #tpu.memory_space<vmem>>, vector<16xf32>,
      %parallel_loop3A_93 = arith.constant 8192 : i32
      %parallel_loop3A_94 = vector.broadcast %parallel_loop3A_93 : i32 to vector<16xi32>
      %parallel_loop3A_95 = arith.addi %parallel_loop3A_12, %parallel_loop3A_94 : vector<16xi32>
      %parallel_loop3A_96 = tpu.vector_load_idx %arg5[%parallel_loop3A_95] : memref<65536xf32, #tpu.memory_space<vmem>>[vector<16xi32>], vector<16xf32>,
      %parallel_loop3A_97 = arith.constant 16 : i32
      %parallel_loop3A_98 = arith.muli %parallel_loop3A_6, %parallel_loop3A_97 : i32
      %parallel_loop3A_99 = arith.constant 8 : i32
      %parallel_loop3A_100 = arith.index_cast %parallel_loop3A_99 : i32 to index
      %parallel_loop3A_101 = arith.index_cast %parallel_loop3A_98 : i32 to index
      %parallel_loop3A_102 = tpu.vector_load %arg7[%parallel_loop3A_100, %parallel_loop3A_101] {strides = array<i32>} : memref<64x512xf32, #tpu.memory_space<vmem>>, vector<16xf32>,
      tpu.vector_store %arg7[%parallel_loop3A_100, %parallel_loop3A_101], %parallel_loop3A_96 {strides = array<i32>} : memref<64x512xf32, #tpu.memory_space<vmem>>, vector<16xf32>,
      %parallel_loop3A_103 = arith.constant 9216 : i32
      %parallel_loop3A_104 = vector.broadcast %parallel_loop3A_103 : i32 to vector<16xi32>
      %parallel_loop3A_105 = arith.addi %parallel_loop3A_12, %parallel_loop3A_104 : vector<16xi32>
      %parallel_loop3A_106 = tpu.vector_load_idx %arg5[%parallel_loop3A_105] : memref<65536xf32, #tpu.memory_space<vmem>>[vector<16xi32>], vector<16xf32>,
      %parallel_loop3A_107 = arith.constant 16 : i32
      %parallel_loop3A_108 = arith.muli %parallel_loop3A_6, %parallel_loop3A_107 : i32
      %parallel_loop3A_109 = arith.constant 9 : i32
      %parallel_loop3A_110 = arith.index_cast %parallel_loop3A_109 : i32 to index
      %parallel_loop3A_111 = arith.index_cast %parallel_loop3A_108 : i32 to index
      %parallel_loop3A_112 = tpu.vector_load %arg7[%parallel_loop3A_110, %parallel_loop3A_111] {strides = array<i32>} : memref<64x512xf32, #tpu.memory_space<vmem>>, vector<16xf32>,
      tpu.vector_store %arg7[%parallel_loop3A_110, %parallel_loop3A_111], %parallel_loop3A_106 {strides = array<i32>} : memref<64x512xf32, #tpu.memory_space<vmem>>, vector<16xf32>,
      %parallel_loop3A_113 = arith.constant 10240 : i32
      %parallel_loop3A_114 = vector.broadcast %parallel_loop3A_113 : i32 to vector<16xi32>
      %parallel_loop3A_115 = arith.addi %parallel_loop3A_12, %parallel_loop3A_114 : vector<16xi32>
      %parallel_loop3A_116 = tpu.vector_load_idx %arg5[%parallel_loop3A_115] : memref<65536xf32, #tpu.memory_space<vmem>>[vector<16xi32>], vector<16xf32>,
      %parallel_loop3A_117 = arith.constant 16 : i32
      %parallel_loop3A_118 = arith.muli %parallel_loop3A_6, %parallel_loop3A_117 : i32
      %parallel_loop3A_119 = arith.constant 10 : i32
      %parallel_loop3A_120 = arith.index_cast %parallel_loop3A_119 : i32 to index
      %parallel_loop3A_121 = arith.index_cast %parallel_loop3A_118 : i32 to index
      %parallel_loop3A_122 = tpu.vector_load %arg7[%parallel_loop3A_120, %parallel_loop3A_121] {strides = array<i32>} : memref<64x512xf32, #tpu.memory_space<vmem>>, vector<16xf32>,
      tpu.vector_store %arg7[%parallel_loop3A_120, %parallel_loop3A_121], %parallel_loop3A_116 {strides = array<i32>} : memref<64x512xf32, #tpu.memory_space<vmem>>, vector<16xf32>,
      %parallel_loop3A_123 = arith.constant 11264 : i32
      %parallel_loop3A_124 = vector.broadcast %parallel_loop3A_123 : i32 to vector<16xi32>
      %parallel_loop3A_125 = arith.addi %parallel_loop3A_12, %parallel_loop3A_124 : vector<16xi32>
      %parallel_loop3A_126 = tpu.vector_load_idx %arg5[%parallel_loop3A_125] : memref<65536xf32, #tpu.memory_space<vmem>>[vector<16xi32>], vector<16xf32>,
      %parallel_loop3A_127 = arith.constant 16 : i32
      %parallel_loop3A_128 = arith.muli %parallel_loop3A_6, %parallel_loop3A_127 : i32
      %parallel_loop3A_129 = arith.constant 11 : i32
      %parallel_loop3A_130 = arith.index_cast %parallel_loop3A_129 : i32 to index
      %parallel_loop3A_131 = arith.index_cast %parallel_loop3A_128 : i32 to index
      %parallel_loop3A_132 = tpu.vector_load %arg7[%parallel_loop3A_130, %parallel_loop3A_131] {strides = array<i32>} : memref<64x512xf32, #tpu.memory_space<vmem>>, vector<16xf32>,
      tpu.vector_store %arg7[%parallel_loop3A_130, %parallel_loop3A_131], %parallel_loop3A_126 {strides = array<i32>} : memref<64x512xf32, #tpu.memory_space<vmem>>, vector<16xf32>,
      %parallel_loop3A_133 = arith.constant 12288 : i32
      %parallel_loop3A_134 = vector.broadcast %parallel_loop3A_133 : i32 to vector<16xi32>
      %parallel_loop3A_135 = arith.addi %parallel_loop3A_12, %parallel_loop3A_134 : vector<16xi32>
      %parallel_loop3A_136 = tpu.vector_load_idx %arg5[%parallel_loop3A_135] : memref<65536xf32, #tpu.memory_space<vmem>>[vector<16xi32>], vector<16xf32>,
      %parallel_loop3A_137 = arith.constant 16 : i32
      %parallel_loop3A_138 = arith.muli %parallel_loop3A_6, %parallel_loop3A_137 : i32
      %parallel_loop3A_139 = arith.constant 12 : i32
      %parallel_loop3A_140 = arith.index_cast %parallel_loop3A_139 : i32 to index
      %parallel_loop3A_141 = arith.index_cast %parallel_loop3A_138 : i32 to index
      %parallel_loop3A_142 = tpu.vector_load %arg7[%parallel_loop3A_140, %parallel_loop3A_141] {strides = array<i32>} : memref<64x512xf32, #tpu.memory_space<vmem>>, vector<16xf32>,
      tpu.vector_store %arg7[%parallel_loop3A_140, %parallel_loop3A_141], %parallel_loop3A_136 {strides = array<i32>} : memref<64x512xf32, #tpu.memory_space<vmem>>, vector<16xf32>,
      %parallel_loop3A_143 = arith.constant 13312 : i32
      %parallel_loop3A_144 = vector.broadcast %parallel_loop3A_143 : i32 to vector<16xi32>
      %parallel_loop3A_145 = arith.addi %parallel_loop3A_12, %parallel_loop3A_144 : vector<16xi32>
      %parallel_loop3A_146 = tpu.vector_load_idx %arg5[%parallel_loop3A_145] : memref<65536xf32, #tpu.memory_space<vmem>>[vector<16xi32>], vector<16xf32>,
      %parallel_loop3A_147 = arith.constant 16 : i32
      %parallel_loop3A_148 = arith.muli %parallel_loop3A_6, %parallel_loop3A_147 : i32
      %parallel_loop3A_149 = arith.constant 13 : i32
      %parallel_loop3A_150 = arith.index_cast %parallel_loop3A_149 : i32 to index
      %parallel_loop3A_151 = arith.index_cast %parallel_loop3A_148 : i32 to index
      %parallel_loop3A_152 = tpu.vector_load %arg7[%parallel_loop3A_150, %parallel_loop3A_151] {strides = array<i32>} : memref<64x512xf32, #tpu.memory_space<vmem>>, vector<16xf32>,
      tpu.vector_store %arg7[%parallel_loop3A_150, %parallel_loop3A_151], %parallel_loop3A_146 {strides = array<i32>} : memref<64x512xf32, #tpu.memory_space<vmem>>, vector<16xf32>,
      %parallel_loop3A_153 = arith.constant 14336 : i32
      %parallel_loop3A_154 = vector.broadcast %parallel_loop3A_153 : i32 to vector<16xi32>
      %parallel_loop3A_155 = arith.addi %parallel_loop3A_12, %parallel_loop3A_154 : vector<16xi32>
      %parallel_loop3A_156 = tpu.vector_load_idx %arg5[%parallel_loop3A_155] : memref<65536xf32, #tpu.memory_space<vmem>>[vector<16xi32>], vector<16xf32>,
      %parallel_loop3A_157 = arith.constant 16 : i32
      %parallel_loop3A_158 = arith.muli %parallel_loop3A_6, %parallel_loop3A_157 : i32
      %parallel_loop3A_159 = arith.constant 14 : i32
      %parallel_loop3A_160 = arith.index_cast %parallel_loop3A_159 : i32 to index
      %parallel_loop3A_161 = arith.index_cast %parallel_loop3A_158 : i32 to index
      %parallel_loop3A_162 = tpu.vector_load %arg7[%parallel_loop3A_160, %parallel_loop3A_161] {strides = array<i32>} : memref<64x512xf32, #tpu.memory_space<vmem>>, vector<16xf32>,
      tpu.vector_store %arg7[%parallel_loop3A_160, %parallel_loop3A_161], %parallel_loop3A_156 {strides = array<i32>} : memref<64x512xf32, #tpu.memory_space<vmem>>, vector<16xf32>,
      %parallel_loop3A_163 = arith.constant 15360 : i32
      %parallel_loop3A_164 = vector.broadcast %parallel_loop3A_163 : i32 to vector<16xi32>
      %parallel_loop3A_165 = arith.addi %parallel_loop3A_12, %parallel_loop3A_164 : vector<16xi32>
      %parallel_loop3A_166 = tpu.vector_load_idx %arg5[%parallel_loop3A_165] : memref<65536xf32, #tpu.memory_space<vmem>>[vector<16xi32>], vector<16xf32>,
      %parallel_loop3A_167 = arith.constant 16 : i32
      %parallel_loop3A_168 = arith.muli %parallel_loop3A_6, %parallel_loop3A_167 : i32
      %parallel_loop3A_169 = arith.constant 15 : i32
      %parallel_loop3A_170 = arith.index_cast %parallel_loop3A_169 : i32 to index
      %parallel_loop3A_171 = arith.index_cast %parallel_loop3A_168 : i32 to index
      %parallel_loop3A_172 = tpu.vector_load %arg7[%parallel_loop3A_170, %parallel_loop3A_171] {strides = array<i32>} : memref<64x512xf32, #tpu.memory_space<vmem>>, vector<16xf32>,
      tpu.vector_store %arg7[%parallel_loop3A_170, %parallel_loop3A_171], %parallel_loop3A_166 {strides = array<i32>} : memref<64x512xf32, #tpu.memory_space<vmem>>, vector<16xf32>,
      %parallel_loop3A_173 = arith.constant 16384 : i32
      %parallel_loop3A_174 = vector.broadcast %parallel_loop3A_173 : i32 to vector<16xi32>
      %parallel_loop3A_175 = arith.addi %parallel_loop3A_12, %parallel_loop3A_174 : vector<16xi32>
      %parallel_loop3A_176 = tpu.vector_load_idx %arg5[%parallel_loop3A_175] : memref<65536xf32, #tpu.memory_space<vmem>>[vector<16xi32>], vector<16xf32>,
      %parallel_loop3A_177 = arith.constant 16 : i32
      %parallel_loop3A_178 = arith.muli %parallel_loop3A_6, %parallel_loop3A_177 : i32
      %parallel_loop3A_179 = arith.constant 16 : i32
      %parallel_loop3A_180 = arith.index_cast %parallel_loop3A_179 : i32 to index
      %parallel_loop3A_181 = arith.index_cast %parallel_loop3A_178 : i32 to index
      %parallel_loop3A_182 = tpu.vector_load %arg7[%parallel_loop3A_180, %parallel_loop3A_181] {strides = array<i32>} : memref<64x512xf32, #tpu.memory_space<vmem>>, vector<16xf32>,
      tpu.vector_store %arg7[%parallel_loop3A_180, %parallel_loop3A_181], %parallel_loop3A_176 {strides = array<i32>} : memref<64x512xf32, #tpu.memory_space<vmem>>, vector<16xf32>,
      %parallel_loop3A_183 = arith.constant 17408 : i32
      %parallel_loop3A_184 = vector.broadcast %parallel_loop3A_183 : i32 to vector<16xi32>
      %parallel_loop3A_185 = arith.addi %parallel_loop3A_12, %parallel_loop3A_184 : vector<16xi32>
      %parallel_loop3A_186 = tpu.vector_load_idx %arg5[%parallel_loop3A_185] : memref<65536xf32, #tpu.memory_space<vmem>>[vector<16xi32>], vector<16xf32>,
      %parallel_loop3A_187 = arith.constant 16 : i32
      %parallel_loop3A_188 = arith.muli %parallel_loop3A_6, %parallel_loop3A_187 : i32
      %parallel_loop3A_189 = arith.constant 17 : i32
      %parallel_loop3A_190 = arith.index_cast %parallel_loop3A_189 : i32 to index
      %parallel_loop3A_191 = arith.index_cast %parallel_loop3A_188 : i32 to index
      %parallel_loop3A_192 = tpu.vector_load %arg7[%parallel_loop3A_190, %parallel_loop3A_191] {strides = array<i32>} : memref<64x512xf32, #tpu.memory_space<vmem>>, vector<16xf32>,
      tpu.vector_store %arg7[%parallel_loop3A_190, %parallel_loop3A_191], %parallel_loop3A_186 {strides = array<i32>} : memref<64x512xf32, #tpu.memory_space<vmem>>, vector<16xf32>,
      %parallel_loop3A_193 = arith.constant 18432 : i32
      %parallel_loop3A_194 = vector.broadcast %parallel_loop3A_193 : i32 to vector<16xi32>
      %parallel_loop3A_195 = arith.addi %parallel_loop3A_12, %parallel_loop3A_194 : vector<16xi32>
      %parallel_loop3A_196 = tpu.vector_load_idx %arg5[%parallel_loop3A_195] : memref<65536xf32, #tpu.memory_space<vmem>>[vector<16xi32>], vector<16xf32>,
      %parallel_loop3A_197 = arith.constant 16 : i32
      %parallel_loop3A_198 = arith.muli %parallel_loop3A_6, %parallel_loop3A_197 : i32
      %parallel_loop3A_199 = arith.constant 18 : i32
      %parallel_loop3A_200 = arith.index_cast %parallel_loop3A_199 : i32 to index
      %parallel_loop3A_201 = arith.index_cast %parallel_loop3A_198 : i32 to index
      %parallel_loop3A_202 = tpu.vector_load %arg7[%parallel_loop3A_200, %parallel_loop3A_201] {strides = array<i32>} : memref<64x512xf32, #tpu.memory_space<vmem>>, vector<16xf32>,
      tpu.vector_store %arg7[%parallel_loop3A_200, %parallel_loop3A_201], %parallel_loop3A_196 {strides = array<i32>} : memref<64x512xf32, #tpu.memory_space<vmem>>, vector<16xf32>,
      %parallel_loop3A_203 = arith.constant 19456 : i32
      %parallel_loop3A_204 = vector.broadcast %parallel_loop3A_203 : i32 to vector<16xi32>
      %parallel_loop3A_205 = arith.addi %parallel_loop3A_12, %parallel_loop3A_204 : vector<16xi32>
      %parallel_loop3A_206 = tpu.vector_load_idx %arg5[%parallel_loop3A_205] : memref<65536xf32, #tpu.memory_space<vmem>>[vector<16xi32>], vector<16xf32>,
      %parallel_loop3A_207 = arith.constant 16 : i32
      %parallel_loop3A_208 = arith.muli %parallel_loop3A_6, %parallel_loop3A_207 : i32
      %parallel_loop3A_209 = arith.constant 19 : i32
      %parallel_loop3A_210 = arith.index_cast %parallel_loop3A_209 : i32 to index
      %parallel_loop3A_211 = arith.index_cast %parallel_loop3A_208 : i32 to index
      %parallel_loop3A_212 = tpu.vector_load %arg7[%parallel_loop3A_210, %parallel_loop3A_211] {strides = array<i32>} : memref<64x512xf32, #tpu.memory_space<vmem>>, vector<16xf32>,
      tpu.vector_store %arg7[%parallel_loop3A_210, %parallel_loop3A_211], %parallel_loop3A_206 {strides = array<i32>} : memref<64x512xf32, #tpu.memory_space<vmem>>, vector<16xf32>,
      %parallel_loop3A_213 = arith.constant 20480 : i32
      %parallel_loop3A_214 = vector.broadcast %parallel_loop3A_213 : i32 to vector<16xi32>
      %parallel_loop3A_215 = arith.addi %parallel_loop3A_12, %parallel_loop3A_214 : vector<16xi32>
      %parallel_loop3A_216 = tpu.vector_load_idx %arg5[%parallel_loop3A_215] : memref<65536xf32, #tpu.memory_space<vmem>>[vector<16xi32>], vector<16xf32>,
      %parallel_loop3A_217 = arith.constant 16 : i32
      %parallel_loop3A_218 = arith.muli %parallel_loop3A_6, %parallel_loop3A_217 : i32
      %parallel_loop3A_219 = arith.constant 20 : i32
      %parallel_loop3A_220 = arith.index_cast %parallel_loop3A_219 : i32 to index
      %parallel_loop3A_221 = arith.index_cast %parallel_loop3A_218 : i32 to index
      %parallel_loop3A_222 = tpu.vector_load %arg7[%parallel_loop3A_220, %parallel_loop3A_221] {strides = array<i32>} : memref<64x512xf32, #tpu.memory_space<vmem>>, vector<16xf32>,
      tpu.vector_store %arg7[%parallel_loop3A_220, %parallel_loop3A_221], %parallel_loop3A_216 {strides = array<i32>} : memref<64x512xf32, #tpu.memory_space<vmem>>, vector<16xf32>,
      %parallel_loop3A_223 = arith.constant 21504 : i32
      %parallel_loop3A_224 = vector.broadcast %parallel_loop3A_223 : i32 to vector<16xi32>
      %parallel_loop3A_225 = arith.addi %parallel_loop3A_12, %parallel_loop3A_224 : vector<16xi32>
      %parallel_loop3A_226 = tpu.vector_load_idx %arg5[%parallel_loop3A_225] : memref<65536xf32, #tpu.memory_space<vmem>>[vector<16xi32>], vector<16xf32>,
      %parallel_loop3A_227 = arith.constant 16 : i32
      %parallel_loop3A_228 = arith.muli %parallel_loop3A_6, %parallel_loop3A_227 : i32
      %parallel_loop3A_229 = arith.constant 21 : i32
      %parallel_loop3A_230 = arith.index_cast %parallel_loop3A_229 : i32 to index
      %parallel_loop3A_231 = arith.index_cast %parallel_loop3A_228 : i32 to index
      %parallel_loop3A_232 = tpu.vector_load %arg7[%parallel_loop3A_230, %parallel_loop3A_231] {strides = array<i32>} : memref<64x512xf32, #tpu.memory_space<vmem>>, vector<16xf32>,
      tpu.vector_store %arg7[%parallel_loop3A_230, %parallel_loop3A_231], %parallel_loop3A_226 {strides = array<i32>} : memref<64x512xf32, #tpu.memory_space<vmem>>, vector<16xf32>,
      %parallel_loop3A_233 = arith.constant 22528 : i32
      %parallel_loop3A_234 = vector.broadcast %parallel_loop3A_233 : i32 to vector<16xi32>
      %parallel_loop3A_235 = arith.addi %parallel_loop3A_12, %parallel_loop3A_234 : vector<16xi32>
      %parallel_loop3A_236 = tpu.vector_load_idx %arg5[%parallel_loop3A_235] : memref<65536xf32, #tpu.memory_space<vmem>>[vector<16xi32>], vector<16xf32>,
      %parallel_loop3A_237 = arith.constant 16 : i32
      %parallel_loop3A_238 = arith.muli %parallel_loop3A_6, %parallel_loop3A_237 : i32
      %parallel_loop3A_239 = arith.constant 22 : i32
      %parallel_loop3A_240 = arith.index_cast %parallel_loop3A_239 : i32 to index
      %parallel_loop3A_241 = arith.index_cast %parallel_loop3A_238 : i32 to index
      %parallel_loop3A_242 = tpu.vector_load %arg7[%parallel_loop3A_240, %parallel_loop3A_241] {strides = array<i32>} : memref<64x512xf32, #tpu.memory_space<vmem>>, vector<16xf32>,
      tpu.vector_store %arg7[%parallel_loop3A_240, %parallel_loop3A_241], %parallel_loop3A_236 {strides = array<i32>} : memref<64x512xf32, #tpu.memory_space<vmem>>, vector<16xf32>,
      %parallel_loop3A_243 = arith.constant 23552 : i32
      %parallel_loop3A_244 = vector.broadcast %parallel_loop3A_243 : i32 to vector<16xi32>
      %parallel_loop3A_245 = arith.addi %parallel_loop3A_12, %parallel_loop3A_244 : vector<16xi32>
      %parallel_loop3A_246 = tpu.vector_load_idx %arg5[%parallel_loop3A_245] : memref<65536xf32, #tpu.memory_space<vmem>>[vector<16xi32>], vector<16xf32>,
      %parallel_loop3A_247 = arith.constant 16 : i32
      %parallel_loop3A_248 = arith.muli %parallel_loop3A_6, %parallel_loop3A_247 : i32
      %parallel_loop3A_249 = arith.constant 23 : i32
      %parallel_loop3A_250 = arith.index_cast %parallel_loop3A_249 : i32 to index
      %parallel_loop3A_251 = arith.index_cast %parallel_loop3A_248 : i32 to index
      %parallel_loop3A_252 = tpu.vector_load %arg7[%parallel_loop3A_250, %parallel_loop3A_251] {strides = array<i32>} : memref<64x512xf32, #tpu.memory_space<vmem>>, vector<16xf32>,
      tpu.vector_store %arg7[%parallel_loop3A_250, %parallel_loop3A_251], %parallel_loop3A_246 {strides = array<i32>} : memref<64x512xf32, #tpu.memory_space<vmem>>, vector<16xf32>,
      %parallel_loop3A_253 = arith.constant 24576 : i32
      %parallel_loop3A_254 = vector.broadcast %parallel_loop3A_253 : i32 to vector<16xi32>
      %parallel_loop3A_255 = arith.addi %parallel_loop3A_12, %parallel_loop3A_254 : vector<16xi32>
      %parallel_loop3A_256 = tpu.vector_load_idx %arg5[%parallel_loop3A_255] : memref<65536xf32, #tpu.memory_space<vmem>>[vector<16xi32>], vector<16xf32>,
      %parallel_loop3A_257 = arith.constant 16 : i32
      %parallel_loop3A_258 = arith.muli %parallel_loop3A_6, %parallel_loop3A_257 : i32
      %parallel_loop3A_259 = arith.constant 24 : i32
      %parallel_loop3A_260 = arith.index_cast %parallel_loop3A_259 : i32 to index
      %parallel_loop3A_261 = arith.index_cast %parallel_loop3A_258 : i32 to index
      %parallel_loop3A_262 = tpu.vector_load %arg7[%parallel_loop3A_260, %parallel_loop3A_261] {strides = array<i32>} : memref<64x512xf32, #tpu.memory_space<vmem>>, vector<16xf32>,
      tpu.vector_store %arg7[%parallel_loop3A_260, %parallel_loop3A_261], %parallel_loop3A_256 {strides = array<i32>} : memref<64x512xf32, #tpu.memory_space<vmem>>, vector<16xf32>,
      %parallel_loop3A_263 = arith.constant 25600 : i32
      %parallel_loop3A_264 = vector.broadcast %parallel_loop3A_263 : i32 to vector<16xi32>
      %parallel_loop3A_265 = arith.addi %parallel_loop3A_12, %parallel_loop3A_264 : vector<16xi32>
      %parallel_loop3A_266 = tpu.vector_load_idx %arg5[%parallel_loop3A_265] : memref<65536xf32, #tpu.memory_space<vmem>>[vector<16xi32>], vector<16xf32>,
      %parallel_loop3A_267 = arith.constant 16 : i32
      %parallel_loop3A_268 = arith.muli %parallel_loop3A_6, %parallel_loop3A_267 : i32
      %parallel_loop3A_269 = arith.constant 25 : i32
      %parallel_loop3A_270 = arith.index_cast %parallel_loop3A_269 : i32 to index
      %parallel_loop3A_271 = arith.index_cast %parallel_loop3A_268 : i32 to index
      %parallel_loop3A_272 = tpu.vector_load %arg7[%parallel_loop3A_270, %parallel_loop3A_271] {strides = array<i32>} : memref<64x512xf32, #tpu.memory_space<vmem>>, vector<16xf32>,
      tpu.vector_store %arg7[%parallel_loop3A_270, %parallel_loop3A_271], %parallel_loop3A_266 {strides = array<i32>} : memref<64x512xf32, #tpu.memory_space<vmem>>, vector<16xf32>,
      %parallel_loop3A_273 = arith.constant 26624 : i32
      %parallel_loop3A_274 = vector.broadcast %parallel_loop3A_273 : i32 to vector<16xi32>
      %parallel_loop3A_275 = arith.addi %parallel_loop3A_12, %parallel_loop3A_274 : vector<16xi32>
      %parallel_loop3A_276 = tpu.vector_load_idx %arg5[%parallel_loop3A_275] : memref<65536xf32, #tpu.memory_space<vmem>>[vector<16xi32>], vector<16xf32>,
      %parallel_loop3A_277 = arith.constant 16 : i32
      %parallel_loop3A_278 = arith.muli %parallel_loop3A_6, %parallel_loop3A_277 : i32
      %parallel_loop3A_279 = arith.constant 26 : i32
      %parallel_loop3A_280 = arith.index_cast %parallel_loop3A_279 : i32 to index
      %parallel_loop3A_281 = arith.index_cast %parallel_loop3A_278 : i32 to index
      %parallel_loop3A_282 = tpu.vector_load %arg7[%parallel_loop3A_280, %parallel_loop3A_281] {strides = array<i32>} : memref<64x512xf32, #tpu.memory_space<vmem>>, vector<16xf32>,
      tpu.vector_store %arg7[%parallel_loop3A_280, %parallel_loop3A_281], %parallel_loop3A_276 {strides = array<i32>} : memref<64x512xf32, #tpu.memory_space<vmem>>, vector<16xf32>,
      %parallel_loop3A_283 = arith.constant 27648 : i32
      %parallel_loop3A_284 = vector.broadcast %parallel_loop3A_283 : i32 to vector<16xi32>
      %parallel_loop3A_285 = arith.addi %parallel_loop3A_12, %parallel_loop3A_284 : vector<16xi32>
      %parallel_loop3A_286 = tpu.vector_load_idx %arg5[%parallel_loop3A_285] : memref<65536xf32, #tpu.memory_space<vmem>>[vector<16xi32>], vector<16xf32>,
      %parallel_loop3A_287 = arith.constant 16 : i32
      %parallel_loop3A_288 = arith.muli %parallel_loop3A_6, %parallel_loop3A_287 : i32
      %parallel_loop3A_289 = arith.constant 27 : i32
      %parallel_loop3A_290 = arith.index_cast %parallel_loop3A_289 : i32 to index
      %parallel_loop3A_291 = arith.index_cast %parallel_loop3A_288 : i32 to index
      %parallel_loop3A_292 = tpu.vector_load %arg7[%parallel_loop3A_290, %parallel_loop3A_291] {strides = array<i32>} : memref<64x512xf32, #tpu.memory_space<vmem>>, vector<16xf32>,
      tpu.vector_store %arg7[%parallel_loop3A_290, %parallel_loop3A_291], %parallel_loop3A_286 {strides = array<i32>} : memref<64x512xf32, #tpu.memory_space<vmem>>, vector<16xf32>,
      %parallel_loop3A_293 = arith.constant 28672 : i32
      %parallel_loop3A_294 = vector.broadcast %parallel_loop3A_293 : i32 to vector<16xi32>
      %parallel_loop3A_295 = arith.addi %parallel_loop3A_12, %parallel_loop3A_294 : vector<16xi32>
      %parallel_loop3A_296 = tpu.vector_load_idx %arg5[%parallel_loop3A_295] : memref<65536xf32, #tpu.memory_space<vmem>>[vector<16xi32>], vector<16xf32>,
      %parallel_loop3A_297 = arith.constant 16 : i32
      %parallel_loop3A_298 = arith.muli %parallel_loop3A_6, %parallel_loop3A_297 : i32
      %parallel_loop3A_299 = arith.constant 28 : i32
      %parallel_loop3A_300 = arith.index_cast %parallel_loop3A_299 : i32 to index
      %parallel_loop3A_301 = arith.index_cast %parallel_loop3A_298 : i32 to index
      %parallel_loop3A_302 = tpu.vector_load %arg7[%parallel_loop3A_300, %parallel_loop3A_301] {strides = array<i32>} : memref<64x512xf32, #tpu.memory_space<vmem>>, vector<16xf32>,
      tpu.vector_store %arg7[%parallel_loop3A_300, %parallel_loop3A_301], %parallel_loop3A_296 {strides = array<i32>} : memref<64x512xf32, #tpu.memory_space<vmem>>, vector<16xf32>,
      %parallel_loop3A_303 = arith.constant 29696 : i32
      %parallel_loop3A_304 = vector.broadcast %parallel_loop3A_303 : i32 to vector<16xi32>
      %parallel_loop3A_305 = arith.addi %parallel_loop3A_12, %parallel_loop3A_304 : vector<16xi32>
      %parallel_loop3A_306 = tpu.vector_load_idx %arg5[%parallel_loop3A_305] : memref<65536xf32, #tpu.memory_space<vmem>>[vector<16xi32>], vector<16xf32>,
      %parallel_loop3A_307 = arith.constant 16 : i32
      %parallel_loop3A_308 = arith.muli %parallel_loop3A_6, %parallel_loop3A_307 : i32
      %parallel_loop3A_309 = arith.constant 29 : i32
      %parallel_loop3A_310 = arith.index_cast %parallel_loop3A_309 : i32 to index
      %parallel_loop3A_311 = arith.index_cast %parallel_loop3A_308 : i32 to index
      %parallel_loop3A_312 = tpu.vector_load %arg7[%parallel_loop3A_310, %parallel_loop3A_311] {strides = array<i32>} : memref<64x512xf32, #tpu.memory_space<vmem>>, vector<16xf32>,
      tpu.vector_store %arg7[%parallel_loop3A_310, %parallel_loop3A_311], %parallel_loop3A_306 {strides = array<i32>} : memref<64x512xf32, #tpu.memory_space<vmem>>, vector<16xf32>,
      %parallel_loop3A_313 = arith.constant 30720 : i32
      %parallel_loop3A_314 = vector.broadcast %parallel_loop3A_313 : i32 to vector<16xi32>
      %parallel_loop3A_315 = arith.addi %parallel_loop3A_12, %parallel_loop3A_314 : vector<16xi32>
      %parallel_loop3A_316 = tpu.vector_load_idx %arg5[%parallel_loop3A_315] : memref<65536xf32, #tpu.memory_space<vmem>>[vector<16xi32>], vector<16xf32>,
      %parallel_loop3A_317 = arith.constant 16 : i32
      %parallel_loop3A_318 = arith.muli %parallel_loop3A_6, %parallel_loop3A_317 : i32
      %parallel_loop3A_319 = arith.constant 30 : i32
      %parallel_loop3A_320 = arith.index_cast %parallel_loop3A_319 : i32 to index
      %parallel_loop3A_321 = arith.index_cast %parallel_loop3A_318 : i32 to index
      %parallel_loop3A_322 = tpu.vector_load %arg7[%parallel_loop3A_320, %parallel_loop3A_321] {strides = array<i32>} : memref<64x512xf32, #tpu.memory_space<vmem>>, vector<16xf32>,
      tpu.vector_store %arg7[%parallel_loop3A_320, %parallel_loop3A_321], %parallel_loop3A_316 {strides = array<i32>} : memref<64x512xf32, #tpu.memory_space<vmem>>, vector<16xf32>,
      %parallel_loop3A_323 = arith.constant 31744 : i32
      %parallel_loop3A_324 = vector.broadcast %parallel_loop3A_323 : i32 to vector<16xi32>
      %parallel_loop3A_325 = arith.addi %parallel_loop3A_12, %parallel_loop3A_324 : vector<16xi32>
      %parallel_loop3A_326 = tpu.vector_load_idx %arg5[%parallel_loop3A_325] : memref<65536xf32, #tpu.memory_space<vmem>>[vector<16xi32>], vector<16xf32>,
      %parallel_loop3A_327 = arith.constant 16 : i32
      %parallel_loop3A_328 = arith.muli %parallel_loop3A_6, %parallel_loop3A_327 : i32
      %parallel_loop3A_329 = arith.constant 31 : i32
      %parallel_loop3A_330 = arith.index_cast %parallel_loop3A_329 : i32 to index
      %parallel_loop3A_331 = arith.index_cast %parallel_loop3A_328 : i32 to index
      %parallel_loop3A_332 = tpu.vector_load %arg7[%parallel_loop3A_330, %parallel_loop3A_331] {strides = array<i32>} : memref<64x512xf32, #tpu.memory_space<vmem>>, vector<16xf32>,
      tpu.vector_store %arg7[%parallel_loop3A_330, %parallel_loop3A_331], %parallel_loop3A_326 {strides = array<i32>} : memref<64x512xf32, #tpu.memory_space<vmem>>, vector<16xf32>,
      %parallel_loop3A_333 = arith.constant 32768 : i32
      %parallel_loop3A_334 = vector.broadcast %parallel_loop3A_333 : i32 to vector<16xi32>
      %parallel_loop3A_335 = arith.addi %parallel_loop3A_12, %parallel_loop3A_334 : vector<16xi32>
      %parallel_loop3A_336 = tpu.vector_load_idx %arg5[%parallel_loop3A_335] : memref<65536xf32, #tpu.memory_space<vmem>>[vector<16xi32>], vector<16xf32>,
      %parallel_loop3A_337 = arith.constant 16 : i32
      %parallel_loop3A_338 = arith.muli %parallel_loop3A_6, %parallel_loop3A_337 : i32
      %parallel_loop3A_339 = arith.constant 32 : i32
      %parallel_loop3A_340 = arith.index_cast %parallel_loop3A_339 : i32 to index
      %parallel_loop3A_341 = arith.index_cast %parallel_loop3A_338 : i32 to index
      %parallel_loop3A_342 = tpu.vector_load %arg7[%parallel_loop3A_340, %parallel_loop3A_341] {strides = array<i32>} : memref<64x512xf32, #tpu.memory_space<vmem>>, vector<16xf32>,
      tpu.vector_store %arg7[%parallel_loop3A_340, %parallel_loop3A_341], %parallel_loop3A_336 {strides = array<i32>} : memref<64x512xf32, #tpu.memory_space<vmem>>, vector<16xf32>,
      %parallel_loop3A_343 = arith.constant 33792 : i32
      %parallel_loop3A_344 = vector.broadcast %parallel_loop3A_343 : i32 to vector<16xi32>
      %parallel_loop3A_345 = arith.addi %parallel_loop3A_12, %parallel_loop3A_344 : vector<16xi32>
      %parallel_loop3A_346 = tpu.vector_load_idx %arg5[%parallel_loop3A_345] : memref<65536xf32, #tpu.memory_space<vmem>>[vector<16xi32>], vector<16xf32>,
      %parallel_loop3A_347 = arith.constant 16 : i32
      %parallel_loop3A_348 = arith.muli %parallel_loop3A_6, %parallel_loop3A_347 : i32
      %parallel_loop3A_349 = arith.constant 33 : i32
      %parallel_loop3A_350 = arith.index_cast %parallel_loop3A_349 : i32 to index
      %parallel_loop3A_351 = arith.index_cast %parallel_loop3A_348 : i32 to index
      %parallel_loop3A_352 = tpu.vector_load %arg7[%parallel_loop3A_350, %parallel_loop3A_351] {strides = array<i32>} : memref<64x512xf32, #tpu.memory_space<vmem>>, vector<16xf32>,
      tpu.vector_store %arg7[%parallel_loop3A_350, %parallel_loop3A_351], %parallel_loop3A_346 {strides = array<i32>} : memref<64x512xf32, #tpu.memory_space<vmem>>, vector<16xf32>,
      %parallel_loop3A_353 = arith.constant 34816 : i32
      %parallel_loop3A_354 = vector.broadcast %parallel_loop3A_353 : i32 to vector<16xi32>
      %parallel_loop3A_355 = arith.addi %parallel_loop3A_12, %parallel_loop3A_354 : vector<16xi32>
      %parallel_loop3A_356 = tpu.vector_load_idx %arg5[%parallel_loop3A_355] : memref<65536xf32, #tpu.memory_space<vmem>>[vector<16xi32>], vector<16xf32>,
      %parallel_loop3A_357 = arith.constant 16 : i32
      %parallel_loop3A_358 = arith.muli %parallel_loop3A_6, %parallel_loop3A_357 : i32
      %parallel_loop3A_359 = arith.constant 34 : i32
      %parallel_loop3A_360 = arith.index_cast %parallel_loop3A_359 : i32 to index
      %parallel_loop3A_361 = arith.index_cast %parallel_loop3A_358 : i32 to index
      %parallel_loop3A_362 = tpu.vector_load %arg7[%parallel_loop3A_360, %parallel_loop3A_361] {strides = array<i32>} : memref<64x512xf32, #tpu.memory_space<vmem>>, vector<16xf32>,
      tpu.vector_store %arg7[%parallel_loop3A_360, %parallel_loop3A_361], %parallel_loop3A_356 {strides = array<i32>} : memref<64x512xf32, #tpu.memory_space<vmem>>, vector<16xf32>,
      %parallel_loop3A_363 = arith.constant 35840 : i32
      %parallel_loop3A_364 = vector.broadcast %parallel_loop3A_363 : i32 to vector<16xi32>
      %parallel_loop3A_365 = arith.addi %parallel_loop3A_12, %parallel_loop3A_364 : vector<16xi32>
      %parallel_loop3A_366 = tpu.vector_load_idx %arg5[%parallel_loop3A_365] : memref<65536xf32, #tpu.memory_space<vmem>>[vector<16xi32>], vector<16xf32>,
      %parallel_loop3A_367 = arith.constant 16 : i32
      %parallel_loop3A_368 = arith.muli %parallel_loop3A_6, %parallel_loop3A_367 : i32
      %parallel_loop3A_369 = arith.constant 35 : i32
      %parallel_loop3A_370 = arith.index_cast %parallel_loop3A_369 : i32 to index
      %parallel_loop3A_371 = arith.index_cast %parallel_loop3A_368 : i32 to index
      %parallel_loop3A_372 = tpu.vector_load %arg7[%parallel_loop3A_370, %parallel_loop3A_371] {strides = array<i32>} : memref<64x512xf32, #tpu.memory_space<vmem>>, vector<16xf32>,
      tpu.vector_store %arg7[%parallel_loop3A_370, %parallel_loop3A_371], %parallel_loop3A_366 {strides = array<i32>} : memref<64x512xf32, #tpu.memory_space<vmem>>, vector<16xf32>,
      %parallel_loop3A_373 = arith.constant 36864 : i32
      %parallel_loop3A_374 = vector.broadcast %parallel_loop3A_373 : i32 to vector<16xi32>
      %parallel_loop3A_375 = arith.addi %parallel_loop3A_12, %parallel_loop3A_374 : vector<16xi32>
      %parallel_loop3A_376 = tpu.vector_load_idx %arg5[%parallel_loop3A_375] : memref<65536xf32, #tpu.memory_space<vmem>>[vector<16xi32>], vector<16xf32>,
      %parallel_loop3A_377 = arith.constant 16 : i32
      %parallel_loop3A_378 = arith.muli %parallel_loop3A_6, %parallel_loop3A_377 : i32
      %parallel_loop3A_379 = arith.constant 36 : i32
      %parallel_loop3A_380 = arith.index_cast %parallel_loop3A_379 : i32 to index
      %parallel_loop3A_381 = arith.index_cast %parallel_loop3A_378 : i32 to index
      %parallel_loop3A_382 = tpu.vector_load %arg7[%parallel_loop3A_380, %parallel_loop3A_381] {strides = array<i32>} : memref<64x512xf32, #tpu.memory_space<vmem>>, vector<16xf32>,
      tpu.vector_store %arg7[%parallel_loop3A_380, %parallel_loop3A_381], %parallel_loop3A_376 {strides = array<i32>} : memref<64x512xf32, #tpu.memory_space<vmem>>, vector<16xf32>,
      %parallel_loop3A_383 = arith.constant 37888 : i32
      %parallel_loop3A_384 = vector.broadcast %parallel_loop3A_383 : i32 to vector<16xi32>
      %parallel_loop3A_385 = arith.addi %parallel_loop3A_12, %parallel_loop3A_384 : vector<16xi32>
      %parallel_loop3A_386 = tpu.vector_load_idx %arg5[%parallel_loop3A_385] : memref<65536xf32, #tpu.memory_space<vmem>>[vector<16xi32>], vector<16xf32>,
      %parallel_loop3A_387 = arith.constant 16 : i32
      %parallel_loop3A_388 = arith.muli %parallel_loop3A_6, %parallel_loop3A_387 : i32
      %parallel_loop3A_389 = arith.constant 37 : i32
      %parallel_loop3A_390 = arith.index_cast %parallel_loop3A_389 : i32 to index
      %parallel_loop3A_391 = arith.index_cast %parallel_loop3A_388 : i32 to index
      %parallel_loop3A_392 = tpu.vector_load %arg7[%parallel_loop3A_390, %parallel_loop3A_391] {strides = array<i32>} : memref<64x512xf32, #tpu.memory_space<vmem>>, vector<16xf32>,
      tpu.vector_store %arg7[%parallel_loop3A_390, %parallel_loop3A_391], %parallel_loop3A_386 {strides = array<i32>} : memref<64x512xf32, #tpu.memory_space<vmem>>, vector<16xf32>,
      %parallel_loop3A_393 = arith.constant 38912 : i32
      %parallel_loop3A_394 = vector.broadcast %parallel_loop3A_393 : i32 to vector<16xi32>
      %parallel_loop3A_395 = arith.addi %parallel_loop3A_12, %parallel_loop3A_394 : vector<16xi32>
      %parallel_loop3A_396 = tpu.vector_load_idx %arg5[%parallel_loop3A_395] : memref<65536xf32, #tpu.memory_space<vmem>>[vector<16xi32>], vector<16xf32>,
      %parallel_loop3A_397 = arith.constant 16 : i32
      %parallel_loop3A_398 = arith.muli %parallel_loop3A_6, %parallel_loop3A_397 : i32
      %parallel_loop3A_399 = arith.constant 38 : i32
      %parallel_loop3A_400 = arith.index_cast %parallel_loop3A_399 : i32 to index
      %parallel_loop3A_401 = arith.index_cast %parallel_loop3A_398 : i32 to index
      %parallel_loop3A_402 = tpu.vector_load %arg7[%parallel_loop3A_400, %parallel_loop3A_401] {strides = array<i32>} : memref<64x512xf32, #tpu.memory_space<vmem>>, vector<16xf32>,
      tpu.vector_store %arg7[%parallel_loop3A_400, %parallel_loop3A_401], %parallel_loop3A_396 {strides = array<i32>} : memref<64x512xf32, #tpu.memory_space<vmem>>, vector<16xf32>,
      %parallel_loop3A_403 = arith.constant 39936 : i32
      %parallel_loop3A_404 = vector.broadcast %parallel_loop3A_403 : i32 to vector<16xi32>
      %parallel_loop3A_405 = arith.addi %parallel_loop3A_12, %parallel_loop3A_404 : vector<16xi32>
      %parallel_loop3A_406 = tpu.vector_load_idx %arg5[%parallel_loop3A_405] : memref<65536xf32, #tpu.memory_space<vmem>>[vector<16xi32>], vector<16xf32>,
      %parallel_loop3A_407 = arith.constant 16 : i32
      %parallel_loop3A_408 = arith.muli %parallel_loop3A_6, %parallel_loop3A_407 : i32
      %parallel_loop3A_409 = arith.constant 39 : i32
      %parallel_loop3A_410 = arith.index_cast %parallel_loop3A_409 : i32 to index
      %parallel_loop3A_411 = arith.index_cast %parallel_loop3A_408 : i32 to index
      %parallel_loop3A_412 = tpu.vector_load %arg7[%parallel_loop3A_410, %parallel_loop3A_411] {strides = array<i32>} : memref<64x512xf32, #tpu.memory_space<vmem>>, vector<16xf32>,
      tpu.vector_store %arg7[%parallel_loop3A_410, %parallel_loop3A_411], %parallel_loop3A_406 {strides = array<i32>} : memref<64x512xf32, #tpu.memory_space<vmem>>, vector<16xf32>,
      %parallel_loop3A_413 = arith.constant 40960 : i32
      %parallel_loop3A_414 = vector.broadcast %parallel_loop3A_413 : i32 to vector<16xi32>
      %parallel_loop3A_415 = arith.addi %parallel_loop3A_12, %parallel_loop3A_414 : vector<16xi32>
      %parallel_loop3A_416 = tpu.vector_load_idx %arg5[%parallel_loop3A_415] : memref<65536xf32, #tpu.memory_space<vmem>>[vector<16xi32>], vector<16xf32>,
      %parallel_loop3A_417 = arith.constant 16 : i32
      %parallel_loop3A_418 = arith.muli %parallel_loop3A_6, %parallel_loop3A_417 : i32
      %parallel_loop3A_419 = arith.constant 40 : i32
      %parallel_loop3A_420 = arith.index_cast %parallel_loop3A_419 : i32 to index
      %parallel_loop3A_421 = arith.index_cast %parallel_loop3A_418 : i32 to index
      %parallel_loop3A_422 = tpu.vector_load %arg7[%parallel_loop3A_420, %parallel_loop3A_421] {strides = array<i32>} : memref<64x512xf32, #tpu.memory_space<vmem>>, vector<16xf32>,
      tpu.vector_store %arg7[%parallel_loop3A_420, %parallel_loop3A_421], %parallel_loop3A_416 {strides = array<i32>} : memref<64x512xf32, #tpu.memory_space<vmem>>, vector<16xf32>,
      %parallel_loop3A_423 = arith.constant 41984 : i32
      %parallel_loop3A_424 = vector.broadcast %parallel_loop3A_423 : i32 to vector<16xi32>
      %parallel_loop3A_425 = arith.addi %parallel_loop3A_12, %parallel_loop3A_424 : vector<16xi32>
      %parallel_loop3A_426 = tpu.vector_load_idx %arg5[%parallel_loop3A_425] : memref<65536xf32, #tpu.memory_space<vmem>>[vector<16xi32>], vector<16xf32>,
      %parallel_loop3A_427 = arith.constant 16 : i32
      %parallel_loop3A_428 = arith.muli %parallel_loop3A_6, %parallel_loop3A_427 : i32
      %parallel_loop3A_429 = arith.constant 41 : i32
      %parallel_loop3A_430 = arith.index_cast %parallel_loop3A_429 : i32 to index
      %parallel_loop3A_431 = arith.index_cast %parallel_loop3A_428 : i32 to index
      %parallel_loop3A_432 = tpu.vector_load %arg7[%parallel_loop3A_430, %parallel_loop3A_431] {strides = array<i32>} : memref<64x512xf32, #tpu.memory_space<vmem>>, vector<16xf32>,
      tpu.vector_store %arg7[%parallel_loop3A_430, %parallel_loop3A_431], %parallel_loop3A_426 {strides = array<i32>} : memref<64x512xf32, #tpu.memory_space<vmem>>, vector<16xf32>,
      %parallel_loop3A_433 = arith.constant 43008 : i32
      %parallel_loop3A_434 = vector.broadcast %parallel_loop3A_433 : i32 to vector<16xi32>
      %parallel_loop3A_435 = arith.addi %parallel_loop3A_12, %parallel_loop3A_434 : vector<16xi32>
      %parallel_loop3A_436 = tpu.vector_load_idx %arg5[%parallel_loop3A_435] : memref<65536xf32, #tpu.memory_space<vmem>>[vector<16xi32>], vector<16xf32>,
      %parallel_loop3A_437 = arith.constant 16 : i32
      %parallel_loop3A_438 = arith.muli %parallel_loop3A_6, %parallel_loop3A_437 : i32
      %parallel_loop3A_439 = arith.constant 42 : i32
      %parallel_loop3A_440 = arith.index_cast %parallel_loop3A_439 : i32 to index
      %parallel_loop3A_441 = arith.index_cast %parallel_loop3A_438 : i32 to index
      %parallel_loop3A_442 = tpu.vector_load %arg7[%parallel_loop3A_440, %parallel_loop3A_441] {strides = array<i32>} : memref<64x512xf32, #tpu.memory_space<vmem>>, vector<16xf32>,
      tpu.vector_store %arg7[%parallel_loop3A_440, %parallel_loop3A_441], %parallel_loop3A_436 {strides = array<i32>} : memref<64x512xf32, #tpu.memory_space<vmem>>, vector<16xf32>,
      %parallel_loop3A_443 = arith.constant 44032 : i32
      %parallel_loop3A_444 = vector.broadcast %parallel_loop3A_443 : i32 to vector<16xi32>
      %parallel_loop3A_445 = arith.addi %parallel_loop3A_12, %parallel_loop3A_444 : vector<16xi32>
      %parallel_loop3A_446 = tpu.vector_load_idx %arg5[%parallel_loop3A_445] : memref<65536xf32, #tpu.memory_space<vmem>>[vector<16xi32>], vector<16xf32>,
      %parallel_loop3A_447 = arith.constant 16 : i32
      %parallel_loop3A_448 = arith.muli %parallel_loop3A_6, %parallel_loop3A_447 : i32
      %parallel_loop3A_449 = arith.constant 43 : i32
      %parallel_loop3A_450 = arith.index_cast %parallel_loop3A_449 : i32 to index
      %parallel_loop3A_451 = arith.index_cast %parallel_loop3A_448 : i32 to index
      %parallel_loop3A_452 = tpu.vector_load %arg7[%parallel_loop3A_450, %parallel_loop3A_451] {strides = array<i32>} : memref<64x512xf32, #tpu.memory_space<vmem>>, vector<16xf32>,
      tpu.vector_store %arg7[%parallel_loop3A_450, %parallel_loop3A_451], %parallel_loop3A_446 {strides = array<i32>} : memref<64x512xf32, #tpu.memory_space<vmem>>, vector<16xf32>,
      %parallel_loop3A_453 = arith.constant 45056 : i32
      %parallel_loop3A_454 = vector.broadcast %parallel_loop3A_453 : i32 to vector<16xi32>
      %parallel_loop3A_455 = arith.addi %parallel_loop3A_12, %parallel_loop3A_454 : vector<16xi32>
      %parallel_loop3A_456 = tpu.vector_load_idx %arg5[%parallel_loop3A_455] : memref<65536xf32, #tpu.memory_space<vmem>>[vector<16xi32>], vector<16xf32>,
      %parallel_loop3A_457 = arith.constant 16 : i32
      %parallel_loop3A_458 = arith.muli %parallel_loop3A_6, %parallel_loop3A_457 : i32
      %parallel_loop3A_459 = arith.constant 44 : i32
      %parallel_loop3A_460 = arith.index_cast %parallel_loop3A_459 : i32 to index
      %parallel_loop3A_461 = arith.index_cast %parallel_loop3A_458 : i32 to index
      %parallel_loop3A_462 = tpu.vector_load %arg7[%parallel_loop3A_460, %parallel_loop3A_461] {strides = array<i32>} : memref<64x512xf32, #tpu.memory_space<vmem>>, vector<16xf32>,
      tpu.vector_store %arg7[%parallel_loop3A_460, %parallel_loop3A_461], %parallel_loop3A_456 {strides = array<i32>} : memref<64x512xf32, #tpu.memory_space<vmem>>, vector<16xf32>,
      %parallel_loop3A_463 = arith.constant 46080 : i32
      %parallel_loop3A_464 = vector.broadcast %parallel_loop3A_463 : i32 to vector<16xi32>
      %parallel_loop3A_465 = arith.addi %parallel_loop3A_12, %parallel_loop3A_464 : vector<16xi32>
      %parallel_loop3A_466 = tpu.vector_load_idx %arg5[%parallel_loop3A_465] : memref<65536xf32, #tpu.memory_space<vmem>>[vector<16xi32>], vector<16xf32>,
      %parallel_loop3A_467 = arith.constant 16 : i32
      %parallel_loop3A_468 = arith.muli %parallel_loop3A_6, %parallel_loop3A_467 : i32
      %parallel_loop3A_469 = arith.constant 45 : i32
      %parallel_loop3A_470 = arith.index_cast %parallel_loop3A_469 : i32 to index
      %parallel_loop3A_471 = arith.index_cast %parallel_loop3A_468 : i32 to index
      %parallel_loop3A_472 = tpu.vector_load %arg7[%parallel_loop3A_470, %parallel_loop3A_471] {strides = array<i32>} : memref<64x512xf32, #tpu.memory_space<vmem>>, vector<16xf32>,
      tpu.vector_store %arg7[%parallel_loop3A_470, %parallel_loop3A_471], %parallel_loop3A_466 {strides = array<i32>} : memref<64x512xf32, #tpu.memory_space<vmem>>, vector<16xf32>,
      %parallel_loop3A_473 = arith.constant 47104 : i32
      %parallel_loop3A_474 = vector.broadcast %parallel_loop3A_473 : i32 to vector<16xi32>
      %parallel_loop3A_475 = arith.addi %parallel_loop3A_12, %parallel_loop3A_474 : vector<16xi32>
      %parallel_loop3A_476 = tpu.vector_load_idx %arg5[%parallel_loop3A_475] : memref<65536xf32, #tpu.memory_space<vmem>>[vector<16xi32>], vector<16xf32>,
      %parallel_loop3A_477 = arith.constant 16 : i32
      %parallel_loop3A_478 = arith.muli %parallel_loop3A_6, %parallel_loop3A_477 : i32
      %parallel_loop3A_479 = arith.constant 46 : i32
      %parallel_loop3A_480 = arith.index_cast %parallel_loop3A_479 : i32 to index
      %parallel_loop3A_481 = arith.index_cast %parallel_loop3A_478 : i32 to index
      %parallel_loop3A_482 = tpu.vector_load %arg7[%parallel_loop3A_480, %parallel_loop3A_481] {strides = array<i32>} : memref<64x512xf32, #tpu.memory_space<vmem>>, vector<16xf32>,
      tpu.vector_store %arg7[%parallel_loop3A_480, %parallel_loop3A_481], %parallel_loop3A_476 {strides = array<i32>} : memref<64x512xf32, #tpu.memory_space<vmem>>, vector<16xf32>,
      %parallel_loop3A_483 = arith.constant 48128 : i32
      %parallel_loop3A_484 = vector.broadcast %parallel_loop3A_483 : i32 to vector<16xi32>
      %parallel_loop3A_485 = arith.addi %parallel_loop3A_12, %parallel_loop3A_484 : vector<16xi32>
      %parallel_loop3A_486 = tpu.vector_load_idx %arg5[%parallel_loop3A_485] : memref<65536xf32, #tpu.memory_space<vmem>>[vector<16xi32>], vector<16xf32>,
      %parallel_loop3A_487 = arith.constant 16 : i32
      %parallel_loop3A_488 = arith.muli %parallel_loop3A_6, %parallel_loop3A_487 : i32
      %parallel_loop3A_489 = arith.constant 47 : i32
      %parallel_loop3A_490 = arith.index_cast %parallel_loop3A_489 : i32 to index
      %parallel_loop3A_491 = arith.index_cast %parallel_loop3A_488 : i32 to index
      %parallel_loop3A_492 = tpu.vector_load %arg7[%parallel_loop3A_490, %parallel_loop3A_491] {strides = array<i32>} : memref<64x512xf32, #tpu.memory_space<vmem>>, vector<16xf32>,
      tpu.vector_store %arg7[%parallel_loop3A_490, %parallel_loop3A_491], %parallel_loop3A_486 {strides = array<i32>} : memref<64x512xf32, #tpu.memory_space<vmem>>, vector<16xf32>,
      %parallel_loop3A_493 = arith.constant 49152 : i32
      %parallel_loop3A_494 = vector.broadcast %parallel_loop3A_493 : i32 to vector<16xi32>
      %parallel_loop3A_495 = arith.addi %parallel_loop3A_12, %parallel_loop3A_494 : vector<16xi32>
      %parallel_loop3A_496 = tpu.vector_load_idx %arg5[%parallel_loop3A_495] : memref<65536xf32, #tpu.memory_space<vmem>>[vector<16xi32>], vector<16xf32>,
      %parallel_loop3A_497 = arith.constant 16 : i32
      %parallel_loop3A_498 = arith.muli %parallel_loop3A_6, %parallel_loop3A_497 : i32
      %parallel_loop3A_499 = arith.constant 48 : i32
      %parallel_loop3A_500 = arith.index_cast %parallel_loop3A_499 : i32 to index
      %parallel_loop3A_501 = arith.index_cast %parallel_loop3A_498 : i32 to index
      %parallel_loop3A_502 = tpu.vector_load %arg7[%parallel_loop3A_500, %parallel_loop3A_501] {strides = array<i32>} : memref<64x512xf32, #tpu.memory_space<vmem>>, vector<16xf32>,
      tpu.vector_store %arg7[%parallel_loop3A_500, %parallel_loop3A_501], %parallel_loop3A_496 {strides = array<i32>} : memref<64x512xf32, #tpu.memory_space<vmem>>, vector<16xf32>,
      %parallel_loop3A_503 = arith.constant 50176 : i32
      %parallel_loop3A_504 = vector.broadcast %parallel_loop3A_503 : i32 to vector<16xi32>
      %parallel_loop3A_505 = arith.addi %parallel_loop3A_12, %parallel_loop3A_504 : vector<16xi32>
      %parallel_loop3A_506 = tpu.vector_load_idx %arg5[%parallel_loop3A_505] : memref<65536xf32, #tpu.memory_space<vmem>>[vector<16xi32>], vector<16xf32>,
      %parallel_loop3A_507 = arith.constant 16 : i32
      %parallel_loop3A_508 = arith.muli %parallel_loop3A_6, %parallel_loop3A_507 : i32
      %parallel_loop3A_509 = arith.constant 49 : i32
      %parallel_loop3A_510 = arith.index_cast %parallel_loop3A_509 : i32 to index
      %parallel_loop3A_511 = arith.index_cast %parallel_loop3A_508 : i32 to index
      %parallel_loop3A_512 = tpu.vector_load %arg7[%parallel_loop3A_510, %parallel_loop3A_511] {strides = array<i32>} : memref<64x512xf32, #tpu.memory_space<vmem>>, vector<16xf32>,
      tpu.vector_store %arg7[%parallel_loop3A_510, %parallel_loop3A_511], %parallel_loop3A_506 {strides = array<i32>} : memref<64x512xf32, #tpu.memory_space<vmem>>, vector<16xf32>,
      %parallel_loop3A_513 = arith.constant 51200 : i32
      %parallel_loop3A_514 = vector.broadcast %parallel_loop3A_513 : i32 to vector<16xi32>
      %parallel_loop3A_515 = arith.addi %parallel_loop3A_12, %parallel_loop3A_514 : vector<16xi32>
      %parallel_loop3A_516 = tpu.vector_load_idx %arg5[%parallel_loop3A_515] : memref<65536xf32, #tpu.memory_space<vmem>>[vector<16xi32>], vector<16xf32>,
      %parallel_loop3A_517 = arith.constant 16 : i32
      %parallel_loop3A_518 = arith.muli %parallel_loop3A_6, %parallel_loop3A_517 : i32
      %parallel_loop3A_519 = arith.constant 50 : i32
      %parallel_loop3A_520 = arith.index_cast %parallel_loop3A_519 : i32 to index
      %parallel_loop3A_521 = arith.index_cast %parallel_loop3A_518 : i32 to index
      %parallel_loop3A_522 = tpu.vector_load %arg7[%parallel_loop3A_520, %parallel_loop3A_521] {strides = array<i32>} : memref<64x512xf32, #tpu.memory_space<vmem>>, vector<16xf32>,
      tpu.vector_store %arg7[%parallel_loop3A_520, %parallel_loop3A_521], %parallel_loop3A_516 {strides = array<i32>} : memref<64x512xf32, #tpu.memory_space<vmem>>, vector<16xf32>,
      %parallel_loop3A_523 = arith.constant 52224 : i32
      %parallel_loop3A_524 = vector.broadcast %parallel_loop3A_523 : i32 to vector<16xi32>
      %parallel_loop3A_525 = arith.addi %parallel_loop3A_12, %parallel_loop3A_524 : vector<16xi32>
      %parallel_loop3A_526 = tpu.vector_load_idx %arg5[%parallel_loop3A_525] : memref<65536xf32, #tpu.memory_space<vmem>>[vector<16xi32>], vector<16xf32>,
      %parallel_loop3A_527 = arith.constant 16 : i32
      %parallel_loop3A_528 = arith.muli %parallel_loop3A_6, %parallel_loop3A_527 : i32
      %parallel_loop3A_529 = arith.constant 51 : i32
      %parallel_loop3A_530 = arith.index_cast %parallel_loop3A_529 : i32 to index
      %parallel_loop3A_531 = arith.index_cast %parallel_loop3A_528 : i32 to index
      %parallel_loop3A_532 = tpu.vector_load %arg7[%parallel_loop3A_530, %parallel_loop3A_531] {strides = array<i32>} : memref<64x512xf32, #tpu.memory_space<vmem>>, vector<16xf32>,
      tpu.vector_store %arg7[%parallel_loop3A_530, %parallel_loop3A_531], %parallel_loop3A_526 {strides = array<i32>} : memref<64x512xf32, #tpu.memory_space<vmem>>, vector<16xf32>,
      %parallel_loop3A_533 = arith.constant 53248 : i32
      %parallel_loop3A_534 = vector.broadcast %parallel_loop3A_533 : i32 to vector<16xi32>
      %parallel_loop3A_535 = arith.addi %parallel_loop3A_12, %parallel_loop3A_534 : vector<16xi32>
      %parallel_loop3A_536 = tpu.vector_load_idx %arg5[%parallel_loop3A_535] : memref<65536xf32, #tpu.memory_space<vmem>>[vector<16xi32>], vector<16xf32>,
      %parallel_loop3A_537 = arith.constant 16 : i32
      %parallel_loop3A_538 = arith.muli %parallel_loop3A_6, %parallel_loop3A_537 : i32
      %parallel_loop3A_539 = arith.constant 52 : i32
      %parallel_loop3A_540 = arith.index_cast %parallel_loop3A_539 : i32 to index
      %parallel_loop3A_541 = arith.index_cast %parallel_loop3A_538 : i32 to index
      %parallel_loop3A_542 = tpu.vector_load %arg7[%parallel_loop3A_540, %parallel_loop3A_541] {strides = array<i32>} : memref<64x512xf32, #tpu.memory_space<vmem>>, vector<16xf32>,
      tpu.vector_store %arg7[%parallel_loop3A_540, %parallel_loop3A_541], %parallel_loop3A_536 {strides = array<i32>} : memref<64x512xf32, #tpu.memory_space<vmem>>, vector<16xf32>,
      %parallel_loop3A_543 = arith.constant 54272 : i32
      %parallel_loop3A_544 = vector.broadcast %parallel_loop3A_543 : i32 to vector<16xi32>
      %parallel_loop3A_545 = arith.addi %parallel_loop3A_12, %parallel_loop3A_544 : vector<16xi32>
      %parallel_loop3A_546 = tpu.vector_load_idx %arg5[%parallel_loop3A_545] : memref<65536xf32, #tpu.memory_space<vmem>>[vector<16xi32>], vector<16xf32>,
      %parallel_loop3A_547 = arith.constant 16 : i32
      %parallel_loop3A_548 = arith.muli %parallel_loop3A_6, %parallel_loop3A_547 : i32
      %parallel_loop3A_549 = arith.constant 53 : i32
      %parallel_loop3A_550 = arith.index_cast %parallel_loop3A_549 : i32 to index
      %parallel_loop3A_551 = arith.index_cast %parallel_loop3A_548 : i32 to index
      %parallel_loop3A_552 = tpu.vector_load %arg7[%parallel_loop3A_550, %parallel_loop3A_551] {strides = array<i32>} : memref<64x512xf32, #tpu.memory_space<vmem>>, vector<16xf32>,
      tpu.vector_store %arg7[%parallel_loop3A_550, %parallel_loop3A_551], %parallel_loop3A_546 {strides = array<i32>} : memref<64x512xf32, #tpu.memory_space<vmem>>, vector<16xf32>,
      %parallel_loop3A_553 = arith.constant 55296 : i32
      %parallel_loop3A_554 = vector.broadcast %parallel_loop3A_553 : i32 to vector<16xi32>
      %parallel_loop3A_555 = arith.addi %parallel_loop3A_12, %parallel_loop3A_554 : vector<16xi32>
      %parallel_loop3A_556 = tpu.vector_load_idx %arg5[%parallel_loop3A_555] : memref<65536xf32, #tpu.memory_space<vmem>>[vector<16xi32>], vector<16xf32>,
      %parallel_loop3A_557 = arith.constant 16 : i32
      %parallel_loop3A_558 = arith.muli %parallel_loop3A_6, %parallel_loop3A_557 : i32
      %parallel_loop3A_559 = arith.constant 54 : i32
      %parallel_loop3A_560 = arith.index_cast %parallel_loop3A_559 : i32 to index
      %parallel_loop3A_561 = arith.index_cast %parallel_loop3A_558 : i32 to index
      %parallel_loop3A_562 = tpu.vector_load %arg7[%parallel_loop3A_560, %parallel_loop3A_561] {strides = array<i32>} : memref<64x512xf32, #tpu.memory_space<vmem>>, vector<16xf32>,
      tpu.vector_store %arg7[%parallel_loop3A_560, %parallel_loop3A_561], %parallel_loop3A_556 {strides = array<i32>} : memref<64x512xf32, #tpu.memory_space<vmem>>, vector<16xf32>,
      %parallel_loop3A_563 = arith.constant 56320 : i32
      %parallel_loop3A_564 = vector.broadcast %parallel_loop3A_563 : i32 to vector<16xi32>
      %parallel_loop3A_565 = arith.addi %parallel_loop3A_12, %parallel_loop3A_564 : vector<16xi32>
      %parallel_loop3A_566 = tpu.vector_load_idx %arg5[%parallel_loop3A_565] : memref<65536xf32, #tpu.memory_space<vmem>>[vector<16xi32>], vector<16xf32>,
      %parallel_loop3A_567 = arith.constant 16 : i32
      %parallel_loop3A_568 = arith.muli %parallel_loop3A_6, %parallel_loop3A_567 : i32
      %parallel_loop3A_569 = arith.constant 55 : i32
      %parallel_loop3A_570 = arith.index_cast %parallel_loop3A_569 : i32 to index
      %parallel_loop3A_571 = arith.index_cast %parallel_loop3A_568 : i32 to index
      %parallel_loop3A_572 = tpu.vector_load %arg7[%parallel_loop3A_570, %parallel_loop3A_571] {strides = array<i32>} : memref<64x512xf32, #tpu.memory_space<vmem>>, vector<16xf32>,
      tpu.vector_store %arg7[%parallel_loop3A_570, %parallel_loop3A_571], %parallel_loop3A_566 {strides = array<i32>} : memref<64x512xf32, #tpu.memory_space<vmem>>, vector<16xf32>,
      %parallel_loop3A_573 = arith.constant 57344 : i32
      %parallel_loop3A_574 = vector.broadcast %parallel_loop3A_573 : i32 to vector<16xi32>
      %parallel_loop3A_575 = arith.addi %parallel_loop3A_12, %parallel_loop3A_574 : vector<16xi32>
      %parallel_loop3A_576 = tpu.vector_load_idx %arg5[%parallel_loop3A_575] : memref<65536xf32, #tpu.memory_space<vmem>>[vector<16xi32>], vector<16xf32>,
      %parallel_loop3A_577 = arith.constant 16 : i32
      %parallel_loop3A_578 = arith.muli %parallel_loop3A_6, %parallel_loop3A_577 : i32
      %parallel_loop3A_579 = arith.constant 56 : i32
      %parallel_loop3A_580 = arith.index_cast %parallel_loop3A_579 : i32 to index
      %parallel_loop3A_581 = arith.index_cast %parallel_loop3A_578 : i32 to index
      %parallel_loop3A_582 = tpu.vector_load %arg7[%parallel_loop3A_580, %parallel_loop3A_581] {strides = array<i32>} : memref<64x512xf32, #tpu.memory_space<vmem>>, vector<16xf32>,
      tpu.vector_store %arg7[%parallel_loop3A_580, %parallel_loop3A_581], %parallel_loop3A_576 {strides = array<i32>} : memref<64x512xf32, #tpu.memory_space<vmem>>, vector<16xf32>,
      %parallel_loop3A_583 = arith.constant 58368 : i32
      %parallel_loop3A_584 = vector.broadcast %parallel_loop3A_583 : i32 to vector<16xi32>
      %parallel_loop3A_585 = arith.addi %parallel_loop3A_12, %parallel_loop3A_584 : vector<16xi32>
      %parallel_loop3A_586 = tpu.vector_load_idx %arg5[%parallel_loop3A_585] : memref<65536xf32, #tpu.memory_space<vmem>>[vector<16xi32>], vector<16xf32>,
      %parallel_loop3A_587 = arith.constant 16 : i32
      %parallel_loop3A_588 = arith.muli %parallel_loop3A_6, %parallel_loop3A_587 : i32
      %parallel_loop3A_589 = arith.constant 57 : i32
      %parallel_loop3A_590 = arith.index_cast %parallel_loop3A_589 : i32 to index
      %parallel_loop3A_591 = arith.index_cast %parallel_loop3A_588 : i32 to index
      %parallel_loop3A_592 = tpu.vector_load %arg7[%parallel_loop3A_590, %parallel_loop3A_591] {strides = array<i32>} : memref<64x512xf32, #tpu.memory_space<vmem>>, vector<16xf32>,
      tpu.vector_store %arg7[%parallel_loop3A_590, %parallel_loop3A_591], %parallel_loop3A_586 {strides = array<i32>} : memref<64x512xf32, #tpu.memory_space<vmem>>, vector<16xf32>,
      %parallel_loop3A_593 = arith.constant 59392 : i32
      %parallel_loop3A_594 = vector.broadcast %parallel_loop3A_593 : i32 to vector<16xi32>
      %parallel_loop3A_595 = arith.addi %parallel_loop3A_12, %parallel_loop3A_594 : vector<16xi32>
      %parallel_loop3A_596 = tpu.vector_load_idx %arg5[%parallel_loop3A_595] : memref<65536xf32, #tpu.memory_space<vmem>>[vector<16xi32>], vector<16xf32>,
      %parallel_loop3A_597 = arith.constant 16 : i32
      %parallel_loop3A_598 = arith.muli %parallel_loop3A_6, %parallel_loop3A_597 : i32
      %parallel_loop3A_599 = arith.constant 58 : i32
      %parallel_loop3A_600 = arith.index_cast %parallel_loop3A_599 : i32 to index
      %parallel_loop3A_601 = arith.index_cast %parallel_loop3A_598 : i32 to index
      %parallel_loop3A_602 = tpu.vector_load %arg7[%parallel_loop3A_600, %parallel_loop3A_601] {strides = array<i32>} : memref<64x512xf32, #tpu.memory_space<vmem>>, vector<16xf32>,
      tpu.vector_store %arg7[%parallel_loop3A_600, %parallel_loop3A_601], %parallel_loop3A_596 {strides = array<i32>} : memref<64x512xf32, #tpu.memory_space<vmem>>, vector<16xf32>,
      %parallel_loop3A_603 = arith.constant 60416 : i32
      %parallel_loop3A_604 = vector.broadcast %parallel_loop3A_603 : i32 to vector<16xi32>
      %parallel_loop3A_605 = arith.addi %parallel_loop3A_12, %parallel_loop3A_604 : vector<16xi32>
      %parallel_loop3A_606 = tpu.vector_load_idx %arg5[%parallel_loop3A_605] : memref<65536xf32, #tpu.memory_space<vmem>>[vector<16xi32>], vector<16xf32>,
      %parallel_loop3A_607 = arith.constant 16 : i32
      %parallel_loop3A_608 = arith.muli %parallel_loop3A_6, %parallel_loop3A_607 : i32
      %parallel_loop3A_609 = arith.constant 59 : i32
      %parallel_loop3A_610 = arith.index_cast %parallel_loop3A_609 : i32 to index
      %parallel_loop3A_611 = arith.index_cast %parallel_loop3A_608 : i32 to index
      %parallel_loop3A_612 = tpu.vector_load %arg7[%parallel_loop3A_610, %parallel_loop3A_611] {strides = array<i32>} : memref<64x512xf32, #tpu.memory_space<vmem>>, vector<16xf32>,
      tpu.vector_store %arg7[%parallel_loop3A_610, %parallel_loop3A_611], %parallel_loop3A_606 {strides = array<i32>} : memref<64x512xf32, #tpu.memory_space<vmem>>, vector<16xf32>,
      %parallel_loop3A_613 = arith.constant 61440 : i32
      %parallel_loop3A_614 = vector.broadcast %parallel_loop3A_613 : i32 to vector<16xi32>
      %parallel_loop3A_615 = arith.addi %parallel_loop3A_12, %parallel_loop3A_614 : vector<16xi32>
      %parallel_loop3A_616 = tpu.vector_load_idx %arg5[%parallel_loop3A_615] : memref<65536xf32, #tpu.memory_space<vmem>>[vector<16xi32>], vector<16xf32>,
      %parallel_loop3A_617 = arith.constant 16 : i32
      %parallel_loop3A_618 = arith.muli %parallel_loop3A_6, %parallel_loop3A_617 : i32
      %parallel_loop3A_619 = arith.constant 60 : i32
      %parallel_loop3A_620 = arith.index_cast %parallel_loop3A_619 : i32 to index
      %parallel_loop3A_621 = arith.index_cast %parallel_loop3A_618 : i32 to index
      %parallel_loop3A_622 = tpu.vector_load %arg7[%parallel_loop3A_620, %parallel_loop3A_621] {strides = array<i32>} : memref<64x512xf32, #tpu.memory_space<vmem>>, vector<16xf32>,
      tpu.vector_store %arg7[%parallel_loop3A_620, %parallel_loop3A_621], %parallel_loop3A_616 {strides = array<i32>} : memref<64x512xf32, #tpu.memory_space<vmem>>, vector<16xf32>,
      %parallel_loop3A_623 = arith.constant 62464 : i32
      %parallel_loop3A_624 = vector.broadcast %parallel_loop3A_623 : i32 to vector<16xi32>
      %parallel_loop3A_625 = arith.addi %parallel_loop3A_12, %parallel_loop3A_624 : vector<16xi32>
      %parallel_loop3A_626 = tpu.vector_load_idx %arg5[%parallel_loop3A_625] : memref<65536xf32, #tpu.memory_space<vmem>>[vector<16xi32>], vector<16xf32>,
      %parallel_loop3A_627 = arith.constant 16 : i32
      %parallel_loop3A_628 = arith.muli %parallel_loop3A_6, %parallel_loop3A_627 : i32
      %parallel_loop3A_629 = arith.constant 61 : i32
      %parallel_loop3A_630 = arith.index_cast %parallel_loop3A_629 : i32 to index
      %parallel_loop3A_631 = arith.index_cast %parallel_loop3A_628 : i32 to index
      %parallel_loop3A_632 = tpu.vector_load %arg7[%parallel_loop3A_630, %parallel_loop3A_631] {strides = array<i32>} : memref<64x512xf32, #tpu.memory_space<vmem>>, vector<16xf32>,
      tpu.vector_store %arg7[%parallel_loop3A_630, %parallel_loop3A_631], %parallel_loop3A_626 {strides = array<i32>} : memref<64x512xf32, #tpu.memory_space<vmem>>, vector<16xf32>,
      %parallel_loop3A_633 = arith.constant 63488 : i32
      %parallel_loop3A_634 = vector.broadcast %parallel_loop3A_633 : i32 to vector<16xi32>
      %parallel_loop3A_635 = arith.addi %parallel_loop3A_12, %parallel_loop3A_634 : vector<16xi32>
      %parallel_loop3A_636 = tpu.vector_load_idx %arg5[%parallel_loop3A_635] : memref<65536xf32, #tpu.memory_space<vmem>>[vector<16xi32>], vector<16xf32>,
      %parallel_loop3A_637 = arith.constant 16 : i32
      %parallel_loop3A_638 = arith.muli %parallel_loop3A_6, %parallel_loop3A_637 : i32
      %parallel_loop3A_639 = arith.constant 62 : i32
      %parallel_loop3A_640 = arith.index_cast %parallel_loop3A_639 : i32 to index
      %parallel_loop3A_641 = arith.index_cast %parallel_loop3A_638 : i32 to index
      %parallel_loop3A_642 = tpu.vector_load %arg7[%parallel_loop3A_640, %parallel_loop3A_641] {strides = array<i32>} : memref<64x512xf32, #tpu.memory_space<vmem>>, vector<16xf32>,
      tpu.vector_store %arg7[%parallel_loop3A_640, %parallel_loop3A_641], %parallel_loop3A_636 {strides = array<i32>} : memref<64x512xf32, #tpu.memory_space<vmem>>, vector<16xf32>,
      %parallel_loop3A_643 = arith.constant 64512 : i32
      %parallel_loop3A_644 = vector.broadcast %parallel_loop3A_643 : i32 to vector<16xi32>
      %parallel_loop3A_645 = arith.addi %parallel_loop3A_12, %parallel_loop3A_644 : vector<16xi32>
      %parallel_loop3A_646 = tpu.vector_load_idx %arg5[%parallel_loop3A_645] : memref<65536xf32, #tpu.memory_space<vmem>>[vector<16xi32>], vector<16xf32>,
      %parallel_loop3A_647 = arith.constant 16 : i32
      %parallel_loop3A_648 = arith.muli %parallel_loop3A_6, %parallel_loop3A_647 : i32
      %parallel_loop3A_649 = arith.constant 63 : i32
      %parallel_loop3A_650 = arith.index_cast %parallel_loop3A_649 : i32 to index
      %parallel_loop3A_651 = arith.index_cast %parallel_loop3A_648 : i32 to index
      %parallel_loop3A_652 = tpu.vector_load %arg7[%parallel_loop3A_650, %parallel_loop3A_651] {strides = array<i32>} : memref<64x512xf32, #tpu.memory_space<vmem>>, vector<16xf32>,
      tpu.vector_store %arg7[%parallel_loop3A_650, %parallel_loop3A_651], %parallel_loop3A_646 {strides = array<i32>} : memref<64x512xf32, #tpu.memory_space<vmem>>, vector<16xf32>,
    } {sc.loop_unroll_factor = 2 : i64, sc.parallel_access}
    "tpu.region"() ({
      %run_scoped3A_6 = tpu.sem_alloc : memref<!tpu.dma_semaphore, #tpu.memory_space<semaphore_mem>>
      %dma_start3A = arith.constant 0 : i32
      %dma_start3A_7 = arith.constant 0 : i32
      %dma_start3A_8 = tpu.memref_slice %arg4[%add3A, %dma_start3A, %dma_start3A_7] : memref<32x64x1024xf32, #tpu.memory_space<hbm>> -> memref<1x64x512xf32, #tpu.memory_space<hbm>>
      %dma_start3A_9 = tpu.memref_squeeze %dma_start3A_8 : memref<1x64x512xf32, #tpu.memory_space<hbm>> -> memref<64x512xf32, #tpu.memory_space<hbm>>
      %dma_start3A_10 = arith.constant 0 : i32
      %dma_start3A_11 = arith.constant 0 : i32
      %dma_start3A_12 = tpu.memref_slice %arg4[%add3A, %dma_start3A_10, %dma_start3A_11] : memref<32x64x1024xf32, #tpu.memory_space<hbm>> -> memref<1x64x512xf32, #tpu.memory_space<hbm>>
      %dma_start3A_13 = tpu.memref_squeeze %dma_start3A_12 : memref<1x64x512xf32, #tpu.memory_space<hbm>> -> memref<64x512xf32, #tpu.memory_space<hbm>>
      tpu.enqueue_dma source(%arg7 : memref<64x512xf32, #tpu.memory_space<vmem>>) target(%dma_start3A_13 : memref<64x512xf32, #tpu.memory_space<hbm>>) target_semaphore(%run_scoped3A_6 : memref<!tpu.dma_semaphore, #tpu.memory_space<semaphore_mem>>)
      %dma_wait3A = arith.constant 0 : i32
      %dma_wait3A_14 = arith.constant 0 : i32
      %dma_wait3A_15 = tpu.memref_slice %arg4[%add3A, %dma_wait3A, %dma_wait3A_14] : memref<32x64x1024xf32, #tpu.memory_space<hbm>> -> memref<1x64x512xf32, #tpu.memory_space<hbm>>
      %dma_wait3A_16 = tpu.memref_squeeze %dma_wait3A_15 : memref<1x64x512xf32, #tpu.memory_space<hbm>> -> memref<64x512xf32, #tpu.memory_space<hbm>>
      %dma_wait3A_17 = arith.constant 0 : i32
      %dma_wait3A_18 = arith.constant 0 : i32
      %dma_wait3A_19 = tpu.memref_slice %arg4[%add3A, %dma_wait3A_17, %dma_wait3A_18] : memref<32x64x1024xf32, #tpu.memory_space<hbm>> -> memref<1x64x512xf32, #tpu.memory_space<hbm>>
      %dma_wait3A_20 = tpu.memref_squeeze %dma_wait3A_19 : memref<1x64x512xf32, #tpu.memory_space<hbm>> -> memref<64x512xf32, #tpu.memory_space<hbm>>
      tpu.wait_dma2 semaphore(%run_scoped3A_6 : memref<!tpu.dma_semaphore, #tpu.memory_space<semaphore_mem>>) src(%arg7 : memref<64x512xf32, #tpu.memory_space<vmem>>) dst(%dma_wait3A_20 : memref<64x512xf32, #tpu.memory_space<hbm>>)
      tpu.yield
    }) : () -> ()
    %parallel_loop3A_3 = arith.constant 0 : i32
    %parallel_loop3A_4 = arith.constant 32 : i32
    %parallel_loop3A_5 = arith.constant 1 : i32
    scf.for %parallel_loop3A_6 = %parallel_loop3A_3 to %parallel_loop3A_4 step %parallel_loop3A_5  : i32 {
      %parallel_loop3A_7 = arith.constant 16 : i32
      %parallel_loop3A_8 = arith.muli %parallel_loop3A_6, %parallel_loop3A_7 : i32
      %parallel_loop3A_9 = arith.constant 512 : i32
      %parallel_loop3A_10 = arith.addi %parallel_loop3A_9, %parallel_loop3A_8 : i32
      %parallel_loop3A_11 = arith.index_cast %parallel_loop3A_10 : i32 to index
      %parallel_loop3A_12 = tpu.vector_load %arg6[%parallel_loop3A_11] {strides = array<i32>} : memref<1024xi32, #tpu.memory_space<vmem>>, vector<16xi32>,
      %parallel_loop3A_13 = arith.constant 0 : i32
      %parallel_loop3A_14 = vector.broadcast %parallel_loop3A_13 : i32 to vector<16xi32>
      %parallel_loop3A_15 = arith.addi %parallel_loop3A_12, %parallel_loop3A_14 : vector<16xi32>
      %parallel_loop3A_16 = tpu.vector_load_idx %arg5[%parallel_loop3A_15] : memref<65536xf32, #tpu.memory_space<vmem>>[vector<16xi32>], vector<16xf32>,
      %parallel_loop3A_17 = arith.constant 16 : i32
      %parallel_loop3A_18 = arith.muli %parallel_loop3A_6, %parallel_loop3A_17 : i32
      %parallel_loop3A_19 = arith.constant 0 : i32
      %parallel_loop3A_20 = arith.index_cast %parallel_loop3A_19 : i32 to index
      %parallel_loop3A_21 = arith.index_cast %parallel_loop3A_18 : i32 to index
      %parallel_loop3A_22 = tpu.vector_load %arg7[%parallel_loop3A_20, %parallel_loop3A_21] {strides = array<i32>} : memref<64x512xf32, #tpu.memory_space<vmem>>, vector<16xf32>,
      tpu.vector_store %arg7[%parallel_loop3A_20, %parallel_loop3A_21], %parallel_loop3A_16 {strides = array<i32>} : memref<64x512xf32, #tpu.memory_space<vmem>>, vector<16xf32>,
      %parallel_loop3A_23 = arith.constant 1024 : i32
      %parallel_loop3A_24 = vector.broadcast %parallel_loop3A_23 : i32 to vector<16xi32>
      %parallel_loop3A_25 = arith.addi %parallel_loop3A_12, %parallel_loop3A_24 : vector<16xi32>
      %parallel_loop3A_26 = tpu.vector_load_idx %arg5[%parallel_loop3A_25] : memref<65536xf32, #tpu.memory_space<vmem>>[vector<16xi32>], vector<16xf32>,
      %parallel_loop3A_27 = arith.constant 16 : i32
      %parallel_loop3A_28 = arith.muli %parallel_loop3A_6, %parallel_loop3A_27 : i32
      %parallel_loop3A_29 = arith.constant 1 : i32
      %parallel_loop3A_30 = arith.index_cast %parallel_loop3A_29 : i32 to index
      %parallel_loop3A_31 = arith.index_cast %parallel_loop3A_28 : i32 to index
      %parallel_loop3A_32 = tpu.vector_load %arg7[%parallel_loop3A_30, %parallel_loop3A_31] {strides = array<i32>} : memref<64x512xf32, #tpu.memory_space<vmem>>, vector<16xf32>,
      tpu.vector_store %arg7[%parallel_loop3A_30, %parallel_loop3A_31], %parallel_loop3A_26 {strides = array<i32>} : memref<64x512xf32, #tpu.memory_space<vmem>>, vector<16xf32>,
      %parallel_loop3A_33 = arith.constant 2048 : i32
      %parallel_loop3A_34 = vector.broadcast %parallel_loop3A_33 : i32 to vector<16xi32>
      %parallel_loop3A_35 = arith.addi %parallel_loop3A_12, %parallel_loop3A_34 : vector<16xi32>
      %parallel_loop3A_36 = tpu.vector_load_idx %arg5[%parallel_loop3A_35] : memref<65536xf32, #tpu.memory_space<vmem>>[vector<16xi32>], vector<16xf32>,
      %parallel_loop3A_37 = arith.constant 16 : i32
      %parallel_loop3A_38 = arith.muli %parallel_loop3A_6, %parallel_loop3A_37 : i32
      %parallel_loop3A_39 = arith.constant 2 : i32
      %parallel_loop3A_40 = arith.index_cast %parallel_loop3A_39 : i32 to index
      %parallel_loop3A_41 = arith.index_cast %parallel_loop3A_38 : i32 to index
      %parallel_loop3A_42 = tpu.vector_load %arg7[%parallel_loop3A_40, %parallel_loop3A_41] {strides = array<i32>} : memref<64x512xf32, #tpu.memory_space<vmem>>, vector<16xf32>,
      tpu.vector_store %arg7[%parallel_loop3A_40, %parallel_loop3A_41], %parallel_loop3A_36 {strides = array<i32>} : memref<64x512xf32, #tpu.memory_space<vmem>>, vector<16xf32>,
      %parallel_loop3A_43 = arith.constant 3072 : i32
      %parallel_loop3A_44 = vector.broadcast %parallel_loop3A_43 : i32 to vector<16xi32>
      %parallel_loop3A_45 = arith.addi %parallel_loop3A_12, %parallel_loop3A_44 : vector<16xi32>
      %parallel_loop3A_46 = tpu.vector_load_idx %arg5[%parallel_loop3A_45] : memref<65536xf32, #tpu.memory_space<vmem>>[vector<16xi32>], vector<16xf32>,
      %parallel_loop3A_47 = arith.constant 16 : i32
      %parallel_loop3A_48 = arith.muli %parallel_loop3A_6, %parallel_loop3A_47 : i32
      %parallel_loop3A_49 = arith.constant 3 : i32
      %parallel_loop3A_50 = arith.index_cast %parallel_loop3A_49 : i32 to index
      %parallel_loop3A_51 = arith.index_cast %parallel_loop3A_48 : i32 to index
      %parallel_loop3A_52 = tpu.vector_load %arg7[%parallel_loop3A_50, %parallel_loop3A_51] {strides = array<i32>} : memref<64x512xf32, #tpu.memory_space<vmem>>, vector<16xf32>,
      tpu.vector_store %arg7[%parallel_loop3A_50, %parallel_loop3A_51], %parallel_loop3A_46 {strides = array<i32>} : memref<64x512xf32, #tpu.memory_space<vmem>>, vector<16xf32>,
      %parallel_loop3A_53 = arith.constant 4096 : i32
      %parallel_loop3A_54 = vector.broadcast %parallel_loop3A_53 : i32 to vector<16xi32>
      %parallel_loop3A_55 = arith.addi %parallel_loop3A_12, %parallel_loop3A_54 : vector<16xi32>
      %parallel_loop3A_56 = tpu.vector_load_idx %arg5[%parallel_loop3A_55] : memref<65536xf32, #tpu.memory_space<vmem>>[vector<16xi32>], vector<16xf32>,
      %parallel_loop3A_57 = arith.constant 16 : i32
      %parallel_loop3A_58 = arith.muli %parallel_loop3A_6, %parallel_loop3A_57 : i32
      %parallel_loop3A_59 = arith.constant 4 : i32
      %parallel_loop3A_60 = arith.index_cast %parallel_loop3A_59 : i32 to index
      %parallel_loop3A_61 = arith.index_cast %parallel_loop3A_58 : i32 to index
      %parallel_loop3A_62 = tpu.vector_load %arg7[%parallel_loop3A_60, %parallel_loop3A_61] {strides = array<i32>} : memref<64x512xf32, #tpu.memory_space<vmem>>, vector<16xf32>,
      tpu.vector_store %arg7[%parallel_loop3A_60, %parallel_loop3A_61], %parallel_loop3A_56 {strides = array<i32>} : memref<64x512xf32, #tpu.memory_space<vmem>>, vector<16xf32>,
      %parallel_loop3A_63 = arith.constant 5120 : i32
      %parallel_loop3A_64 = vector.broadcast %parallel_loop3A_63 : i32 to vector<16xi32>
      %parallel_loop3A_65 = arith.addi %parallel_loop3A_12, %parallel_loop3A_64 : vector<16xi32>
      %parallel_loop3A_66 = tpu.vector_load_idx %arg5[%parallel_loop3A_65] : memref<65536xf32, #tpu.memory_space<vmem>>[vector<16xi32>], vector<16xf32>,
      %parallel_loop3A_67 = arith.constant 16 : i32
      %parallel_loop3A_68 = arith.muli %parallel_loop3A_6, %parallel_loop3A_67 : i32
      %parallel_loop3A_69 = arith.constant 5 : i32
      %parallel_loop3A_70 = arith.index_cast %parallel_loop3A_69 : i32 to index
      %parallel_loop3A_71 = arith.index_cast %parallel_loop3A_68 : i32 to index
      %parallel_loop3A_72 = tpu.vector_load %arg7[%parallel_loop3A_70, %parallel_loop3A_71] {strides = array<i32>} : memref<64x512xf32, #tpu.memory_space<vmem>>, vector<16xf32>,
      tpu.vector_store %arg7[%parallel_loop3A_70, %parallel_loop3A_71], %parallel_loop3A_66 {strides = array<i32>} : memref<64x512xf32, #tpu.memory_space<vmem>>, vector<16xf32>,
      %parallel_loop3A_73 = arith.constant 6144 : i32
      %parallel_loop3A_74 = vector.broadcast %parallel_loop3A_73 : i32 to vector<16xi32>
      %parallel_loop3A_75 = arith.addi %parallel_loop3A_12, %parallel_loop3A_74 : vector<16xi32>
      %parallel_loop3A_76 = tpu.vector_load_idx %arg5[%parallel_loop3A_75] : memref<65536xf32, #tpu.memory_space<vmem>>[vector<16xi32>], vector<16xf32>,
      %parallel_loop3A_77 = arith.constant 16 : i32
      %parallel_loop3A_78 = arith.muli %parallel_loop3A_6, %parallel_loop3A_77 : i32
      %parallel_loop3A_79 = arith.constant 6 : i32
      %parallel_loop3A_80 = arith.index_cast %parallel_loop3A_79 : i32 to index
      %parallel_loop3A_81 = arith.index_cast %parallel_loop3A_78 : i32 to index
      %parallel_loop3A_82 = tpu.vector_load %arg7[%parallel_loop3A_80, %parallel_loop3A_81] {strides = array<i32>} : memref<64x512xf32, #tpu.memory_space<vmem>>, vector<16xf32>,
      tpu.vector_store %arg7[%parallel_loop3A_80, %parallel_loop3A_81], %parallel_loop3A_76 {strides = array<i32>} : memref<64x512xf32, #tpu.memory_space<vmem>>, vector<16xf32>,
      %parallel_loop3A_83 = arith.constant 7168 : i32
      %parallel_loop3A_84 = vector.broadcast %parallel_loop3A_83 : i32 to vector<16xi32>
      %parallel_loop3A_85 = arith.addi %parallel_loop3A_12, %parallel_loop3A_84 : vector<16xi32>
      %parallel_loop3A_86 = tpu.vector_load_idx %arg5[%parallel_loop3A_85] : memref<65536xf32, #tpu.memory_space<vmem>>[vector<16xi32>], vector<16xf32>,
      %parallel_loop3A_87 = arith.constant 16 : i32
      %parallel_loop3A_88 = arith.muli %parallel_loop3A_6, %parallel_loop3A_87 : i32
      %parallel_loop3A_89 = arith.constant 7 : i32
      %parallel_loop3A_90 = arith.index_cast %parallel_loop3A_89 : i32 to index
      %parallel_loop3A_91 = arith.index_cast %parallel_loop3A_88 : i32 to index
      %parallel_loop3A_92 = tpu.vector_load %arg7[%parallel_loop3A_90, %parallel_loop3A_91] {strides = array<i32>} : memref<64x512xf32, #tpu.memory_space<vmem>>, vector<16xf32>,
      tpu.vector_store %arg7[%parallel_loop3A_90, %parallel_loop3A_91], %parallel_loop3A_86 {strides = array<i32>} : memref<64x512xf32, #tpu.memory_space<vmem>>, vector<16xf32>,
      %parallel_loop3A_93 = arith.constant 8192 : i32
      %parallel_loop3A_94 = vector.broadcast %parallel_loop3A_93 : i32 to vector<16xi32>
      %parallel_loop3A_95 = arith.addi %parallel_loop3A_12, %parallel_loop3A_94 : vector<16xi32>
      %parallel_loop3A_96 = tpu.vector_load_idx %arg5[%parallel_loop3A_95] : memref<65536xf32, #tpu.memory_space<vmem>>[vector<16xi32>], vector<16xf32>,
      %parallel_loop3A_97 = arith.constant 16 : i32
      %parallel_loop3A_98 = arith.muli %parallel_loop3A_6, %parallel_loop3A_97 : i32
      %parallel_loop3A_99 = arith.constant 8 : i32
      %parallel_loop3A_100 = arith.index_cast %parallel_loop3A_99 : i32 to index
      %parallel_loop3A_101 = arith.index_cast %parallel_loop3A_98 : i32 to index
      %parallel_loop3A_102 = tpu.vector_load %arg7[%parallel_loop3A_100, %parallel_loop3A_101] {strides = array<i32>} : memref<64x512xf32, #tpu.memory_space<vmem>>, vector<16xf32>,
      tpu.vector_store %arg7[%parallel_loop3A_100, %parallel_loop3A_101], %parallel_loop3A_96 {strides = array<i32>} : memref<64x512xf32, #tpu.memory_space<vmem>>, vector<16xf32>,
      %parallel_loop3A_103 = arith.constant 9216 : i32
      %parallel_loop3A_104 = vector.broadcast %parallel_loop3A_103 : i32 to vector<16xi32>
      %parallel_loop3A_105 = arith.addi %parallel_loop3A_12, %parallel_loop3A_104 : vector<16xi32>
      %parallel_loop3A_106 = tpu.vector_load_idx %arg5[%parallel_loop3A_105] : memref<65536xf32, #tpu.memory_space<vmem>>[vector<16xi32>], vector<16xf32>,
      %parallel_loop3A_107 = arith.constant 16 : i32
      %parallel_loop3A_108 = arith.muli %parallel_loop3A_6, %parallel_loop3A_107 : i32
      %parallel_loop3A_109 = arith.constant 9 : i32
      %parallel_loop3A_110 = arith.index_cast %parallel_loop3A_109 : i32 to index
      %parallel_loop3A_111 = arith.index_cast %parallel_loop3A_108 : i32 to index
      %parallel_loop3A_112 = tpu.vector_load %arg7[%parallel_loop3A_110, %parallel_loop3A_111] {strides = array<i32>} : memref<64x512xf32, #tpu.memory_space<vmem>>, vector<16xf32>,
      tpu.vector_store %arg7[%parallel_loop3A_110, %parallel_loop3A_111], %parallel_loop3A_106 {strides = array<i32>} : memref<64x512xf32, #tpu.memory_space<vmem>>, vector<16xf32>,
      %parallel_loop3A_113 = arith.constant 10240 : i32
      %parallel_loop3A_114 = vector.broadcast %parallel_loop3A_113 : i32 to vector<16xi32>
      %parallel_loop3A_115 = arith.addi %parallel_loop3A_12, %parallel_loop3A_114 : vector<16xi32>
      %parallel_loop3A_116 = tpu.vector_load_idx %arg5[%parallel_loop3A_115] : memref<65536xf32, #tpu.memory_space<vmem>>[vector<16xi32>], vector<16xf32>,
      %parallel_loop3A_117 = arith.constant 16 : i32
      %parallel_loop3A_118 = arith.muli %parallel_loop3A_6, %parallel_loop3A_117 : i32
      %parallel_loop3A_119 = arith.constant 10 : i32
      %parallel_loop3A_120 = arith.index_cast %parallel_loop3A_119 : i32 to index
      %parallel_loop3A_121 = arith.index_cast %parallel_loop3A_118 : i32 to index
      %parallel_loop3A_122 = tpu.vector_load %arg7[%parallel_loop3A_120, %parallel_loop3A_121] {strides = array<i32>} : memref<64x512xf32, #tpu.memory_space<vmem>>, vector<16xf32>,
      tpu.vector_store %arg7[%parallel_loop3A_120, %parallel_loop3A_121], %parallel_loop3A_116 {strides = array<i32>} : memref<64x512xf32, #tpu.memory_space<vmem>>, vector<16xf32>,
      %parallel_loop3A_123 = arith.constant 11264 : i32
      %parallel_loop3A_124 = vector.broadcast %parallel_loop3A_123 : i32 to vector<16xi32>
      %parallel_loop3A_125 = arith.addi %parallel_loop3A_12, %parallel_loop3A_124 : vector<16xi32>
      %parallel_loop3A_126 = tpu.vector_load_idx %arg5[%parallel_loop3A_125] : memref<65536xf32, #tpu.memory_space<vmem>>[vector<16xi32>], vector<16xf32>,
      %parallel_loop3A_127 = arith.constant 16 : i32
      %parallel_loop3A_128 = arith.muli %parallel_loop3A_6, %parallel_loop3A_127 : i32
      %parallel_loop3A_129 = arith.constant 11 : i32
      %parallel_loop3A_130 = arith.index_cast %parallel_loop3A_129 : i32 to index
      %parallel_loop3A_131 = arith.index_cast %parallel_loop3A_128 : i32 to index
      %parallel_loop3A_132 = tpu.vector_load %arg7[%parallel_loop3A_130, %parallel_loop3A_131] {strides = array<i32>} : memref<64x512xf32, #tpu.memory_space<vmem>>, vector<16xf32>,
      tpu.vector_store %arg7[%parallel_loop3A_130, %parallel_loop3A_131], %parallel_loop3A_126 {strides = array<i32>} : memref<64x512xf32, #tpu.memory_space<vmem>>, vector<16xf32>,
      %parallel_loop3A_133 = arith.constant 12288 : i32
      %parallel_loop3A_134 = vector.broadcast %parallel_loop3A_133 : i32 to vector<16xi32>
      %parallel_loop3A_135 = arith.addi %parallel_loop3A_12, %parallel_loop3A_134 : vector<16xi32>
      %parallel_loop3A_136 = tpu.vector_load_idx %arg5[%parallel_loop3A_135] : memref<65536xf32, #tpu.memory_space<vmem>>[vector<16xi32>], vector<16xf32>,
      %parallel_loop3A_137 = arith.constant 16 : i32
      %parallel_loop3A_138 = arith.muli %parallel_loop3A_6, %parallel_loop3A_137 : i32
      %parallel_loop3A_139 = arith.constant 12 : i32
      %parallel_loop3A_140 = arith.index_cast %parallel_loop3A_139 : i32 to index
      %parallel_loop3A_141 = arith.index_cast %parallel_loop3A_138 : i32 to index
      %parallel_loop3A_142 = tpu.vector_load %arg7[%parallel_loop3A_140, %parallel_loop3A_141] {strides = array<i32>} : memref<64x512xf32, #tpu.memory_space<vmem>>, vector<16xf32>,
      tpu.vector_store %arg7[%parallel_loop3A_140, %parallel_loop3A_141], %parallel_loop3A_136 {strides = array<i32>} : memref<64x512xf32, #tpu.memory_space<vmem>>, vector<16xf32>,
      %parallel_loop3A_143 = arith.constant 13312 : i32
      %parallel_loop3A_144 = vector.broadcast %parallel_loop3A_143 : i32 to vector<16xi32>
      %parallel_loop3A_145 = arith.addi %parallel_loop3A_12, %parallel_loop3A_144 : vector<16xi32>
      %parallel_loop3A_146 = tpu.vector_load_idx %arg5[%parallel_loop3A_145] : memref<65536xf32, #tpu.memory_space<vmem>>[vector<16xi32>], vector<16xf32>,
      %parallel_loop3A_147 = arith.constant 16 : i32
      %parallel_loop3A_148 = arith.muli %parallel_loop3A_6, %parallel_loop3A_147 : i32
      %parallel_loop3A_149 = arith.constant 13 : i32
      %parallel_loop3A_150 = arith.index_cast %parallel_loop3A_149 : i32 to index
      %parallel_loop3A_151 = arith.index_cast %parallel_loop3A_148 : i32 to index
      %parallel_loop3A_152 = tpu.vector_load %arg7[%parallel_loop3A_150, %parallel_loop3A_151] {strides = array<i32>} : memref<64x512xf32, #tpu.memory_space<vmem>>, vector<16xf32>,
      tpu.vector_store %arg7[%parallel_loop3A_150, %parallel_loop3A_151], %parallel_loop3A_146 {strides = array<i32>} : memref<64x512xf32, #tpu.memory_space<vmem>>, vector<16xf32>,
      %parallel_loop3A_153 = arith.constant 14336 : i32
      %parallel_loop3A_154 = vector.broadcast %parallel_loop3A_153 : i32 to vector<16xi32>
      %parallel_loop3A_155 = arith.addi %parallel_loop3A_12, %parallel_loop3A_154 : vector<16xi32>
      %parallel_loop3A_156 = tpu.vector_load_idx %arg5[%parallel_loop3A_155] : memref<65536xf32, #tpu.memory_space<vmem>>[vector<16xi32>], vector<16xf32>,
      %parallel_loop3A_157 = arith.constant 16 : i32
      %parallel_loop3A_158 = arith.muli %parallel_loop3A_6, %parallel_loop3A_157 : i32
      %parallel_loop3A_159 = arith.constant 14 : i32
      %parallel_loop3A_160 = arith.index_cast %parallel_loop3A_159 : i32 to index
      %parallel_loop3A_161 = arith.index_cast %parallel_loop3A_158 : i32 to index
      %parallel_loop3A_162 = tpu.vector_load %arg7[%parallel_loop3A_160, %parallel_loop3A_161] {strides = array<i32>} : memref<64x512xf32, #tpu.memory_space<vmem>>, vector<16xf32>,
      tpu.vector_store %arg7[%parallel_loop3A_160, %parallel_loop3A_161], %parallel_loop3A_156 {strides = array<i32>} : memref<64x512xf32, #tpu.memory_space<vmem>>, vector<16xf32>,
      %parallel_loop3A_163 = arith.constant 15360 : i32
      %parallel_loop3A_164 = vector.broadcast %parallel_loop3A_163 : i32 to vector<16xi32>
      %parallel_loop3A_165 = arith.addi %parallel_loop3A_12, %parallel_loop3A_164 : vector<16xi32>
      %parallel_loop3A_166 = tpu.vector_load_idx %arg5[%parallel_loop3A_165] : memref<65536xf32, #tpu.memory_space<vmem>>[vector<16xi32>], vector<16xf32>,
      %parallel_loop3A_167 = arith.constant 16 : i32
      %parallel_loop3A_168 = arith.muli %parallel_loop3A_6, %parallel_loop3A_167 : i32
      %parallel_loop3A_169 = arith.constant 15 : i32
      %parallel_loop3A_170 = arith.index_cast %parallel_loop3A_169 : i32 to index
      %parallel_loop3A_171 = arith.index_cast %parallel_loop3A_168 : i32 to index
      %parallel_loop3A_172 = tpu.vector_load %arg7[%parallel_loop3A_170, %parallel_loop3A_171] {strides = array<i32>} : memref<64x512xf32, #tpu.memory_space<vmem>>, vector<16xf32>,
      tpu.vector_store %arg7[%parallel_loop3A_170, %parallel_loop3A_171], %parallel_loop3A_166 {strides = array<i32>} : memref<64x512xf32, #tpu.memory_space<vmem>>, vector<16xf32>,
      %parallel_loop3A_173 = arith.constant 16384 : i32
      %parallel_loop3A_174 = vector.broadcast %parallel_loop3A_173 : i32 to vector<16xi32>
      %parallel_loop3A_175 = arith.addi %parallel_loop3A_12, %parallel_loop3A_174 : vector<16xi32>
      %parallel_loop3A_176 = tpu.vector_load_idx %arg5[%parallel_loop3A_175] : memref<65536xf32, #tpu.memory_space<vmem>>[vector<16xi32>], vector<16xf32>,
      %parallel_loop3A_177 = arith.constant 16 : i32
      %parallel_loop3A_178 = arith.muli %parallel_loop3A_6, %parallel_loop3A_177 : i32
      %parallel_loop3A_179 = arith.constant 16 : i32
      %parallel_loop3A_180 = arith.index_cast %parallel_loop3A_179 : i32 to index
      %parallel_loop3A_181 = arith.index_cast %parallel_loop3A_178 : i32 to index
      %parallel_loop3A_182 = tpu.vector_load %arg7[%parallel_loop3A_180, %parallel_loop3A_181] {strides = array<i32>} : memref<64x512xf32, #tpu.memory_space<vmem>>, vector<16xf32>,
      tpu.vector_store %arg7[%parallel_loop3A_180, %parallel_loop3A_181], %parallel_loop3A_176 {strides = array<i32>} : memref<64x512xf32, #tpu.memory_space<vmem>>, vector<16xf32>,
      %parallel_loop3A_183 = arith.constant 17408 : i32
      %parallel_loop3A_184 = vector.broadcast %parallel_loop3A_183 : i32 to vector<16xi32>
      %parallel_loop3A_185 = arith.addi %parallel_loop3A_12, %parallel_loop3A_184 : vector<16xi32>
      %parallel_loop3A_186 = tpu.vector_load_idx %arg5[%parallel_loop3A_185] : memref<65536xf32, #tpu.memory_space<vmem>>[vector<16xi32>], vector<16xf32>,
      %parallel_loop3A_187 = arith.constant 16 : i32
      %parallel_loop3A_188 = arith.muli %parallel_loop3A_6, %parallel_loop3A_187 : i32
      %parallel_loop3A_189 = arith.constant 17 : i32
      %parallel_loop3A_190 = arith.index_cast %parallel_loop3A_189 : i32 to index
      %parallel_loop3A_191 = arith.index_cast %parallel_loop3A_188 : i32 to index
      %parallel_loop3A_192 = tpu.vector_load %arg7[%parallel_loop3A_190, %parallel_loop3A_191] {strides = array<i32>} : memref<64x512xf32, #tpu.memory_space<vmem>>, vector<16xf32>,
      tpu.vector_store %arg7[%parallel_loop3A_190, %parallel_loop3A_191], %parallel_loop3A_186 {strides = array<i32>} : memref<64x512xf32, #tpu.memory_space<vmem>>, vector<16xf32>,
      %parallel_loop3A_193 = arith.constant 18432 : i32
      %parallel_loop3A_194 = vector.broadcast %parallel_loop3A_193 : i32 to vector<16xi32>
      %parallel_loop3A_195 = arith.addi %parallel_loop3A_12, %parallel_loop3A_194 : vector<16xi32>
      %parallel_loop3A_196 = tpu.vector_load_idx %arg5[%parallel_loop3A_195] : memref<65536xf32, #tpu.memory_space<vmem>>[vector<16xi32>], vector<16xf32>,
      %parallel_loop3A_197 = arith.constant 16 : i32
      %parallel_loop3A_198 = arith.muli %parallel_loop3A_6, %parallel_loop3A_197 : i32
      %parallel_loop3A_199 = arith.constant 18 : i32
      %parallel_loop3A_200 = arith.index_cast %parallel_loop3A_199 : i32 to index
      %parallel_loop3A_201 = arith.index_cast %parallel_loop3A_198 : i32 to index
      %parallel_loop3A_202 = tpu.vector_load %arg7[%parallel_loop3A_200, %parallel_loop3A_201] {strides = array<i32>} : memref<64x512xf32, #tpu.memory_space<vmem>>, vector<16xf32>,
      tpu.vector_store %arg7[%parallel_loop3A_200, %parallel_loop3A_201], %parallel_loop3A_196 {strides = array<i32>} : memref<64x512xf32, #tpu.memory_space<vmem>>, vector<16xf32>,
      %parallel_loop3A_203 = arith.constant 19456 : i32
      %parallel_loop3A_204 = vector.broadcast %parallel_loop3A_203 : i32 to vector<16xi32>
      %parallel_loop3A_205 = arith.addi %parallel_loop3A_12, %parallel_loop3A_204 : vector<16xi32>
      %parallel_loop3A_206 = tpu.vector_load_idx %arg5[%parallel_loop3A_205] : memref<65536xf32, #tpu.memory_space<vmem>>[vector<16xi32>], vector<16xf32>,
      %parallel_loop3A_207 = arith.constant 16 : i32
      %parallel_loop3A_208 = arith.muli %parallel_loop3A_6, %parallel_loop3A_207 : i32
      %parallel_loop3A_209 = arith.constant 19 : i32
      %parallel_loop3A_210 = arith.index_cast %parallel_loop3A_209 : i32 to index
      %parallel_loop3A_211 = arith.index_cast %parallel_loop3A_208 : i32 to index
      %parallel_loop3A_212 = tpu.vector_load %arg7[%parallel_loop3A_210, %parallel_loop3A_211] {strides = array<i32>} : memref<64x512xf32, #tpu.memory_space<vmem>>, vector<16xf32>,
      tpu.vector_store %arg7[%parallel_loop3A_210, %parallel_loop3A_211], %parallel_loop3A_206 {strides = array<i32>} : memref<64x512xf32, #tpu.memory_space<vmem>>, vector<16xf32>,
      %parallel_loop3A_213 = arith.constant 20480 : i32
      %parallel_loop3A_214 = vector.broadcast %parallel_loop3A_213 : i32 to vector<16xi32>
      %parallel_loop3A_215 = arith.addi %parallel_loop3A_12, %parallel_loop3A_214 : vector<16xi32>
      %parallel_loop3A_216 = tpu.vector_load_idx %arg5[%parallel_loop3A_215] : memref<65536xf32, #tpu.memory_space<vmem>>[vector<16xi32>], vector<16xf32>,
      %parallel_loop3A_217 = arith.constant 16 : i32
      %parallel_loop3A_218 = arith.muli %parallel_loop3A_6, %parallel_loop3A_217 : i32
      %parallel_loop3A_219 = arith.constant 20 : i32
      %parallel_loop3A_220 = arith.index_cast %parallel_loop3A_219 : i32 to index
      %parallel_loop3A_221 = arith.index_cast %parallel_loop3A_218 : i32 to index
      %parallel_loop3A_222 = tpu.vector_load %arg7[%parallel_loop3A_220, %parallel_loop3A_221] {strides = array<i32>} : memref<64x512xf32, #tpu.memory_space<vmem>>, vector<16xf32>,
      tpu.vector_store %arg7[%parallel_loop3A_220, %parallel_loop3A_221], %parallel_loop3A_216 {strides = array<i32>} : memref<64x512xf32, #tpu.memory_space<vmem>>, vector<16xf32>,
      %parallel_loop3A_223 = arith.constant 21504 : i32
      %parallel_loop3A_224 = vector.broadcast %parallel_loop3A_223 : i32 to vector<16xi32>
      %parallel_loop3A_225 = arith.addi %parallel_loop3A_12, %parallel_loop3A_224 : vector<16xi32>
      %parallel_loop3A_226 = tpu.vector_load_idx %arg5[%parallel_loop3A_225] : memref<65536xf32, #tpu.memory_space<vmem>>[vector<16xi32>], vector<16xf32>,
      %parallel_loop3A_227 = arith.constant 16 : i32
      %parallel_loop3A_228 = arith.muli %parallel_loop3A_6, %parallel_loop3A_227 : i32
      %parallel_loop3A_229 = arith.constant 21 : i32
      %parallel_loop3A_230 = arith.index_cast %parallel_loop3A_229 : i32 to index
      %parallel_loop3A_231 = arith.index_cast %parallel_loop3A_228 : i32 to index
      %parallel_loop3A_232 = tpu.vector_load %arg7[%parallel_loop3A_230, %parallel_loop3A_231] {strides = array<i32>} : memref<64x512xf32, #tpu.memory_space<vmem>>, vector<16xf32>,
      tpu.vector_store %arg7[%parallel_loop3A_230, %parallel_loop3A_231], %parallel_loop3A_226 {strides = array<i32>} : memref<64x512xf32, #tpu.memory_space<vmem>>, vector<16xf32>,
      %parallel_loop3A_233 = arith.constant 22528 : i32
      %parallel_loop3A_234 = vector.broadcast %parallel_loop3A_233 : i32 to vector<16xi32>
      %parallel_loop3A_235 = arith.addi %parallel_loop3A_12, %parallel_loop3A_234 : vector<16xi32>
      %parallel_loop3A_236 = tpu.vector_load_idx %arg5[%parallel_loop3A_235] : memref<65536xf32, #tpu.memory_space<vmem>>[vector<16xi32>], vector<16xf32>,
      %parallel_loop3A_237 = arith.constant 16 : i32
      %parallel_loop3A_238 = arith.muli %parallel_loop3A_6, %parallel_loop3A_237 : i32
      %parallel_loop3A_239 = arith.constant 22 : i32
      %parallel_loop3A_240 = arith.index_cast %parallel_loop3A_239 : i32 to index
      %parallel_loop3A_241 = arith.index_cast %parallel_loop3A_238 : i32 to index
      %parallel_loop3A_242 = tpu.vector_load %arg7[%parallel_loop3A_240, %parallel_loop3A_241] {strides = array<i32>} : memref<64x512xf32, #tpu.memory_space<vmem>>, vector<16xf32>,
      tpu.vector_store %arg7[%parallel_loop3A_240, %parallel_loop3A_241], %parallel_loop3A_236 {strides = array<i32>} : memref<64x512xf32, #tpu.memory_space<vmem>>, vector<16xf32>,
      %parallel_loop3A_243 = arith.constant 23552 : i32
      %parallel_loop3A_244 = vector.broadcast %parallel_loop3A_243 : i32 to vector<16xi32>
      %parallel_loop3A_245 = arith.addi %parallel_loop3A_12, %parallel_loop3A_244 : vector<16xi32>
      %parallel_loop3A_246 = tpu.vector_load_idx %arg5[%parallel_loop3A_245] : memref<65536xf32, #tpu.memory_space<vmem>>[vector<16xi32>], vector<16xf32>,
      %parallel_loop3A_247 = arith.constant 16 : i32
      %parallel_loop3A_248 = arith.muli %parallel_loop3A_6, %parallel_loop3A_247 : i32
      %parallel_loop3A_249 = arith.constant 23 : i32
      %parallel_loop3A_250 = arith.index_cast %parallel_loop3A_249 : i32 to index
      %parallel_loop3A_251 = arith.index_cast %parallel_loop3A_248 : i32 to index
      %parallel_loop3A_252 = tpu.vector_load %arg7[%parallel_loop3A_250, %parallel_loop3A_251] {strides = array<i32>} : memref<64x512xf32, #tpu.memory_space<vmem>>, vector<16xf32>,
      tpu.vector_store %arg7[%parallel_loop3A_250, %parallel_loop3A_251], %parallel_loop3A_246 {strides = array<i32>} : memref<64x512xf32, #tpu.memory_space<vmem>>, vector<16xf32>,
      %parallel_loop3A_253 = arith.constant 24576 : i32
      %parallel_loop3A_254 = vector.broadcast %parallel_loop3A_253 : i32 to vector<16xi32>
      %parallel_loop3A_255 = arith.addi %parallel_loop3A_12, %parallel_loop3A_254 : vector<16xi32>
      %parallel_loop3A_256 = tpu.vector_load_idx %arg5[%parallel_loop3A_255] : memref<65536xf32, #tpu.memory_space<vmem>>[vector<16xi32>], vector<16xf32>,
      %parallel_loop3A_257 = arith.constant 16 : i32
      %parallel_loop3A_258 = arith.muli %parallel_loop3A_6, %parallel_loop3A_257 : i32
      %parallel_loop3A_259 = arith.constant 24 : i32
      %parallel_loop3A_260 = arith.index_cast %parallel_loop3A_259 : i32 to index
      %parallel_loop3A_261 = arith.index_cast %parallel_loop3A_258 : i32 to index
      %parallel_loop3A_262 = tpu.vector_load %arg7[%parallel_loop3A_260, %parallel_loop3A_261] {strides = array<i32>} : memref<64x512xf32, #tpu.memory_space<vmem>>, vector<16xf32>,
      tpu.vector_store %arg7[%parallel_loop3A_260, %parallel_loop3A_261], %parallel_loop3A_256 {strides = array<i32>} : memref<64x512xf32, #tpu.memory_space<vmem>>, vector<16xf32>,
      %parallel_loop3A_263 = arith.constant 25600 : i32
      %parallel_loop3A_264 = vector.broadcast %parallel_loop3A_263 : i32 to vector<16xi32>
      %parallel_loop3A_265 = arith.addi %parallel_loop3A_12, %parallel_loop3A_264 : vector<16xi32>
      %parallel_loop3A_266 = tpu.vector_load_idx %arg5[%parallel_loop3A_265] : memref<65536xf32, #tpu.memory_space<vmem>>[vector<16xi32>], vector<16xf32>,
      %parallel_loop3A_267 = arith.constant 16 : i32
      %parallel_loop3A_268 = arith.muli %parallel_loop3A_6, %parallel_loop3A_267 : i32
      %parallel_loop3A_269 = arith.constant 25 : i32
      %parallel_loop3A_270 = arith.index_cast %parallel_loop3A_269 : i32 to index
      %parallel_loop3A_271 = arith.index_cast %parallel_loop3A_268 : i32 to index
      %parallel_loop3A_272 = tpu.vector_load %arg7[%parallel_loop3A_270, %parallel_loop3A_271] {strides = array<i32>} : memref<64x512xf32, #tpu.memory_space<vmem>>, vector<16xf32>,
      tpu.vector_store %arg7[%parallel_loop3A_270, %parallel_loop3A_271], %parallel_loop3A_266 {strides = array<i32>} : memref<64x512xf32, #tpu.memory_space<vmem>>, vector<16xf32>,
      %parallel_loop3A_273 = arith.constant 26624 : i32
      %parallel_loop3A_274 = vector.broadcast %parallel_loop3A_273 : i32 to vector<16xi32>
      %parallel_loop3A_275 = arith.addi %parallel_loop3A_12, %parallel_loop3A_274 : vector<16xi32>
      %parallel_loop3A_276 = tpu.vector_load_idx %arg5[%parallel_loop3A_275] : memref<65536xf32, #tpu.memory_space<vmem>>[vector<16xi32>], vector<16xf32>,
      %parallel_loop3A_277 = arith.constant 16 : i32
      %parallel_loop3A_278 = arith.muli %parallel_loop3A_6, %parallel_loop3A_277 : i32
      %parallel_loop3A_279 = arith.constant 26 : i32
      %parallel_loop3A_280 = arith.index_cast %parallel_loop3A_279 : i32 to index
      %parallel_loop3A_281 = arith.index_cast %parallel_loop3A_278 : i32 to index
      %parallel_loop3A_282 = tpu.vector_load %arg7[%parallel_loop3A_280, %parallel_loop3A_281] {strides = array<i32>} : memref<64x512xf32, #tpu.memory_space<vmem>>, vector<16xf32>,
      tpu.vector_store %arg7[%parallel_loop3A_280, %parallel_loop3A_281], %parallel_loop3A_276 {strides = array<i32>} : memref<64x512xf32, #tpu.memory_space<vmem>>, vector<16xf32>,
      %parallel_loop3A_283 = arith.constant 27648 : i32
      %parallel_loop3A_284 = vector.broadcast %parallel_loop3A_283 : i32 to vector<16xi32>
      %parallel_loop3A_285 = arith.addi %parallel_loop3A_12, %parallel_loop3A_284 : vector<16xi32>
      %parallel_loop3A_286 = tpu.vector_load_idx %arg5[%parallel_loop3A_285] : memref<65536xf32, #tpu.memory_space<vmem>>[vector<16xi32>], vector<16xf32>,
      %parallel_loop3A_287 = arith.constant 16 : i32
      %parallel_loop3A_288 = arith.muli %parallel_loop3A_6, %parallel_loop3A_287 : i32
      %parallel_loop3A_289 = arith.constant 27 : i32
      %parallel_loop3A_290 = arith.index_cast %parallel_loop3A_289 : i32 to index
      %parallel_loop3A_291 = arith.index_cast %parallel_loop3A_288 : i32 to index
      %parallel_loop3A_292 = tpu.vector_load %arg7[%parallel_loop3A_290, %parallel_loop3A_291] {strides = array<i32>} : memref<64x512xf32, #tpu.memory_space<vmem>>, vector<16xf32>,
      tpu.vector_store %arg7[%parallel_loop3A_290, %parallel_loop3A_291], %parallel_loop3A_286 {strides = array<i32>} : memref<64x512xf32, #tpu.memory_space<vmem>>, vector<16xf32>,
      %parallel_loop3A_293 = arith.constant 28672 : i32
      %parallel_loop3A_294 = vector.broadcast %parallel_loop3A_293 : i32 to vector<16xi32>
      %parallel_loop3A_295 = arith.addi %parallel_loop3A_12, %parallel_loop3A_294 : vector<16xi32>
      %parallel_loop3A_296 = tpu.vector_load_idx %arg5[%parallel_loop3A_295] : memref<65536xf32, #tpu.memory_space<vmem>>[vector<16xi32>], vector<16xf32>,
      %parallel_loop3A_297 = arith.constant 16 : i32
      %parallel_loop3A_298 = arith.muli %parallel_loop3A_6, %parallel_loop3A_297 : i32
      %parallel_loop3A_299 = arith.constant 28 : i32
      %parallel_loop3A_300 = arith.index_cast %parallel_loop3A_299 : i32 to index
      %parallel_loop3A_301 = arith.index_cast %parallel_loop3A_298 : i32 to index
      %parallel_loop3A_302 = tpu.vector_load %arg7[%parallel_loop3A_300, %parallel_loop3A_301] {strides = array<i32>} : memref<64x512xf32, #tpu.memory_space<vmem>>, vector<16xf32>,
      tpu.vector_store %arg7[%parallel_loop3A_300, %parallel_loop3A_301], %parallel_loop3A_296 {strides = array<i32>} : memref<64x512xf32, #tpu.memory_space<vmem>>, vector<16xf32>,
      %parallel_loop3A_303 = arith.constant 29696 : i32
      %parallel_loop3A_304 = vector.broadcast %parallel_loop3A_303 : i32 to vector<16xi32>
      %parallel_loop3A_305 = arith.addi %parallel_loop3A_12, %parallel_loop3A_304 : vector<16xi32>
      %parallel_loop3A_306 = tpu.vector_load_idx %arg5[%parallel_loop3A_305] : memref<65536xf32, #tpu.memory_space<vmem>>[vector<16xi32>], vector<16xf32>,
      %parallel_loop3A_307 = arith.constant 16 : i32
      %parallel_loop3A_308 = arith.muli %parallel_loop3A_6, %parallel_loop3A_307 : i32
      %parallel_loop3A_309 = arith.constant 29 : i32
      %parallel_loop3A_310 = arith.index_cast %parallel_loop3A_309 : i32 to index
      %parallel_loop3A_311 = arith.index_cast %parallel_loop3A_308 : i32 to index
      %parallel_loop3A_312 = tpu.vector_load %arg7[%parallel_loop3A_310, %parallel_loop3A_311] {strides = array<i32>} : memref<64x512xf32, #tpu.memory_space<vmem>>, vector<16xf32>,
      tpu.vector_store %arg7[%parallel_loop3A_310, %parallel_loop3A_311], %parallel_loop3A_306 {strides = array<i32>} : memref<64x512xf32, #tpu.memory_space<vmem>>, vector<16xf32>,
      %parallel_loop3A_313 = arith.constant 30720 : i32
      %parallel_loop3A_314 = vector.broadcast %parallel_loop3A_313 : i32 to vector<16xi32>
      %parallel_loop3A_315 = arith.addi %parallel_loop3A_12, %parallel_loop3A_314 : vector<16xi32>
      %parallel_loop3A_316 = tpu.vector_load_idx %arg5[%parallel_loop3A_315] : memref<65536xf32, #tpu.memory_space<vmem>>[vector<16xi32>], vector<16xf32>,
      %parallel_loop3A_317 = arith.constant 16 : i32
      %parallel_loop3A_318 = arith.muli %parallel_loop3A_6, %parallel_loop3A_317 : i32
      %parallel_loop3A_319 = arith.constant 30 : i32
      %parallel_loop3A_320 = arith.index_cast %parallel_loop3A_319 : i32 to index
      %parallel_loop3A_321 = arith.index_cast %parallel_loop3A_318 : i32 to index
      %parallel_loop3A_322 = tpu.vector_load %arg7[%parallel_loop3A_320, %parallel_loop3A_321] {strides = array<i32>} : memref<64x512xf32, #tpu.memory_space<vmem>>, vector<16xf32>,
      tpu.vector_store %arg7[%parallel_loop3A_320, %parallel_loop3A_321], %parallel_loop3A_316 {strides = array<i32>} : memref<64x512xf32, #tpu.memory_space<vmem>>, vector<16xf32>,
      %parallel_loop3A_323 = arith.constant 31744 : i32
      %parallel_loop3A_324 = vector.broadcast %parallel_loop3A_323 : i32 to vector<16xi32>
      %parallel_loop3A_325 = arith.addi %parallel_loop3A_12, %parallel_loop3A_324 : vector<16xi32>
      %parallel_loop3A_326 = tpu.vector_load_idx %arg5[%parallel_loop3A_325] : memref<65536xf32, #tpu.memory_space<vmem>>[vector<16xi32>], vector<16xf32>,
      %parallel_loop3A_327 = arith.constant 16 : i32
      %parallel_loop3A_328 = arith.muli %parallel_loop3A_6, %parallel_loop3A_327 : i32
      %parallel_loop3A_329 = arith.constant 31 : i32
      %parallel_loop3A_330 = arith.index_cast %parallel_loop3A_329 : i32 to index
      %parallel_loop3A_331 = arith.index_cast %parallel_loop3A_328 : i32 to index
      %parallel_loop3A_332 = tpu.vector_load %arg7[%parallel_loop3A_330, %parallel_loop3A_331] {strides = array<i32>} : memref<64x512xf32, #tpu.memory_space<vmem>>, vector<16xf32>,
      tpu.vector_store %arg7[%parallel_loop3A_330, %parallel_loop3A_331], %parallel_loop3A_326 {strides = array<i32>} : memref<64x512xf32, #tpu.memory_space<vmem>>, vector<16xf32>,
      %parallel_loop3A_333 = arith.constant 32768 : i32
      %parallel_loop3A_334 = vector.broadcast %parallel_loop3A_333 : i32 to vector<16xi32>
      %parallel_loop3A_335 = arith.addi %parallel_loop3A_12, %parallel_loop3A_334 : vector<16xi32>
      %parallel_loop3A_336 = tpu.vector_load_idx %arg5[%parallel_loop3A_335] : memref<65536xf32, #tpu.memory_space<vmem>>[vector<16xi32>], vector<16xf32>,
      %parallel_loop3A_337 = arith.constant 16 : i32
      %parallel_loop3A_338 = arith.muli %parallel_loop3A_6, %parallel_loop3A_337 : i32
      %parallel_loop3A_339 = arith.constant 32 : i32
      %parallel_loop3A_340 = arith.index_cast %parallel_loop3A_339 : i32 to index
      %parallel_loop3A_341 = arith.index_cast %parallel_loop3A_338 : i32 to index
      %parallel_loop3A_342 = tpu.vector_load %arg7[%parallel_loop3A_340, %parallel_loop3A_341] {strides = array<i32>} : memref<64x512xf32, #tpu.memory_space<vmem>>, vector<16xf32>,
      tpu.vector_store %arg7[%parallel_loop3A_340, %parallel_loop3A_341], %parallel_loop3A_336 {strides = array<i32>} : memref<64x512xf32, #tpu.memory_space<vmem>>, vector<16xf32>,
      %parallel_loop3A_343 = arith.constant 33792 : i32
      %parallel_loop3A_344 = vector.broadcast %parallel_loop3A_343 : i32 to vector<16xi32>
      %parallel_loop3A_345 = arith.addi %parallel_loop3A_12, %parallel_loop3A_344 : vector<16xi32>
      %parallel_loop3A_346 = tpu.vector_load_idx %arg5[%parallel_loop3A_345] : memref<65536xf32, #tpu.memory_space<vmem>>[vector<16xi32>], vector<16xf32>,
      %parallel_loop3A_347 = arith.constant 16 : i32
      %parallel_loop3A_348 = arith.muli %parallel_loop3A_6, %parallel_loop3A_347 : i32
      %parallel_loop3A_349 = arith.constant 33 : i32
      %parallel_loop3A_350 = arith.index_cast %parallel_loop3A_349 : i32 to index
      %parallel_loop3A_351 = arith.index_cast %parallel_loop3A_348 : i32 to index
      %parallel_loop3A_352 = tpu.vector_load %arg7[%parallel_loop3A_350, %parallel_loop3A_351] {strides = array<i32>} : memref<64x512xf32, #tpu.memory_space<vmem>>, vector<16xf32>,
      tpu.vector_store %arg7[%parallel_loop3A_350, %parallel_loop3A_351], %parallel_loop3A_346 {strides = array<i32>} : memref<64x512xf32, #tpu.memory_space<vmem>>, vector<16xf32>,
      %parallel_loop3A_353 = arith.constant 34816 : i32
      %parallel_loop3A_354 = vector.broadcast %parallel_loop3A_353 : i32 to vector<16xi32>
      %parallel_loop3A_355 = arith.addi %parallel_loop3A_12, %parallel_loop3A_354 : vector<16xi32>
      %parallel_loop3A_356 = tpu.vector_load_idx %arg5[%parallel_loop3A_355] : memref<65536xf32, #tpu.memory_space<vmem>>[vector<16xi32>], vector<16xf32>,
      %parallel_loop3A_357 = arith.constant 16 : i32
      %parallel_loop3A_358 = arith.muli %parallel_loop3A_6, %parallel_loop3A_357 : i32
      %parallel_loop3A_359 = arith.constant 34 : i32
      %parallel_loop3A_360 = arith.index_cast %parallel_loop3A_359 : i32 to index
      %parallel_loop3A_361 = arith.index_cast %parallel_loop3A_358 : i32 to index
      %parallel_loop3A_362 = tpu.vector_load %arg7[%parallel_loop3A_360, %parallel_loop3A_361] {strides = array<i32>} : memref<64x512xf32, #tpu.memory_space<vmem>>, vector<16xf32>,
      tpu.vector_store %arg7[%parallel_loop3A_360, %parallel_loop3A_361], %parallel_loop3A_356 {strides = array<i32>} : memref<64x512xf32, #tpu.memory_space<vmem>>, vector<16xf32>,
      %parallel_loop3A_363 = arith.constant 35840 : i32
      %parallel_loop3A_364 = vector.broadcast %parallel_loop3A_363 : i32 to vector<16xi32>
      %parallel_loop3A_365 = arith.addi %parallel_loop3A_12, %parallel_loop3A_364 : vector<16xi32>
      %parallel_loop3A_366 = tpu.vector_load_idx %arg5[%parallel_loop3A_365] : memref<65536xf32, #tpu.memory_space<vmem>>[vector<16xi32>], vector<16xf32>,
      %parallel_loop3A_367 = arith.constant 16 : i32
      %parallel_loop3A_368 = arith.muli %parallel_loop3A_6, %parallel_loop3A_367 : i32
      %parallel_loop3A_369 = arith.constant 35 : i32
      %parallel_loop3A_370 = arith.index_cast %parallel_loop3A_369 : i32 to index
      %parallel_loop3A_371 = arith.index_cast %parallel_loop3A_368 : i32 to index
      %parallel_loop3A_372 = tpu.vector_load %arg7[%parallel_loop3A_370, %parallel_loop3A_371] {strides = array<i32>} : memref<64x512xf32, #tpu.memory_space<vmem>>, vector<16xf32>,
      tpu.vector_store %arg7[%parallel_loop3A_370, %parallel_loop3A_371], %parallel_loop3A_366 {strides = array<i32>} : memref<64x512xf32, #tpu.memory_space<vmem>>, vector<16xf32>,
      %parallel_loop3A_373 = arith.constant 36864 : i32
      %parallel_loop3A_374 = vector.broadcast %parallel_loop3A_373 : i32 to vector<16xi32>
      %parallel_loop3A_375 = arith.addi %parallel_loop3A_12, %parallel_loop3A_374 : vector<16xi32>
      %parallel_loop3A_376 = tpu.vector_load_idx %arg5[%parallel_loop3A_375] : memref<65536xf32, #tpu.memory_space<vmem>>[vector<16xi32>], vector<16xf32>,
      %parallel_loop3A_377 = arith.constant 16 : i32
      %parallel_loop3A_378 = arith.muli %parallel_loop3A_6, %parallel_loop3A_377 : i32
      %parallel_loop3A_379 = arith.constant 36 : i32
      %parallel_loop3A_380 = arith.index_cast %parallel_loop3A_379 : i32 to index
      %parallel_loop3A_381 = arith.index_cast %parallel_loop3A_378 : i32 to index
      %parallel_loop3A_382 = tpu.vector_load %arg7[%parallel_loop3A_380, %parallel_loop3A_381] {strides = array<i32>} : memref<64x512xf32, #tpu.memory_space<vmem>>, vector<16xf32>,
      tpu.vector_store %arg7[%parallel_loop3A_380, %parallel_loop3A_381], %parallel_loop3A_376 {strides = array<i32>} : memref<64x512xf32, #tpu.memory_space<vmem>>, vector<16xf32>,
      %parallel_loop3A_383 = arith.constant 37888 : i32
      %parallel_loop3A_384 = vector.broadcast %parallel_loop3A_383 : i32 to vector<16xi32>
      %parallel_loop3A_385 = arith.addi %parallel_loop3A_12, %parallel_loop3A_384 : vector<16xi32>
      %parallel_loop3A_386 = tpu.vector_load_idx %arg5[%parallel_loop3A_385] : memref<65536xf32, #tpu.memory_space<vmem>>[vector<16xi32>], vector<16xf32>,
      %parallel_loop3A_387 = arith.constant 16 : i32
      %parallel_loop3A_388 = arith.muli %parallel_loop3A_6, %parallel_loop3A_387 : i32
      %parallel_loop3A_389 = arith.constant 37 : i32
      %parallel_loop3A_390 = arith.index_cast %parallel_loop3A_389 : i32 to index
      %parallel_loop3A_391 = arith.index_cast %parallel_loop3A_388 : i32 to index
      %parallel_loop3A_392 = tpu.vector_load %arg7[%parallel_loop3A_390, %parallel_loop3A_391] {strides = array<i32>} : memref<64x512xf32, #tpu.memory_space<vmem>>, vector<16xf32>,
      tpu.vector_store %arg7[%parallel_loop3A_390, %parallel_loop3A_391], %parallel_loop3A_386 {strides = array<i32>} : memref<64x512xf32, #tpu.memory_space<vmem>>, vector<16xf32>,
      %parallel_loop3A_393 = arith.constant 38912 : i32
      %parallel_loop3A_394 = vector.broadcast %parallel_loop3A_393 : i32 to vector<16xi32>
      %parallel_loop3A_395 = arith.addi %parallel_loop3A_12, %parallel_loop3A_394 : vector<16xi32>
      %parallel_loop3A_396 = tpu.vector_load_idx %arg5[%parallel_loop3A_395] : memref<65536xf32, #tpu.memory_space<vmem>>[vector<16xi32>], vector<16xf32>,
      %parallel_loop3A_397 = arith.constant 16 : i32
      %parallel_loop3A_398 = arith.muli %parallel_loop3A_6, %parallel_loop3A_397 : i32
      %parallel_loop3A_399 = arith.constant 38 : i32
      %parallel_loop3A_400 = arith.index_cast %parallel_loop3A_399 : i32 to index
      %parallel_loop3A_401 = arith.index_cast %parallel_loop3A_398 : i32 to index
      %parallel_loop3A_402 = tpu.vector_load %arg7[%parallel_loop3A_400, %parallel_loop3A_401] {strides = array<i32>} : memref<64x512xf32, #tpu.memory_space<vmem>>, vector<16xf32>,
      tpu.vector_store %arg7[%parallel_loop3A_400, %parallel_loop3A_401], %parallel_loop3A_396 {strides = array<i32>} : memref<64x512xf32, #tpu.memory_space<vmem>>, vector<16xf32>,
      %parallel_loop3A_403 = arith.constant 39936 : i32
      %parallel_loop3A_404 = vector.broadcast %parallel_loop3A_403 : i32 to vector<16xi32>
      %parallel_loop3A_405 = arith.addi %parallel_loop3A_12, %parallel_loop3A_404 : vector<16xi32>
      %parallel_loop3A_406 = tpu.vector_load_idx %arg5[%parallel_loop3A_405] : memref<65536xf32, #tpu.memory_space<vmem>>[vector<16xi32>], vector<16xf32>,
      %parallel_loop3A_407 = arith.constant 16 : i32
      %parallel_loop3A_408 = arith.muli %parallel_loop3A_6, %parallel_loop3A_407 : i32
      %parallel_loop3A_409 = arith.constant 39 : i32
      %parallel_loop3A_410 = arith.index_cast %parallel_loop3A_409 : i32 to index
      %parallel_loop3A_411 = arith.index_cast %parallel_loop3A_408 : i32 to index
      %parallel_loop3A_412 = tpu.vector_load %arg7[%parallel_loop3A_410, %parallel_loop3A_411] {strides = array<i32>} : memref<64x512xf32, #tpu.memory_space<vmem>>, vector<16xf32>,
      tpu.vector_store %arg7[%parallel_loop3A_410, %parallel_loop3A_411], %parallel_loop3A_406 {strides = array<i32>} : memref<64x512xf32, #tpu.memory_space<vmem>>, vector<16xf32>,
      %parallel_loop3A_413 = arith.constant 40960 : i32
      %parallel_loop3A_414 = vector.broadcast %parallel_loop3A_413 : i32 to vector<16xi32>
      %parallel_loop3A_415 = arith.addi %parallel_loop3A_12, %parallel_loop3A_414 : vector<16xi32>
      %parallel_loop3A_416 = tpu.vector_load_idx %arg5[%parallel_loop3A_415] : memref<65536xf32, #tpu.memory_space<vmem>>[vector<16xi32>], vector<16xf32>,
      %parallel_loop3A_417 = arith.constant 16 : i32
      %parallel_loop3A_418 = arith.muli %parallel_loop3A_6, %parallel_loop3A_417 : i32
      %parallel_loop3A_419 = arith.constant 40 : i32
      %parallel_loop3A_420 = arith.index_cast %parallel_loop3A_419 : i32 to index
      %parallel_loop3A_421 = arith.index_cast %parallel_loop3A_418 : i32 to index
      %parallel_loop3A_422 = tpu.vector_load %arg7[%parallel_loop3A_420, %parallel_loop3A_421] {strides = array<i32>} : memref<64x512xf32, #tpu.memory_space<vmem>>, vector<16xf32>,
      tpu.vector_store %arg7[%parallel_loop3A_420, %parallel_loop3A_421], %parallel_loop3A_416 {strides = array<i32>} : memref<64x512xf32, #tpu.memory_space<vmem>>, vector<16xf32>,
      %parallel_loop3A_423 = arith.constant 41984 : i32
      %parallel_loop3A_424 = vector.broadcast %parallel_loop3A_423 : i32 to vector<16xi32>
      %parallel_loop3A_425 = arith.addi %parallel_loop3A_12, %parallel_loop3A_424 : vector<16xi32>
      %parallel_loop3A_426 = tpu.vector_load_idx %arg5[%parallel_loop3A_425] : memref<65536xf32, #tpu.memory_space<vmem>>[vector<16xi32>], vector<16xf32>,
      %parallel_loop3A_427 = arith.constant 16 : i32
      %parallel_loop3A_428 = arith.muli %parallel_loop3A_6, %parallel_loop3A_427 : i32
      %parallel_loop3A_429 = arith.constant 41 : i32
      %parallel_loop3A_430 = arith.index_cast %parallel_loop3A_429 : i32 to index
      %parallel_loop3A_431 = arith.index_cast %parallel_loop3A_428 : i32 to index
      %parallel_loop3A_432 = tpu.vector_load %arg7[%parallel_loop3A_430, %parallel_loop3A_431] {strides = array<i32>} : memref<64x512xf32, #tpu.memory_space<vmem>>, vector<16xf32>,
      tpu.vector_store %arg7[%parallel_loop3A_430, %parallel_loop3A_431], %parallel_loop3A_426 {strides = array<i32>} : memref<64x512xf32, #tpu.memory_space<vmem>>, vector<16xf32>,
      %parallel_loop3A_433 = arith.constant 43008 : i32
      %parallel_loop3A_434 = vector.broadcast %parallel_loop3A_433 : i32 to vector<16xi32>
      %parallel_loop3A_435 = arith.addi %parallel_loop3A_12, %parallel_loop3A_434 : vector<16xi32>
      %parallel_loop3A_436 = tpu.vector_load_idx %arg5[%parallel_loop3A_435] : memref<65536xf32, #tpu.memory_space<vmem>>[vector<16xi32>], vector<16xf32>,
      %parallel_loop3A_437 = arith.constant 16 : i32
      %parallel_loop3A_438 = arith.muli %parallel_loop3A_6, %parallel_loop3A_437 : i32
      %parallel_loop3A_439 = arith.constant 42 : i32
      %parallel_loop3A_440 = arith.index_cast %parallel_loop3A_439 : i32 to index
      %parallel_loop3A_441 = arith.index_cast %parallel_loop3A_438 : i32 to index
      %parallel_loop3A_442 = tpu.vector_load %arg7[%parallel_loop3A_440, %parallel_loop3A_441] {strides = array<i32>} : memref<64x512xf32, #tpu.memory_space<vmem>>, vector<16xf32>,
      tpu.vector_store %arg7[%parallel_loop3A_440, %parallel_loop3A_441], %parallel_loop3A_436 {strides = array<i32>} : memref<64x512xf32, #tpu.memory_space<vmem>>, vector<16xf32>,
      %parallel_loop3A_443 = arith.constant 44032 : i32
      %parallel_loop3A_444 = vector.broadcast %parallel_loop3A_443 : i32 to vector<16xi32>
      %parallel_loop3A_445 = arith.addi %parallel_loop3A_12, %parallel_loop3A_444 : vector<16xi32>
      %parallel_loop3A_446 = tpu.vector_load_idx %arg5[%parallel_loop3A_445] : memref<65536xf32, #tpu.memory_space<vmem>>[vector<16xi32>], vector<16xf32>,
      %parallel_loop3A_447 = arith.constant 16 : i32
      %parallel_loop3A_448 = arith.muli %parallel_loop3A_6, %parallel_loop3A_447 : i32
      %parallel_loop3A_449 = arith.constant 43 : i32
      %parallel_loop3A_450 = arith.index_cast %parallel_loop3A_449 : i32 to index
      %parallel_loop3A_451 = arith.index_cast %parallel_loop3A_448 : i32 to index
      %parallel_loop3A_452 = tpu.vector_load %arg7[%parallel_loop3A_450, %parallel_loop3A_451] {strides = array<i32>} : memref<64x512xf32, #tpu.memory_space<vmem>>, vector<16xf32>,
      tpu.vector_store %arg7[%parallel_loop3A_450, %parallel_loop3A_451], %parallel_loop3A_446 {strides = array<i32>} : memref<64x512xf32, #tpu.memory_space<vmem>>, vector<16xf32>,
      %parallel_loop3A_453 = arith.constant 45056 : i32
      %parallel_loop3A_454 = vector.broadcast %parallel_loop3A_453 : i32 to vector<16xi32>
      %parallel_loop3A_455 = arith.addi %parallel_loop3A_12, %parallel_loop3A_454 : vector<16xi32>
      %parallel_loop3A_456 = tpu.vector_load_idx %arg5[%parallel_loop3A_455] : memref<65536xf32, #tpu.memory_space<vmem>>[vector<16xi32>], vector<16xf32>,
      %parallel_loop3A_457 = arith.constant 16 : i32
      %parallel_loop3A_458 = arith.muli %parallel_loop3A_6, %parallel_loop3A_457 : i32
      %parallel_loop3A_459 = arith.constant 44 : i32
      %parallel_loop3A_460 = arith.index_cast %parallel_loop3A_459 : i32 to index
      %parallel_loop3A_461 = arith.index_cast %parallel_loop3A_458 : i32 to index
      %parallel_loop3A_462 = tpu.vector_load %arg7[%parallel_loop3A_460, %parallel_loop3A_461] {strides = array<i32>} : memref<64x512xf32, #tpu.memory_space<vmem>>, vector<16xf32>,
      tpu.vector_store %arg7[%parallel_loop3A_460, %parallel_loop3A_461], %parallel_loop3A_456 {strides = array<i32>} : memref<64x512xf32, #tpu.memory_space<vmem>>, vector<16xf32>,
      %parallel_loop3A_463 = arith.constant 46080 : i32
      %parallel_loop3A_464 = vector.broadcast %parallel_loop3A_463 : i32 to vector<16xi32>
      %parallel_loop3A_465 = arith.addi %parallel_loop3A_12, %parallel_loop3A_464 : vector<16xi32>
      %parallel_loop3A_466 = tpu.vector_load_idx %arg5[%parallel_loop3A_465] : memref<65536xf32, #tpu.memory_space<vmem>>[vector<16xi32>], vector<16xf32>,
      %parallel_loop3A_467 = arith.constant 16 : i32
      %parallel_loop3A_468 = arith.muli %parallel_loop3A_6, %parallel_loop3A_467 : i32
      %parallel_loop3A_469 = arith.constant 45 : i32
      %parallel_loop3A_470 = arith.index_cast %parallel_loop3A_469 : i32 to index
      %parallel_loop3A_471 = arith.index_cast %parallel_loop3A_468 : i32 to index
      %parallel_loop3A_472 = tpu.vector_load %arg7[%parallel_loop3A_470, %parallel_loop3A_471] {strides = array<i32>} : memref<64x512xf32, #tpu.memory_space<vmem>>, vector<16xf32>,
      tpu.vector_store %arg7[%parallel_loop3A_470, %parallel_loop3A_471], %parallel_loop3A_466 {strides = array<i32>} : memref<64x512xf32, #tpu.memory_space<vmem>>, vector<16xf32>,
      %parallel_loop3A_473 = arith.constant 47104 : i32
      %parallel_loop3A_474 = vector.broadcast %parallel_loop3A_473 : i32 to vector<16xi32>
      %parallel_loop3A_475 = arith.addi %parallel_loop3A_12, %parallel_loop3A_474 : vector<16xi32>
      %parallel_loop3A_476 = tpu.vector_load_idx %arg5[%parallel_loop3A_475] : memref<65536xf32, #tpu.memory_space<vmem>>[vector<16xi32>], vector<16xf32>,
      %parallel_loop3A_477 = arith.constant 16 : i32
      %parallel_loop3A_478 = arith.muli %parallel_loop3A_6, %parallel_loop3A_477 : i32
      %parallel_loop3A_479 = arith.constant 46 : i32
      %parallel_loop3A_480 = arith.index_cast %parallel_loop3A_479 : i32 to index
      %parallel_loop3A_481 = arith.index_cast %parallel_loop3A_478 : i32 to index
      %parallel_loop3A_482 = tpu.vector_load %arg7[%parallel_loop3A_480, %parallel_loop3A_481] {strides = array<i32>} : memref<64x512xf32, #tpu.memory_space<vmem>>, vector<16xf32>,
      tpu.vector_store %arg7[%parallel_loop3A_480, %parallel_loop3A_481], %parallel_loop3A_476 {strides = array<i32>} : memref<64x512xf32, #tpu.memory_space<vmem>>, vector<16xf32>,
      %parallel_loop3A_483 = arith.constant 48128 : i32
      %parallel_loop3A_484 = vector.broadcast %parallel_loop3A_483 : i32 to vector<16xi32>
      %parallel_loop3A_485 = arith.addi %parallel_loop3A_12, %parallel_loop3A_484 : vector<16xi32>
      %parallel_loop3A_486 = tpu.vector_load_idx %arg5[%parallel_loop3A_485] : memref<65536xf32, #tpu.memory_space<vmem>>[vector<16xi32>], vector<16xf32>,
      %parallel_loop3A_487 = arith.constant 16 : i32
      %parallel_loop3A_488 = arith.muli %parallel_loop3A_6, %parallel_loop3A_487 : i32
      %parallel_loop3A_489 = arith.constant 47 : i32
      %parallel_loop3A_490 = arith.index_cast %parallel_loop3A_489 : i32 to index
      %parallel_loop3A_491 = arith.index_cast %parallel_loop3A_488 : i32 to index
      %parallel_loop3A_492 = tpu.vector_load %arg7[%parallel_loop3A_490, %parallel_loop3A_491] {strides = array<i32>} : memref<64x512xf32, #tpu.memory_space<vmem>>, vector<16xf32>,
      tpu.vector_store %arg7[%parallel_loop3A_490, %parallel_loop3A_491], %parallel_loop3A_486 {strides = array<i32>} : memref<64x512xf32, #tpu.memory_space<vmem>>, vector<16xf32>,
      %parallel_loop3A_493 = arith.constant 49152 : i32
      %parallel_loop3A_494 = vector.broadcast %parallel_loop3A_493 : i32 to vector<16xi32>
      %parallel_loop3A_495 = arith.addi %parallel_loop3A_12, %parallel_loop3A_494 : vector<16xi32>
      %parallel_loop3A_496 = tpu.vector_load_idx %arg5[%parallel_loop3A_495] : memref<65536xf32, #tpu.memory_space<vmem>>[vector<16xi32>], vector<16xf32>,
      %parallel_loop3A_497 = arith.constant 16 : i32
      %parallel_loop3A_498 = arith.muli %parallel_loop3A_6, %parallel_loop3A_497 : i32
      %parallel_loop3A_499 = arith.constant 48 : i32
      %parallel_loop3A_500 = arith.index_cast %parallel_loop3A_499 : i32 to index
      %parallel_loop3A_501 = arith.index_cast %parallel_loop3A_498 : i32 to index
      %parallel_loop3A_502 = tpu.vector_load %arg7[%parallel_loop3A_500, %parallel_loop3A_501] {strides = array<i32>} : memref<64x512xf32, #tpu.memory_space<vmem>>, vector<16xf32>,
      tpu.vector_store %arg7[%parallel_loop3A_500, %parallel_loop3A_501], %parallel_loop3A_496 {strides = array<i32>} : memref<64x512xf32, #tpu.memory_space<vmem>>, vector<16xf32>,
      %parallel_loop3A_503 = arith.constant 50176 : i32
      %parallel_loop3A_504 = vector.broadcast %parallel_loop3A_503 : i32 to vector<16xi32>
      %parallel_loop3A_505 = arith.addi %parallel_loop3A_12, %parallel_loop3A_504 : vector<16xi32>
      %parallel_loop3A_506 = tpu.vector_load_idx %arg5[%parallel_loop3A_505] : memref<65536xf32, #tpu.memory_space<vmem>>[vector<16xi32>], vector<16xf32>,
      %parallel_loop3A_507 = arith.constant 16 : i32
      %parallel_loop3A_508 = arith.muli %parallel_loop3A_6, %parallel_loop3A_507 : i32
      %parallel_loop3A_509 = arith.constant 49 : i32
      %parallel_loop3A_510 = arith.index_cast %parallel_loop3A_509 : i32 to index
      %parallel_loop3A_511 = arith.index_cast %parallel_loop3A_508 : i32 to index
      %parallel_loop3A_512 = tpu.vector_load %arg7[%parallel_loop3A_510, %parallel_loop3A_511] {strides = array<i32>} : memref<64x512xf32, #tpu.memory_space<vmem>>, vector<16xf32>,
      tpu.vector_store %arg7[%parallel_loop3A_510, %parallel_loop3A_511], %parallel_loop3A_506 {strides = array<i32>} : memref<64x512xf32, #tpu.memory_space<vmem>>, vector<16xf32>,
      %parallel_loop3A_513 = arith.constant 51200 : i32
      %parallel_loop3A_514 = vector.broadcast %parallel_loop3A_513 : i32 to vector<16xi32>
      %parallel_loop3A_515 = arith.addi %parallel_loop3A_12, %parallel_loop3A_514 : vector<16xi32>
      %parallel_loop3A_516 = tpu.vector_load_idx %arg5[%parallel_loop3A_515] : memref<65536xf32, #tpu.memory_space<vmem>>[vector<16xi32>], vector<16xf32>,
      %parallel_loop3A_517 = arith.constant 16 : i32
      %parallel_loop3A_518 = arith.muli %parallel_loop3A_6, %parallel_loop3A_517 : i32
      %parallel_loop3A_519 = arith.constant 50 : i32
      %parallel_loop3A_520 = arith.index_cast %parallel_loop3A_519 : i32 to index
      %parallel_loop3A_521 = arith.index_cast %parallel_loop3A_518 : i32 to index
      %parallel_loop3A_522 = tpu.vector_load %arg7[%parallel_loop3A_520, %parallel_loop3A_521] {strides = array<i32>} : memref<64x512xf32, #tpu.memory_space<vmem>>, vector<16xf32>,
      tpu.vector_store %arg7[%parallel_loop3A_520, %parallel_loop3A_521], %parallel_loop3A_516 {strides = array<i32>} : memref<64x512xf32, #tpu.memory_space<vmem>>, vector<16xf32>,
      %parallel_loop3A_523 = arith.constant 52224 : i32
      %parallel_loop3A_524 = vector.broadcast %parallel_loop3A_523 : i32 to vector<16xi32>
      %parallel_loop3A_525 = arith.addi %parallel_loop3A_12, %parallel_loop3A_524 : vector<16xi32>
      %parallel_loop3A_526 = tpu.vector_load_idx %arg5[%parallel_loop3A_525] : memref<65536xf32, #tpu.memory_space<vmem>>[vector<16xi32>], vector<16xf32>,
      %parallel_loop3A_527 = arith.constant 16 : i32
      %parallel_loop3A_528 = arith.muli %parallel_loop3A_6, %parallel_loop3A_527 : i32
      %parallel_loop3A_529 = arith.constant 51 : i32
      %parallel_loop3A_530 = arith.index_cast %parallel_loop3A_529 : i32 to index
      %parallel_loop3A_531 = arith.index_cast %parallel_loop3A_528 : i32 to index
      %parallel_loop3A_532 = tpu.vector_load %arg7[%parallel_loop3A_530, %parallel_loop3A_531] {strides = array<i32>} : memref<64x512xf32, #tpu.memory_space<vmem>>, vector<16xf32>,
      tpu.vector_store %arg7[%parallel_loop3A_530, %parallel_loop3A_531], %parallel_loop3A_526 {strides = array<i32>} : memref<64x512xf32, #tpu.memory_space<vmem>>, vector<16xf32>,
      %parallel_loop3A_533 = arith.constant 53248 : i32
      %parallel_loop3A_534 = vector.broadcast %parallel_loop3A_533 : i32 to vector<16xi32>
      %parallel_loop3A_535 = arith.addi %parallel_loop3A_12, %parallel_loop3A_534 : vector<16xi32>
      %parallel_loop3A_536 = tpu.vector_load_idx %arg5[%parallel_loop3A_535] : memref<65536xf32, #tpu.memory_space<vmem>>[vector<16xi32>], vector<16xf32>,
      %parallel_loop3A_537 = arith.constant 16 : i32
      %parallel_loop3A_538 = arith.muli %parallel_loop3A_6, %parallel_loop3A_537 : i32
      %parallel_loop3A_539 = arith.constant 52 : i32
      %parallel_loop3A_540 = arith.index_cast %parallel_loop3A_539 : i32 to index
      %parallel_loop3A_541 = arith.index_cast %parallel_loop3A_538 : i32 to index
      %parallel_loop3A_542 = tpu.vector_load %arg7[%parallel_loop3A_540, %parallel_loop3A_541] {strides = array<i32>} : memref<64x512xf32, #tpu.memory_space<vmem>>, vector<16xf32>,
      tpu.vector_store %arg7[%parallel_loop3A_540, %parallel_loop3A_541], %parallel_loop3A_536 {strides = array<i32>} : memref<64x512xf32, #tpu.memory_space<vmem>>, vector<16xf32>,
      %parallel_loop3A_543 = arith.constant 54272 : i32
      %parallel_loop3A_544 = vector.broadcast %parallel_loop3A_543 : i32 to vector<16xi32>
      %parallel_loop3A_545 = arith.addi %parallel_loop3A_12, %parallel_loop3A_544 : vector<16xi32>
      %parallel_loop3A_546 = tpu.vector_load_idx %arg5[%parallel_loop3A_545] : memref<65536xf32, #tpu.memory_space<vmem>>[vector<16xi32>], vector<16xf32>,
      %parallel_loop3A_547 = arith.constant 16 : i32
      %parallel_loop3A_548 = arith.muli %parallel_loop3A_6, %parallel_loop3A_547 : i32
      %parallel_loop3A_549 = arith.constant 53 : i32
      %parallel_loop3A_550 = arith.index_cast %parallel_loop3A_549 : i32 to index
      %parallel_loop3A_551 = arith.index_cast %parallel_loop3A_548 : i32 to index
      %parallel_loop3A_552 = tpu.vector_load %arg7[%parallel_loop3A_550, %parallel_loop3A_551] {strides = array<i32>} : memref<64x512xf32, #tpu.memory_space<vmem>>, vector<16xf32>,
      tpu.vector_store %arg7[%parallel_loop3A_550, %parallel_loop3A_551], %parallel_loop3A_546 {strides = array<i32>} : memref<64x512xf32, #tpu.memory_space<vmem>>, vector<16xf32>,
      %parallel_loop3A_553 = arith.constant 55296 : i32
      %parallel_loop3A_554 = vector.broadcast %parallel_loop3A_553 : i32 to vector<16xi32>
      %parallel_loop3A_555 = arith.addi %parallel_loop3A_12, %parallel_loop3A_554 : vector<16xi32>
      %parallel_loop3A_556 = tpu.vector_load_idx %arg5[%parallel_loop3A_555] : memref<65536xf32, #tpu.memory_space<vmem>>[vector<16xi32>], vector<16xf32>,
      %parallel_loop3A_557 = arith.constant 16 : i32
      %parallel_loop3A_558 = arith.muli %parallel_loop3A_6, %parallel_loop3A_557 : i32
      %parallel_loop3A_559 = arith.constant 54 : i32
      %parallel_loop3A_560 = arith.index_cast %parallel_loop3A_559 : i32 to index
      %parallel_loop3A_561 = arith.index_cast %parallel_loop3A_558 : i32 to index
      %parallel_loop3A_562 = tpu.vector_load %arg7[%parallel_loop3A_560, %parallel_loop3A_561] {strides = array<i32>} : memref<64x512xf32, #tpu.memory_space<vmem>>, vector<16xf32>,
      tpu.vector_store %arg7[%parallel_loop3A_560, %parallel_loop3A_561], %parallel_loop3A_556 {strides = array<i32>} : memref<64x512xf32, #tpu.memory_space<vmem>>, vector<16xf32>,
      %parallel_loop3A_563 = arith.constant 56320 : i32
      %parallel_loop3A_564 = vector.broadcast %parallel_loop3A_563 : i32 to vector<16xi32>
      %parallel_loop3A_565 = arith.addi %parallel_loop3A_12, %parallel_loop3A_564 : vector<16xi32>
      %parallel_loop3A_566 = tpu.vector_load_idx %arg5[%parallel_loop3A_565] : memref<65536xf32, #tpu.memory_space<vmem>>[vector<16xi32>], vector<16xf32>,
      %parallel_loop3A_567 = arith.constant 16 : i32
      %parallel_loop3A_568 = arith.muli %parallel_loop3A_6, %parallel_loop3A_567 : i32
      %parallel_loop3A_569 = arith.constant 55 : i32
      %parallel_loop3A_570 = arith.index_cast %parallel_loop3A_569 : i32 to index
      %parallel_loop3A_571 = arith.index_cast %parallel_loop3A_568 : i32 to index
      %parallel_loop3A_572 = tpu.vector_load %arg7[%parallel_loop3A_570, %parallel_loop3A_571] {strides = array<i32>} : memref<64x512xf32, #tpu.memory_space<vmem>>, vector<16xf32>,
      tpu.vector_store %arg7[%parallel_loop3A_570, %parallel_loop3A_571], %parallel_loop3A_566 {strides = array<i32>} : memref<64x512xf32, #tpu.memory_space<vmem>>, vector<16xf32>,
      %parallel_loop3A_573 = arith.constant 57344 : i32
      %parallel_loop3A_574 = vector.broadcast %parallel_loop3A_573 : i32 to vector<16xi32>
      %parallel_loop3A_575 = arith.addi %parallel_loop3A_12, %parallel_loop3A_574 : vector<16xi32>
      %parallel_loop3A_576 = tpu.vector_load_idx %arg5[%parallel_loop3A_575] : memref<65536xf32, #tpu.memory_space<vmem>>[vector<16xi32>], vector<16xf32>,
      %parallel_loop3A_577 = arith.constant 16 : i32
      %parallel_loop3A_578 = arith.muli %parallel_loop3A_6, %parallel_loop3A_577 : i32
      %parallel_loop3A_579 = arith.constant 56 : i32
      %parallel_loop3A_580 = arith.index_cast %parallel_loop3A_579 : i32 to index
      %parallel_loop3A_581 = arith.index_cast %parallel_loop3A_578 : i32 to index
      %parallel_loop3A_582 = tpu.vector_load %arg7[%parallel_loop3A_580, %parallel_loop3A_581] {strides = array<i32>} : memref<64x512xf32, #tpu.memory_space<vmem>>, vector<16xf32>,
      tpu.vector_store %arg7[%parallel_loop3A_580, %parallel_loop3A_581], %parallel_loop3A_576 {strides = array<i32>} : memref<64x512xf32, #tpu.memory_space<vmem>>, vector<16xf32>,
      %parallel_loop3A_583 = arith.constant 58368 : i32
      %parallel_loop3A_584 = vector.broadcast %parallel_loop3A_583 : i32 to vector<16xi32>
      %parallel_loop3A_585 = arith.addi %parallel_loop3A_12, %parallel_loop3A_584 : vector<16xi32>
      %parallel_loop3A_586 = tpu.vector_load_idx %arg5[%parallel_loop3A_585] : memref<65536xf32, #tpu.memory_space<vmem>>[vector<16xi32>], vector<16xf32>,
      %parallel_loop3A_587 = arith.constant 16 : i32
      %parallel_loop3A_588 = arith.muli %parallel_loop3A_6, %parallel_loop3A_587 : i32
      %parallel_loop3A_589 = arith.constant 57 : i32
      %parallel_loop3A_590 = arith.index_cast %parallel_loop3A_589 : i32 to index
      %parallel_loop3A_591 = arith.index_cast %parallel_loop3A_588 : i32 to index
      %parallel_loop3A_592 = tpu.vector_load %arg7[%parallel_loop3A_590, %parallel_loop3A_591] {strides = array<i32>} : memref<64x512xf32, #tpu.memory_space<vmem>>, vector<16xf32>,
      tpu.vector_store %arg7[%parallel_loop3A_590, %parallel_loop3A_591], %parallel_loop3A_586 {strides = array<i32>} : memref<64x512xf32, #tpu.memory_space<vmem>>, vector<16xf32>,
      %parallel_loop3A_593 = arith.constant 59392 : i32
      %parallel_loop3A_594 = vector.broadcast %parallel_loop3A_593 : i32 to vector<16xi32>
      %parallel_loop3A_595 = arith.addi %parallel_loop3A_12, %parallel_loop3A_594 : vector<16xi32>
      %parallel_loop3A_596 = tpu.vector_load_idx %arg5[%parallel_loop3A_595] : memref<65536xf32, #tpu.memory_space<vmem>>[vector<16xi32>], vector<16xf32>,
      %parallel_loop3A_597 = arith.constant 16 : i32
      %parallel_loop3A_598 = arith.muli %parallel_loop3A_6, %parallel_loop3A_597 : i32
      %parallel_loop3A_599 = arith.constant 58 : i32
      %parallel_loop3A_600 = arith.index_cast %parallel_loop3A_599 : i32 to index
      %parallel_loop3A_601 = arith.index_cast %parallel_loop3A_598 : i32 to index
      %parallel_loop3A_602 = tpu.vector_load %arg7[%parallel_loop3A_600, %parallel_loop3A_601] {strides = array<i32>} : memref<64x512xf32, #tpu.memory_space<vmem>>, vector<16xf32>,
      tpu.vector_store %arg7[%parallel_loop3A_600, %parallel_loop3A_601], %parallel_loop3A_596 {strides = array<i32>} : memref<64x512xf32, #tpu.memory_space<vmem>>, vector<16xf32>,
      %parallel_loop3A_603 = arith.constant 60416 : i32
      %parallel_loop3A_604 = vector.broadcast %parallel_loop3A_603 : i32 to vector<16xi32>
      %parallel_loop3A_605 = arith.addi %parallel_loop3A_12, %parallel_loop3A_604 : vector<16xi32>
      %parallel_loop3A_606 = tpu.vector_load_idx %arg5[%parallel_loop3A_605] : memref<65536xf32, #tpu.memory_space<vmem>>[vector<16xi32>], vector<16xf32>,
      %parallel_loop3A_607 = arith.constant 16 : i32
      %parallel_loop3A_608 = arith.muli %parallel_loop3A_6, %parallel_loop3A_607 : i32
      %parallel_loop3A_609 = arith.constant 59 : i32
      %parallel_loop3A_610 = arith.index_cast %parallel_loop3A_609 : i32 to index
      %parallel_loop3A_611 = arith.index_cast %parallel_loop3A_608 : i32 to index
      %parallel_loop3A_612 = tpu.vector_load %arg7[%parallel_loop3A_610, %parallel_loop3A_611] {strides = array<i32>} : memref<64x512xf32, #tpu.memory_space<vmem>>, vector<16xf32>,
      tpu.vector_store %arg7[%parallel_loop3A_610, %parallel_loop3A_611], %parallel_loop3A_606 {strides = array<i32>} : memref<64x512xf32, #tpu.memory_space<vmem>>, vector<16xf32>,
      %parallel_loop3A_613 = arith.constant 61440 : i32
      %parallel_loop3A_614 = vector.broadcast %parallel_loop3A_613 : i32 to vector<16xi32>
      %parallel_loop3A_615 = arith.addi %parallel_loop3A_12, %parallel_loop3A_614 : vector<16xi32>
      %parallel_loop3A_616 = tpu.vector_load_idx %arg5[%parallel_loop3A_615] : memref<65536xf32, #tpu.memory_space<vmem>>[vector<16xi32>], vector<16xf32>,
      %parallel_loop3A_617 = arith.constant 16 : i32
      %parallel_loop3A_618 = arith.muli %parallel_loop3A_6, %parallel_loop3A_617 : i32
      %parallel_loop3A_619 = arith.constant 60 : i32
      %parallel_loop3A_620 = arith.index_cast %parallel_loop3A_619 : i32 to index
      %parallel_loop3A_621 = arith.index_cast %parallel_loop3A_618 : i32 to index
      %parallel_loop3A_622 = tpu.vector_load %arg7[%parallel_loop3A_620, %parallel_loop3A_621] {strides = array<i32>} : memref<64x512xf32, #tpu.memory_space<vmem>>, vector<16xf32>,
      tpu.vector_store %arg7[%parallel_loop3A_620, %parallel_loop3A_621], %parallel_loop3A_616 {strides = array<i32>} : memref<64x512xf32, #tpu.memory_space<vmem>>, vector<16xf32>,
      %parallel_loop3A_623 = arith.constant 62464 : i32
      %parallel_loop3A_624 = vector.broadcast %parallel_loop3A_623 : i32 to vector<16xi32>
      %parallel_loop3A_625 = arith.addi %parallel_loop3A_12, %parallel_loop3A_624 : vector<16xi32>
      %parallel_loop3A_626 = tpu.vector_load_idx %arg5[%parallel_loop3A_625] : memref<65536xf32, #tpu.memory_space<vmem>>[vector<16xi32>], vector<16xf32>,
      %parallel_loop3A_627 = arith.constant 16 : i32
      %parallel_loop3A_628 = arith.muli %parallel_loop3A_6, %parallel_loop3A_627 : i32
      %parallel_loop3A_629 = arith.constant 61 : i32
      %parallel_loop3A_630 = arith.index_cast %parallel_loop3A_629 : i32 to index
      %parallel_loop3A_631 = arith.index_cast %parallel_loop3A_628 : i32 to index
      %parallel_loop3A_632 = tpu.vector_load %arg7[%parallel_loop3A_630, %parallel_loop3A_631] {strides = array<i32>} : memref<64x512xf32, #tpu.memory_space<vmem>>, vector<16xf32>,
      tpu.vector_store %arg7[%parallel_loop3A_630, %parallel_loop3A_631], %parallel_loop3A_626 {strides = array<i32>} : memref<64x512xf32, #tpu.memory_space<vmem>>, vector<16xf32>,
      %parallel_loop3A_633 = arith.constant 63488 : i32
      %parallel_loop3A_634 = vector.broadcast %parallel_loop3A_633 : i32 to vector<16xi32>
      %parallel_loop3A_635 = arith.addi %parallel_loop3A_12, %parallel_loop3A_634 : vector<16xi32>
      %parallel_loop3A_636 = tpu.vector_load_idx %arg5[%parallel_loop3A_635] : memref<65536xf32, #tpu.memory_space<vmem>>[vector<16xi32>], vector<16xf32>,
      %parallel_loop3A_637 = arith.constant 16 : i32
      %parallel_loop3A_638 = arith.muli %parallel_loop3A_6, %parallel_loop3A_637 : i32
      %parallel_loop3A_639 = arith.constant 62 : i32
      %parallel_loop3A_640 = arith.index_cast %parallel_loop3A_639 : i32 to index
      %parallel_loop3A_641 = arith.index_cast %parallel_loop3A_638 : i32 to index
      %parallel_loop3A_642 = tpu.vector_load %arg7[%parallel_loop3A_640, %parallel_loop3A_641] {strides = array<i32>} : memref<64x512xf32, #tpu.memory_space<vmem>>, vector<16xf32>,
      tpu.vector_store %arg7[%parallel_loop3A_640, %parallel_loop3A_641], %parallel_loop3A_636 {strides = array<i32>} : memref<64x512xf32, #tpu.memory_space<vmem>>, vector<16xf32>,
      %parallel_loop3A_643 = arith.constant 64512 : i32
      %parallel_loop3A_644 = vector.broadcast %parallel_loop3A_643 : i32 to vector<16xi32>
      %parallel_loop3A_645 = arith.addi %parallel_loop3A_12, %parallel_loop3A_644 : vector<16xi32>
      %parallel_loop3A_646 = tpu.vector_load_idx %arg5[%parallel_loop3A_645] : memref<65536xf32, #tpu.memory_space<vmem>>[vector<16xi32>], vector<16xf32>,
      %parallel_loop3A_647 = arith.constant 16 : i32
      %parallel_loop3A_648 = arith.muli %parallel_loop3A_6, %parallel_loop3A_647 : i32
      %parallel_loop3A_649 = arith.constant 63 : i32
      %parallel_loop3A_650 = arith.index_cast %parallel_loop3A_649 : i32 to index
      %parallel_loop3A_651 = arith.index_cast %parallel_loop3A_648 : i32 to index
      %parallel_loop3A_652 = tpu.vector_load %arg7[%parallel_loop3A_650, %parallel_loop3A_651] {strides = array<i32>} : memref<64x512xf32, #tpu.memory_space<vmem>>, vector<16xf32>,
      tpu.vector_store %arg7[%parallel_loop3A_650, %parallel_loop3A_651], %parallel_loop3A_646 {strides = array<i32>} : memref<64x512xf32, #tpu.memory_space<vmem>>, vector<16xf32>,
    } {sc.loop_unroll_factor = 2 : i64, sc.parallel_access}
    "tpu.region"() ({
      %run_scoped3A_6 = tpu.sem_alloc : memref<!tpu.dma_semaphore, #tpu.memory_space<semaphore_mem>>
      %dma_start3A = arith.constant 0 : i32
      %dma_start3A_7 = arith.constant 512 : i32
      %dma_start3A_8 = tpu.memref_slice %arg4[%add3A, %dma_start3A, %dma_start3A_7] : memref<32x64x1024xf32, #tpu.memory_space<hbm>> -> memref<1x64x512xf32, #tpu.memory_space<hbm>>
      %dma_start3A_9 = tpu.memref_squeeze %dma_start3A_8 : memref<1x64x512xf32, #tpu.memory_space<hbm>> -> memref<64x512xf32, #tpu.memory_space<hbm>>
      %dma_start3A_10 = arith.constant 0 : i32
      %dma_start3A_11 = arith.constant 512 : i32
      %dma_start3A_12 = tpu.memref_slice %arg4[%add3A, %dma_start3A_10, %dma_start3A_11] : memref<32x64x1024xf32, #tpu.memory_space<hbm>> -> memref<1x64x512xf32, #tpu.memory_space<hbm>>
      %dma_start3A_13 = tpu.memref_squeeze %dma_start3A_12 : memref<1x64x512xf32, #tpu.memory_space<hbm>> -> memref<64x512xf32, #tpu.memory_space<hbm>>
      tpu.enqueue_dma source(%arg7 : memref<64x512xf32, #tpu.memory_space<vmem>>) target(%dma_start3A_13 : memref<64x512xf32, #tpu.memory_space<hbm>>) target_semaphore(%run_scoped3A_6 : memref<!tpu.dma_semaphore, #tpu.memory_space<semaphore_mem>>)
      %dma_wait3A = arith.constant 0 : i32
      %dma_wait3A_14 = arith.constant 512 : i32
      %dma_wait3A_15 = tpu.memref_slice %arg4[%add3A, %dma_wait3A, %dma_wait3A_14] : memref<32x64x1024xf32, #tpu.memory_space<hbm>> -> memref<1x64x512xf32, #tpu.memory_space<hbm>>
      %dma_wait3A_16 = tpu.memref_squeeze %dma_wait3A_15 : memref<1x64x512xf32, #tpu.memory_space<hbm>> -> memref<64x512xf32, #tpu.memory_space<hbm>>
      %dma_wait3A_17 = arith.constant 0 : i32
      %dma_wait3A_18 = arith.constant 512 : i32
      %dma_wait3A_19 = tpu.memref_slice %arg4[%add3A, %dma_wait3A_17, %dma_wait3A_18] : memref<32x64x1024xf32, #tpu.memory_space<hbm>> -> memref<1x64x512xf32, #tpu.memory_space<hbm>>
      %dma_wait3A_20 = tpu.memref_squeeze %dma_wait3A_19 : memref<1x64x512xf32, #tpu.memory_space<hbm>> -> memref<64x512xf32, #tpu.memory_space<hbm>>
      tpu.wait_dma2 semaphore(%run_scoped3A_6 : memref<!tpu.dma_semaphore, #tpu.memory_space<semaphore_mem>>) src(%arg7 : memref<64x512xf32, #tpu.memory_space<vmem>>) dst(%dma_wait3A_20 : memref<64x512xf32, #tpu.memory_space<hbm>>)
      tpu.yield
    }) : () -> ()
    return
  }
}

module attributes {stable_mosaic.version = 14 : i64} {
  func.func @_tc_body(%arg0: i32, %arg1: memref<8x64x1024xf32, #tpu.memory_space<vmem>>, %arg2: memref<1024x64xf32, #tpu.memory_space<vmem>>, %arg3: memref<8x1x1024xi32, #tpu.memory_space<vmem>>, %arg4: memref<1x1xf32, #tpu.memory_space<smem>>) attributes {dimension_semantics = [#tpu.dimension_semantics<arbitrary>], iteration_bounds = array<i64: 4>, scalar_prefetch = 0 : i64, scratch_operands = 0 : i64, tpu.core_type = #tpu.core_type<tc>, window_params = [{transform_indices = @transform_0, window_bounds = array<i64: 8, 64, 1024>}, {pipeline_mode = #tpu.pipeline_mode<synchronous>, transform_indices = @transform_1, window_bounds = array<i64: 1024, 64>}, {transform_indices = @transform_2, window_bounds = array<i64: 8, 1, 1024>}, {transform_indices = @transform_3, window_bounds = array<i64: 1, 1>}]} {
    %get3A = arith.constant 0 : index
    %get3A_0 = arith.constant 0 : index
    %get3A_1 = vector.load %arg2[%get3A, %get3A_0] : memref<1024x64xf32, #tpu.memory_space<vmem>>, vector<1024x64xf32>
    %add3A = arith.addf %get3A_1, %get3A_1 : vector<1024x64xf32>
    %mul3A = arith.mulf %get3A_1, %get3A_1 : vector<1024x64xf32>
    %reduce_sum3A = arith.constant dense<0.000000e+00> : vector<1024xf32>
    %reduce_sum3A_2 = vector.multi_reduction <add>, %mul3A, %reduce_sum3A [1] : vector<1024x64xf32> to vector<1024xf32>
    %get3A_3 = arith.constant 0 : index
    %get3A_4 = arith.constant 0 : index
    %get3A_5 = arith.constant 0 : index
    %get3A_6 = vector.load %arg1[%get3A_3, %get3A_4, %get3A_5] : memref<8x64x1024xf32, #tpu.memory_space<vmem>>, vector<1x64x1024xf32>
    %get3A_7 = vector.shape_cast %get3A_6 : vector<1x64x1024xf32> to vector<64x1024xf32>
    %dot_general3A = arith.constant dense<0.000000e+00> : vector<1024x1024xf32>
    %dot_general3A_8 = tpu.matmul %add3A, %get3A_7, %dot_general3A {dimension_numbers = #tpu.dot_dimension_numbers<[1], [0], [0], [1], [0, 0, 1, 1], [], []>, transpose_lhs_hint = false} : vector<1024x64xf32>, vector<64x1024xf32>, vector<1024x1024xf32> -> vector<1024x1024xf32>
    %mul3A_9 = arith.mulf %get3A_7, %get3A_7 : vector<64x1024xf32>
    %reduce_sum3A_10 = arith.constant dense<0.000000e+00> : vector<1024xf32>
    %reduce_sum3A_11 = vector.multi_reduction <add>, %mul3A_9, %reduce_sum3A_10 [0] : vector<64x1024xf32> to vector<1024xf32>
    %broadcast_in_dim3A = vector.shape_cast %reduce_sum3A_11 : vector<1024xf32> to vector<1x1024xf32>
    %broadcast_in_dim3A_12 = vector.shape_cast %reduce_sum3A_2 : vector<1024xf32> to vector<1024x1xf32>
    %add3A_13 = vector.broadcast %broadcast_in_dim3A : vector<1x1024xf32> to vector<1024x1024xf32>
    %add3A_14 = vector.broadcast %broadcast_in_dim3A_12 : vector<1024x1xf32> to vector<1024x1024xf32>
    %add3A_15 = arith.addf %add3A_13, %add3A_14 : vector<1024x1024xf32>
    %sub3A = arith.subf %add3A_15, %dot_general3A_8 : vector<1024x1024xf32>
    %reduce_min3A = arith.constant dense<0x7F800000> : vector<1024xf32>
    %reduce_min3A_16 = vector.multi_reduction <minimumf>, %sub3A, %reduce_min3A [0] : vector<1024x1024xf32> to vector<1024xf32>
    %broadcast_in_dim3A_17 = vector.shape_cast %reduce_min3A_16 : vector<1024xf32> to vector<1x1024xf32>
    %eq3A = vector.broadcast %broadcast_in_dim3A_17 : vector<1x1024xf32> to vector<1024x1024xf32>
    %eq3A_18 = arith.cmpf oeq, %sub3A, %eq3A : vector<1024x1024xf32>
    %iota3A = tpu.iota {dimensions = array<i32: 0>} : vector<1024x1024xi32>
    %jit3A = arith.constant 1024 : i32
    %broadcast_in_dim3A_19 = vector.broadcast %jit3A : i32 to vector<1024x1024xi32>
    %select_n3A = arith.select %eq3A_18, %iota3A, %broadcast_in_dim3A_19 : vector<1024x1024xi1>, vector<1024x1024xi32>
    %reduce_min3A_20 = arith.constant dense<2147483647> : vector<1024xi32>
    %reduce_min3A_21 = vector.multi_reduction <minsi>, %select_n3A, %reduce_min3A_20 [0] : vector<1024x1024xi32> to vector<1024xi32>
    %swap3A = arith.constant 0 : index
    %swap3A_22 = arith.constant 0 : index
    %swap3A_23 = arith.constant 0 : index
    %swap3A_24 = vector.load %arg3[%swap3A, %swap3A_22, %swap3A_23] : memref<8x1x1024xi32, #tpu.memory_space<vmem>>, vector<1x1x1024xi32>
    %swap3A_25 = vector.shape_cast %swap3A_24 : vector<1x1x1024xi32> to vector<1024xi32>
    %swap3A_26 = vector.shape_cast %reduce_min3A_21 : vector<1024xi32> to vector<1x1x1024xi32>
    tpu.vector_store %arg3[%swap3A, %swap3A_22, %swap3A_23], %swap3A_26 {strides = array<i32>} : memref<8x1x1024xi32, #tpu.memory_space<vmem>>, vector<1x1x1024xi32>,
    %reduce_sum3A_27 = vector.shape_cast %reduce_min3A_16 : vector<1024xf32> to vector<1x1024xf32>
    %reduce_sum3A_28 = arith.constant dense<0.000000e+00> : vector<1xf32>
    %reduce_sum3A_29 = vector.multi_reduction <add>, %reduce_sum3A_27, %reduce_sum3A_28 [1] : vector<1x1024xf32> to vector<1xf32>
    %reduce_sum3A_30 = vector.shape_cast %reduce_sum3A_29 : vector<1xf32> to vector<1x1xf32>
    %reduce_sum3A_31 = vector.extract %reduce_sum3A_30[0, 0] : f32 from vector<1x1xf32>
    %add3A_32 = arith.constant 0.000000e+00 : f32
    %add3A_33 = arith.addf %add3A_32, %reduce_sum3A_31 : f32
    %get3A_34 = arith.constant 1 : index
    %get3A_35 = arith.constant 0 : index
    %get3A_36 = arith.constant 0 : index
    %get3A_37 = vector.load %arg1[%get3A_34, %get3A_35, %get3A_36] : memref<8x64x1024xf32, #tpu.memory_space<vmem>>, vector<1x64x1024xf32>
    %get3A_38 = vector.shape_cast %get3A_37 : vector<1x64x1024xf32> to vector<64x1024xf32>
    %dot_general3A_39 = arith.constant dense<0.000000e+00> : vector<1024x1024xf32>
    %dot_general3A_40 = tpu.matmul %add3A, %get3A_38, %dot_general3A_39 {dimension_numbers = #tpu.dot_dimension_numbers<[1], [0], [0], [1], [0, 0, 1, 1], [], []>, transpose_lhs_hint = false} : vector<1024x64xf32>, vector<64x1024xf32>, vector<1024x1024xf32> -> vector<1024x1024xf32>
    %mul3A_41 = arith.mulf %get3A_38, %get3A_38 : vector<64x1024xf32>
    %reduce_sum3A_42 = arith.constant dense<0.000000e+00> : vector<1024xf32>
    %reduce_sum3A_43 = vector.multi_reduction <add>, %mul3A_41, %reduce_sum3A_42 [0] : vector<64x1024xf32> to vector<1024xf32>
    %broadcast_in_dim3A_44 = vector.shape_cast %reduce_sum3A_43 : vector<1024xf32> to vector<1x1024xf32>
    %broadcast_in_dim3A_45 = vector.shape_cast %reduce_sum3A_2 : vector<1024xf32> to vector<1024x1xf32>
    %add3A_46 = vector.broadcast %broadcast_in_dim3A_44 : vector<1x1024xf32> to vector<1024x1024xf32>
    %add3A_47 = vector.broadcast %broadcast_in_dim3A_45 : vector<1024x1xf32> to vector<1024x1024xf32>
    %add3A_48 = arith.addf %add3A_46, %add3A_47 : vector<1024x1024xf32>
    %sub3A_49 = arith.subf %add3A_48, %dot_general3A_40 : vector<1024x1024xf32>
    %reduce_min3A_50 = arith.constant dense<0x7F800000> : vector<1024xf32>
    %reduce_min3A_51 = vector.multi_reduction <minimumf>, %sub3A_49, %reduce_min3A_50 [0] : vector<1024x1024xf32> to vector<1024xf32>
    %broadcast_in_dim3A_52 = vector.shape_cast %reduce_min3A_51 : vector<1024xf32> to vector<1x1024xf32>
    %eq3A_53 = vector.broadcast %broadcast_in_dim3A_52 : vector<1x1024xf32> to vector<1024x1024xf32>
    %eq3A_54 = arith.cmpf oeq, %sub3A_49, %eq3A_53 : vector<1024x1024xf32>
    %iota3A_55 = tpu.iota {dimensions = array<i32: 0>} : vector<1024x1024xi32>
    %jit3A_56 = arith.constant 1024 : i32
    %broadcast_in_dim3A_57 = vector.broadcast %jit3A_56 : i32 to vector<1024x1024xi32>
    %select_n3A_58 = arith.select %eq3A_54, %iota3A_55, %broadcast_in_dim3A_57 : vector<1024x1024xi1>, vector<1024x1024xi32>
    %reduce_min3A_59 = arith.constant dense<2147483647> : vector<1024xi32>
    %reduce_min3A_60 = vector.multi_reduction <minsi>, %select_n3A_58, %reduce_min3A_59 [0] : vector<1024x1024xi32> to vector<1024xi32>
    %swap3A_61 = arith.constant 1 : index
    %swap3A_62 = arith.constant 0 : index
    %swap3A_63 = arith.constant 0 : index
    %swap3A_64 = vector.load %arg3[%swap3A_61, %swap3A_62, %swap3A_63] : memref<8x1x1024xi32, #tpu.memory_space<vmem>>, vector<1x1x1024xi32>
    %swap3A_65 = vector.shape_cast %swap3A_64 : vector<1x1x1024xi32> to vector<1024xi32>
    %swap3A_66 = vector.shape_cast %reduce_min3A_60 : vector<1024xi32> to vector<1x1x1024xi32>
    tpu.vector_store %arg3[%swap3A_61, %swap3A_62, %swap3A_63], %swap3A_66 {strides = array<i32>} : memref<8x1x1024xi32, #tpu.memory_space<vmem>>, vector<1x1x1024xi32>,
    %reduce_sum3A_67 = vector.shape_cast %reduce_min3A_51 : vector<1024xf32> to vector<1x1024xf32>
    %reduce_sum3A_68 = arith.constant dense<0.000000e+00> : vector<1xf32>
    %reduce_sum3A_69 = vector.multi_reduction <add>, %reduce_sum3A_67, %reduce_sum3A_68 [1] : vector<1x1024xf32> to vector<1xf32>
    %reduce_sum3A_70 = vector.shape_cast %reduce_sum3A_69 : vector<1xf32> to vector<1x1xf32>
    %reduce_sum3A_71 = vector.extract %reduce_sum3A_70[0, 0] : f32 from vector<1x1xf32>
    %add3A_72 = arith.addf %add3A_33, %reduce_sum3A_71 : f32
    %get3A_73 = arith.constant 2 : index
    %get3A_74 = arith.constant 0 : index
    %get3A_75 = arith.constant 0 : index
    %get3A_76 = vector.load %arg1[%get3A_73, %get3A_74, %get3A_75] : memref<8x64x1024xf32, #tpu.memory_space<vmem>>, vector<1x64x1024xf32>
    %get3A_77 = vector.shape_cast %get3A_76 : vector<1x64x1024xf32> to vector<64x1024xf32>
    %dot_general3A_78 = arith.constant dense<0.000000e+00> : vector<1024x1024xf32>
    %dot_general3A_79 = tpu.matmul %add3A, %get3A_77, %dot_general3A_78 {dimension_numbers = #tpu.dot_dimension_numbers<[1], [0], [0], [1], [0, 0, 1, 1], [], []>, transpose_lhs_hint = false} : vector<1024x64xf32>, vector<64x1024xf32>, vector<1024x1024xf32> -> vector<1024x1024xf32>
    %mul3A_80 = arith.mulf %get3A_77, %get3A_77 : vector<64x1024xf32>
    %reduce_sum3A_81 = arith.constant dense<0.000000e+00> : vector<1024xf32>
    %reduce_sum3A_82 = vector.multi_reduction <add>, %mul3A_80, %reduce_sum3A_81 [0] : vector<64x1024xf32> to vector<1024xf32>
    %broadcast_in_dim3A_83 = vector.shape_cast %reduce_sum3A_82 : vector<1024xf32> to vector<1x1024xf32>
    %broadcast_in_dim3A_84 = vector.shape_cast %reduce_sum3A_2 : vector<1024xf32> to vector<1024x1xf32>
    %add3A_85 = vector.broadcast %broadcast_in_dim3A_83 : vector<1x1024xf32> to vector<1024x1024xf32>
    %add3A_86 = vector.broadcast %broadcast_in_dim3A_84 : vector<1024x1xf32> to vector<1024x1024xf32>
    %add3A_87 = arith.addf %add3A_85, %add3A_86 : vector<1024x1024xf32>
    %sub3A_88 = arith.subf %add3A_87, %dot_general3A_79 : vector<1024x1024xf32>
    %reduce_min3A_89 = arith.constant dense<0x7F800000> : vector<1024xf32>
    %reduce_min3A_90 = vector.multi_reduction <minimumf>, %sub3A_88, %reduce_min3A_89 [0] : vector<1024x1024xf32> to vector<1024xf32>
    %broadcast_in_dim3A_91 = vector.shape_cast %reduce_min3A_90 : vector<1024xf32> to vector<1x1024xf32>
    %eq3A_92 = vector.broadcast %broadcast_in_dim3A_91 : vector<1x1024xf32> to vector<1024x1024xf32>
    %eq3A_93 = arith.cmpf oeq, %sub3A_88, %eq3A_92 : vector<1024x1024xf32>
    %iota3A_94 = tpu.iota {dimensions = array<i32: 0>} : vector<1024x1024xi32>
    %jit3A_95 = arith.constant 1024 : i32
    %broadcast_in_dim3A_96 = vector.broadcast %jit3A_95 : i32 to vector<1024x1024xi32>
    %select_n3A_97 = arith.select %eq3A_93, %iota3A_94, %broadcast_in_dim3A_96 : vector<1024x1024xi1>, vector<1024x1024xi32>
    %reduce_min3A_98 = arith.constant dense<2147483647> : vector<1024xi32>
    %reduce_min3A_99 = vector.multi_reduction <minsi>, %select_n3A_97, %reduce_min3A_98 [0] : vector<1024x1024xi32> to vector<1024xi32>
    %swap3A_100 = arith.constant 2 : index
    %swap3A_101 = arith.constant 0 : index
    %swap3A_102 = arith.constant 0 : index
    %swap3A_103 = vector.load %arg3[%swap3A_100, %swap3A_101, %swap3A_102] : memref<8x1x1024xi32, #tpu.memory_space<vmem>>, vector<1x1x1024xi32>
    %swap3A_104 = vector.shape_cast %swap3A_103 : vector<1x1x1024xi32> to vector<1024xi32>
    %swap3A_105 = vector.shape_cast %reduce_min3A_99 : vector<1024xi32> to vector<1x1x1024xi32>
    tpu.vector_store %arg3[%swap3A_100, %swap3A_101, %swap3A_102], %swap3A_105 {strides = array<i32>} : memref<8x1x1024xi32, #tpu.memory_space<vmem>>, vector<1x1x1024xi32>,
    %reduce_sum3A_106 = vector.shape_cast %reduce_min3A_90 : vector<1024xf32> to vector<1x1024xf32>
    %reduce_sum3A_107 = arith.constant dense<0.000000e+00> : vector<1xf32>
    %reduce_sum3A_108 = vector.multi_reduction <add>, %reduce_sum3A_106, %reduce_sum3A_107 [1] : vector<1x1024xf32> to vector<1xf32>
    %reduce_sum3A_109 = vector.shape_cast %reduce_sum3A_108 : vector<1xf32> to vector<1x1xf32>
    %reduce_sum3A_110 = vector.extract %reduce_sum3A_109[0, 0] : f32 from vector<1x1xf32>
    %add3A_111 = arith.addf %add3A_72, %reduce_sum3A_110 : f32
    %get3A_112 = arith.constant 3 : index
    %get3A_113 = arith.constant 0 : index
    %get3A_114 = arith.constant 0 : index
    %get3A_115 = vector.load %arg1[%get3A_112, %get3A_113, %get3A_114] : memref<8x64x1024xf32, #tpu.memory_space<vmem>>, vector<1x64x1024xf32>
    %get3A_116 = vector.shape_cast %get3A_115 : vector<1x64x1024xf32> to vector<64x1024xf32>
    %dot_general3A_117 = arith.constant dense<0.000000e+00> : vector<1024x1024xf32>
    %dot_general3A_118 = tpu.matmul %add3A, %get3A_116, %dot_general3A_117 {dimension_numbers = #tpu.dot_dimension_numbers<[1], [0], [0], [1], [0, 0, 1, 1], [], []>, transpose_lhs_hint = false} : vector<1024x64xf32>, vector<64x1024xf32>, vector<1024x1024xf32> -> vector<1024x1024xf32>
    %mul3A_119 = arith.mulf %get3A_116, %get3A_116 : vector<64x1024xf32>
    %reduce_sum3A_120 = arith.constant dense<0.000000e+00> : vector<1024xf32>
    %reduce_sum3A_121 = vector.multi_reduction <add>, %mul3A_119, %reduce_sum3A_120 [0] : vector<64x1024xf32> to vector<1024xf32>
    %broadcast_in_dim3A_122 = vector.shape_cast %reduce_sum3A_121 : vector<1024xf32> to vector<1x1024xf32>
    %broadcast_in_dim3A_123 = vector.shape_cast %reduce_sum3A_2 : vector<1024xf32> to vector<1024x1xf32>
    %add3A_124 = vector.broadcast %broadcast_in_dim3A_122 : vector<1x1024xf32> to vector<1024x1024xf32>
    %add3A_125 = vector.broadcast %broadcast_in_dim3A_123 : vector<1024x1xf32> to vector<1024x1024xf32>
    %add3A_126 = arith.addf %add3A_124, %add3A_125 : vector<1024x1024xf32>
    %sub3A_127 = arith.subf %add3A_126, %dot_general3A_118 : vector<1024x1024xf32>
    %reduce_min3A_128 = arith.constant dense<0x7F800000> : vector<1024xf32>
    %reduce_min3A_129 = vector.multi_reduction <minimumf>, %sub3A_127, %reduce_min3A_128 [0] : vector<1024x1024xf32> to vector<1024xf32>
    %broadcast_in_dim3A_130 = vector.shape_cast %reduce_min3A_129 : vector<1024xf32> to vector<1x1024xf32>
    %eq3A_131 = vector.broadcast %broadcast_in_dim3A_130 : vector<1x1024xf32> to vector<1024x1024xf32>
    %eq3A_132 = arith.cmpf oeq, %sub3A_127, %eq3A_131 : vector<1024x1024xf32>
    %iota3A_133 = tpu.iota {dimensions = array<i32: 0>} : vector<1024x1024xi32>
    %jit3A_134 = arith.constant 1024 : i32
    %broadcast_in_dim3A_135 = vector.broadcast %jit3A_134 : i32 to vector<1024x1024xi32>
    %select_n3A_136 = arith.select %eq3A_132, %iota3A_133, %broadcast_in_dim3A_135 : vector<1024x1024xi1>, vector<1024x1024xi32>
    %reduce_min3A_137 = arith.constant dense<2147483647> : vector<1024xi32>
    %reduce_min3A_138 = vector.multi_reduction <minsi>, %select_n3A_136, %reduce_min3A_137 [0] : vector<1024x1024xi32> to vector<1024xi32>
    %swap3A_139 = arith.constant 3 : index
    %swap3A_140 = arith.constant 0 : index
    %swap3A_141 = arith.constant 0 : index
    %swap3A_142 = vector.load %arg3[%swap3A_139, %swap3A_140, %swap3A_141] : memref<8x1x1024xi32, #tpu.memory_space<vmem>>, vector<1x1x1024xi32>
    %swap3A_143 = vector.shape_cast %swap3A_142 : vector<1x1x1024xi32> to vector<1024xi32>
    %swap3A_144 = vector.shape_cast %reduce_min3A_138 : vector<1024xi32> to vector<1x1x1024xi32>
    tpu.vector_store %arg3[%swap3A_139, %swap3A_140, %swap3A_141], %swap3A_144 {strides = array<i32>} : memref<8x1x1024xi32, #tpu.memory_space<vmem>>, vector<1x1x1024xi32>,
    %reduce_sum3A_145 = vector.shape_cast %reduce_min3A_129 : vector<1024xf32> to vector<1x1024xf32>
    %reduce_sum3A_146 = arith.constant dense<0.000000e+00> : vector<1xf32>
    %reduce_sum3A_147 = vector.multi_reduction <add>, %reduce_sum3A_145, %reduce_sum3A_146 [1] : vector<1x1024xf32> to vector<1xf32>
    %reduce_sum3A_148 = vector.shape_cast %reduce_sum3A_147 : vector<1xf32> to vector<1x1xf32>
    %reduce_sum3A_149 = vector.extract %reduce_sum3A_148[0, 0] : f32 from vector<1x1xf32>
    %add3A_150 = arith.addf %add3A_111, %reduce_sum3A_149 : f32
    %get3A_151 = arith.constant 4 : index
    %get3A_152 = arith.constant 0 : index
    %get3A_153 = arith.constant 0 : index
    %get3A_154 = vector.load %arg1[%get3A_151, %get3A_152, %get3A_153] : memref<8x64x1024xf32, #tpu.memory_space<vmem>>, vector<1x64x1024xf32>
    %get3A_155 = vector.shape_cast %get3A_154 : vector<1x64x1024xf32> to vector<64x1024xf32>
    %dot_general3A_156 = arith.constant dense<0.000000e+00> : vector<1024x1024xf32>
    %dot_general3A_157 = tpu.matmul %add3A, %get3A_155, %dot_general3A_156 {dimension_numbers = #tpu.dot_dimension_numbers<[1], [0], [0], [1], [0, 0, 1, 1], [], []>, transpose_lhs_hint = false} : vector<1024x64xf32>, vector<64x1024xf32>, vector<1024x1024xf32> -> vector<1024x1024xf32>
    %mul3A_158 = arith.mulf %get3A_155, %get3A_155 : vector<64x1024xf32>
    %reduce_sum3A_159 = arith.constant dense<0.000000e+00> : vector<1024xf32>
    %reduce_sum3A_160 = vector.multi_reduction <add>, %mul3A_158, %reduce_sum3A_159 [0] : vector<64x1024xf32> to vector<1024xf32>
    %broadcast_in_dim3A_161 = vector.shape_cast %reduce_sum3A_160 : vector<1024xf32> to vector<1x1024xf32>
    %broadcast_in_dim3A_162 = vector.shape_cast %reduce_sum3A_2 : vector<1024xf32> to vector<1024x1xf32>
    %add3A_163 = vector.broadcast %broadcast_in_dim3A_161 : vector<1x1024xf32> to vector<1024x1024xf32>
    %add3A_164 = vector.broadcast %broadcast_in_dim3A_162 : vector<1024x1xf32> to vector<1024x1024xf32>
    %add3A_165 = arith.addf %add3A_163, %add3A_164 : vector<1024x1024xf32>
    %sub3A_166 = arith.subf %add3A_165, %dot_general3A_157 : vector<1024x1024xf32>
    %reduce_min3A_167 = arith.constant dense<0x7F800000> : vector<1024xf32>
    %reduce_min3A_168 = vector.multi_reduction <minimumf>, %sub3A_166, %reduce_min3A_167 [0] : vector<1024x1024xf32> to vector<1024xf32>
    %broadcast_in_dim3A_169 = vector.shape_cast %reduce_min3A_168 : vector<1024xf32> to vector<1x1024xf32>
    %eq3A_170 = vector.broadcast %broadcast_in_dim3A_169 : vector<1x1024xf32> to vector<1024x1024xf32>
    %eq3A_171 = arith.cmpf oeq, %sub3A_166, %eq3A_170 : vector<1024x1024xf32>
    %iota3A_172 = tpu.iota {dimensions = array<i32: 0>} : vector<1024x1024xi32>
    %jit3A_173 = arith.constant 1024 : i32
    %broadcast_in_dim3A_174 = vector.broadcast %jit3A_173 : i32 to vector<1024x1024xi32>
    %select_n3A_175 = arith.select %eq3A_171, %iota3A_172, %broadcast_in_dim3A_174 : vector<1024x1024xi1>, vector<1024x1024xi32>
    %reduce_min3A_176 = arith.constant dense<2147483647> : vector<1024xi32>
    %reduce_min3A_177 = vector.multi_reduction <minsi>, %select_n3A_175, %reduce_min3A_176 [0] : vector<1024x1024xi32> to vector<1024xi32>
    %swap3A_178 = arith.constant 4 : index
    %swap3A_179 = arith.constant 0 : index
    %swap3A_180 = arith.constant 0 : index
    %swap3A_181 = vector.load %arg3[%swap3A_178, %swap3A_179, %swap3A_180] : memref<8x1x1024xi32, #tpu.memory_space<vmem>>, vector<1x1x1024xi32>
    %swap3A_182 = vector.shape_cast %swap3A_181 : vector<1x1x1024xi32> to vector<1024xi32>
    %swap3A_183 = vector.shape_cast %reduce_min3A_177 : vector<1024xi32> to vector<1x1x1024xi32>
    tpu.vector_store %arg3[%swap3A_178, %swap3A_179, %swap3A_180], %swap3A_183 {strides = array<i32>} : memref<8x1x1024xi32, #tpu.memory_space<vmem>>, vector<1x1x1024xi32>,
    %reduce_sum3A_184 = vector.shape_cast %reduce_min3A_168 : vector<1024xf32> to vector<1x1024xf32>
    %reduce_sum3A_185 = arith.constant dense<0.000000e+00> : vector<1xf32>
    %reduce_sum3A_186 = vector.multi_reduction <add>, %reduce_sum3A_184, %reduce_sum3A_185 [1] : vector<1x1024xf32> to vector<1xf32>
    %reduce_sum3A_187 = vector.shape_cast %reduce_sum3A_186 : vector<1xf32> to vector<1x1xf32>
    %reduce_sum3A_188 = vector.extract %reduce_sum3A_187[0, 0] : f32 from vector<1x1xf32>
    %add3A_189 = arith.addf %add3A_150, %reduce_sum3A_188 : f32
    %get3A_190 = arith.constant 5 : index
    %get3A_191 = arith.constant 0 : index
    %get3A_192 = arith.constant 0 : index
    %get3A_193 = vector.load %arg1[%get3A_190, %get3A_191, %get3A_192] : memref<8x64x1024xf32, #tpu.memory_space<vmem>>, vector<1x64x1024xf32>
    %get3A_194 = vector.shape_cast %get3A_193 : vector<1x64x1024xf32> to vector<64x1024xf32>
    %dot_general3A_195 = arith.constant dense<0.000000e+00> : vector<1024x1024xf32>
    %dot_general3A_196 = tpu.matmul %add3A, %get3A_194, %dot_general3A_195 {dimension_numbers = #tpu.dot_dimension_numbers<[1], [0], [0], [1], [0, 0, 1, 1], [], []>, transpose_lhs_hint = false} : vector<1024x64xf32>, vector<64x1024xf32>, vector<1024x1024xf32> -> vector<1024x1024xf32>
    %mul3A_197 = arith.mulf %get3A_194, %get3A_194 : vector<64x1024xf32>
    %reduce_sum3A_198 = arith.constant dense<0.000000e+00> : vector<1024xf32>
    %reduce_sum3A_199 = vector.multi_reduction <add>, %mul3A_197, %reduce_sum3A_198 [0] : vector<64x1024xf32> to vector<1024xf32>
    %broadcast_in_dim3A_200 = vector.shape_cast %reduce_sum3A_199 : vector<1024xf32> to vector<1x1024xf32>
    %broadcast_in_dim3A_201 = vector.shape_cast %reduce_sum3A_2 : vector<1024xf32> to vector<1024x1xf32>
    %add3A_202 = vector.broadcast %broadcast_in_dim3A_200 : vector<1x1024xf32> to vector<1024x1024xf32>
    %add3A_203 = vector.broadcast %broadcast_in_dim3A_201 : vector<1024x1xf32> to vector<1024x1024xf32>
    %add3A_204 = arith.addf %add3A_202, %add3A_203 : vector<1024x1024xf32>
    %sub3A_205 = arith.subf %add3A_204, %dot_general3A_196 : vector<1024x1024xf32>
    %reduce_min3A_206 = arith.constant dense<0x7F800000> : vector<1024xf32>
    %reduce_min3A_207 = vector.multi_reduction <minimumf>, %sub3A_205, %reduce_min3A_206 [0] : vector<1024x1024xf32> to vector<1024xf32>
    %broadcast_in_dim3A_208 = vector.shape_cast %reduce_min3A_207 : vector<1024xf32> to vector<1x1024xf32>
    %eq3A_209 = vector.broadcast %broadcast_in_dim3A_208 : vector<1x1024xf32> to vector<1024x1024xf32>
    %eq3A_210 = arith.cmpf oeq, %sub3A_205, %eq3A_209 : vector<1024x1024xf32>
    %iota3A_211 = tpu.iota {dimensions = array<i32: 0>} : vector<1024x1024xi32>
    %jit3A_212 = arith.constant 1024 : i32
    %broadcast_in_dim3A_213 = vector.broadcast %jit3A_212 : i32 to vector<1024x1024xi32>
    %select_n3A_214 = arith.select %eq3A_210, %iota3A_211, %broadcast_in_dim3A_213 : vector<1024x1024xi1>, vector<1024x1024xi32>
    %reduce_min3A_215 = arith.constant dense<2147483647> : vector<1024xi32>
    %reduce_min3A_216 = vector.multi_reduction <minsi>, %select_n3A_214, %reduce_min3A_215 [0] : vector<1024x1024xi32> to vector<1024xi32>
    %swap3A_217 = arith.constant 5 : index
    %swap3A_218 = arith.constant 0 : index
    %swap3A_219 = arith.constant 0 : index
    %swap3A_220 = vector.load %arg3[%swap3A_217, %swap3A_218, %swap3A_219] : memref<8x1x1024xi32, #tpu.memory_space<vmem>>, vector<1x1x1024xi32>
    %swap3A_221 = vector.shape_cast %swap3A_220 : vector<1x1x1024xi32> to vector<1024xi32>
    %swap3A_222 = vector.shape_cast %reduce_min3A_216 : vector<1024xi32> to vector<1x1x1024xi32>
    tpu.vector_store %arg3[%swap3A_217, %swap3A_218, %swap3A_219], %swap3A_222 {strides = array<i32>} : memref<8x1x1024xi32, #tpu.memory_space<vmem>>, vector<1x1x1024xi32>,
    %reduce_sum3A_223 = vector.shape_cast %reduce_min3A_207 : vector<1024xf32> to vector<1x1024xf32>
    %reduce_sum3A_224 = arith.constant dense<0.000000e+00> : vector<1xf32>
    %reduce_sum3A_225 = vector.multi_reduction <add>, %reduce_sum3A_223, %reduce_sum3A_224 [1] : vector<1x1024xf32> to vector<1xf32>
    %reduce_sum3A_226 = vector.shape_cast %reduce_sum3A_225 : vector<1xf32> to vector<1x1xf32>
    %reduce_sum3A_227 = vector.extract %reduce_sum3A_226[0, 0] : f32 from vector<1x1xf32>
    %add3A_228 = arith.addf %add3A_189, %reduce_sum3A_227 : f32
    %get3A_229 = arith.constant 6 : index
    %get3A_230 = arith.constant 0 : index
    %get3A_231 = arith.constant 0 : index
    %get3A_232 = vector.load %arg1[%get3A_229, %get3A_230, %get3A_231] : memref<8x64x1024xf32, #tpu.memory_space<vmem>>, vector<1x64x1024xf32>
    %get3A_233 = vector.shape_cast %get3A_232 : vector<1x64x1024xf32> to vector<64x1024xf32>
    %dot_general3A_234 = arith.constant dense<0.000000e+00> : vector<1024x1024xf32>
    %dot_general3A_235 = tpu.matmul %add3A, %get3A_233, %dot_general3A_234 {dimension_numbers = #tpu.dot_dimension_numbers<[1], [0], [0], [1], [0, 0, 1, 1], [], []>, transpose_lhs_hint = false} : vector<1024x64xf32>, vector<64x1024xf32>, vector<1024x1024xf32> -> vector<1024x1024xf32>
    %mul3A_236 = arith.mulf %get3A_233, %get3A_233 : vector<64x1024xf32>
    %reduce_sum3A_237 = arith.constant dense<0.000000e+00> : vector<1024xf32>
    %reduce_sum3A_238 = vector.multi_reduction <add>, %mul3A_236, %reduce_sum3A_237 [0] : vector<64x1024xf32> to vector<1024xf32>
    %broadcast_in_dim3A_239 = vector.shape_cast %reduce_sum3A_238 : vector<1024xf32> to vector<1x1024xf32>
    %broadcast_in_dim3A_240 = vector.shape_cast %reduce_sum3A_2 : vector<1024xf32> to vector<1024x1xf32>
    %add3A_241 = vector.broadcast %broadcast_in_dim3A_239 : vector<1x1024xf32> to vector<1024x1024xf32>
    %add3A_242 = vector.broadcast %broadcast_in_dim3A_240 : vector<1024x1xf32> to vector<1024x1024xf32>
    %add3A_243 = arith.addf %add3A_241, %add3A_242 : vector<1024x1024xf32>
    %sub3A_244 = arith.subf %add3A_243, %dot_general3A_235 : vector<1024x1024xf32>
    %reduce_min3A_245 = arith.constant dense<0x7F800000> : vector<1024xf32>
    %reduce_min3A_246 = vector.multi_reduction <minimumf>, %sub3A_244, %reduce_min3A_245 [0] : vector<1024x1024xf32> to vector<1024xf32>
    %broadcast_in_dim3A_247 = vector.shape_cast %reduce_min3A_246 : vector<1024xf32> to vector<1x1024xf32>
    %eq3A_248 = vector.broadcast %broadcast_in_dim3A_247 : vector<1x1024xf32> to vector<1024x1024xf32>
    %eq3A_249 = arith.cmpf oeq, %sub3A_244, %eq3A_248 : vector<1024x1024xf32>
    %iota3A_250 = tpu.iota {dimensions = array<i32: 0>} : vector<1024x1024xi32>
    %jit3A_251 = arith.constant 1024 : i32
    %broadcast_in_dim3A_252 = vector.broadcast %jit3A_251 : i32 to vector<1024x1024xi32>
    %select_n3A_253 = arith.select %eq3A_249, %iota3A_250, %broadcast_in_dim3A_252 : vector<1024x1024xi1>, vector<1024x1024xi32>
    %reduce_min3A_254 = arith.constant dense<2147483647> : vector<1024xi32>
    %reduce_min3A_255 = vector.multi_reduction <minsi>, %select_n3A_253, %reduce_min3A_254 [0] : vector<1024x1024xi32> to vector<1024xi32>
    %swap3A_256 = arith.constant 6 : index
    %swap3A_257 = arith.constant 0 : index
    %swap3A_258 = arith.constant 0 : index
    %swap3A_259 = vector.load %arg3[%swap3A_256, %swap3A_257, %swap3A_258] : memref<8x1x1024xi32, #tpu.memory_space<vmem>>, vector<1x1x1024xi32>
    %swap3A_260 = vector.shape_cast %swap3A_259 : vector<1x1x1024xi32> to vector<1024xi32>
    %swap3A_261 = vector.shape_cast %reduce_min3A_255 : vector<1024xi32> to vector<1x1x1024xi32>
    tpu.vector_store %arg3[%swap3A_256, %swap3A_257, %swap3A_258], %swap3A_261 {strides = array<i32>} : memref<8x1x1024xi32, #tpu.memory_space<vmem>>, vector<1x1x1024xi32>,
    %reduce_sum3A_262 = vector.shape_cast %reduce_min3A_246 : vector<1024xf32> to vector<1x1024xf32>
    %reduce_sum3A_263 = arith.constant dense<0.000000e+00> : vector<1xf32>
    %reduce_sum3A_264 = vector.multi_reduction <add>, %reduce_sum3A_262, %reduce_sum3A_263 [1] : vector<1x1024xf32> to vector<1xf32>
    %reduce_sum3A_265 = vector.shape_cast %reduce_sum3A_264 : vector<1xf32> to vector<1x1xf32>
    %reduce_sum3A_266 = vector.extract %reduce_sum3A_265[0, 0] : f32 from vector<1x1xf32>
    %add3A_267 = arith.addf %add3A_228, %reduce_sum3A_266 : f32
    %get3A_268 = arith.constant 7 : index
    %get3A_269 = arith.constant 0 : index
    %get3A_270 = arith.constant 0 : index
    %get3A_271 = vector.load %arg1[%get3A_268, %get3A_269, %get3A_270] : memref<8x64x1024xf32, #tpu.memory_space<vmem>>, vector<1x64x1024xf32>
    %get3A_272 = vector.shape_cast %get3A_271 : vector<1x64x1024xf32> to vector<64x1024xf32>
    %dot_general3A_273 = arith.constant dense<0.000000e+00> : vector<1024x1024xf32>
    %dot_general3A_274 = tpu.matmul %add3A, %get3A_272, %dot_general3A_273 {dimension_numbers = #tpu.dot_dimension_numbers<[1], [0], [0], [1], [0, 0, 1, 1], [], []>, transpose_lhs_hint = false} : vector<1024x64xf32>, vector<64x1024xf32>, vector<1024x1024xf32> -> vector<1024x1024xf32>
    %mul3A_275 = arith.mulf %get3A_272, %get3A_272 : vector<64x1024xf32>
    %reduce_sum3A_276 = arith.constant dense<0.000000e+00> : vector<1024xf32>
    %reduce_sum3A_277 = vector.multi_reduction <add>, %mul3A_275, %reduce_sum3A_276 [0] : vector<64x1024xf32> to vector<1024xf32>
    %broadcast_in_dim3A_278 = vector.shape_cast %reduce_sum3A_277 : vector<1024xf32> to vector<1x1024xf32>
    %broadcast_in_dim3A_279 = vector.shape_cast %reduce_sum3A_2 : vector<1024xf32> to vector<1024x1xf32>
    %add3A_280 = vector.broadcast %broadcast_in_dim3A_278 : vector<1x1024xf32> to vector<1024x1024xf32>
    %add3A_281 = vector.broadcast %broadcast_in_dim3A_279 : vector<1024x1xf32> to vector<1024x1024xf32>
    %add3A_282 = arith.addf %add3A_280, %add3A_281 : vector<1024x1024xf32>
    %sub3A_283 = arith.subf %add3A_282, %dot_general3A_274 : vector<1024x1024xf32>
    %reduce_min3A_284 = arith.constant dense<0x7F800000> : vector<1024xf32>
    %reduce_min3A_285 = vector.multi_reduction <minimumf>, %sub3A_283, %reduce_min3A_284 [0] : vector<1024x1024xf32> to vector<1024xf32>
    %broadcast_in_dim3A_286 = vector.shape_cast %reduce_min3A_285 : vector<1024xf32> to vector<1x1024xf32>
    %eq3A_287 = vector.broadcast %broadcast_in_dim3A_286 : vector<1x1024xf32> to vector<1024x1024xf32>
    %eq3A_288 = arith.cmpf oeq, %sub3A_283, %eq3A_287 : vector<1024x1024xf32>
    %iota3A_289 = tpu.iota {dimensions = array<i32: 0>} : vector<1024x1024xi32>
    %jit3A_290 = arith.constant 1024 : i32
    %broadcast_in_dim3A_291 = vector.broadcast %jit3A_290 : i32 to vector<1024x1024xi32>
    %select_n3A_292 = arith.select %eq3A_288, %iota3A_289, %broadcast_in_dim3A_291 : vector<1024x1024xi1>, vector<1024x1024xi32>
    %reduce_min3A_293 = arith.constant dense<2147483647> : vector<1024xi32>
    %reduce_min3A_294 = vector.multi_reduction <minsi>, %select_n3A_292, %reduce_min3A_293 [0] : vector<1024x1024xi32> to vector<1024xi32>
    %swap3A_295 = arith.constant 7 : index
    %swap3A_296 = arith.constant 0 : index
    %swap3A_297 = arith.constant 0 : index
    %swap3A_298 = vector.load %arg3[%swap3A_295, %swap3A_296, %swap3A_297] : memref<8x1x1024xi32, #tpu.memory_space<vmem>>, vector<1x1x1024xi32>
    %swap3A_299 = vector.shape_cast %swap3A_298 : vector<1x1x1024xi32> to vector<1024xi32>
    %swap3A_300 = vector.shape_cast %reduce_min3A_294 : vector<1024xi32> to vector<1x1x1024xi32>
    tpu.vector_store %arg3[%swap3A_295, %swap3A_296, %swap3A_297], %swap3A_300 {strides = array<i32>} : memref<8x1x1024xi32, #tpu.memory_space<vmem>>, vector<1x1x1024xi32>,
    %reduce_sum3A_301 = vector.shape_cast %reduce_min3A_285 : vector<1024xf32> to vector<1x1024xf32>
    %reduce_sum3A_302 = arith.constant dense<0.000000e+00> : vector<1xf32>
    %reduce_sum3A_303 = vector.multi_reduction <add>, %reduce_sum3A_301, %reduce_sum3A_302 [1] : vector<1x1024xf32> to vector<1xf32>
    %reduce_sum3A_304 = vector.shape_cast %reduce_sum3A_303 : vector<1xf32> to vector<1x1xf32>
    %reduce_sum3A_305 = vector.extract %reduce_sum3A_304[0, 0] : f32 from vector<1x1xf32>
    %add3A_306 = arith.addf %add3A_267, %reduce_sum3A_305 : f32
    %eq3A_307 = arith.constant 0 : i32
    %eq3A_308 = arith.cmpi eq, %arg0, %eq3A_307 : i32
    %get3A_309 = arith.constant 0 : index
    %get3A_310 = arith.constant 0 : index
    %get3A_311 = memref.load %arg4[%get3A_309, %get3A_310] : memref<1x1xf32, #tpu.memory_space<smem>>
    %jit3A_312 = arith.constant 0.000000e+00 : f32
    %select_n3A_313 = arith.select %eq3A_308, %jit3A_312, %get3A_311 : f32
    %add3A_314 = arith.addf %select_n3A_313, %add3A_306 : f32
    %swap3A_315 = arith.constant 0 : index
    %swap3A_316 = arith.constant 0 : index
    %swap3A_317 = memref.load %arg4[%swap3A_315, %swap3A_316] : memref<1x1xf32, #tpu.memory_space<smem>>
    memref.store %add3A_314, %arg4[%swap3A_315, %swap3A_316] : memref<1x1xf32, #tpu.memory_space<smem>>
    return
  }
  func.func @transform_0(%arg0: i32) -> (i32, i32, i32) {
    %c0_i32 = arith.constant 0 : i32
    %c0_i32_0 = arith.constant 0 : i32
    %c0_i32_1 = arith.constant 0 : i32
    return %arg0, %c0_i32, %c0_i32_0 : i32, i32, i32
  }
  func.func @transform_1(%arg0: i32) -> (i32, i32) {
    %c0_i32 = arith.constant 0 : i32
    %c0_i32_0 = arith.constant 0 : i32
    %c0_i32_1 = arith.constant 0 : i32
    return %c0_i32, %c0_i32_0 : i32, i32
  }
  func.func @transform_2(%arg0: i32) -> (i32, i32, i32) {
    %c0_i32 = arith.constant 0 : i32
    %c0_i32_0 = arith.constant 0 : i32
    %c0_i32_1 = arith.constant 0 : i32
    return %arg0, %c0_i32, %c0_i32_0 : i32, i32, i32
  }
  func.func @transform_3(%arg0: i32) -> (i32, i32) {
    %c0_i32 = arith.constant 0 : i32
    %c0_i32_0 = arith.constant 0 : i32
    %c0_i32_1 = arith.constant 0 : i32
    return %c0_i32, %c0_i32_0 : i32, i32
  }
}

</mosaic_0001>

<sc_bundles>
// kernel: kernel.4.cloned.1.call-start
scs
__scs_entry_jumppad:
0x0: {  	(pc) =	sbr.rel $0x88, $3  }
0x1: {  	(tag) =	ssettag $0x0;
	lr =	simm.s32 $0x1  }
0x2: {  	[smem:$0x3F9F] =	sst lr;
	_ =	strace $0xD0000000  }
0x3: {  	_ = 	snop  }
0x4: {  	_ = 	snop  }
0x5: {  	_ = 	snop  }
0x6: {  	_ = 	snop  }
0x7: {  	_ = 	snop  }
__scs_overlays_trampoline_lowered:
0x8: {  	[smem:$0x3FAE] =	sst s0  }
0x9: {  	[smem:$0x3FAF] =	sst s1  }
0xa: {  	[smem:$0x3FB0] =	sst s2  }
0xb: {  	[smem:$0x3FB1] =	sst s3  }
0xc: {  	[smem:$0x3FB2] =	sst s4  }
0xd: {  	[smem:$0x3FB3] =	sst s5  }
0xe: {  	[smem:$0x3FB4] =	sst s6  }
0xf: {  	[smem:$0x3FB5] =	sst s7  }
0x10: {  	[smem:$0x3FB6] =	sst s8  }
0x11: {  	[smem:$0x3FB7] =	sst s9;
	s0 =	simm.s32 @!p0 $0x0  }
0x12: {  	s1 =	sld [smem:$0x3F9D];
	s0 =	simm.s32 @p0 $0x1  }
0x13: {  	[smem:$0x3FB8] =	sst s0;
	s0 =	simm.s32 @!p1 $0x0  }
0x14: {  	s2 =	sld [smem:$0x3F9C];
	s0 =	simm.s32 @p1 $0x1  }
0x15: {  	[smem:$0x3FB9] =	sst s0;
	s0 =	simm.s32 @!p2 $0x0  }
0x16: {  	s3 =	sld [smem:$0x3FDB];
	s0 =	simm.s32 @p2 $0x1  }
0x17: {  	s4 =	simm.s32 $0x1BF5;
	[smem:$0x3FBB] =	sst s0  }
0x18: {  	s0 =	sld [smem:$0x3F9E];
	_ =	swait.ge [sflag:s4], $0x0  }
0x19: {  	s7 =	sld [smem:$0x3F9F]  }
0x1a: {  	s8 =	sadd.s32 $0xFFFFE003, lr  }
0x1b: {  	s9 =	sadd.s32 $0xFFFFFEF7, lr;
	s5 =	simm.s32 $0xFFFFFFFF;
	p2 =	slt.u32 s8, $0xFFFFF086  }
0x1c: {  	p1 =	slt.u32 s9, $0xF7A;
	s5 =	simm.s32 @!p2 $0x0  }
0x1d: {  	s5 =	simm.s32 @p1 $0x1;
	p0 =	seq.s32 s7, s2  }
0x1e: {  	s7 =	smul.u32 @!p0 $0xF7A, s2;
	p2 =	seq.s32 @!p0 s5, $0x0  }
0x1f: {  	s9 =	smul.u32 $0xF7A, s1;
	s8 =	simm.s32 @!p0 $0x1BF5;
	p2 =	por !p2, p0  }
0x20: {  	[sflag:s8] =	ssyncset.s32 @!p0 $0xFFFFF086;
	s6 =	sadd.s32 @!p0 s3, s7;
	s7 =	simm.s32 @!p0 $0x108  }
0x21: {  	s3 =	sadd.s32 s3, s9;
	s6 =	sadd.s32 @!p0 $0x88, s6;
	s7 =	simm.s32 @p2 $0x1082  }
0x22: {  	[simem:s7], [sflag:s8] =	dma.local @!p0 [hbm:s6], $0xF7A  }
0x23: {  	s9 =	sor.u32 $0xD0000000, s2;
	s6 =	simm.s32 $0x108;
	_ =	swait.ge @!p0 [sflag:s8], $0x0  }
0x24: {  	s3 =	sadd.s32 $0x88, s3;
	s6 =	simm.s32 @!p1 $0x1082;
	[sflag:s4] =	ssyncset.s32 $0xFFFFF086  }
0x25: {  	[simem:s6], [sflag:s4] =	dma.local [hbm:s3], $0xF7A  }
0x26: {  	[smem:$0x3F9F] =	sst s1;
	(tag) =	ssettag s2;
	_ =	strace s9  }
0x27: {  	s1 =	sld [smem:$0x3FAF]  }
0x28: {  	s2 =	sld [smem:$0x3FB0]  }
0x29: {  	s4 =	sld [smem:$0x3FB2]  }
0x2a: {  	p0 =	seq.s32 s5, $0x0;
	s5 =	sld [smem:$0x3FB3]  }
0x2b: {  	s6 =	sld [smem:$0x3FB4]  }
0x2c: {  	s7 =	sld [smem:$0x3FB5]  }
0x2d: {  	s3 =	simm.s32 $0x108;
	s8 =	sld [smem:$0x3FB6]  }
0x2e: {  	s3 =	simm.s32 @!p0 $0x1082;
	s9 =	sld [smem:$0x3FB7]  }
0x2f: {  	lr =	sadd.s32 s0, s3;
	s0 =	sld [smem:$0x3FAE]  }
0x30: {  	s3 =	sld [smem:$0x3FB1]  }
0x31: {  	[smem:$0x3FBA] =	sst s10  }
0x32: {  	s10 =	sld [smem:$0x3FB8];
	_ =	sdelay $0x3  }
0x33: {  	p0 =	seq.s32 s10, $0x1;
	s10 =	sld [smem:$0x3FBA];
	_ =	sdelay $0x3  }
0x34: {  	[smem:$0x3FBA] =	sst s10  }
0x35: {  	s10 =	sld [smem:$0x3FB9];
	_ =	sdelay $0x3  }
0x36: {  	p1 =	seq.s32 s10, $0x1;
	s10 =	sld [smem:$0x3FBA];
	_ =	sdelay $0x3  }
0x37: {  	[smem:$0x3FBA] =	sst s10  }
0x38: {  	s10 =	sld [smem:$0x3FBB]  }
0x39: {  	_ = 	snop;
	(pc) =	sbr.ind lr, $3  }
0x3a: {  	_ = 	snop  }
0x3b: {  	_ = 	snop  }
0x3c: {  	p2 =	seq.s32 s10, $0x1;
	s10 =	sld [smem:$0x3FBA]  }
0x3d: {  	_ =	shalt  }
0x3e: {  	_ =	shalt  }
0x3f: {  	_ =	shalt  }
0x40: {  	_ =	shalt  }
0x41: {  	_ =	shalt  }
0x42: {  	_ =	shalt  }
0x43: {  	_ =	shalt  }
0x44: {  	_ =	shalt  }
0x45: {  	_ =	shalt  }
0x46: {  	_ =	shalt  }
0x47: {  	_ =	shalt  }
0x48: {  	_ =	shalt  }
0x49: {  	_ =	shalt  }
0x4a: {  	_ =	shalt  }
0x4b: {  	_ =	shalt  }
0x4c: {  	_ =	shalt  }
0x4d: {  	_ =	shalt  }
0x4e: {  	_ =	shalt  }
0x4f: {  	_ =	shalt  }
0x50: {  	_ =	shalt  }
0x51: {  	_ =	shalt  }
0x52: {  	_ =	shalt  }
0x53: {  	_ =	shalt  }
0x54: {  	_ =	shalt  }
0x55: {  	_ =	shalt  }
0x56: {  	_ =	shalt  }
0x57: {  	_ =	shalt  }
0x58: {  	_ =	shalt  }
0x59: {  	_ =	shalt  }
0x5a: {  	_ =	shalt  }
0x5b: {  	_ =	shalt  }
0x5c: {  	_ =	shalt  }
0x5d: {  	_ =	shalt  }
0x5e: {  	_ =	shalt  }
0x5f: {  	_ =	shalt  }
0x60: {  	_ =	shalt  }
0x61: {  	_ =	shalt  }
0x62: {  	_ =	shalt  }
0x63: {  	_ =	shalt  }
0x64: {  	_ =	shalt  }
0x65: {  	_ =	shalt  }
0x66: {  	_ =	shalt  }
0x67: {  	_ =	shalt  }
0x68: {  	_ =	shalt  }
0x69: {  	_ =	shalt  }
0x6a: {  	_ =	shalt  }
0x6b: {  	_ =	shalt  }
0x6c: {  	_ =	shalt  }
0x6d: {  	_ =	shalt  }
0x6e: {  	_ =	shalt  }
0x6f: {  	_ =	shalt  }
0x70: {  	_ =	shalt  }
0x71: {  	_ =	shalt  }
0x72: {  	_ =	shalt  }
0x73: {  	_ =	shalt  }
0x74: {  	_ =	shalt  }
0x75: {  	_ =	shalt  }
0x76: {  	_ =	shalt  }
0x77: {  	_ =	shalt  }
0x78: {  	_ =	shalt  }
0x79: {  	_ =	shalt  }
0x7a: {  	_ =	shalt  }
0x7b: {  	_ =	shalt  }
0x7c: {  	_ =	shalt  }
0x7d: {  	_ =	shalt  }
0x7e: {  	_ =	shalt  }
0x7f: {  	_ =	shalt  }
0x80: {  	_ =	shalt  }
0x81: {  	_ =	shalt  }
0x82: {  	_ =	shalt  }
0x83: {  	_ =	shalt  }
0x84: {  	_ =	shalt  }
0x85: {  	_ =	shalt  }
0x86: {  	_ =	shalt  }
0x87: {  	_ =	shalt  }
.Lfunc_end0:
.L_simem_size_0:
called_computation_lowered:
.L_overlay_start_0:
0x88: {  	s2 =	sld [smem:$0x3FD9]  }
0x89: {  	s3 =	sld [smem:$0x3FFE];
	_ =	sdelay $0x1  }
0x8a: {  	s1 =	srdreg.scid  }
0x8b: {  	s0 =	sand.u32 $0x1, s1  }
0x8c: {  	s14 =	sshll.u32 s0, $0xA;
	s2 =	sadd.s32 s3, s2  }
0x8d: {  	s2 =	sadd.s32 s2, s14  }
0x8e: {  	[smem:$0x3FC6] =	sst s2  }
0x8f: {  	_ = 	snop  }
0x90: {  	s2 =	sld [smem:$0x3FD0];
	_ =	sdelay $0x2  }
0x91: {  	s15 =	simm.s32 $0xA;
	s4 =	simm.s32 $0x10  }
0x92: {  	[smem:s4], [sflag:s15] =	dma.local [hbm:s2], $0x1  }
0x93: {  	_ =	swait.eq [sflag:s15], $0x1  }
0x94: {  	[sflag:s15] =	ssyncset.done $0x0  }
0x95: {  	[sflag:s15] =	ssyncadd.s32 $0xFFFFFFFF  }
0x96: {  	s16 =	sld [smem:$0x10];
	(tm) =	ssettm $0x1  }
0x97: {  	s17 =	sld [smem:$0x3FFB];
	_ =	sdelay $0x3  }
0x98: {  	_ =	strace s17  }
0x99: {  	s3 =	sld [smem:$0x3FFC];
	_ =	sdelay $0x3  }
0x9a: {  	_ =	strace s3  }
0x9b: {  	s3 =	sld [smem:$0x3FFD];
	_ =	sdelay $0x3  }
0x9c: {  	_ =	strace s3  }
0x9d: {  	_ =	strace $0x8FFFFFFF  }
0x9e: {  	s18 =	sld [smem:$0x3FDB];
	_ =	sdelay $0x1  }
0x9f: {  	s19 =	simm.s32 $_scs_section_size  }
0xa0: {  	s5 =	simm.s32 $_size__tile_overlayer_lowered;
	s6 =	simm.s32 $_tile_overlayer_lowered  }
0xa1: {  	s22 =	simm.s32 $0x1BFF;
	s21 =	sshll.u32 s6, $0x1;
	s3 =	sadd.s32 s19, s18  }
0xa2: {  	s7 =	simm.s32 $0x0;
	s20 =	sshll.u32 s5, $0x1;
	s5 =	sadd.s32 s21, s3  }
0xa3: {  	[timem:s7], [sflag:s22] =	dma.local [hbm:s5], s20  }
0xa4: {  	_ =	swait.ge [sflag:s22], s20  }
0xa5: {  	s4 =	ssub.s32 $0x0, s20;
	[sflag:s22] =	ssyncset.done $0x0  }
0xa6: {  	[sflag:s22] =	ssyncadd.s32 s4;
	_ =	sdelay $0x1  }
0xa7: {  	s23 =	simm.s32 $0x1B8B  }
0xa8: {  	_ =	swait.ge [sflag:s23], $0x1  }
0xa9: {  	[sflag:s23] =	ssyncset.done $0x0  }
0xaa: {  	s25 =	simm.s32 $0x1B8E;
	s24 =	sld [smem:$0x3FFE];
	[sflag:s23] =	ssyncadd.s32 $0xFFFFFFFF  }
0xab: {  	s26 =	simm.s32 $execute0_lowered;
	[smem:$0x3FD2] =	sst s25  }
0xac: {  	s5 =	sshll.u32 s26, $0x1;
	_ =	strace $0x80000046;
	[dreg:$0x1] =	wrdreg $0xFFFFFFFF  }
0xad: {  	s28 =	simm.s32 $_size_execute0_lowered;
	s3 =	sadd.s32 s3, s5;
	[dreg:$0x0] =	wrdreg $0x0  }
0xae: {  	s5 =	sshll.u32 s28, $0x1;
	[dreg:$0x2] =	wrdreg s3  }
0xaf: {  	[dreg:$0x3] =	wrdreg s5  }
0xb0: {  	[dreg:$0x4] =	wrdreg $0xC0  }
0xb1: {  	_ =	task [dreg:s7], $0x5FFFF  }
0xb2: {  	[dreg:$0x1] =	wrdreg $0xFFFFFFFF  }
0xb3: {  	[dreg:$0x0] =	wrdreg $0x60  }
0xb4: {  	[dreg:$0x2] =	wrdreg s24  }
0xb5: {  	[dreg:$0x3] =	wrdreg s16  }
0xb6: {  	[dreg:$0x4] =	wrdreg $0x9  }
0xb7: {  	_ =	task.clear_ibuf [dreg:s7], $0x5FFFF;
	_ =	strace $0x90000046  }
0xb8: {  	s29 =	simm.s32 $0x9;
	_ =	strace $0x80000048  }
0xb9: {  	_ =	swait.ge [sflag:s29], $0x1  }
0xba: {  	[sflag:s29] =	ssyncadd.s32 $0xFFFFFFFF  }
0xbb: {  	_ =	strace $0x90000048  }
0xbc: {  	_ =	sfence  }
0xbd: {  	s30 =	sld [smem:$0x0];
	_ =	sdelay $0x2  }
0xbe: {  	s31 =	sshll.u32 s1, $0xD;
	s1 =	sshrl.u32 s1, $0x2  }
0xbf: {  	s3 =	sand.u32 $0x4000, s31;
	s1 =	sadd.s32 s1, s30  }
0xc0: {  	s0 =	sor.u32 s3, s0;
	s1 =	sshll.u32 s1, $0x11  }
0xc1: {  	s0 =	sor.u32 s1, s0  }
0xc2: {  	s0 =	sadd.s32 $0x8F2B, s0  }
0xc3: {  	[sflag:s0] =	ssyncadd.remote.s32 $0x1  }
0xc4: {  	_ =	sfence.sel $0xFFFF  }
0xc5: {  	[dreg:$0x0] =	wrdreg $0xFFFFFFFF;
	(pc) =	sbr.abs _section_cstart, $3  }
0xc6: {  	[dreg:$0x1] =	wrdreg $0xFFFFFFFF  }
0xc7: {  	_ =	task.clear_ibuf [dreg:s7], $0x2FFFF;
	_ =	strace $0x9FFFFFFF  }
0xc8: {  	(tm) =	ssettm $0x7FFFFFFF  }
0xc9: {  	_ =	shalt  }
tec
execute0_lowered:
.L_overlay_start_1:
0x0: {  	(tag) =	ssettag $0x1  }
0x1: {  	s0 =	rddreg [dreg:$0x0]  }
0x2: {  	s3 =	srdreg.scid;
	s4 =	stileid.u32  }
0x3: {  	s2 =	simm.s32 $0x0;
	s3 =	sand.u32 $0x1, s3;
	s4 =	sshll.u32 s4, $0x1  }
0x4: {  	[smem:$0x7FF] =	sst s2;
	s4 =	sor.u32 s3, s4  }
0x5: {  	s1 =	rddreg [dreg:$0x1];
	_ =	strace $0x80000047;
	s5 =	sshll.u32 s4, $0x7  }
0x6: {  	s4 =	sshll.u32 s4, $0xD;
	s5 =	sadd.s32 s5, s0;
	s0 =	sadd.s32 $0xC00, s0  }
0x7: {  	s3 =	ssub.s32 $0x2, s3;
	s1 =	sadd.s32 s1, s4;
	[dreg:$0x4] =	wrdreg s0  }
0x8: {  	s30 =	sshrl.u32 s3, $0x1;
	s31 =	sadd.s32 $0x2C00, s5;
	[dreg:$0x5] =	wrdreg s1  }
0x9: {  	s0 =	ssub.s32 s3, s30;
	s1 =	sadd.s32 $0x200, s1;
	[dreg:$0x6] =	wrdreg s31  }
0xa: {  	[dreg:$0x7] =	wrdreg s1;
	s0 =	smax.u32 s0, $0x1  }
0xb: {  	s3 =	simm.s32 $0x1;
	s1 =	simm.s32 $0x0;
	[dreg:$0x8] =	wrdreg s0  }
.LBB2_1:
0xc: {  	[dreg:$0x9] =	wrdreg s1  }
0xd: {  	s0 =	rddreg [dreg:$0x4]  }
0xe: {  	[tilespmem:s2], [sflag:$0x1] =	stream.linear.gather [hbm4b:s0+s2], $0x10000, $0x38;
	[tilespmem:$0x18400] =	vst v63  }
0xf: {  	_ =	swait.ge [sflag:s3], $0x10000  }
0x10: {  	[sflag:s3] =	ssyncset.done $0x0  }
0x11: {  	s7 =	simm.s32 $0x10000;
	s8 =	rddreg [dreg:$0x6];
	[sflag:s3] =	ssyncadd.s32 $0xFFFF0000  }
0x12: {  	[tilespmem:s7], [sflag:$0x1] =	stream.linear.gather [hbm4b:s8+s2], $0x400, $0x38;
	[tilespmem:$0x18400] =	vst v63  }
0x13: {  	s13 =	sand.u32 $0x60, s2;
	_ =	swait.ge [sflag:s3], $0x400  }
0x14: {  	s9 =	sand.u32 $0x180, s2;
	s23 =	sor.u32 $0x10, s13;
	[sflag:s3] =	ssyncset.done $0x0  }
0x15: {  	s1 =	sor.u32 s23, s9;
	[sflag:s3] =	ssyncadd.s32 $0xFFFFFC00  }
0x16: {  	v7 =	vld [tilespmem:s1+$0x10000]  }
0x17: {  	v2 =	vld [tilespmem:s7+$0x0];
	_ =	sdelay $0x6  }
0x18: {  	v0 =	vld.idx.msk [tilespmem:v7+s2+$0x0], $0xffff  }
0x19: {  	v3 =	vadd.s32 $0x400, v7;
	v1 =	vld.idx.msk [tilespmem:v2+s2+$0x0], $0xffff  }
0x1a: {  	s24 =	sand.u32 $0xC00, s2;
	v4 =	vadd.s32 $0x400, v2  }
0x1b: {  	s10 =	sadd.s32 $0x10400, s24  }
0x1c: {  	s11 =	sor.u32 s23, s10  }
0x1d: {  	s0 =	sor.u32 s13, s10;
	[tilespmem:s11+$0x0] =	vst v0  }
0x1e: {  	[tilespmem:s0+$0x0] =	vst v1;
	v0 =	vld.idx.msk [tilespmem:v3+s2+$0x0], $0xffff  }
0x1f: {  	v1 =	vld.idx.msk [tilespmem:v4+s2+$0x0], $0xffff;
	v3 =	vadd.s32 $0x800, v7  }
0x20: {  	v4 =	vadd.s32 $0x800, v2;
	_ =	sdelay $0x2  }
0x21: {  	[tilespmem:s11+$0x80] =	vst v0  }
0x22: {  	[tilespmem:s0+$0x80] =	vst v1;
	v0 =	vld.idx.msk [tilespmem:v3+s2+$0x0], $0xffff  }
0x23: {  	v1 =	vld.idx.msk [tilespmem:v4+s2+$0x0], $0xffff;
	v3 =	vadd.s32 $0xC00, v7  }
0x24: {  	v4 =	vadd.s32 $0xC00, v2;
	_ =	sdelay $0x2  }
0x25: {  	[tilespmem:s11+$0x100] =	vst v0  }
0x26: {  	[tilespmem:s0+$0x100] =	vst v1;
	v0 =	vld.idx.msk [tilespmem:v3+s2+$0x0], $0xffff  }
0x27: {  	v1 =	vld.idx.msk [tilespmem:v4+s2+$0x0], $0xffff;
	v3 =	vadd.s32 $0x1000, v7  }
0x28: {  	v4 =	vadd.s32 $0x1000, v2;
	_ =	sdelay $0x2  }
0x29: {  	[tilespmem:s11+$0x180] =	vst v0  }
0x2a: {  	[tilespmem:s0+$0x180] =	vst v1;
	v0 =	vld.idx.msk [tilespmem:v3+s2+$0x0], $0xffff  }
0x2b: {  	v1 =	vld.idx.msk [tilespmem:v4+s2+$0x0], $0xffff;
	v3 =	vadd.s32 $0x1400, v7  }
0x2c: {  	v4 =	vadd.s32 $0x1400, v2;
	_ =	sdelay $0x2  }
0x2d: {  	[tilespmem:s11+$0x200] =	vst v0  }
0x2e: {  	[tilespmem:s0+$0x200] =	vst v1;
	v0 =	vld.idx.msk [tilespmem:v3+s2+$0x0], $0xffff  }
0x2f: {  	v1 =	vld.idx.msk [tilespmem:v4+s2+$0x0], $0xffff;
	v3 =	vadd.s32 $0x1800, v7  }
0x30: {  	v4 =	vadd.s32 $0x1800, v2;
	_ =	sdelay $0x2  }
0x31: {  	[tilespmem:s11+$0x280] =	vst v0  }
0x32: {  	s12 =	sand.u32 $0x3, s2;
	[tilespmem:s0+$0x280] =	vst v1;
	v0 =	vld.idx.msk [tilespmem:v3+s2+$0x0], $0xffff  }
0x33: {  	s0 =	sshll.u32 s12, $0x5;
	v1 =	vld.idx.msk [tilespmem:v4+s2+$0x0], $0xffff;
	v3 =	vadd.s32 $0x1C00, v7  }
0x34: {  	s0 =	sadd.s32 $0x0, s0;
	v4 =	vadd.s32 $0x1C00, v2  }
0x35: {  	s14 =	sadd.s32 $0x10, s0  }
0x36: {  	s15 =	sor.u32 $0x300, s14  }
0x37: {  	s0 =	sor.u32 $0x300, s0;
	[tilespmem:s15+$0x10400] =	vst v0  }
0x38: {  	[tilespmem:s0+$0x10400] =	vst v1;
	v0 =	vld.idx.msk [tilespmem:v3+s2+$0x0], $0xffff  }
0x39: {  	v1 =	vld.idx.msk [tilespmem:v4+s2+$0x0], $0xffff;
	v3 =	vadd.s32 $0x2000, v7  }
0x3a: {  	v4 =	vadd.s32 $0x2000, v2;
	_ =	sdelay $0x1  }
0x3b: {  	s16 =	sor.u32 s2, s2;
	s1 =	sor.u32 $0x380, s14  }
0x3c: {  	s0 =	sor.u32 $0x380, s16;
	[tilespmem:s1+$0x10400] =	vst v0  }
0x3d: {  	[tilespmem:s0+$0x10400] =	vst v1;
	v0 =	vld.idx.msk [tilespmem:v3+s2+$0x0], $0xffff  }
0x3e: {  	v1 =	vld.idx.msk [tilespmem:v4+s2+$0x0], $0xffff;
	v3 =	vadd.s32 $0x2400, v7  }
0x3f: {  	v4 =	vadd.s32 $0x2400, v2  }
0x40: {  	s17 =	sadd.s32 $0x11400, s24  }
0x41: {  	s18 =	sor.u32 s23, s17  }
0x42: {  	s0 =	sor.u32 s13, s17;
	[tilespmem:s18+$0x0] =	vst v0  }
0x43: {  	[tilespmem:s0+$0x0] =	vst v1;
	v0 =	vld.idx.msk [tilespmem:v3+s2+$0x0], $0xffff  }
0x44: {  	v1 =	vld.idx.msk [tilespmem:v4+s2+$0x0], $0xffff;
	v3 =	vadd.s32 $0x2800, v7  }
0x45: {  	v4 =	vadd.s32 $0x2800, v2  }
0x46: {  	s19 =	sadd.s32 $0x11480, s24  }
0x47: {  	s20 =	sor.u32 s23, s19  }
0x48: {  	s0 =	sor.u32 s13, s19;
	[tilespmem:s20+$0x0] =	vst v0  }
0x49: {  	[tilespmem:s0+$0x0] =	vst v1;
	v0 =	vld.idx.msk [tilespmem:v3+s2+$0x0], $0xffff  }
0x4a: {  	v1 =	vld.idx.msk [tilespmem:v4+s2+$0x0], $0xffff;
	v3 =	vadd.s32 $0x2C00, v7  }
0x4b: {  	v4 =	vadd.s32 $0x2C00, v2  }
0x4c: {  	s21 =	sadd.s32 $0x11500, s24  }
0x4d: {  	s22 =	sor.u32 s23, s21  }
0x4e: {  	s0 =	sor.u32 s13, s21;
	[tilespmem:s22+$0x0] =	vst v0  }
0x4f: {  	[tilespmem:s0+$0x0] =	vst v1;
	v0 =	vld.idx.msk [tilespmem:v3+s2+$0x0], $0xffff  }
0x50: {  	v1 =	vld.idx.msk [tilespmem:v4+s2+$0x0], $0xffff;
	v3 =	vadd.s32 $0x3000, v7  }
0x51: {  	v4 =	vadd.s32 $0x3000, v2  }
0x52: {  	s25 =	sadd.s32 $0x11580, s24  }
0x53: {  	s26 =	sor.u32 s23, s25  }
0x54: {  	s0 =	sor.u32 s13, s25;
	[tilespmem:s26+$0x0] =	vst v0  }
0x55: {  	[tilespmem:s0+$0x0] =	vst v1;
	v0 =	vld.idx.msk [tilespmem:v3+s2+$0x0], $0xffff  }
0x56: {  	v1 =	vld.idx.msk [tilespmem:v4+s2+$0x0], $0xffff;
	v3 =	vadd.s32 $0x3400, v7  }
0x57: {  	v4 =	vadd.s32 $0x3400, v2  }
0x58: {  	s3 =	sadd.s32 $0x11600, s24  }
0x59: {  	s4 =	sor.u32 s23, s3  }
0x5a: {  	s0 =	sor.u32 s13, s3;
	[tilespmem:s4+$0x0] =	vst v0  }
0x5b: {  	[tilespmem:s0+$0x0] =	vst v1;
	v0 =	vld.idx.msk [tilespmem:v3+s2+$0x0], $0xffff  }
0x5c: {  	v1 =	vld.idx.msk [tilespmem:v4+s2+$0x0], $0xffff;
	v3 =	vadd.s32 $0x3800, v7  }
0x5d: {  	v4 =	vadd.s32 $0x3800, v2  }
0x5e: {  	s5 =	sadd.s32 $0x11680, s24  }
0x5f: {  	s6 =	sor.u32 s23, s5  }
0x60: {  	s0 =	sor.u32 s13, s5;
	[tilespmem:s6+$0x0] =	vst v0  }
0x61: {  	[tilespmem:s0+$0x0] =	vst v1;
	v0 =	vld.idx.msk [tilespmem:v3+s2+$0x0], $0xffff  }
0x62: {  	v1 =	vld.idx.msk [tilespmem:v4+s2+$0x0], $0xffff;
	v3 =	vadd.s32 $0x3C00, v7  }
0x63: {  	v4 =	vadd.s32 $0x3C00, v2  }
0x64: {  	s7 =	sadd.s32 $0x11700, s24  }
0x65: {  	s8 =	sor.u32 s23, s7  }
0x66: {  	s0 =	sor.u32 s13, s7;
	[tilespmem:s8+$0x0] =	vst v0  }
0x67: {  	[tilespmem:s0+$0x0] =	vst v1;
	v0 =	vld.idx.msk [tilespmem:v3+s2+$0x0], $0xffff  }
0x68: {  	v1 =	vld.idx.msk [tilespmem:v4+s2+$0x0], $0xffff  }
0x69: {  	v3 =	vadd.s32 $0x4000, v7  }
0x6a: {  	s9 =	sadd.s32 $0x11780, s24  }
0x6b: {  	s10 =	sor.u32 s23, s9;
	v4 =	vadd.s32 $0x4000, v2  }
0x6c: {  	s11 =	simm.s32 $0x10020;
	s0 =	sor.u32 s13, s9;
	[tilespmem:s10+$0x0] =	vst v0  }
0x6d: {  	v0 =	vld [tilespmem:s11+$0x0];
	[tilespmem:s0+$0x0] =	vst v1  }
0x6e: {  	v1 =	vld.idx.msk [tilespmem:v3+s2+$0x0], $0xffff  }
0x6f: {  	v3 =	vadd.s32 $0x4400, v7  }
0x70: {  	v4 =	vld.idx.msk [tilespmem:v4+s2+$0x0], $0xffff  }
0x71: {  	v5 =	vadd.s32 $0x4400, v2;
	s12 =	sadd.s32 $0x12400, s24;
	s0 =	simm.s32 $0x20  }
0x72: {  	s14 =	sor.u32 s23, s12;
	s22 =	sand.u32 $0x60, s0  }
0x73: {  	s4 =	sand.u32 $0x180, s0;
	[tilespmem:s14+$0x0] =	vst v1;
	s14 =	sor.u32 $0x10, s22  }
0x74: {  	s1 =	sor.u32 s13, s12;
	v3 =	vld.idx.msk [tilespmem:v3+s2+$0x0], $0xffff;
	s15 =	sor.u32 s14, s4  }
0x75: {  	[tilespmem:s1+$0x0] =	vst v4;
	v4 =	vadd.s32 $0x4800, v7;
	v1 =	vld [tilespmem:s15+$0x10000]  }
0x76: {  	v5 =	vld.idx.msk [tilespmem:v5+s2+$0x0], $0xffff  }
0x77: {  	v6 =	vadd.s32 $0x4800, v2;
	s16 =	sadd.s32 $0x12480, s24  }
0x78: {  	s17 =	sor.u32 s23, s16  }
0x79: {  	[tilespmem:s17+$0x0] =	vst v3  }
0x7a: {  	s1 =	sor.u32 s13, s16;
	v3 =	vld.idx.msk [tilespmem:v4+s2+$0x0], $0xffff  }
0x7b: {  	[tilespmem:s1+$0x0] =	vst v5;
	v4 =	vadd.s32 $0x4C00, v7  }
0x7c: {  	v5 =	vld.idx.msk [tilespmem:v6+s2+$0x0], $0xffff  }
0x7d: {  	s18 =	sadd.s32 $0x12500, s24;
	v6 =	vadd.s32 $0x4C00, v2;
	v8 =	vld.idx.msk [tilespmem:v1+s2+$0x0], $0xffff  }
0x7e: {  	s19 =	sor.u32 s23, s18;
	v9 =	vld.idx.msk [tilespmem:v0+s2+$0x0], $0xffff;
	s1 =	simm.s32 $0x100;
	v10 =	vadd.s32 $0x400, v1  }
0x7f: {  	s15 =	sand.u32 $0xC00, s1;
	[tilespmem:s19+$0x0] =	vst v3;
	v3 =	vadd.s32 $0x400, v0  }
0x80: {  	s3 =	sor.u32 s13, s18;
	s20 =	sadd.s32 $0x10400, s15;
	v4 =	vld.idx.msk [tilespmem:v4+s2+$0x0], $0xffff  }
0x81: {  	s5 =	sor.u32 s14, s20;
	[tilespmem:s3+$0x0] =	vst v5;
	v5 =	vadd.s32 $0x5000, v7  }
0x82: {  	s21 =	sor.u32 s22, s20;
	v6 =	vld.idx.msk [tilespmem:v6+s2+$0x0], $0xffff;
	[tilespmem:s5+$0x0] =	vst v8  }
0x83: {  	s25 =	sadd.s32 $0x12580, s24;
	[tilespmem:s21+$0x0] =	vst v9;
	v8 =	vadd.s32 $0x5000, v2;
	v9 =	vld.idx.msk [tilespmem:v10+s2+$0x0], $0xffff  }
0x84: {  	s6 =	sor.u32 s23, s25;
	v10 =	vadd.s32 $0x800, v1;
	v3 =	vld.idx.msk [tilespmem:v3+s2+$0x0], $0xffff  }
0x85: {  	[tilespmem:s6+$0x0] =	vst v4;
	v4 =	vadd.s32 $0x800, v0  }
0x86: {  	s4 =	sor.u32 s13, s25;
	v5 =	vld.idx.msk [tilespmem:v5+s2+$0x0], $0xffff  }
0x87: {  	[tilespmem:s4+$0x0] =	vst v6;
	v6 =	vadd.s32 $0x5400, v7  }
0x88: {  	v8 =	vld.idx.msk [tilespmem:v8+s2+$0x0], $0xffff;
	[tilespmem:s5+$0x80] =	vst v9  }
0x89: {  	s26 =	sadd.s32 $0x12600, s24;
	v9 =	vadd.s32 $0x5400, v2;
	[tilespmem:s21+$0x80] =	vst v3;
	v3 =	vld.idx.msk [tilespmem:v10+s2+$0x0], $0xffff  }
0x8a: {  	s7 =	sor.u32 s23, s26;
	v10 =	vadd.s32 $0xC00, v1;
	v4 =	vld.idx.msk [tilespmem:v4+s2+$0x0], $0xffff  }
0x8b: {  	[tilespmem:s7+$0x0] =	vst v5;
	v5 =	vadd.s32 $0xC00, v0  }
0x8c: {  	s4 =	sor.u32 s13, s26;
	v6 =	vld.idx.msk [tilespmem:v6+s2+$0x0], $0xffff  }
0x8d: {  	[tilespmem:s4+$0x0] =	vst v8;
	v8 =	vadd.s32 $0x5800, v7  }
0x8e: {  	v9 =	vld.idx.msk [tilespmem:v9+s2+$0x0], $0xffff;
	[tilespmem:s5+$0x100] =	vst v3  }
0x8f: {  	s8 =	sadd.s32 $0x12680, s24;
	v3 =	vadd.s32 $0x5800, v2;
	[tilespmem:s21+$0x100] =	vst v4;
	v4 =	vld.idx.msk [tilespmem:v10+s2+$0x0], $0xffff  }
0x90: {  	s9 =	sor.u32 s23, s8;
	v10 =	vadd.s32 $0x1000, v1;
	v5 =	vld.idx.msk [tilespmem:v5+s2+$0x0], $0xffff  }
0x91: {  	[tilespmem:s9+$0x0] =	vst v6;
	v6 =	vadd.s32 $0x1000, v0  }
0x92: {  	s4 =	sor.u32 s13, s8;
	v8 =	vld.idx.msk [tilespmem:v8+s2+$0x0], $0xffff  }
0x93: {  	[tilespmem:s4+$0x0] =	vst v9;
	v9 =	vadd.s32 $0x5C00, v7  }
0x94: {  	v3 =	vld.idx.msk [tilespmem:v3+s2+$0x0], $0xffff;
	[tilespmem:s5+$0x180] =	vst v4  }
0x95: {  	s10 =	sadd.s32 $0x12700, s24;
	v4 =	vadd.s32 $0x5C00, v2;
	[tilespmem:s21+$0x180] =	vst v5;
	v5 =	vld.idx.msk [tilespmem:v10+s2+$0x0], $0xffff  }
0x96: {  	s11 =	sor.u32 s23, s10;
	v10 =	vadd.s32 $0x1400, v1;
	v6 =	vld.idx.msk [tilespmem:v6+s2+$0x0], $0xffff  }
0x97: {  	[tilespmem:s11+$0x0] =	vst v8;
	v8 =	vadd.s32 $0x1400, v0  }
0x98: {  	s4 =	sor.u32 s13, s10;
	v9 =	vld.idx.msk [tilespmem:v9+s2+$0x0], $0xffff  }
0x99: {  	[tilespmem:s4+$0x0] =	vst v3;
	v3 =	vadd.s32 $0x6000, v7  }
0x9a: {  	v4 =	vld.idx.msk [tilespmem:v4+s2+$0x0], $0xffff;
	[tilespmem:s5+$0x200] =	vst v5  }
0x9b: {  	s12 =	sadd.s32 $0x12780, s24;
	v5 =	vadd.s32 $0x6000, v2;
	[tilespmem:s21+$0x200] =	vst v6;
	v6 =	vld.idx.msk [tilespmem:v10+s2+$0x0], $0xffff  }
0x9c: {  	s16 =	sor.u32 s23, s12;
	v10 =	vadd.s32 $0x1800, v1;
	v8 =	vld.idx.msk [tilespmem:v8+s2+$0x0], $0xffff  }
0x9d: {  	[tilespmem:s16+$0x0] =	vst v9;
	v9 =	vadd.s32 $0x1800, v0  }
0x9e: {  	s4 =	sor.u32 s13, s12;
	v3 =	vld.idx.msk [tilespmem:v3+s2+$0x0], $0xffff  }
0x9f: {  	[tilespmem:s4+$0x0] =	vst v4;
	v4 =	vadd.s32 $0x6400, v7  }
0xa0: {  	s17 =	simm.s32 $0x1;
	v5 =	vld.idx.msk [tilespmem:v5+s2+$0x0], $0xffff;
	[tilespmem:s5+$0x280] =	vst v6  }
0xa1: {  	s18 =	sadd.s32 $0x13400, s24;
	s4 =	sand.u32 $0x3, s17;
	v6 =	vadd.s32 $0x6400, v2;
	[tilespmem:s21+$0x280] =	vst v8;
	v8 =	vld.idx.msk [tilespmem:v10+s2+$0x0], $0xffff  }
0xa2: {  	s19 =	sor.u32 s23, s18;
	s4 =	sshll.u32 s4, $0x5;
	v10 =	vadd.s32 $0x1C00, v1;
	v9 =	vld.idx.msk [tilespmem:v9+s2+$0x0], $0xffff  }
0xa3: {  	s4 =	sadd.s32 $0x100, s4;
	[tilespmem:s19+$0x0] =	vst v3;
	v3 =	vadd.s32 $0x1C00, v0  }
0xa4: {  	s3 =	sor.u32 s13, s18;
	s20 =	sadd.s32 $0x10, s4;
	v4 =	vld.idx.msk [tilespmem:v4+s2+$0x0], $0xffff  }
0xa5: {  	s21 =	sor.u32 $0x300, s20;
	[tilespmem:s3+$0x0] =	vst v5;
	v5 =	vadd.s32 $0x6800, v7  }
0xa6: {  	s4 =	sor.u32 $0x300, s4;
	v6 =	vld.idx.msk [tilespmem:v6+s2+$0x0], $0xffff;
	[tilespmem:s21+$0x10400] =	vst v8  }
0xa7: {  	s25 =	sadd.s32 $0x13480, s24;
	v8 =	vadd.s32 $0x6800, v2;
	[tilespmem:s4+$0x10400] =	vst v9;
	v9 =	vld.idx.msk [tilespmem:v10+s2+$0x0], $0xffff  }
0xa8: {  	s26 =	sor.u32 s23, s25;
	v10 =	vadd.s32 $0x2000, v1;
	v3 =	vld.idx.msk [tilespmem:v3+s2+$0x0], $0xffff  }
0xa9: {  	[tilespmem:s26+$0x0] =	vst v4;
	v4 =	vadd.s32 $0x2000, v0  }
0xaa: {  	s3 =	sor.u32 s13, s25;
	v5 =	vld.idx.msk [tilespmem:v5+s2+$0x0], $0xffff  }
0xab: {  	s0 =	sor.u32 s1, s0;
	s4 =	sor.u32 $0x380, s20;
	[tilespmem:s3+$0x0] =	vst v6;
	v6 =	vadd.s32 $0x6C00, v7  }
0xac: {  	s0 =	sor.u32 $0x380, s0;
	v8 =	vld.idx.msk [tilespmem:v8+s2+$0x0], $0xffff;
	[tilespmem:s4+$0x10400] =	vst v9  }
0xad: {  	s5 =	sadd.s32 $0x13500, s24;
	v9 =	vadd.s32 $0x6C00, v2;
	[tilespmem:s0+$0x10400] =	vst v3;
	v3 =	vld.idx.msk [tilespmem:v10+s2+$0x0], $0xffff  }
0xae: {  	s6 =	sor.u32 s23, s5;
	v10 =	vadd.s32 $0x2400, v1;
	v4 =	vld.idx.msk [tilespmem:v4+s2+$0x0], $0xffff  }
0xaf: {  	[tilespmem:s6+$0x0] =	vst v5;
	v5 =	vadd.s32 $0x2400, v0  }
0xb0: {  	s7 =	sadd.s32 $0x11400, s15;
	s0 =	sor.u32 s13, s5;
	v6 =	vld.idx.msk [tilespmem:v6+s2+$0x0], $0xffff  }
0xb1: {  	s8 =	sor.u32 s14, s7;
	[tilespmem:s0+$0x0] =	vst v8;
	v8 =	vadd.s32 $0x7000, v7  }
0xb2: {  	s1 =	sor.u32 s22, s7;
	v9 =	vld.idx.msk [tilespmem:v9+s2+$0x0], $0xffff;
	[tilespmem:s8+$0x0] =	vst v3  }
0xb3: {  	s9 =	sadd.s32 $0x13580, s24;
	v3 =	vadd.s32 $0x7000, v2;
	[tilespmem:s1+$0x0] =	vst v4;
	v4 =	vld.idx.msk [tilespmem:v10+s2+$0x0], $0xffff  }
0xb4: {  	s10 =	sor.u32 s23, s9;
	v10 =	vadd.s32 $0x2800, v1;
	v5 =	vld.idx.msk [tilespmem:v5+s2+$0x0], $0xffff  }
0xb5: {  	[tilespmem:s10+$0x0] =	vst v6;
	v6 =	vadd.s32 $0x2800, v0  }
0xb6: {  	s11 =	sadd.s32 $0x11480, s15;
	s0 =	sor.u32 s13, s9;
	v8 =	vld.idx.msk [tilespmem:v8+s2+$0x0], $0xffff  }
0xb7: {  	s12 =	sor.u32 s14, s11;
	[tilespmem:s0+$0x0] =	vst v9;
	v9 =	vadd.s32 $0x7400, v7  }
0xb8: {  	s1 =	sor.u32 s22, s11;
	v3 =	vld.idx.msk [tilespmem:v3+s2+$0x0], $0xffff;
	[tilespmem:s12+$0x0] =	vst v4  }
0xb9: {  	s16 =	sadd.s32 $0x13600, s24;
	v4 =	vadd.s32 $0x7400, v2;
	[tilespmem:s1+$0x0] =	vst v5;
	v5 =	vld.idx.msk [tilespmem:v10+s2+$0x0], $0xffff  }
0xba: {  	s17 =	sor.u32 s23, s16;
	v10 =	vadd.s32 $0x2C00, v1;
	v6 =	vld.idx.msk [tilespmem:v6+s2+$0x0], $0xffff  }
0xbb: {  	[tilespmem:s17+$0x0] =	vst v8;
	v8 =	vadd.s32 $0x2C00, v0  }
0xbc: {  	s18 =	sadd.s32 $0x11500, s15;
	s0 =	sor.u32 s13, s16;
	v9 =	vld.idx.msk [tilespmem:v9+s2+$0x0], $0xffff  }
0xbd: {  	s19 =	sor.u32 s14, s18;
	[tilespmem:s0+$0x0] =	vst v3;
	v3 =	vadd.s32 $0x7800, v7  }
0xbe: {  	s1 =	sor.u32 s22, s18;
	v4 =	vld.idx.msk [tilespmem:v4+s2+$0x0], $0xffff;
	[tilespmem:s19+$0x0] =	vst v5  }
0xbf: {  	s20 =	sadd.s32 $0x13680, s24;
	v5 =	vadd.s32 $0x7800, v2;
	[tilespmem:s1+$0x0] =	vst v6;
	v6 =	vld.idx.msk [tilespmem:v10+s2+$0x0], $0xffff  }
0xc0: {  	s21 =	sor.u32 s23, s20;
	v10 =	vadd.s32 $0x3000, v1;
	v8 =	vld.idx.msk [tilespmem:v8+s2+$0x0], $0xffff  }
0xc1: {  	[tilespmem:s21+$0x0] =	vst v9;
	v9 =	vadd.s32 $0x3000, v0  }
0xc2: {  	s25 =	sadd.s32 $0x11580, s15;
	s0 =	sor.u32 s13, s20;
	v3 =	vld.idx.msk [tilespmem:v3+s2+$0x0], $0xffff  }
0xc3: {  	s26 =	sor.u32 s14, s25;
	[tilespmem:s0+$0x0] =	vst v4;
	v4 =	vadd.s32 $0x7C00, v7  }
0xc4: {  	s1 =	sor.u32 s22, s25;
	v5 =	vld.idx.msk [tilespmem:v5+s2+$0x0], $0xffff;
	[tilespmem:s26+$0x0] =	vst v6  }
0xc5: {  	s3 =	sadd.s32 $0x13700, s24;
	v6 =	vadd.s32 $0x7C00, v2;
	[tilespmem:s1+$0x0] =	vst v8;
	v8 =	vld.idx.msk [tilespmem:v10+s2+$0x0], $0xffff  }
0xc6: {  	s4 =	sor.u32 s23, s3;
	v10 =	vadd.s32 $0x3400, v1;
	v9 =	vld.idx.msk [tilespmem:v9+s2+$0x0], $0xffff  }
0xc7: {  	[tilespmem:s4+$0x0] =	vst v3;
	v3 =	vadd.s32 $0x3400, v0  }
0xc8: {  	s5 =	sadd.s32 $0x11600, s15;
	s0 =	sor.u32 s13, s3;
	v4 =	vld.idx.msk [tilespmem:v4+s2+$0x0], $0xffff  }
0xc9: {  	s6 =	sor.u32 s14, s5;
	[tilespmem:s0+$0x0] =	vst v5;
	v5 =	vadd.s32 $0x8000, v7  }
0xca: {  	s1 =	sor.u32 s22, s5;
	v6 =	vld.idx.msk [tilespmem:v6+s2+$0x0], $0xffff;
	[tilespmem:s6+$0x0] =	vst v8  }
0xcb: {  	s7 =	sadd.s32 $0x13780, s24;
	v8 =	vadd.s32 $0x8000, v2;
	[tilespmem:s1+$0x0] =	vst v9;
	v9 =	vld.idx.msk [tilespmem:v10+s2+$0x0], $0xffff  }
0xcc: {  	s8 =	sor.u32 s23, s7;
	v10 =	vadd.s32 $0x3800, v1;
	v3 =	vld.idx.msk [tilespmem:v3+s2+$0x0], $0xffff  }
0xcd: {  	[tilespmem:s8+$0x0] =	vst v4;
	v4 =	vadd.s32 $0x3800, v0  }
0xce: {  	s9 =	sadd.s32 $0x11680, s15;
	s0 =	sor.u32 s13, s7;
	v5 =	vld.idx.msk [tilespmem:v5+s2+$0x0], $0xffff  }
0xcf: {  	s10 =	sor.u32 s14, s9;
	[tilespmem:s0+$0x0] =	vst v6;
	v6 =	vadd.s32 $0x8400, v7  }
0xd0: {  	s1 =	sor.u32 s22, s9;
	v8 =	vld.idx.msk [tilespmem:v8+s2+$0x0], $0xffff;
	[tilespmem:s10+$0x0] =	vst v9  }
0xd1: {  	s11 =	sadd.s32 $0x14400, s24;
	v9 =	vadd.s32 $0x8400, v2;
	[tilespmem:s1+$0x0] =	vst v3;
	v3 =	vld.idx.msk [tilespmem:v10+s2+$0x0], $0xffff  }
0xd2: {  	s12 =	sor.u32 s23, s11;
	v10 =	vadd.s32 $0x3C00, v1;
	v4 =	vld.idx.msk [tilespmem:v4+s2+$0x0], $0xffff  }
0xd3: {  	[tilespmem:s12+$0x0] =	vst v5;
	v5 =	vadd.s32 $0x3C00, v0  }
0xd4: {  	s16 =	sadd.s32 $0x11700, s15;
	s0 =	sor.u32 s13, s11;
	v6 =	vld.idx.msk [tilespmem:v6+s2+$0x0], $0xffff  }
0xd5: {  	s17 =	sor.u32 s14, s16;
	[tilespmem:s0+$0x0] =	vst v8;
	v8 =	vadd.s32 $0x8800, v7  }
0xd6: {  	s1 =	sor.u32 s22, s16;
	v9 =	vld.idx.msk [tilespmem:v9+s2+$0x0], $0xffff;
	[tilespmem:s17+$0x0] =	vst v3  }
0xd7: {  	s18 =	sadd.s32 $0x14480, s24;
	v3 =	vadd.s32 $0x8800, v2;
	[tilespmem:s1+$0x0] =	vst v4;
	v4 =	vld.idx.msk [tilespmem:v10+s2+$0x0], $0xffff  }
0xd8: {  	s19 =	sor.u32 s23, s18;
	v10 =	vadd.s32 $0x4000, v1;
	v5 =	vld.idx.msk [tilespmem:v5+s2+$0x0], $0xffff  }
0xd9: {  	[tilespmem:s19+$0x0] =	vst v6;
	v6 =	vadd.s32 $0x4000, v0  }
0xda: {  	s20 =	sadd.s32 $0x11780, s15;
	s0 =	sor.u32 s13, s18;
	v8 =	vld.idx.msk [tilespmem:v8+s2+$0x0], $0xffff  }
0xdb: {  	s21 =	sor.u32 s14, s20;
	[tilespmem:s0+$0x0] =	vst v9;
	v9 =	vadd.s32 $0x8C00, v7  }
0xdc: {  	s1 =	sor.u32 s22, s20;
	v11 =	vld.idx.msk [tilespmem:v3+s2+$0x0], $0xffff;
	[tilespmem:s21+$0x0] =	vst v4  }
0xdd: {  	s25 =	sadd.s32 $0x14500, s24;
	v4 =	vadd.s32 $0x8C00, v2;
	[tilespmem:s1+$0x0] =	vst v5;
	v5 =	vld.idx.msk [tilespmem:v10+s2+$0x0], $0xffff  }
0xde: {  	s26 =	sor.u32 s23, s25;
	v10 =	vadd.s32 $0x4400, v1;
	v6 =	vld.idx.msk [tilespmem:v6+s2+$0x0], $0xffff  }
0xdf: {  	[tilespmem:s26+$0x0] =	vst v8;
	v8 =	vadd.s32 $0x4400, v0  }
0xe0: {  	s3 =	simm.s32 $0x10040;
	s4 =	sadd.s32 $0x12400, s15;
	s0 =	sor.u32 s13, s25;
	v9 =	vld.idx.msk [tilespmem:v9+s2+$0x0], $0xffff  }
0xe1: {  	s5 =	sor.u32 s14, s4;
	v3 =	vld [tilespmem:s3+$0x0];
	[tilespmem:s0+$0x0] =	vst v11;
	s0 =	simm.s32 $0x40;
	v11 =	vadd.s32 $0x9000, v7  }
0xe2: {  	s3 =	sor.u32 s22, s4;
	v12 =	vld.idx.msk [tilespmem:v4+s2+$0x0], $0xffff;
	s16 =	sand.u32 $0x60, s0;
	[tilespmem:s5+$0x0] =	vst v5  }
0xe3: {  	s7 =	sadd.s32 $0x14580, s24;
	s6 =	sand.u32 $0x180, s0;
	s17 =	sor.u32 $0x10, s16;
	[tilespmem:s3+$0x0] =	vst v6;
	v5 =	vld.idx.msk [tilespmem:v10+s2+$0x0], $0xffff  }
0xe4: {  	s8 =	sor.u32 s23, s7;
	s1 =	sor.u32 s17, s6;
	v6 =	vld.idx.msk [tilespmem:v8+s2+$0x0], $0xffff;
	v8 =	vadd.s32 $0x4800, v1  }
0xe5: {  	v4 =	vld [tilespmem:s1+$0x10000];
	[tilespmem:s8+$0x0] =	vst v9;
	v9 =	vadd.s32 $0x4800, v0  }
0xe6: {  	s9 =	sadd.s32 $0x12480, s15;
	v10 =	vadd.s32 $0x9000, v2;
	v11 =	vld.idx.msk [tilespmem:v11+s2+$0x0], $0xffff  }
0xe7: {  	v13 =	vadd.s32 $0x9400, v7;
	s10 =	sor.u32 s14, s9  }
0xe8: {  	s1 =	sor.u32 s22, s9;
	[tilespmem:s10+$0x0] =	vst v5  }
0xe9: {  	s11 =	sadd.s32 $0x14600, s24;
	s3 =	sor.u32 s13, s7;
	[tilespmem:s1+$0x0] =	vst v6;
	v5 =	vld.idx.msk [tilespmem:v8+s2+$0x0], $0xffff  }
0xea: {  	s12 =	sor.u32 s23, s11;
	[tilespmem:s3+$0x0] =	vst v12;
	v8 =	vadd.s32 $0x4C00, v1;
	v6 =	vld.idx.msk [tilespmem:v9+s2+$0x0], $0xffff  }
0xeb: {  	v9 =	vld.idx.msk [tilespmem:v10+s2+$0x0], $0xffff;
	v10 =	vadd.s32 $0x4C00, v0;
	[tilespmem:s12+$0x0] =	vst v11  }
0xec: {  	s18 =	sadd.s32 $0x12500, s15;
	v11 =	vadd.s32 $0x9400, v2;
	v12 =	vld.idx.msk [tilespmem:v13+s2+$0x0], $0xffff  }
0xed: {  	v14 =	vadd.s32 $0x9800, v7;
	s19 =	sor.u32 s14, s18;
	v13 =	vld.idx.msk [tilespmem:v4+s2+$0x0], $0xffff  }
0xee: {  	s20 =	sor.u32 s22, s18;
	v15 =	vld.idx.msk [tilespmem:v3+s2+$0x0], $0xffff;
	v16 =	vadd.s32 $0x400, v4;
	s1 =	simm.s32 $0x200;
	[tilespmem:s19+$0x0] =	vst v5  }
0xef: {  	s25 =	sadd.s32 $0x14680, s24;
	s21 =	sor.u32 s13, s11;
	s18 =	sand.u32 $0xC00, s1;
	v5 =	vadd.s32 $0x400, v3;
	[tilespmem:s20+$0x0] =	vst v6;
	v6 =	vld.idx.msk [tilespmem:v8+s2+$0x0], $0xffff  }
0xf0: {  	s7 =	sor.u32 s23, s25;
	s26 =	sadd.s32 $0x10400, s18;
	[tilespmem:s21+$0x0] =	vst v9;
	v9 =	vadd.s32 $0x5000, v1;
	v8 =	vld.idx.msk [tilespmem:v10+s2+$0x0], $0xffff  }
0xf1: {  	s5 =	sor.u32 s17, s26;
	v10 =	vld.idx.msk [tilespmem:v11+s2+$0x0], $0xffff;
	v11 =	vadd.s32 $0x5000, v0;
	[tilespmem:s7+$0x0] =	vst v12  }
0xf2: {  	s8 =	sadd.s32 $0x12580, s15;
	s3 =	sor.u32 s16, s26;
	[tilespmem:s5+$0x0] =	vst v13;
	v13 =	vadd.s32 $0x9800, v2;
	v12 =	vld.idx.msk [tilespmem:v14+s2+$0x0], $0xffff  }
0xf3: {  	[tilespmem:s3+$0x0] =	vst v15;
	v15 =	vadd.s32 $0x9C00, v7;
	s7 =	sor.u32 s14, s8;
	v14 =	vld.idx.msk [tilespmem:v16+s2+$0x0], $0xffff  }
0xf4: {  	s6 =	sor.u32 s22, s8;
	v16 =	vadd.s32 $0x800, v4;
	v5 =	vld.idx.msk [tilespmem:v5+s2+$0x0], $0xffff;
	[tilespmem:s7+$0x0] =	vst v6  }
0xf5: {  	s4 =	sor.u32 s13, s25;
	s9 =	sadd.s32 $0x14700, s24;
	v6 =	vadd.s32 $0x800, v3;
	[tilespmem:s6+$0x0] =	vst v8;
	v8 =	vld.idx.msk [tilespmem:v9+s2+$0x0], $0xffff  }
0xf6: {  	s10 =	sor.u32 s23, s9;
	[tilespmem:s4+$0x0] =	vst v10;
	v10 =	vadd.s32 $0x5400, v1;
	v9 =	vld.idx.msk [tilespmem:v11+s2+$0x0], $0xffff  }
0xf7: {  	v11 =	vld.idx.msk [tilespmem:v13+s2+$0x0], $0xffff;
	[tilespmem:s10+$0x0] =	vst v12;
	v12 =	vadd.s32 $0x5400, v0  }
0xf8: {  	s11 =	sadd.s32 $0x12600, s15;
	[tilespmem:s5+$0x80] =	vst v14;
	v14 =	vadd.s32 $0x9C00, v2;
	v13 =	vld.idx.msk [tilespmem:v15+s2+$0x0], $0xffff  }
0xf9: {  	s12 =	sor.u32 s14, s11;
	[tilespmem:s3+$0x80] =	vst v5;
	v5 =	vld.idx.msk [tilespmem:v16+s2+$0x0], $0xffff;
	v15 =	vadd.s32 $0xA000, v7  }
0xfa: {  	s4 =	sor.u32 s22, s11;
	v16 =	vadd.s32 $0xC00, v4;
	v6 =	vld.idx.msk [tilespmem:v6+s2+$0x0], $0xffff;
	[tilespmem:s12+$0x0] =	vst v8  }
0xfb: {  	s19 =	sadd.s32 $0x14780, s24;
	s6 =	sor.u32 s13, s9;
	v8 =	vadd.s32 $0xC00, v3;
	[tilespmem:s4+$0x0] =	vst v9;
	v9 =	vld.idx.msk [tilespmem:v10+s2+$0x0], $0xffff  }
0xfc: {  	s20 =	sor.u32 s23, s19;
	[tilespmem:s6+$0x0] =	vst v11;
	v11 =	vadd.s32 $0x5800, v1;
	v10 =	vld.idx.msk [tilespmem:v12+s2+$0x0], $0xffff  }
0xfd: {  	v12 =	vld.idx.msk [tilespmem:v14+s2+$0x0], $0xffff;
	[tilespmem:s20+$0x0] =	vst v13;
	v13 =	vadd.s32 $0x5800, v0  }
0xfe: {  	s21 =	sadd.s32 $0x12680, s15;
	v14 =	vadd.s32 $0xA000, v2;
	[tilespmem:s5+$0x100] =	vst v5;
	v5 =	vld.idx.msk [tilespmem:v15+s2+$0x0], $0xffff  }
0xff: {  	s25 =	sor.u32 s14, s21;
	[tilespmem:s3+$0x100] =	vst v6;
	v6 =	vld.idx.msk [tilespmem:v16+s2+$0x0], $0xffff;
	v15 =	vadd.s32 $0xA400, v7  }
0x100: {  	s6 =	sor.u32 s22, s21;
	v16 =	vadd.s32 $0x1000, v4;
	v8 =	vld.idx.msk [tilespmem:v8+s2+$0x0], $0xffff;
	[tilespmem:s25+$0x0] =	vst v9  }
0x101: {  	s26 =	sadd.s32 $0x15400, s24;
	s4 =	sor.u32 s13, s19;
	v9 =	vadd.s32 $0x1000, v3;
	[tilespmem:s6+$0x0] =	vst v10;
	v10 =	vld.idx.msk [tilespmem:v11+s2+$0x0], $0xffff  }
0x102: {  	s7 =	sor.u32 s23, s26;
	[tilespmem:s4+$0x0] =	vst v12;
	v12 =	vadd.s32 $0x5C00, v1;
	v11 =	vld.idx.msk [tilespmem:v13+s2+$0x0], $0xffff  }
0x103: {  	v13 =	vld.idx.msk [tilespmem:v14+s2+$0x0], $0xffff;
	[tilespmem:s7+$0x0] =	vst v5;
	v5 =	vadd.s32 $0x5C00, v0  }
0x104: {  	s8 =	sadd.s32 $0x12700, s15;
	v14 =	vadd.s32 $0xA400, v2;
	[tilespmem:s5+$0x180] =	vst v6;
	v6 =	vld.idx.msk [tilespmem:v15+s2+$0x0], $0xffff  }
0x105: {  	s9 =	sor.u32 s14, s8;
	[tilespmem:s3+$0x180] =	vst v8;
	v8 =	vld.idx.msk [tilespmem:v16+s2+$0x0], $0xffff;
	v15 =	vadd.s32 $0xA800, v7  }
0x106: {  	s4 =	sor.u32 s22, s8;
	v16 =	vadd.s32 $0x1400, v4;
	v9 =	vld.idx.msk [tilespmem:v9+s2+$0x0], $0xffff;
	[tilespmem:s9+$0x0] =	vst v10  }
0x107: {  	s10 =	sadd.s32 $0x15480, s24;
	s6 =	sor.u32 s13, s26;
	v10 =	vadd.s32 $0x1400, v3;
	[tilespmem:s4+$0x0] =	vst v11;
	v11 =	vld.idx.msk [tilespmem:v12+s2+$0x0], $0xffff  }
0x108: {  	s11 =	sor.u32 s23, s10;
	[tilespmem:s6+$0x0] =	vst v13;
	v12 =	vadd.s32 $0x6000, v1;
	v5 =	vld.idx.msk [tilespmem:v5+s2+$0x0], $0xffff  }
0x109: {  	v13 =	vld.idx.msk [tilespmem:v14+s2+$0x0], $0xffff;
	[tilespmem:s11+$0x0] =	vst v6;
	v6 =	vadd.s32 $0x6000, v0  }
0x10a: {  	s12 =	sadd.s32 $0x12780, s15;
	v14 =	vadd.s32 $0xA800, v2;
	[tilespmem:s5+$0x200] =	vst v8;
	v8 =	vld.idx.msk [tilespmem:v15+s2+$0x0], $0xffff  }
0x10b: {  	s19 =	sor.u32 s14, s12;
	[tilespmem:s3+$0x200] =	vst v9;
	v9 =	vld.idx.msk [tilespmem:v16+s2+$0x0], $0xffff;
	v15 =	vadd.s32 $0xAC00, v7  }
0x10c: {  	s6 =	sor.u32 s22, s12;
	v16 =	vadd.s32 $0x1800, v4;
	v10 =	vld.idx.msk [tilespmem:v10+s2+$0x0], $0xffff;
	[tilespmem:s19+$0x0] =	vst v11  }
0x10d: {  	s20 =	sadd.s32 $0x15500, s24;
	s4 =	sor.u32 s13, s10;
	v11 =	vadd.s32 $0x1800, v3;
	[tilespmem:s6+$0x0] =	vst v5;
	v5 =	vld.idx.msk [tilespmem:v12+s2+$0x0], $0xffff  }
0x10e: {  	s21 =	sor.u32 s23, s20;
	[tilespmem:s4+$0x0] =	vst v13;
	v12 =	vadd.s32 $0x6400, v1;
	v6 =	vld.idx.msk [tilespmem:v6+s2+$0x0], $0xffff  }
0x10f: {  	v13 =	vld.idx.msk [tilespmem:v14+s2+$0x0], $0xffff;
	[tilespmem:s21+$0x0] =	vst v8;
	v8 =	vadd.s32 $0x6400, v0  }
0x110: {  	s25 =	sadd.s32 $0x13400, s15;
	s26 =	simm.s32 $0x2;
	v14 =	vadd.s32 $0xAC00, v2;
	[tilespmem:s5+$0x280] =	vst v9;
	v9 =	vld.idx.msk [tilespmem:v15+s2+$0x0], $0xffff  }
0x111: {  	s7 =	sor.u32 s14, s25;
	s5 =	sand.u32 $0x3, s26;
	[tilespmem:s3+$0x280] =	vst v10;
	v10 =	vld.idx.msk [tilespmem:v16+s2+$0x0], $0xffff;
	v15 =	vadd.s32 $0xB000, v7  }
0x112: {  	s4 =	sor.u32 s22, s25;
	s3 =	sshll.u32 s5, $0x5;
	v16 =	vadd.s32 $0x1C00, v4;
	v11 =	vld.idx.msk [tilespmem:v11+s2+$0x0], $0xffff;
	[tilespmem:s7+$0x0] =	vst v5  }
0x113: {  	s8 =	sor.u32 s13, s20;
	s9 =	sadd.s32 $0x15580, s24;
	s3 =	sadd.s32 $0x200, s3;
	v5 =	vadd.s32 $0x1C00, v3;
	[tilespmem:s4+$0x0] =	vst v6;
	v6 =	vld.idx.msk [tilespmem:v12+s2+$0x0], $0xffff  }
0x114: {  	s11 =	sor.u32 s23, s9;
	s10 =	sadd.s32 $0x10, s3;
	[tilespmem:s8+$0x0] =	vst v13;
	v12 =	vadd.s32 $0x6800, v1;
	v8 =	vld.idx.msk [tilespmem:v8+s2+$0x0], $0xffff  }
0x115: {  	s12 =	sor.u32 $0x300, s10;
	v13 =	vld.idx.msk [tilespmem:v14+s2+$0x0], $0xffff;
	[tilespmem:s11+$0x0] =	vst v9;
	v9 =	vadd.s32 $0x6800, v0  }
0x116: {  	s19 =	sadd.s32 $0x13480, s15;
	s3 =	sor.u32 $0x300, s3;
	v14 =	vadd.s32 $0xB000, v2;
	[tilespmem:s12+$0x10400] =	vst v10;
	v10 =	vld.idx.msk [tilespmem:v15+s2+$0x0], $0xffff  }
0x117: {  	s20 =	sor.u32 s14, s19;
	[tilespmem:s3+$0x10400] =	vst v11;
	v11 =	vld.idx.msk [tilespmem:v16+s2+$0x0], $0xffff;
	v15 =	vadd.s32 $0xB400, v7  }
0x118: {  	s5 =	sor.u32 s22, s19;
	v16 =	vadd.s32 $0x2000, v4;
	v5 =	vld.idx.msk [tilespmem:v5+s2+$0x0], $0xffff;
	[tilespmem:s20+$0x0] =	vst v6  }
0x119: {  	s25 =	sadd.s32 $0x15600, s24;
	s21 =	sor.u32 s13, s9;
	[tilespmem:s5+$0x0] =	vst v8;
	v8 =	vld.idx.msk [tilespmem:v12+s2+$0x0], $0xffff  }
0x11a: {  	s26 =	sor.u32 s23, s25;
	v6 =	vadd.s32 $0x2000, v3;
	[tilespmem:s21+$0x0] =	vst v13;
	v9 =	vld.idx.msk [tilespmem:v9+s2+$0x0], $0xffff  }
0x11b: {  	s5 =	sor.u32 $0x380, s10;
	v12 =	vadd.s32 $0x6C00, v1;
	v13 =	vld.idx.msk [tilespmem:v14+s2+$0x0], $0xffff;
	[tilespmem:s26+$0x0] =	vst v10  }
0x11c: {  	s0 =	sor.u32 s1, s0;
	[tilespmem:s5+$0x10400] =	vst v11;
	v10 =	vadd.s32 $0x6C00, v0;
	v11 =	vld.idx.msk [tilespmem:v15+s2+$0x0], $0xffff  }
0x11d: {  	s0 =	sor.u32 $0x380, s0;
	s6 =	sadd.s32 $0x13500, s15;
	s7 =	simm.s32 $0x10060;
	v14 =	vld.idx.msk [tilespmem:v16+s2+$0x0], $0xffff;
	v15 =	vadd.s32 $0xB400, v2  }
0x11e: {  	s8 =	sor.u32 s14, s6;
	[tilespmem:s0+$0x10400] =	vst v5;
	v16 =	vadd.s32 $0xB800, v7;
	v5 =	vld [tilespmem:s7+$0x0]  }
0x11f: {  	v17 =	vadd.s32 $0x2400, v4;
	s0 =	sor.u32 s22, s6;
	v6 =	vld.idx.msk [tilespmem:v6+s2+$0x0], $0xffff;
	[tilespmem:s8+$0x0] =	vst v8  }
0x120: {  	s9 =	sor.u32 s13, s25;
	s10 =	sadd.s32 $0x15680, s24;
	v8 =	vadd.s32 $0x2400, v3;
	[tilespmem:s0+$0x0] =	vst v9;
	v9 =	vld.idx.msk [tilespmem:v12+s2+$0x0], $0xffff  }
0x121: {  	s11 =	sadd.s32 $0x11400, s18;
	s12 =	sor.u32 s23, s10;
	[tilespmem:s9+$0x0] =	vst v13;
	v12 =	vadd.s32 $0x7000, v1;
	v10 =	vld.idx.msk [tilespmem:v10+s2+$0x0], $0xffff  }
0x122: {  	s19 =	sor.u32 s17, s11;
	v13 =	vld.idx.msk [tilespmem:v15+s2+$0x0], $0xffff;
	[tilespmem:s12+$0x0] =	vst v11;
	v11 =	vadd.s32 $0x7000, v0  }
0x123: {  	s20 =	sor.u32 s16, s11;
	s21 =	sadd.s32 $0x13580, s15;
	[tilespmem:s19+$0x0] =	vst v14;
	v15 =	vadd.s32 $0xB800, v2;
	v14 =	vld.idx.msk [tilespmem:v16+s2+$0x0], $0xffff  }
0x124: {  	s25 =	sor.u32 s14, s21;
	[tilespmem:s20+$0x0] =	vst v6;
	v6 =	vld.idx.msk [tilespmem:v17+s2+$0x0], $0xffff;
	v16 =	vadd.s32 $0xBC00, v7  }
0x125: {  	s3 =	sor.u32 s22, s21;
	v17 =	vadd.s32 $0x2800, v4;
	v8 =	vld.idx.msk [tilespmem:v8+s2+$0x0], $0xffff;
	[tilespmem:s25+$0x0] =	vst v9  }
0x126: {  	s26 =	sadd.s32 $0x15700, s24;
	s0 =	sor.u32 s13, s10;
	v9 =	vadd.s32 $0x2800, v3;
	[tilespmem:s3+$0x0] =	vst v10;
	v10 =	vld.idx.msk [tilespmem:v12+s2+$0x0], $0xffff  }
0x127: {  	s5 =	sadd.s32 $0x11480, s18;
	s6 =	sor.u32 s23, s26;
	v12 =	vadd.s32 $0x7400, v1;
	v11 =	vld.idx.msk [tilespmem:v11+s2+$0x0], $0xffff;
	[tilespmem:s0+$0x0] =	vst v13  }
0x128: {  	s7 =	sor.u32 s17, s5;
	v13 =	vld.idx.msk [tilespmem:v15+s2+$0x0], $0xffff;
	[tilespmem:s6+$0x0] =	vst v14;
	v14 =	vadd.s32 $0x7400, v0  }
0x129: {  	s8 =	sor.u32 s16, s5;
	s9 =	sadd.s32 $0x13600, s15;
	[tilespmem:s7+$0x0] =	vst v6;
	v15 =	vadd.s32 $0xBC00, v2;
	v6 =	vld.idx.msk [tilespmem:v16+s2+$0x0], $0xffff  }
0x12a: {  	s10 =	sor.u32 s14, s9;
	[tilespmem:s8+$0x0] =	vst v8;
	v8 =	vld.idx.msk [tilespmem:v17+s2+$0x0], $0xffff;
	v16 =	vadd.s32 $0xC000, v7  }
0x12b: {  	s3 =	sor.u32 s22, s9;
	v17 =	vadd.s32 $0x2C00, v4;
	v9 =	vld.idx.msk [tilespmem:v9+s2+$0x0], $0xffff;
	[tilespmem:s10+$0x0] =	vst v10  }
0x12c: {  	s11 =	sor.u32 s13, s26;
	s12 =	sadd.s32 $0x15780, s24;
	v10 =	vadd.s32 $0x2C00, v3;
	[tilespmem:s3+$0x0] =	vst v11;
	v11 =	vld.idx.msk [tilespmem:v12+s2+$0x0], $0xffff  }
0x12d: {  	s19 =	sadd.s32 $0x11500, s18;
	s20 =	sor.u32 s23, s12;
	v12 =	vld.idx.msk [tilespmem:v14+s2+$0x0], $0xffff;
	[tilespmem:s11+$0x0] =	vst v13;
	v13 =	vadd.s32 $0x7800, v1  }
0x12e: {  	s21 =	sor.u32 s17, s19;
	v14 =	vld.idx.msk [tilespmem:v15+s2+$0x0], $0xffff;
	[tilespmem:s20+$0x0] =	vst v6;
	v6 =	vadd.s32 $0x7800, v0  }
0x12f: {  	s26 =	sadd.s32 $0x13680, s15;
	s25 =	sor.u32 s16, s19;
	[tilespmem:s21+$0x0] =	vst v8;
	v15 =	vadd.s32 $0xC000, v2;
	v8 =	vld.idx.msk [tilespmem:v16+s2+$0x0], $0xffff  }
0x130: {  	s4 =	sor.u32 s14, s26;
	[tilespmem:s25+$0x0] =	vst v9;
	v9 =	vld.idx.msk [tilespmem:v17+s2+$0x0], $0xffff;
	v16 =	vadd.s32 $0xC400, v7  }
0x131: {  	s3 =	sor.u32 s22, s26;
	v17 =	vadd.s32 $0x3000, v4;
	v10 =	vld.idx.msk [tilespmem:v10+s2+$0x0], $0xffff;
	[tilespmem:s4+$0x0] =	vst v11  }
0x132: {  	s5 =	sor.u32 s13, s12;
	s6 =	sadd.s32 $0x16400, s24;
	v11 =	vadd.s32 $0x3000, v3;
	[tilespmem:s3+$0x0] =	vst v12;
	v12 =	vld.idx.msk [tilespmem:v13+s2+$0x0], $0xffff  }
0x133: {  	s7 =	sadd.s32 $0x11580, s18;
	s8 =	sor.u32 s23, s6;
	v13 =	vadd.s32 $0x7C00, v1;
	v6 =	vld.idx.msk [tilespmem:v6+s2+$0x0], $0xffff;
	[tilespmem:s5+$0x0] =	vst v14  }
0x134: {  	s9 =	sor.u32 s17, s7;
	v14 =	vld.idx.msk [tilespmem:v15+s2+$0x0], $0xffff;
	[tilespmem:s8+$0x0] =	vst v8;
	v8 =	vadd.s32 $0x7C00, v0  }
0x135: {  	s10 =	sor.u32 s16, s7;
	s11 =	sadd.s32 $0x13700, s15;
	[tilespmem:s9+$0x0] =	vst v9;
	v15 =	vadd.s32 $0xC400, v2;
	v9 =	vld.idx.msk [tilespmem:v16+s2+$0x0], $0xffff  }
0x136: {  	s12 =	sor.u32 s14, s11;
	[tilespmem:s10+$0x0] =	vst v10;
	v10 =	vld.idx.msk [tilespmem:v17+s2+$0x0], $0xffff;
	v16 =	vadd.s32 $0xC800, v7  }
0x137: {  	s3 =	sor.u32 s22, s11;
	v17 =	vadd.s32 $0x3400, v4;
	v11 =	vld.idx.msk [tilespmem:v11+s2+$0x0], $0xffff;
	[tilespmem:s12+$0x0] =	vst v12  }
0x138: {  	s19 =	sor.u32 s13, s6;
	s20 =	sadd.s32 $0x16480, s24;
	v12 =	vadd.s32 $0x3400, v3;
	[tilespmem:s3+$0x0] =	vst v6;
	v6 =	vld.idx.msk [tilespmem:v13+s2+$0x0], $0xffff  }
0x139: {  	s21 =	sadd.s32 $0x11600, s18;
	s25 =	sor.u32 s23, s20;
	v13 =	vadd.s32 $0x8000, v1;
	v8 =	vld.idx.msk [tilespmem:v8+s2+$0x0], $0xffff;
	[tilespmem:s19+$0x0] =	vst v14  }
0x13a: {  	s26 =	sor.u32 s17, s21;
	v14 =	vld.idx.msk [tilespmem:v15+s2+$0x0], $0xffff;
	[tilespmem:s25+$0x0] =	vst v9;
	v9 =	vadd.s32 $0x8000, v0  }
0x13b: {  	s6 =	sadd.s32 $0x13780, s15;
	s5 =	sor.u32 s16, s21;
	[tilespmem:s26+$0x0] =	vst v10;
	v15 =	vadd.s32 $0xC800, v2;
	v10 =	vld.idx.msk [tilespmem:v16+s2+$0x0], $0xffff  }
0x13c: {  	s7 =	sor.u32 s14, s6;
	[tilespmem:s5+$0x0] =	vst v11;
	v11 =	vld.idx.msk [tilespmem:v17+s2+$0x0], $0xffff;
	v16 =	vadd.s32 $0xCC00, v7  }
0x13d: {  	s3 =	sor.u32 s22, s6;
	v17 =	vadd.s32 $0x3800, v4;
	v12 =	vld.idx.msk [tilespmem:v12+s2+$0x0], $0xffff;
	[tilespmem:s7+$0x0] =	vst v6  }
0x13e: {  	s8 =	sor.u32 s13, s20;
	s9 =	sadd.s32 $0x16500, s24;
	v6 =	vadd.s32 $0x3800, v3;
	[tilespmem:s3+$0x0] =	vst v8;
	v8 =	vld.idx.msk [tilespmem:v13+s2+$0x0], $0xffff  }
0x13f: {  	s10 =	sadd.s32 $0x11680, s18;
	s11 =	sor.u32 s23, s9;
	v13 =	vadd.s32 $0x8400, v1;
	v9 =	vld.idx.msk [tilespmem:v9+s2+$0x0], $0xffff;
	[tilespmem:s8+$0x0] =	vst v14  }
0x140: {  	s12 =	sor.u32 s17, s10;
	v14 =	vld.idx.msk [tilespmem:v15+s2+$0x0], $0xffff;
	[tilespmem:s11+$0x0] =	vst v10;
	v10 =	vadd.s32 $0x8400, v0  }
0x141: {  	s20 =	sadd.s32 $0x14400, s15;
	s19 =	sor.u32 s16, s10;
	[tilespmem:s12+$0x0] =	vst v11;
	v15 =	vadd.s32 $0xCC00, v2;
	v11 =	vld.idx.msk [tilespmem:v16+s2+$0x0], $0xffff  }
0x142: {  	s21 =	sor.u32 s14, s20;
	[tilespmem:s19+$0x0] =	vst v12;
	v12 =	vld.idx.msk [tilespmem:v17+s2+$0x0], $0xffff;
	v16 =	vadd.s32 $0xD000, v7  }
0x143: {  	s3 =	sor.u32 s22, s20;
	v17 =	vadd.s32 $0x3C00, v4;
	v6 =	vld.idx.msk [tilespmem:v6+s2+$0x0], $0xffff;
	[tilespmem:s21+$0x0] =	vst v8  }
0x144: {  	s25 =	sor.u32 s13, s9;
	s26 =	sadd.s32 $0x16580, s24;
	v8 =	vadd.s32 $0x3C00, v3;
	[tilespmem:s3+$0x0] =	vst v9;
	v9 =	vld.idx.msk [tilespmem:v13+s2+$0x0], $0xffff  }
0x145: {  	s5 =	sadd.s32 $0x11700, s18;
	s6 =	sor.u32 s23, s26;
	v13 =	vadd.s32 $0x8800, v1;
	v10 =	vld.idx.msk [tilespmem:v10+s2+$0x0], $0xffff;
	[tilespmem:s25+$0x0] =	vst v14  }
0x146: {  	s7 =	sor.u32 s17, s5;
	v14 =	vld.idx.msk [tilespmem:v15+s2+$0x0], $0xffff;
	[tilespmem:s6+$0x0] =	vst v11;
	v11 =	vadd.s32 $0x8800, v0  }
0x147: {  	s9 =	sadd.s32 $0x14480, s15;
	s8 =	sor.u32 s16, s5;
	[tilespmem:s7+$0x0] =	vst v12;
	v15 =	vadd.s32 $0xD000, v2;
	v12 =	vld.idx.msk [tilespmem:v16+s2+$0x0], $0xffff  }
0x148: {  	s10 =	sor.u32 s14, s9;
	[tilespmem:s8+$0x0] =	vst v6;
	v6 =	vld.idx.msk [tilespmem:v17+s2+$0x0], $0xffff;
	v16 =	vadd.s32 $0xD400, v7  }
0x149: {  	s3 =	sor.u32 s22, s9;
	v17 =	vadd.s32 $0x4000, v4;
	v8 =	vld.idx.msk [tilespmem:v8+s2+$0x0], $0xffff;
	[tilespmem:s10+$0x0] =	vst v9  }
0x14a: {  	s11 =	sor.u32 s13, s26;
	s12 =	sadd.s32 $0x16600, s24;
	v9 =	vadd.s32 $0x4000, v3;
	[tilespmem:s3+$0x0] =	vst v10;
	v10 =	vld.idx.msk [tilespmem:v13+s2+$0x0], $0xffff  }
0x14b: {  	s19 =	sadd.s32 $0x11780, s18;
	s20 =	sor.u32 s23, s12;
	v13 =	vadd.s32 $0x8C00, v1;
	v11 =	vld.idx.msk [tilespmem:v11+s2+$0x0], $0xffff;
	[tilespmem:s11+$0x0] =	vst v14  }
0x14c: {  	s21 =	sor.u32 s17, s19;
	v14 =	vld.idx.msk [tilespmem:v15+s2+$0x0], $0xffff;
	[tilespmem:s20+$0x0] =	vst v12;
	v12 =	vadd.s32 $0x8C00, v0  }
0x14d: {  	s26 =	sadd.s32 $0x14500, s15;
	s25 =	sor.u32 s16, s19;
	[tilespmem:s21+$0x0] =	vst v6;
	v15 =	vadd.s32 $0xD400, v2;
	v6 =	vld.idx.msk [tilespmem:v16+s2+$0x0], $0xffff  }
0x14e: {  	s4 =	sor.u32 s14, s26;
	[tilespmem:s25+$0x0] =	vst v8;
	v8 =	vld.idx.msk [tilespmem:v17+s2+$0x0], $0xffff  }
0x14f: {  	s5 =	sor.u32 s13, s12;
	s3 =	sor.u32 s22, s26;
	s26 =	simm.s32 $0x60;
	v16 =	vadd.s32 $0xD800, v7;
	v9 =	vld.idx.msk [tilespmem:v9+s2+$0x0], $0xffff;
	[tilespmem:s4+$0x0] =	vst v10  }
0x150: {  	s6 =	sadd.s32 $0x16680, s24;
	s7 =	sadd.s32 $0x12400, s18;
	s20 =	sand.u32 $0x60, s26;
	v17 =	vadd.s32 $0x4400, v4;
	[tilespmem:s3+$0x0] =	vst v11;
	v11 =	vld.idx.msk [tilespmem:v13+s2+$0x0], $0xffff  }
0x151: {  	s8 =	sor.u32 s23, s6;
	s11 =	sand.u32 $0x180, s26;
	s19 =	sor.u32 $0x10, s20;
	v10 =	vadd.s32 $0x4400, v3;
	v12 =	vld.idx.msk [tilespmem:v12+s2+$0x0], $0xffff;
	[tilespmem:s5+$0x0] =	vst v14  }
0x152: {  	s9 =	sor.u32 s17, s7;
	v13 =	vadd.s32 $0x9000, v1;
	s3 =	sor.u32 s19, s11;
	v14 =	vld.idx.msk [tilespmem:v15+s2+$0x0], $0xffff;
	[tilespmem:s8+$0x0] =	vst v6  }
0x153: {  	[tilespmem:s9+$0x0] =	vst v8;
	v8 =	vadd.s32 $0x9000, v0;
	v6 =	vld [tilespmem:s3+$0x10000]  }
0x154: {  	s12 =	sadd.s32 $0x14580, s15;
	s10 =	sor.u32 s16, s7;
	v15 =	vld.idx.msk [tilespmem:v16+s2+$0x0], $0xffff;
	v16 =	vadd.s32 $0xD800, v2  }
0x155: {  	s21 =	sor.u32 s14, s12;
	[tilespmem:s10+$0x0] =	vst v9;
	v9 =	vld.idx.msk [tilespmem:v17+s2+$0x0], $0xffff;
	v17 =	vadd.s32 $0xDC00, v7  }
0x156: {  	v18 =	vadd.s32 $0x4800, v4;
	s0 =	sor.u32 s22, s12;
	v10 =	vld.idx.msk [tilespmem:v10+s2+$0x0], $0xffff;
	[tilespmem:s21+$0x0] =	vst v11  }
0x157: {  	s1 =	sor.u32 s13, s6;
	s25 =	sadd.s32 $0x16700, s24;
	[tilespmem:s0+$0x0] =	vst v12;
	v12 =	vld.idx.msk [tilespmem:v13+s2+$0x0], $0xffff  }
0x158: {  	s6 =	sor.u32 s23, s25;
	s5 =	sadd.s32 $0x12480, s18;
	v11 =	vadd.s32 $0x4800, v3;
	v8 =	vld.idx.msk [tilespmem:v8+s2+$0x0], $0xffff;
	[tilespmem:s1+$0x0] =	vst v14  }
0x159: {  	s7 =	sor.u32 s17, s5;
	v14 =	vld.idx.msk [tilespmem:v16+s2+$0x0], $0xffff;
	[tilespmem:s6+$0x0] =	vst v15  }
0x15a: {  	v13 =	vadd.s32 $0x9400, v1;
	s0 =	sor.u32 s16, s5;
	[tilespmem:s7+$0x0] =	vst v9;
	v9 =	vld.idx.msk [tilespmem:v17+s2+$0x0], $0xffff  }
0x15b: {  	v15 =	vadd.s32 $0x9400, v0;
	[tilespmem:s0+$0x0] =	vst v10;
	v10 =	vld.idx.msk [tilespmem:v18+s2+$0x0], $0xffff  }
0x15c: {  	s8 =	sadd.s32 $0x14600, s15;
	v16 =	vadd.s32 $0xE000, v7;
	v17 =	vld.idx.msk [tilespmem:v5+s2+$0x0], $0xffff  }
0x15d: {  	s9 =	sor.u32 s14, s8;
	v18 =	vadd.s32 $0x4C00, v4;
	v11 =	vld.idx.msk [tilespmem:v11+s2+$0x0], $0xffff  }
0x15e: {  	s10 =	sor.u32 s22, s8;
	s0 =	sadd.s32 $0x16780, s24;
	v19 =	vld.idx.msk [tilespmem:v6+s2+$0x0], $0xffff;
	[tilespmem:s9+$0x0] =	vst v12;
	v12 =	vadd.s32 $0x4C00, v3  }
0x15f: {  	s11 =	sadd.s32 $0x12500, s18;
	s12 =	sor.u32 s23, s0;
	v13 =	vld.idx.msk [tilespmem:v13+s2+$0x0], $0xffff;
	[tilespmem:s10+$0x0] =	vst v8;
	v8 =	vadd.s32 $0xDC00, v2  }
0x160: {  	v20 =	vadd.s32 $0x9800, v1;
	s21 =	sor.u32 s17, s11;
	v15 =	vld.idx.msk [tilespmem:v15+s2+$0x0], $0xffff;
	[tilespmem:s12+$0x0] =	vst v9  }
0x161: {  	s31 =	simm.s32 $0x300;
	s1 =	sor.u32 s16, s11;
	v9 =	vadd.s32 $0x400, v6;
	[tilespmem:s21+$0x0] =	vst v10;
	v10 =	vld.idx.msk [tilespmem:v16+s2+$0x0], $0xffff  }
0x162: {  	s3 =	sor.u32 s13, s25;
	s25 =	sadd.s32 $0x14680, s15;
	s21 =	sand.u32 $0xC00, s31;
	v16 =	vadd.s32 $0x400, v5;
	[tilespmem:s1+$0x0] =	vst v11;
	v11 =	vld.idx.msk [tilespmem:v18+s2+$0x0], $0xffff  }
0x163: {  	s7 =	sor.u32 s14, s25;
	[tilespmem:s3+$0x0] =	vst v14;
	v14 =	vadd.s32 $0xE400, v7;
	s5 =	sadd.s32 $0x10400, s21;
	v12 =	vld.idx.msk [tilespmem:v12+s2+$0x0], $0xffff  }
0x164: {  	v18 =	vadd.s32 $0x5000, v4;
	s6 =	sor.u32 s19, s5;
	[tilespmem:s7+$0x0] =	vst v13;
	v8 =	vld.idx.msk [tilespmem:v8+s2+$0x0], $0xffff  }
0x165: {  	s1 =	sadd.s32 $0x17400, s24;
	s5 =	sor.u32 s20, s5;
	[tilespmem:s6+$0x0] =	vst v19;
	v13 =	vadd.s32 $0x5000, v3;
	v19 =	vld.idx.msk [tilespmem:v20+s2+$0x0], $0xffff  }
0x166: {  	s8 =	sadd.s32 $0x12580, s18;
	s10 =	sor.u32 s23, s1;
	[tilespmem:s5+$0x0] =	vst v17;
	v17 =	vadd.s32 $0x9800, v0;
	v9 =	vld.idx.msk [tilespmem:v9+s2+$0x0], $0xffff  }
0x167: {  	s9 =	sor.u32 s17, s8;
	v20 =	vadd.s32 $0x9C00, v1;
	v16 =	vld.idx.msk [tilespmem:v16+s2+$0x0], $0xffff;
	[tilespmem:s10+$0x0] =	vst v10  }
0x168: {  	s3 =	sor.u32 s16, s8;
	v10 =	vadd.s32 $0x800, v6;
	[tilespmem:s9+$0x0] =	vst v11;
	v11 =	vld.idx.msk [tilespmem:v14+s2+$0x0], $0xffff  }
0x169: {  	s4 =	sor.u32 s22, s25;
	s11 =	sadd.s32 $0x14700, s15;
	v14 =	vadd.s32 $0x800, v5;
	[tilespmem:s3+$0x0] =	vst v12;
	v12 =	vld.idx.msk [tilespmem:v18+s2+$0x0], $0xffff  }
0x16a: {  	s12 =	sor.u32 s14, s11;
	[tilespmem:s4+$0x0] =	vst v15;
	v15 =	vadd.s32 $0xE800, v7;
	v13 =	vld.idx.msk [tilespmem:v13+s2+$0x0], $0xffff  }
0x16b: {  	v18 =	vadd.s32 $0x5400, v4;
	v17 =	vld.idx.msk [tilespmem:v17+s2+$0x0], $0xffff;
	[tilespmem:s12+$0x0] =	vst v19  }
0x16c: {  	s29 =	sadd.s32 $0x17480, s24;
	[tilespmem:s6+$0x80] =	vst v9;
	v9 =	vadd.s32 $0x5400, v3;
	v19 =	vld.idx.msk [tilespmem:v20+s2+$0x0], $0xffff  }
0x16d: {  	s25 =	sadd.s32 $0x12600, s18;
	s3 =	sor.u32 s23, s29;
	[tilespmem:s5+$0x80] =	vst v16;
	v10 =	vld.idx.msk [tilespmem:v10+s2+$0x0], $0xffff;
	v16 =	vadd.s32 $0x9C00, v0  }
0x16e: {  	s10 =	sor.u32 s17, s25;
	v20 =	vadd.s32 $0xA000, v1;
	v14 =	vld.idx.msk [tilespmem:v14+s2+$0x0], $0xffff;
	[tilespmem:s3+$0x0] =	vst v11  }
0x16f: {  	s4 =	sor.u32 s16, s25;
	v11 =	vadd.s32 $0xC00, v6;
	[tilespmem:s10+$0x0] =	vst v12;
	v12 =	vld.idx.msk [tilespmem:v15+s2+$0x0], $0xffff  }
0x170: {  	s8 =	sadd.s32 $0x14780, s15;
	s7 =	sor.u32 s22, s11;
	v15 =	vadd.s32 $0xC00, v5;
	[tilespmem:s4+$0x0] =	vst v13;
	v13 =	vld.idx.msk [tilespmem:v18+s2+$0x0], $0xffff  }
0x171: {  	s12 =	sor.u32 s14, s8;
	[tilespmem:s7+$0x0] =	vst v17;
	v17 =	vadd.s32 $0xEC00, v7;
	v9 =	vld.idx.msk [tilespmem:v9+s2+$0x0], $0xffff  }
0x172: {  	v18 =	vadd.s32 $0x5800, v4;
	[tilespmem:s12+$0x0] =	vst v19;
	v16 =	vld.idx.msk [tilespmem:v16+s2+$0x0], $0xffff  }
0x173: {  	s10 =	sadd.s32 $0x17500, s24;
	[tilespmem:s6+$0x100] =	vst v10;
	v10 =	vadd.s32 $0x5800, v3;
	v19 =	vld.idx.msk [tilespmem:v20+s2+$0x0], $0xffff  }
0x174: {  	s25 =	sadd.s32 $0x12680, s18;
	s3 =	sor.u32 s23, s10;
	[tilespmem:s5+$0x100] =	vst v14;
	v11 =	vld.idx.msk [tilespmem:v11+s2+$0x0], $0xffff;
	v14 =	vadd.s32 $0xA000, v0  }
0x175: {  	s11 =	sor.u32 s17, s25;
	v20 =	vadd.s32 $0xA400, v1;
	v15 =	vld.idx.msk [tilespmem:v15+s2+$0x0], $0xffff;
	[tilespmem:s3+$0x0] =	vst v12  }
0x176: {  	s7 =	sor.u32 s16, s25;
	v12 =	vadd.s32 $0x1000, v6;
	[tilespmem:s11+$0x0] =	vst v13;
	v13 =	vld.idx.msk [tilespmem:v17+s2+$0x0], $0xffff  }
0x177: {  	s4 =	sor.u32 s22, s8;
	s8 =	sadd.s32 $0x15400, s15;
	v17 =	vadd.s32 $0x1000, v5;
	[tilespmem:s7+$0x0] =	vst v9;
	v9 =	vld.idx.msk [tilespmem:v18+s2+$0x0], $0xffff  }
0x178: {  	s11 =	sor.u32 s14, s8;
	v10 =	vld.idx.msk [tilespmem:v10+s2+$0x0], $0xffff;
	[tilespmem:s4+$0x0] =	vst v16;
	v16 =	vadd.s32 $0xF000, v7  }
0x179: {  	v18 =	vadd.s32 $0x5C00, v4;
	[tilespmem:s11+$0x0] =	vst v19;
	v14 =	vld.idx.msk [tilespmem:v14+s2+$0x0], $0xffff  }
0x17a: {  	s30 =	sadd.s32 $0x17580, s24;
	[tilespmem:s6+$0x180] =	vst v11;
	v11 =	vadd.s32 $0x5C00, v3;
	v19 =	vld.idx.msk [tilespmem:v20+s2+$0x0], $0xffff  }
0x17b: {  	s12 =	sadd.s32 $0x12700, s18;
	s3 =	sor.u32 s23, s30;
	[tilespmem:s5+$0x180] =	vst v15;
	v12 =	vld.idx.msk [tilespmem:v12+s2+$0x0], $0xffff;
	v15 =	vadd.s32 $0xA400, v0  }
0x17c: {  	s25 =	sor.u32 s17, s12;
	v20 =	vadd.s32 $0xA800, v1;
	v17 =	vld.idx.msk [tilespmem:v17+s2+$0x0], $0xffff;
	[tilespmem:s3+$0x0] =	vst v13  }
0x17d: {  	s4 =	sor.u32 s16, s12;
	v13 =	vadd.s32 $0x1400, v6;
	[tilespmem:s25+$0x0] =	vst v9;
	v9 =	vld.idx.msk [tilespmem:v16+s2+$0x0], $0xffff  }
0x17e: {  	s7 =	sor.u32 s22, s8;
	s8 =	sadd.s32 $0x15480, s15;
	v16 =	vadd.s32 $0x1400, v5;
	[tilespmem:s4+$0x0] =	vst v10;
	v10 =	vld.idx.msk [tilespmem:v18+s2+$0x0], $0xffff  }
0x17f: {  	s11 =	sor.u32 s14, s8;
	v11 =	vld.idx.msk [tilespmem:v11+s2+$0x0], $0xffff;
	[tilespmem:s7+$0x0] =	vst v14;
	v14 =	vadd.s32 $0xF400, v7  }
0x180: {  	v18 =	vadd.s32 $0x6000, v4;
	[tilespmem:s11+$0x0] =	vst v19;
	v15 =	vld.idx.msk [tilespmem:v15+s2+$0x0], $0xffff  }
0x181: {  	s25 =	sadd.s32 $0x17600, s24;
	[tilespmem:s6+$0x200] =	vst v12;
	v12 =	vadd.s32 $0x6000, v3;
	v19 =	vld.idx.msk [tilespmem:v20+s2+$0x0], $0xffff  }
0x182: {  	s12 =	sadd.s32 $0x12780, s18;
	s3 =	sor.u32 s23, s25;
	[tilespmem:s5+$0x200] =	vst v17;
	v13 =	vld.idx.msk [tilespmem:v13+s2+$0x0], $0xffff;
	v17 =	vadd.s32 $0xA800, v0  }
0x183: {  	s28 =	sor.u32 s17, s12;
	v20 =	vadd.s32 $0xAC00, v1;
	v16 =	vld.idx.msk [tilespmem:v16+s2+$0x0], $0xffff;
	[tilespmem:s3+$0x0] =	vst v9  }
0x184: {  	s7 =	sor.u32 s16, s12;
	v9 =	vadd.s32 $0x1800, v6;
	[tilespmem:s28+$0x0] =	vst v10;
	v10 =	vld.idx.msk [tilespmem:v14+s2+$0x0], $0xffff  }
0x185: {  	s4 =	sor.u32 s22, s8;
	s8 =	sadd.s32 $0x15500, s15;
	v14 =	vadd.s32 $0x1800, v5;
	[tilespmem:s7+$0x0] =	vst v11;
	v11 =	vld.idx.msk [tilespmem:v18+s2+$0x0], $0xffff  }
0x186: {  	s9 =	sor.u32 s14, s8;
	v12 =	vld.idx.msk [tilespmem:v12+s2+$0x0], $0xffff;
	[tilespmem:s4+$0x0] =	vst v15;
	v15 =	vadd.s32 $0xF800, v7  }
0x187: {  	v18 =	vadd.s32 $0x6400, v4;
	[tilespmem:s9+$0x0] =	vst v19;
	v17 =	vld.idx.msk [tilespmem:v17+s2+$0x0], $0xffff  }
0x188: {  	s4 =	sadd.s32 $0x17680, s24;
	[tilespmem:s6+$0x280] =	vst v13;
	v13 =	vadd.s32 $0x6400, v3;
	v19 =	vld.idx.msk [tilespmem:v20+s2+$0x0], $0xffff  }
0x189: {  	s11 =	sadd.s32 $0x13400, s18;
	s9 =	simm.s32 $0x3;
	s12 =	sor.u32 s23, s4;
	[tilespmem:s5+$0x280] =	vst v16;
	v9 =	vld.idx.msk [tilespmem:v9+s2+$0x0], $0xffff;
	v16 =	vadd.s32 $0xAC00, v0  }
0x18a: {  	s3 =	sor.u32 s17, s11;
	s28 =	sand.u32 $0x3, s9;
	v14 =	vld.idx.msk [tilespmem:v14+s2+$0x0], $0xffff;
	[tilespmem:s12+$0x0] =	vst v10;
	v10 =	vadd.s32 $0xB000, v1  }
0x18b: {  	v20 =	vadd.s32 $0x1C00, v6;
	s28 =	sshll.u32 s28, $0x5;
	s5 =	sor.u32 s16, s11;
	[tilespmem:s3+$0x0] =	vst v11;
	v11 =	vld.idx.msk [tilespmem:v15+s2+$0x0], $0xffff  }
0x18c: {  	s7 =	sor.u32 s22, s8;
	s11 =	sadd.s32 $0x300, s28;
	v15 =	vadd.s32 $0x1C00, v5;
	[tilespmem:s5+$0x0] =	vst v12;
	v12 =	vld.idx.msk [tilespmem:v18+s2+$0x0], $0xffff;
	s5 =	sadd.s32 $0x15580, s15  }
0x18d: {  	v7 =	vadd.s32 $0xFC00, v7;
	s8 =	sadd.s32 $0x10, s11;
	v13 =	vld.idx.msk [tilespmem:v13+s2+$0x0], $0xffff;
	[tilespmem:s7+$0x0] =	vst v17;
	s12 =	sor.u32 s14, s5  }
0x18e: {  	s3 =	sor.u32 $0x300, s8;
	v17 =	vadd.s32 $0x6800, v4;
	[tilespmem:s12+$0x0] =	vst v19;
	v16 =	vld.idx.msk [tilespmem:v16+s2+$0x0], $0xffff  }
0x18f: {  	s7 =	sor.u32 $0x300, s11;
	s12 =	sadd.s32 $0x17700, s24;
	[tilespmem:s3+$0x10400] =	vst v9;
	v9 =	vadd.s32 $0x6800, v3;
	v10 =	vld.idx.msk [tilespmem:v10+s2+$0x0], $0xffff  }
0x190: {  	s30 =	sor.u32 s13, s30;
	s28 =	sadd.s32 $0x13480, s18;
	v18 =	vadd.s32 $0xB000, v0;
	s3 =	sor.u32 s23, s12;
	[tilespmem:s7+$0x10400] =	vst v14;
	v14 =	vld.idx.msk [tilespmem:v20+s2+$0x0], $0xffff  }
0x191: {  	s6 =	sor.u32 s17, s28;
	s8 =	sor.u32 $0x380, s8;
	s11 =	sor.u32 s31, s26;
	[tilespmem:s3+$0x0] =	vst v11;
	v11 =	vld.idx.msk [tilespmem:v15+s2+$0x0], $0xffff;
	v15 =	vadd.s32 $0xB400, v1  }
0x192: {  	s5 =	sor.u32 s22, s5;
	v19 =	vadd.s32 $0x2000, v6;
	s3 =	sor.u32 $0x380, s11;
	[tilespmem:s6+$0x0] =	vst v12;
	s11 =	sor.u32 s16, s28;
	v7 =	vld.idx.msk [tilespmem:v7+s2+$0x0], $0xffff  }
0x193: {  	s7 =	sor.u32 s13, s0;
	v20 =	vadd.s32 $0x2000, v5;
	s6 =	sor.u32 s13, s1;
	[tilespmem:s11+$0x0] =	vst v13;
	v12 =	vld.idx.msk [tilespmem:v17+s2+$0x0], $0xffff;
	s11 =	sadd.s32 $0x15600, s15  }
0x194: {  	s1 =	sor.u32 s13, s29;
	s29 =	sor.u32 s13, s25;
	s25 =	sor.u32 s14, s11;
	[tilespmem:s5+$0x0] =	vst v16;
	v13 =	vld.idx.msk [tilespmem:v9+s2+$0x0], $0xffff  }
0x195: {  	s0 =	sor.u32 s13, s10;
	s10 =	simm.s32 $0x6;
	s28 =	sor.u32 s13, s4;
	[tilespmem:s25+$0x0] =	vst v10;
	v10 =	vld.idx.msk [tilespmem:v18+s2+$0x0], $0xffff  }
0x196: {  	s4 =	sor.u32 s22, s11;
	[tilespmem:s8+$0x10400] =	vst v14;
	s25 =	sor.u32 s13, s12;
	s12 =	sadd.s32 $0x17780, s24;
	v9 =	vld.idx.msk [tilespmem:v15+s2+$0x0], $0xffff  }
0x197: {  	v17 =	vadd.s32 $0xB800, v1;
	s24 =	sadd.s32 $0x13500, s18;
	[tilespmem:s3+$0x10400] =	vst v11;
	v11 =	vld.idx.msk [tilespmem:v19+s2+$0x0], $0xffff;
	s13 =	sor.u32 s13, s12;
	s5 =	sor.u32 s23, s12  }
0x198: {  	v16 =	vadd.s32 $0x6C00, v4;
	v18 =	vadd.s32 $0x6C00, v3;
	v15 =	vadd.s32 $0xB400, v0;
	s3 =	simm.s32 $0x10080;
	s11 =	sor.u32 s17, s24;
	v14 =	vld.idx.msk [tilespmem:v20+s2+$0x0], $0xffff;
	[tilespmem:s5+$0x0] =	vst v7;
	s5 =	sor.u32 s16, s24  }
.LBB2_2:
0x199: {  	_ =	sdelay $0x2  }
0x19a: {  	v7 =	vld [tilespmem:s3+$0x0];
	s12 =	sadd.s32 $0x15680, s15;
	[tilespmem:s11+$0x0] =	vst v12  }
0x19b: {  	v19 =	vadd.s32 $0x2400, v6;
	s23 =	smov.u32 s14;
	s8 =	sadd.s32 $0x11400, s21;
	s11 =	smov.u32 s22;
	[tilespmem:s5+$0x0] =	vst v13;
	v13 =	vld.idx.msk [tilespmem:v16+s2+$0x0], $0xffff  }
0x19c: {  	s22 =	smov.u32 s16;
	s16 =	smov.u32 s20;
	v12 =	vadd.s32 $0x2400, v5;
	s5 =	sor.u32 s23, s12;
	v16 =	vld.idx.msk [tilespmem:v18+s2+$0x0], $0xffff;
	[tilespmem:s4+$0x0] =	vst v10  }
0x19d: {  	s20 =	sor.u32 s11, s12;
	v10 =	vadd.s32 $0xE000, v2;
	s12 =	sor.u32 s16, s8;
	s8 =	sor.u32 s19, s8;
	[tilespmem:s5+$0x0] =	vst v9  }
0x19e: {  	v18 =	vadd.s32 $0x7000, v4;
	v15 =	vld.idx.msk [tilespmem:v15+s2+$0x0], $0xffff;
	[tilespmem:s8+$0x0] =	vst v11  }
0x19f: {  	v9 =	vadd.s32 $0x7000, v3;
	v11 =	vld.idx.msk [tilespmem:v17+s2+$0x0], $0xffff  }
0x1a0: {  	s14 =	smov.u32 s17;
	s5 =	smov.u32 s21;
	[tilespmem:s12+$0x0] =	vst v14;
	s21 =	sadd.s32 $0x13580, s18;
	v14 =	vld.idx.msk [tilespmem:v19+s2+$0x0], $0xffff  }
0x1a1: {  	s8 =	sor.u32 s14, s21;
	v17 =	vadd.s32 $0xB800, v0;
	v12 =	vld.idx.msk [tilespmem:v12+s2+$0x0], $0xffff;
	[tilespmem:s7+$0x0] =	vst v8  }
0x1a2: {  	s24 =	sor.u32 s22, s21;
	v19 =	vadd.s32 $0xBC00, v1;
	[tilespmem:s8+$0x0] =	vst v13;
	v10 =	vld.idx.msk [tilespmem:v10+s2+$0x0], $0xffff  }
0x1a3: {  	v13 =	vadd.s32 $0x2800, v5;
	[tilespmem:s24+$0x0] =	vst v16;
	s8 =	sadd.s32 $0x15700, s15;
	v16 =	vld.idx.msk [tilespmem:v18+s2+$0x0], $0xffff  }
0x1a4: {  	s17 =	smov.u32 s19;
	s12 =	sadd.s32 $0x11480, s5;
	v8 =	vadd.s32 $0x2800, v6;
	v9 =	vld.idx.msk [tilespmem:v9+s2+$0x0], $0xffff;
	[tilespmem:s20+$0x0] =	vst v15;
	s7 =	sor.u32 s23, s8  }
0x1a5: {  	s19 =	sor.u32 s11, s8;
	v15 =	vadd.s32 $0xE400, v2;
	s8 =	sor.u32 s17, s12;
	[tilespmem:s7+$0x0] =	vst v11  }
0x1a6: {  	s20 =	sor.u32 s16, s12;
	v17 =	vld.idx.msk [tilespmem:v17+s2+$0x0], $0xffff;
	v11 =	vadd.s32 $0x7400, v3;
	[tilespmem:s8+$0x0] =	vst v14  }
0x1a7: {  	s21 =	sadd.s32 $0x13600, s18;
	v18 =	vadd.s32 $0x7400, v4;
	[tilespmem:s20+$0x0] =	vst v12;
	v14 =	vld.idx.msk [tilespmem:v19+s2+$0x0], $0xffff  }
0x1a8: {  	s7 =	sor.u32 s14, s21;
	v12 =	vadd.s32 $0xBC00, v0;
	v13 =	vld.idx.msk [tilespmem:v13+s2+$0x0], $0xffff;
	[tilespmem:s6+$0x0] =	vst v10  }
0x1a9: {  	s24 =	sor.u32 s22, s21;
	v8 =	vld.idx.msk [tilespmem:v8+s2+$0x0], $0xffff;
	[tilespmem:s7+$0x0] =	vst v16;
	v16 =	vadd.s32 $0x2C00, v5  }
0x1aa: {  	s8 =	sadd.s32 $0x15780, s15;
	v19 =	vadd.s32 $0xC000, v1;
	v15 =	vld.idx.msk [tilespmem:v15+s2+$0x0], $0xffff;
	[tilespmem:s24+$0x0] =	vst v9  }
0x1ab: {  	s12 =	sadd.s32 $0x11500, s5;
	v10 =	vadd.s32 $0x2C00, v6;
	s6 =	sor.u32 s23, s8;
	v11 =	vld.idx.msk [tilespmem:v11+s2+$0x0], $0xffff;
	[tilespmem:s19+$0x0] =	vst v17  }
0x1ac: {  	s20 =	sor.u32 s16, s12;
	v9 =	vld.idx.msk [tilespmem:v18+s2+$0x0], $0xffff;
	v17 =	vadd.s32 $0xE800, v2;
	[tilespmem:s6+$0x0] =	vst v14  }
0x1ad: {  	s7 =	sor.u32 s17, s12;
	v12 =	vld.idx.msk [tilespmem:v12+s2+$0x0], $0xffff;
	[tilespmem:s20+$0x0] =	vst v13  }
0x1ae: {  	[tilespmem:s7+$0x0] =	vst v8;
	v8 =	vadd.s32 $0x7800, v3;
	v16 =	vld.idx.msk [tilespmem:v16+s2+$0x0], $0xffff  }
0x1af: {  	s21 =	sadd.s32 $0x13680, s18;
	v18 =	vadd.s32 $0x7800, v4;
	v14 =	vld.idx.msk [tilespmem:v19+s2+$0x0], $0xffff  }
0x1b0: {  	v13 =	vadd.s32 $0xC000, v0;
	s6 =	sor.u32 s14, s21;
	[tilespmem:s1+$0x0] =	vst v15;
	v10 =	vld.idx.msk [tilespmem:v10+s2+$0x0], $0xffff  }
0x1b1: {  	s24 =	sor.u32 s22, s21;
	[tilespmem:s6+$0x0] =	vst v9;
	v9 =	vld.idx.msk [tilespmem:v17+s2+$0x0], $0xffff;
	v17 =	vadd.s32 $0x3000, v5  }
0x1b2: {  	s19 =	sor.u32 s11, s8;
	s8 =	sadd.s32 $0x16400, s15;
	v19 =	vadd.s32 $0xC400, v1;
	[tilespmem:s24+$0x0] =	vst v11  }
0x1b3: {  	s12 =	sadd.s32 $0x11580, s5;
	v15 =	vadd.s32 $0x3000, v6;
	s1 =	sor.u32 s23, s8;
	v8 =	vld.idx.msk [tilespmem:v8+s2+$0x0], $0xffff;
	[tilespmem:s19+$0x0] =	vst v12  }
0x1b4: {  	s20 =	sor.u32 s16, s12;
	v11 =	vld.idx.msk [tilespmem:v18+s2+$0x0], $0xffff;
	[tilespmem:s1+$0x0] =	vst v14  }
0x1b5: {  	s6 =	sor.u32 s17, s12;
	v12 =	vadd.s32 $0xEC00, v2;
	v13 =	vld.idx.msk [tilespmem:v13+s2+$0x0], $0xffff;
	[tilespmem:s20+$0x0] =	vst v16  }
0x1b6: {  	[tilespmem:s6+$0x0] =	vst v10;
	v10 =	vadd.s32 $0x7C00, v3;
	v17 =	vld.idx.msk [tilespmem:v17+s2+$0x0], $0xffff  }
0x1b7: {  	s21 =	sadd.s32 $0x13700, s18;
	v18 =	vadd.s32 $0x7C00, v4;
	v14 =	vld.idx.msk [tilespmem:v19+s2+$0x0], $0xffff  }
0x1b8: {  	v16 =	vadd.s32 $0xC400, v0;
	s1 =	sor.u32 s14, s21;
	[tilespmem:s0+$0x0] =	vst v9;
	v15 =	vld.idx.msk [tilespmem:v15+s2+$0x0], $0xffff  }
0x1b9: {  	s24 =	sor.u32 s22, s21;
	v19 =	vadd.s32 $0xC800, v1;
	[tilespmem:s1+$0x0] =	vst v11  }
0x1ba: {  	s19 =	sor.u32 s11, s8;
	v9 =	vadd.s32 $0x3400, v6;
	s1 =	sadd.s32 $0x16480, s15;
	v11 =	vld.idx.msk [tilespmem:v12+s2+$0x0], $0xffff;
	[tilespmem:s24+$0x0] =	vst v8  }
0x1bb: {  	s6 =	sadd.s32 $0x11600, s5;
	s0 =	sor.u32 s23, s1;
	v12 =	vadd.s32 $0x3400, v5;
	v10 =	vld.idx.msk [tilespmem:v10+s2+$0x0], $0xffff;
	[tilespmem:s19+$0x0] =	vst v13  }
0x1bc: {  	s7 =	sor.u32 s11, s1;
	s1 =	sor.u32 s17, s6;
	v8 =	vld.idx.msk [tilespmem:v18+s2+$0x0], $0xffff;
	[tilespmem:s0+$0x0] =	vst v14  }
0x1bd: {  	v13 =	vadd.s32 $0xF000, v2;
	v16 =	vld.idx.msk [tilespmem:v16+s2+$0x0], $0xffff;
	[tilespmem:s1+$0x0] =	vst v15  }
0x1be: {  	s8 =	sor.u32 s16, s6;
	v14 =	vadd.s32 $0x8000, v3;
	v15 =	vld.idx.msk [tilespmem:v19+s2+$0x0], $0xffff  }
0x1bf: {  	s12 =	sadd.s32 $0x13780, s18;
	v18 =	vadd.s32 $0x8000, v4;
	[tilespmem:s8+$0x0] =	vst v17;
	v9 =	vld.idx.msk [tilespmem:v9+s2+$0x0], $0xffff  }
0x1c0: {  	v17 =	vadd.s32 $0xC800, v0;
	s0 =	sor.u32 s14, s12;
	v12 =	vld.idx.msk [tilespmem:v12+s2+$0x0], $0xffff;
	[tilespmem:s30+$0x0] =	vst v11  }
0x1c1: {  	s19 =	sor.u32 s22, s12;
	v19 =	vadd.s32 $0xCC00, v1;
	[tilespmem:s0+$0x0] =	vst v8  }
0x1c2: {  	s20 =	sadd.s32 $0x16500, s15;
	v11 =	vadd.s32 $0x3800, v6;
	v8 =	vld.idx.msk [tilespmem:v13+s2+$0x0], $0xffff;
	[tilespmem:s19+$0x0] =	vst v10  }
0x1c3: {  	s21 =	sadd.s32 $0x11680, s5;
	s0 =	sor.u32 s23, s20;
	v13 =	vadd.s32 $0x3800, v5;
	v14 =	vld.idx.msk [tilespmem:v14+s2+$0x0], $0xffff;
	[tilespmem:s7+$0x0] =	vst v16  }
0x1c4: {  	s1 =	sor.u32 s17, s21;
	v10 =	vld.idx.msk [tilespmem:v18+s2+$0x0], $0xffff;
	v16 =	vadd.s32 $0xF400, v2;
	[tilespmem:s0+$0x0] =	vst v15  }
0x1c5: {  	v17 =	vld.idx.msk [tilespmem:v17+s2+$0x0], $0xffff;
	[tilespmem:s1+$0x0] =	vst v9  }
0x1c6: {  	s7 =	sor.u32 s16, s21;
	v9 =	vadd.s32 $0x8400, v3;
	v15 =	vld.idx.msk [tilespmem:v19+s2+$0x0], $0xffff  }
0x1c7: {  	s8 =	sadd.s32 $0x14400, s18;
	v18 =	vadd.s32 $0x8400, v4;
	[tilespmem:s7+$0x0] =	vst v12;
	v11 =	vld.idx.msk [tilespmem:v11+s2+$0x0], $0xffff  }
0x1c8: {  	v12 =	vadd.s32 $0xCC00, v0;
	s0 =	sor.u32 s14, s8;
	v13 =	vld.idx.msk [tilespmem:v13+s2+$0x0], $0xffff;
	[tilespmem:s29+$0x0] =	vst v8  }
0x1c9: {  	s12 =	sor.u32 s22, s8;
	[tilespmem:s0+$0x0] =	vst v10;
	v10 =	vld.idx.msk [tilespmem:v16+s2+$0x0], $0xffff;
	v16 =	vadd.s32 $0x3C00, v5  }
0x1ca: {  	s24 =	sor.u32 s11, s20;
	s19 =	sadd.s32 $0x16580, s15;
	v19 =	vadd.s32 $0xD000, v1;
	[tilespmem:s12+$0x0] =	vst v14  }
0x1cb: {  	s20 =	sadd.s32 $0x11700, s5;
	v8 =	vadd.s32 $0x3C00, v6;
	s0 =	sor.u32 s23, s19;
	v9 =	vld.idx.msk [tilespmem:v9+s2+$0x0], $0xffff;
	[tilespmem:s24+$0x0] =	vst v17  }
0x1cc: {  	v14 =	vld.idx.msk [tilespmem:v18+s2+$0x0], $0xffff;
	s24 =	sor.u32 s16, s20;
	[tilespmem:s0+$0x0] =	vst v15  }
0x1cd: {  	s1 =	sor.u32 s17, s20;
	v17 =	vadd.s32 $0xF800, v2;
	v12 =	vld.idx.msk [tilespmem:v12+s2+$0x0], $0xffff;
	[tilespmem:s24+$0x0] =	vst v13  }
0x1ce: {  	[tilespmem:s1+$0x0] =	vst v11;
	v11 =	vadd.s32 $0x8800, v3;
	v16 =	vld.idx.msk [tilespmem:v16+s2+$0x0], $0xffff  }
0x1cf: {  	s6 =	sadd.s32 $0x14480, s18;
	v18 =	vadd.s32 $0x8800, v4;
	v15 =	vld.idx.msk [tilespmem:v19+s2+$0x0], $0xffff  }
0x1d0: {  	v13 =	vadd.s32 $0xD000, v0;
	s0 =	sor.u32 s14, s6;
	[tilespmem:s28+$0x0] =	vst v10;
	v8 =	vld.idx.msk [tilespmem:v8+s2+$0x0], $0xffff  }
0x1d1: {  	s7 =	sor.u32 s22, s6;
	v19 =	vadd.s32 $0xD400, v1;
	[tilespmem:s0+$0x0] =	vst v14  }
0x1d2: {  	s21 =	sor.u32 s11, s19;
	s8 =	sadd.s32 $0x16600, s15;
	v10 =	vadd.s32 $0x4000, v6;
	v14 =	vld.idx.msk [tilespmem:v17+s2+$0x0], $0xffff;
	[tilespmem:s7+$0x0] =	vst v9  }
0x1d3: {  	s12 =	sadd.s32 $0x11780, s5;
	s0 =	sor.u32 s23, s8;
	v17 =	vadd.s32 $0x4000, v5;
	v11 =	vld.idx.msk [tilespmem:v11+s2+$0x0], $0xffff;
	[tilespmem:s21+$0x0] =	vst v12  }
0x1d4: {  	s1 =	sor.u32 s17, s12;
	v9 =	vld.idx.msk [tilespmem:v18+s2+$0x0], $0xffff;
	[tilespmem:s0+$0x0] =	vst v15  }
0x1d5: {  	v12 =	vadd.s32 $0xFC00, v2;
	v2 =	vmov v0;
	v0 =	vmov v3;
	v13 =	vld.idx.msk [tilespmem:v13+s2+$0x0], $0xffff;
	[tilespmem:s1+$0x0] =	vst v8  }
0x1d6: {  	s20 =	sor.u32 s16, s12;
	v8 =	vadd.s32 $0x8C00, v0;
	v15 =	vld.idx.msk [tilespmem:v19+s2+$0x0], $0xffff  }
0x1d7: {  	v3 =	vmov v5;
	v5 =	vmov v7;
	v7 =	vadd.s32 $0x8C00, v4;
	s21 =	sadd.s32 $0x14500, s18;
	[tilespmem:s20+$0x0] =	vst v16;
	v10 =	vld.idx.msk [tilespmem:v10+s2+$0x0], $0xffff  }
0x1d8: {  	v16 =	vadd.s32 $0xD400, v2;
	s0 =	sor.u32 s14, s21;
	v17 =	vld.idx.msk [tilespmem:v17+s2+$0x0], $0xffff;
	[tilespmem:s25+$0x0] =	vst v14  }
0x1d9: {  	v18 =	vadd.s32 $0xD800, v1;
	s24 =	sor.u32 s22, s21;
	[tilespmem:s0+$0x0] =	vst v9  }
0x1da: {  	s19 =	sor.u32 s11, s8;
	s1 =	sadd.s32 $0x16680, s15;
	v14 =	vadd.s32 $0x4400, v6;
	v9 =	vld.idx.msk [tilespmem:v12+s2+$0x0], $0xffff;
	[tilespmem:s24+$0x0] =	vst v11  }
0x1db: {  	s6 =	sadd.s32 $0x12400, s5;
	s0 =	sor.u32 s23, s1;
	v12 =	vadd.s32 $0x4400, v3;
	v8 =	vld.idx.msk [tilespmem:v8+s2+$0x0], $0xffff;
	[tilespmem:s19+$0x0] =	vst v13  }
0x1dc: {  	s7 =	sor.u32 s11, s1;
	s1 =	sor.u32 s17, s6;
	v11 =	vld.idx.msk [tilespmem:v7+s2+$0x0], $0xffff;
	[tilespmem:s0+$0x0] =	vst v15  }
0x1dd: {  	s26 =	sadd.s32 $0x20, s26;
	v13 =	vadd.s32 $0x9000, v4;
	v16 =	vld.idx.msk [tilespmem:v16+s2+$0x0], $0xffff;
	[tilespmem:s1+$0x0] =	vst v10  }
0x1de: {  	s8 =	sor.u32 s16, s6;
	s21 =	sand.u32 $0x60, s26;
	v10 =	vadd.s32 $0x9000, v0;
	v15 =	vld.idx.msk [tilespmem:v18+s2+$0x0], $0xffff  }
0x1df: {  	s12 =	sand.u32 $0x180, s26;
	s20 =	sadd.s32 $0x14580, s18;
	s19 =	sor.u32 $0x10, s21;
	[tilespmem:s8+$0x0] =	vst v17;
	v14 =	vld.idx.msk [tilespmem:v14+s2+$0x0], $0xffff  }
0x1e0: {  	s24 =	sor.u32 s14, s20;
	v17 =	vadd.s32 $0xD800, v2;
	s0 =	sor.u32 s19, s12;
	v12 =	vld.idx.msk [tilespmem:v12+s2+$0x0], $0xffff;
	[tilespmem:s13+$0x0] =	vst v9  }
0x1e1: {  	s25 =	sor.u32 s22, s20;
	v18 =	vadd.s32 $0xDC00, v1;
	v7 =	vld [tilespmem:s0+$0x10000];
	[tilespmem:s24+$0x0] =	vst v11  }
0x1e2: {  	s1 =	sadd.s32 $0x16700, s15;
	v9 =	vadd.s32 $0x4800, v6;
	[tilespmem:s25+$0x0] =	vst v8;
	v8 =	vld.idx.msk [tilespmem:v13+s2+$0x0], $0xffff  }
0x1e3: {  	s6 =	sadd.s32 $0x12480, s5;
	v11 =	vadd.s32 $0x4800, v3;
	s0 =	sor.u32 s23, s1;
	v10 =	vld.idx.msk [tilespmem:v10+s2+$0x0], $0xffff;
	[tilespmem:s7+$0x0] =	vst v16  }
0x1e4: {  	s7 =	sor.u32 s11, s1;
	s1 =	sor.u32 s17, s6;
	[tilespmem:s0+$0x0] =	vst v15  }
0x1e5: {  	v13 =	vadd.s32 $0x9400, v4;
	v16 =	vld.idx.msk [tilespmem:v17+s2+$0x0], $0xffff;
	[tilespmem:s1+$0x0] =	vst v14  }
0x1e6: {  	s8 =	sor.u32 s16, s6;
	s12 =	sadd.s32 $0x14600, s18;
	v14 =	vld.idx.msk [tilespmem:v18+s2+$0x0], $0xffff  }
0x1e7: {  	[tilespmem:s8+$0x0] =	vst v12;
	v12 =	vadd.s32 $0x9400, v0;
	s0 =	sor.u32 s14, s12;
	v9 =	vld.idx.msk [tilespmem:v9+s2+$0x0], $0xffff  }
0x1e8: {  	s13 =	sor.u32 s22, s12;
	v15 =	vadd.s32 $0xE000, v1;
	v11 =	vld.idx.msk [tilespmem:v11+s2+$0x0], $0xffff;
	[tilespmem:s0+$0x0] =	vst v8  }
0x1e9: {  	s20 =	sadd.s32 $0x16780, s15;
	v17 =	vld.idx.msk [tilespmem:v5+s2+$0x0], $0xffff;
	v18 =	vadd.s32 $0x4C00, v6;
	[tilespmem:s13+$0x0] =	vst v10  }
0x1ea: {  	s24 =	sadd.s32 $0x12500, s5;
	v8 =	vadd.s32 $0x4C00, v3;
	s0 =	sor.u32 s23, s20;
	v10 =	vld.idx.msk [tilespmem:v13+s2+$0x0], $0xffff;
	[tilespmem:s7+$0x0] =	vst v16  }
0x1eb: {  	s1 =	sor.u32 s17, s24;
	v13 =	vld.idx.msk [tilespmem:v7+s2+$0x0], $0xffff;
	[tilespmem:s0+$0x0] =	vst v14  }
0x1ec: {  	v16 =	vadd.s32 $0xDC00, v2;
	v12 =	vld.idx.msk [tilespmem:v12+s2+$0x0], $0xffff;
	[tilespmem:s1+$0x0] =	vst v9  }
0x1ed: {  	s31 =	sadd.s32 $0x100, s31;
	v19 =	vadd.s32 $0x9800, v4;
	s25 =	sor.u32 s16, s24;
	v9 =	vld.idx.msk [tilespmem:v15+s2+$0x0], $0xffff  }
0x1ee: {  	s6 =	sor.u32 s31, s26;
	s8 =	sadd.s32 $0x14680, s18;
	s13 =	sand.u32 $0xC00, s31;
	[tilespmem:s25+$0x0] =	vst v11;
	v14 =	vadd.s32 $0x400, v7;
	v11 =	vld.idx.msk [tilespmem:v18+s2+$0x0], $0xffff  }
0x1ef: {  	s7 =	sor.u32 s11, s20;
	s12 =	sadd.s32 $0x10400, s13;
	s20 =	sor.u32 s14, s8;
	v15 =	vadd.s32 $0x400, v5;
	v18 =	vld.idx.msk [tilespmem:v8+s2+$0x0], $0xffff  }
0x1f0: {  	s25 =	sor.u32 s19, s12;
	s0 =	sor.u32 $0x380, s6;
	[tilespmem:s20+$0x0] =	vst v10;
	v10 =	vadd.s32 $0x5000, v3  }
0x1f1: {  	v20 =	vadd.s32 $0xE400, v1;
	s4 =	sadd.s32 $0x17400, s15;
	s24 =	sor.u32 s21, s12;
	[dreg:$0x3] =	wrdreg s0;
	v8 =	vld.idx.msk [tilespmem:v16+s2+$0x0], $0xffff;
	[tilespmem:s25+$0x0] =	vst v13  }
0x1f2: {  	v21 =	vadd.s32 $0x5000, v6;
	s1 =	sor.u32 s22, s8;
	s8 =	sadd.s32 $0x12580, s5;
	s0 =	sor.u32 s23, s4;
	[tilespmem:s24+$0x0] =	vst v17;
	v13 =	vld.idx.msk [tilespmem:v19+s2+$0x0], $0xffff  }
0x1f3: {  	s12 =	sor.u32 s16, s8;
	v16 =	vadd.s32 $0x9800, v0;
	v14 =	vld.idx.msk [tilespmem:v14+s2+$0x0], $0xffff;
	[tilespmem:s0+$0x0] =	vst v9  }
0x1f4: {  	s6 =	sor.u32 s11, s4;
	s4 =	sor.u32 s17, s8;
	v17 =	vadd.s32 $0x9C00, v4;
	v15 =	vld.idx.msk [tilespmem:v15+s2+$0x0], $0xffff;
	[tilespmem:s12+$0x0] =	vst v18  }
0x1f5: {  	s20 =	sadd.s32 $0x14700, s18;
	v19 =	vadd.s32 $0x800, v5;
	[tilespmem:s4+$0x0] =	vst v11;
	v10 =	vld.idx.msk [tilespmem:v10+s2+$0x0], $0xffff  }
0x1f6: {  	v9 =	vadd.s32 $0x800, v7;
	s0 =	sor.u32 s14, s20;
	[tilespmem:s1+$0x0] =	vst v12;
	v11 =	vld.idx.msk [tilespmem:v20+s2+$0x0], $0xffff  }
0x1f7: {  	v18 =	vld.idx.msk [tilespmem:v21+s2+$0x0], $0xffff;
	[tilespmem:s0+$0x0] =	vst v13;
	v13 =	vadd.s32 $0x5400, v3  }
0x1f8: {  	s12 =	sadd.s32 $0x12600, s5;
	v12 =	vadd.s32 $0xE800, v1;
	v16 =	vld.idx.msk [tilespmem:v16+s2+$0x0], $0xffff;
	[tilespmem:s25+$0x80] =	vst v14  }
0x1f9: {  	s8 =	sadd.s32 $0x17480, s15;
	s4 =	sor.u32 s22, s20;
	s20 =	sor.u32 s16, s12;
	v20 =	vadd.s32 $0x5400, v6;
	v14 =	vld.idx.msk [tilespmem:v17+s2+$0x0], $0xffff;
	[tilespmem:s24+$0x80] =	vst v15  }
0x1fa: {  	s0 =	sor.u32 s23, s8;
	v17 =	vld.idx.msk [tilespmem:v19+s2+$0x0], $0xffff;
	[tilespmem:s20+$0x0] =	vst v10  }
0x1fb: {  	s1 =	sor.u32 s11, s8;
	s8 =	sor.u32 s17, s12;
	v9 =	vld.idx.msk [tilespmem:v9+s2+$0x0], $0xffff;
	v15 =	vadd.s32 $0x9C00, v0;
	[tilespmem:s0+$0x0] =	vst v11  }
0x1fc: {  	v19 =	vadd.s32 $0xA000, v4;
	v13 =	vld.idx.msk [tilespmem:v13+s2+$0x0], $0xffff;
	[tilespmem:s8+$0x0] =	vst v18  }
0x1fd: {  	v11 =	vadd.s32 $0xC00, v7;
	s8 =	sadd.s32 $0x14780, s18;
	v12 =	vld.idx.msk [tilespmem:v12+s2+$0x0], $0xffff  }
0x1fe: {  	[tilespmem:s4+$0x0] =	vst v16;
	v18 =	vadd.s32 $0xC00, v5;
	v10 =	vld.idx.msk [tilespmem:v20+s2+$0x0], $0xffff;
	s0 =	sor.u32 s14, s8  }
0x1ff: {  	v16 =	vadd.s32 $0xEC00, v1;
	[tilespmem:s0+$0x0] =	vst v14  }
0x200: {  	s12 =	sadd.s32 $0x17500, s15;
	v20 =	vadd.s32 $0x5800, v6;
	v15 =	vld.idx.msk [tilespmem:v15+s2+$0x0], $0xffff;
	[tilespmem:s25+$0x100] =	vst v9  }
0x201: {  	s20 =	sadd.s32 $0x12680, s5;
	s4 =	sor.u32 s22, s8;
	s8 =	sor.u32 s23, s12;
	v9 =	vadd.s32 $0x5800, v3;
	[tilespmem:s24+$0x100] =	vst v17;
	v14 =	vld.idx.msk [tilespmem:v19+s2+$0x0], $0xffff  }
0x202: {  	s0 =	sor.u32 s11, s12;
	s12 =	sor.u32 s17, s20;
	v11 =	vld.idx.msk [tilespmem:v11+s2+$0x0], $0xffff;
	[tilespmem:s8+$0x0] =	vst v12  }
0x203: {  	v17 =	vadd.s32 $0xA000, v0;
	v18 =	vld.idx.msk [tilespmem:v18+s2+$0x0], $0xffff;
	[tilespmem:s12+$0x0] =	vst v10  }
0x204: {  	s28 =	sor.u32 s16, s20;
	v19 =	vadd.s32 $0xA400, v4;
	v10 =	vld.idx.msk [tilespmem:v16+s2+$0x0], $0xffff  }
0x205: {  	s20 =	sadd.s32 $0x15400, s18;
	[tilespmem:s28+$0x0] =	vst v13;
	v12 =	vadd.s32 $0x1000, v7;
	v13 =	vld.idx.msk [tilespmem:v20+s2+$0x0], $0xffff  }
0x206: {  	s8 =	sor.u32 s14, s20;
	v16 =	vadd.s32 $0x1000, v5;
	v9 =	vld.idx.msk [tilespmem:v9+s2+$0x0], $0xffff;
	[tilespmem:s4+$0x0] =	vst v15  }
0x207: {  	v15 =	vadd.s32 $0xF000, v1;
	[tilespmem:s8+$0x0] =	vst v14  }
0x208: {  	s12 =	sadd.s32 $0x17580, s15;
	v20 =	vadd.s32 $0x5C00, v6;
	v17 =	vld.idx.msk [tilespmem:v17+s2+$0x0], $0xffff;
	[tilespmem:s25+$0x180] =	vst v11  }
0x209: {  	s4 =	sor.u32 s22, s20;
	s20 =	sadd.s32 $0x12700, s5;
	s8 =	sor.u32 s23, s12;
	v11 =	vadd.s32 $0x5C00, v3;
	[tilespmem:s24+$0x180] =	vst v18;
	v14 =	vld.idx.msk [tilespmem:v19+s2+$0x0], $0xffff  }
0x20a: {  	s30 =	sor.u32 s11, s12;
	s12 =	sor.u32 s17, s20;
	v12 =	vld.idx.msk [tilespmem:v12+s2+$0x0], $0xffff;
	[tilespmem:s8+$0x0] =	vst v10  }
0x20b: {  	v18 =	vadd.s32 $0xA400, v0;
	v16 =	vld.idx.msk [tilespmem:v16+s2+$0x0], $0xffff;
	[tilespmem:s12+$0x0] =	vst v13  }
0x20c: {  	s28 =	sor.u32 s16, s20;
	v19 =	vadd.s32 $0xA800, v4;
	v13 =	vld.idx.msk [tilespmem:v15+s2+$0x0], $0xffff  }
0x20d: {  	s20 =	sadd.s32 $0x15480, s18;
	v10 =	vadd.s32 $0x1400, v7;
	[tilespmem:s28+$0x0] =	vst v9;
	v9 =	vld.idx.msk [tilespmem:v20+s2+$0x0], $0xffff  }
0x20e: {  	s8 =	sor.u32 s14, s20;
	v15 =	vadd.s32 $0x1400, v5;
	v11 =	vld.idx.msk [tilespmem:v11+s2+$0x0], $0xffff;
	[tilespmem:s4+$0x0] =	vst v17  }
0x20f: {  	v17 =	vadd.s32 $0xF400, v1;
	[tilespmem:s8+$0x0] =	vst v14  }
0x210: {  	s12 =	sadd.s32 $0x17600, s15;
	v20 =	vadd.s32 $0x6000, v6;
	v18 =	vld.idx.msk [tilespmem:v18+s2+$0x0], $0xffff;
	[tilespmem:s25+$0x200] =	vst v12  }
0x211: {  	s4 =	sor.u32 s22, s20;
	s20 =	sadd.s32 $0x12780, s5;
	s8 =	sor.u32 s23, s12;
	v12 =	vadd.s32 $0x6000, v3;
	v14 =	vld.idx.msk [tilespmem:v19+s2+$0x0], $0xffff;
	[tilespmem:s24+$0x200] =	vst v16  }
0x212: {  	s29 =	sor.u32 s11, s12;
	s12 =	sor.u32 s17, s20;
	v10 =	vld.idx.msk [tilespmem:v10+s2+$0x0], $0xffff;
	[tilespmem:s8+$0x0] =	vst v13  }
0x213: {  	v16 =	vadd.s32 $0xA800, v0;
	v15 =	vld.idx.msk [tilespmem:v15+s2+$0x0], $0xffff;
	[tilespmem:s12+$0x0] =	vst v9  }
0x214: {  	s28 =	sor.u32 s16, s20;
	v19 =	vadd.s32 $0xAC00, v4;
	v9 =	vld.idx.msk [tilespmem:v17+s2+$0x0], $0xffff  }
0x215: {  	s20 =	sadd.s32 $0x15500, s18;
	v13 =	vadd.s32 $0x1800, v7;
	[tilespmem:s28+$0x0] =	vst v11;
	v11 =	vld.idx.msk [tilespmem:v20+s2+$0x0], $0xffff  }
0x216: {  	s8 =	sor.u32 s14, s20;
	v17 =	vadd.s32 $0x1800, v5;
	v12 =	vld.idx.msk [tilespmem:v12+s2+$0x0], $0xffff;
	[tilespmem:s4+$0x0] =	vst v18  }
0x217: {  	v18 =	vadd.s32 $0xF800, v1;
	[tilespmem:s8+$0x0] =	vst v14  }
0x218: {  	v20 =	vadd.s32 $0x6400, v6;
	v16 =	vld.idx.msk [tilespmem:v16+s2+$0x0], $0xffff;
	s8 =	sadd.s32 $0x17680, s15;
	[tilespmem:s25+$0x280] =	vst v10  }
0x219: {  	s9 =	sadd.s32 $0x1, s9;
	s12 =	sadd.s32 $0x13400, s5;
	v10 =	vadd.s32 $0x6400, v3;
	v14 =	vld.idx.msk [tilespmem:v19+s2+$0x0], $0xffff;
	[tilespmem:s24+$0x280] =	vst v15;
	s24 =	sor.u32 s23, s8  }
0x21a: {  	s4 =	sor.u32 s22, s20;
	s20 =	sor.u32 s16, s12;
	s12 =	sor.u32 s17, s12;
	v13 =	vld.idx.msk [tilespmem:v13+s2+$0x0], $0xffff;
	[tilespmem:s24+$0x0] =	vst v9  }
0x21b: {  	s25 =	sand.u32 $0x3, s9;
	v15 =	vadd.s32 $0xAC00, v0;
	v17 =	vld.idx.msk [tilespmem:v17+s2+$0x0], $0xffff;
	[tilespmem:s12+$0x0] =	vst v11  }
0x21c: {  	v19 =	vadd.s32 $0xB000, v4;
	s25 =	sshll.u32 s25, $0x5;
	v11 =	vld.idx.msk [tilespmem:v18+s2+$0x0], $0xffff  }
0x21d: {  	s25 =	sadd.s32 s25, s31;
	v9 =	vadd.s32 $0x1C00, v7;
	[tilespmem:s20+$0x0] =	vst v12;
	s12 =	sadd.s32 $0x15580, s18;
	v12 =	vld.idx.msk [tilespmem:v20+s2+$0x0], $0xffff  }
0x21e: {  	s28 =	sor.u32 s11, s8;
	s8 =	sadd.s32 $0x10, s25;
	v18 =	vadd.s32 $0x1C00, v5;
	v10 =	vld.idx.msk [tilespmem:v10+s2+$0x0], $0xffff;
	[tilespmem:s4+$0x0] =	vst v16;
	s24 =	sor.u32 s14, s12  }
0x21f: {  	s20 =	sor.u32 $0x300, s25;
	s25 =	sor.u32 $0x300, s8;
	v16 =	vadd.s32 $0xFC00, v1;
	[tilespmem:s24+$0x0] =	vst v14  }
0x220: {  	v1 =	vmov v4;
	v4 =	vmov v6;
	v15 =	vld.idx.msk [tilespmem:v15+s2+$0x0], $0xffff;
	s24 =	sadd.s32 $0x17700, s15;
	[tilespmem:s25+$0x10400] =	vst v13;
	v13 =	vadd.s32 $0x6800, v3  }
0x221: {  	v6 =	vmov v7;
	v7 =	vadd.s32 $0x6800, v4;
	s4 =	sor.u32 s23, s24;
	v14 =	vld.idx.msk [tilespmem:v19+s2+$0x0], $0xffff;
	[tilespmem:s20+$0x10400] =	vst v17;
	s20 =	sadd.s32 $0x13480, s5  }
0x222: {  	s25 =	sor.u32 s11, s24;
	v9 =	vld.idx.msk [tilespmem:v9+s2+$0x0], $0xffff;
	v17 =	vadd.s32 $0xB000, v0;
	s24 =	sor.u32 s16, s20;
	s20 =	sor.u32 s17, s20;
	[tilespmem:s4+$0x0] =	vst v11  }
0x223: {  	v20 =	vadd.s32 $0xB400, v1;
	v19 =	vld.idx.msk [tilespmem:v18+s2+$0x0], $0xffff;
	[tilespmem:s20+$0x0] =	vst v12  }
0x224: {  	s10 =	sadd.s32 $0x2, s10;
	s12 =	sor.u32 s22, s12;
	v11 =	vadd.s32 $0x2000, v6;
	[tilespmem:s24+$0x0] =	vst v10;
	s24 =	sadd.s32 $0x15600, s18;
	v63 =	vld.idx.msk [tilespmem:v16+s2+$0x0], $0xffff  }
0x225: {  	p0 =	slt.u32 s10, $0x1E;
	v22 =	vadd.s32 $0x2000, v5;
	s4 =	sor.u32 s22, s24;
	s24 =	sor.u32 s14, s24;
	v13 =	vld.idx.msk [tilespmem:v13+s2+$0x0], $0xffff;
	[tilespmem:s12+$0x0] =	vst v15  }
.Ltmp0:
0x226: {  	s8 =	sor.u32 $0x380, s8;
	v12 =	vld.idx.msk [tilespmem:v7+s2+$0x0], $0xffff;
	[tilespmem:s24+$0x0] =	vst v14;
	(pc) =	sbr.rel @p0 .LBB2_2-.Ltmp0, $4  }
0x227: {  	s20 =	smov.u32 s21;
	s21 =	smov.u32 s13;
	s13 =	rddreg [dreg:$0x3];
	v10 =	vld.idx.msk [tilespmem:v17+s2+$0x0], $0xffff;
	[tilespmem:s8+$0x10400] =	vst v9  }
0x228: {  	s12 =	sadd.s32 $0x17780, s15;
	s15 =	smov.u32 s18;
	s18 =	smov.u32 s5;
	v9 =	vld.idx.msk [tilespmem:v20+s2+$0x0], $0xffff  }
0x229: {  	s3 =	sadd.s32 $0x20, s3;
	v18 =	vadd.s32 $0x6C00, v3;
	s24 =	sadd.s32 $0x13500, s18;
	s8 =	sor.u32 s23, s12;
	[tilespmem:s13+$0x10400] =	vst v19;
	v11 =	vld.idx.msk [tilespmem:v11+s2+$0x0], $0xffff  }
0x22a: {  	v16 =	vadd.s32 $0x6C00, v4;
	v15 =	vadd.s32 $0xB400, v0;
	v17 =	vadd.s32 $0xB800, v1;
	s5 =	sor.u32 s16, s24;
	s13 =	sor.u32 s11, s12;
	s11 =	sor.u32 s17, s24;
	v14 =	vld.idx.msk [tilespmem:v22+s2+$0x0], $0xffff;
	[tilespmem:s8+$0x0] =	vst v63  }
0x22b: {  	_ =	sdelay $0x1  }
0x22c: {  	[tilespmem:s11+$0x0] =	vst v12  }
0x22d: {  	v7 =	vadd.s32 $0x2400, v6;
	[tilespmem:s5+$0x0] =	vst v13  }
0x22e: {  	v12 =	vadd.s32 $0x2400, v5;
	s3 =	sadd.s32 $0x15680, s15;
	[tilespmem:s7+$0x0] =	vst v8;
	v13 =	vld.idx.msk [tilespmem:v16+s2+$0x0], $0xffff  }
0x22f: {  	s10 =	sadd.s32 $0x11400, s21;
	v16 =	vld.idx.msk [tilespmem:v18+s2+$0x0], $0xffff;
	[tilespmem:s4+$0x0] =	vst v10;
	s11 =	sor.u32 s14, s3;
	v10 =	vadd.s32 $0xE000, v2  }
0x230: {  	s8 =	sor.u32 s19, s10;
	v18 =	vadd.s32 $0x7000, v4;
	v15 =	vld.idx.msk [tilespmem:v15+s2+$0x0], $0xffff;
	[tilespmem:s11+$0x0] =	vst v9  }
0x231: {  	s23 =	sadd.s32 $0x13580, s18;
	s12 =	sor.u32 s20, s10;
	v9 =	vadd.s32 $0x7000, v3;
	[tilespmem:s8+$0x0] =	vst v11;
	v11 =	vld.idx.msk [tilespmem:v17+s2+$0x0], $0xffff  }
0x232: {  	s24 =	sor.u32 s17, s23;
	[tilespmem:s12+$0x0] =	vst v14;
	v14 =	vadd.s32 $0xB800, v0;
	v7 =	vld.idx.msk [tilespmem:v7+s2+$0x0], $0xffff  }
0x233: {  	s4 =	sor.u32 s16, s23;
	v17 =	vadd.s32 $0xBC00, v1;
	v12 =	vld.idx.msk [tilespmem:v12+s2+$0x0], $0xffff;
	[tilespmem:s24+$0x0] =	vst v13  }
0x234: {  	v8 =	vadd.s32 $0x2800, v6;
	s26 =	sadd.s32 $0x15700, s15;
	s3 =	sor.u32 s22, s3;
	v10 =	vld.idx.msk [tilespmem:v10+s2+$0x0], $0xffff;
	[tilespmem:s4+$0x0] =	vst v16  }
0x235: {  	s7 =	sadd.s32 $0x11480, s21;
	s8 =	sor.u32 s14, s26;
	v13 =	vadd.s32 $0x2800, v5;
	v16 =	vld.idx.msk [tilespmem:v18+s2+$0x0], $0xffff;
	[tilespmem:s3+$0x0] =	vst v15  }
0x236: {  	s9 =	sor.u32 s19, s7;
	v9 =	vld.idx.msk [tilespmem:v9+s2+$0x0], $0xffff;
	[tilespmem:s8+$0x0] =	vst v11  }
0x237: {  	s10 =	sor.u32 s20, s7;
	v15 =	vadd.s32 $0xE400, v2;
	v14 =	vld.idx.msk [tilespmem:v14+s2+$0x0], $0xffff;
	[tilespmem:s9+$0x0] =	vst v7  }
0x238: {  	s11 =	sadd.s32 $0x13600, s18;
	v18 =	vadd.s32 $0x7400, v4;
	v17 =	vld.idx.msk [tilespmem:v17+s2+$0x0], $0xffff;
	[tilespmem:s10+$0x0] =	vst v12  }
0x239: {  	s12 =	sor.u32 s17, s11;
	v11 =	vadd.s32 $0x7400, v3;
	v12 =	vld.idx.msk [tilespmem:v8+s2+$0x0], $0xffff;
	[tilespmem:s6+$0x0] =	vst v10  }
0x23a: {  	s3 =	sor.u32 s16, s11;
	v8 =	vadd.s32 $0xBC00, v0;
	v13 =	vld.idx.msk [tilespmem:v13+s2+$0x0], $0xffff;
	[tilespmem:s12+$0x0] =	vst v16  }
0x23b: {  	v19 =	vadd.s32 $0x2C00, v6;
	s4 =	sor.u32 s22, s26;
	[tilespmem:s3+$0x0] =	vst v9;
	s3 =	sadd.s32 $0x15780, s15  }
0x23c: {  	s23 =	sadd.s32 $0x11500, s21;
	v7 =	vld.idx.msk [tilespmem:v15+s2+$0x0], $0xffff;
	v15 =	vadd.s32 $0x2C00, v5;
	s24 =	sor.u32 s14, s3;
	[tilespmem:s4+$0x0] =	vst v14  }
0x23d: {  	s26 =	sor.u32 s19, s23;
	v9 =	vld.idx.msk [tilespmem:v18+s2+$0x0], $0xffff;
	[tilespmem:s24+$0x0] =	vst v17  }
0x23e: {  	s7 =	sor.u32 s20, s23;
	v10 =	vld.idx.msk [tilespmem:v11+s2+$0x0], $0xffff;
	[tilespmem:s26+$0x0] =	vst v12  }
0x23f: {  	v8 =	vld.idx.msk [tilespmem:v8+s2+$0x0], $0xffff;
	[tilespmem:s7+$0x0] =	vst v13  }
0x240: {  	v11 =	vld.idx.msk [tilespmem:v19+s2+$0x0], $0xffff  }
0x241: {  	v13 =	vadd.s32 $0x3000, v6;
	v12 =	vld.idx.msk [tilespmem:v15+s2+$0x0], $0xffff  }
0x242: {  	v14 =	vadd.s32 $0x3000, v5  }
0x243: {  	s8 =	sadd.s32 $0x11580, s21  }
0x244: {  	s9 =	sor.u32 s19, s8  }
0x245: {  	s4 =	sor.u32 s20, s8;
	[tilespmem:s9+$0x0] =	vst v11  }
0x246: {  	[tilespmem:s4+$0x0] =	vst v12;
	v11 =	vld.idx.msk [tilespmem:v13+s2+$0x0], $0xffff  }
0x247: {  	v12 =	vld.idx.msk [tilespmem:v14+s2+$0x0], $0xffff;
	v13 =	vadd.s32 $0x3400, v6  }
0x248: {  	v14 =	vadd.s32 $0x3400, v5  }
0x249: {  	s10 =	sadd.s32 $0x11600, s21  }
0x24a: {  	s11 =	sor.u32 s19, s10  }
0x24b: {  	s4 =	sor.u32 s20, s10;
	[tilespmem:s11+$0x0] =	vst v11  }
0x24c: {  	[tilespmem:s4+$0x0] =	vst v12;
	v11 =	vld.idx.msk [tilespmem:v13+s2+$0x0], $0xffff  }
0x24d: {  	v12 =	vld.idx.msk [tilespmem:v14+s2+$0x0], $0xffff;
	v13 =	vadd.s32 $0x3800, v6  }
0x24e: {  	v14 =	vadd.s32 $0x3800, v5  }
0x24f: {  	s12 =	sadd.s32 $0x11680, s21  }
0x250: {  	s23 =	sor.u32 s19, s12  }
0x251: {  	s4 =	sor.u32 s20, s12;
	[tilespmem:s23+$0x0] =	vst v11  }
0x252: {  	[tilespmem:s4+$0x0] =	vst v12;
	v11 =	vld.idx.msk [tilespmem:v13+s2+$0x0], $0xffff  }
0x253: {  	v12 =	vld.idx.msk [tilespmem:v14+s2+$0x0], $0xffff;
	v13 =	vadd.s32 $0x3C00, v6  }
0x254: {  	v14 =	vadd.s32 $0x3C00, v5  }
0x255: {  	s24 =	sadd.s32 $0x11700, s21  }
0x256: {  	s26 =	sor.u32 s19, s24  }
0x257: {  	s4 =	sor.u32 s20, s24;
	[tilespmem:s26+$0x0] =	vst v11  }
0x258: {  	[tilespmem:s4+$0x0] =	vst v12;
	v11 =	vld.idx.msk [tilespmem:v13+s2+$0x0], $0xffff  }
0x259: {  	v12 =	vld.idx.msk [tilespmem:v14+s2+$0x0], $0xffff;
	v13 =	vadd.s32 $0x4000, v6  }
0x25a: {  	v14 =	vadd.s32 $0x4000, v5  }
0x25b: {  	s6 =	sadd.s32 $0x11780, s21  }
0x25c: {  	s7 =	sor.u32 s19, s6  }
0x25d: {  	s4 =	sor.u32 s20, s6;
	[tilespmem:s7+$0x0] =	vst v11  }
0x25e: {  	[tilespmem:s4+$0x0] =	vst v12;
	v11 =	vld.idx.msk [tilespmem:v13+s2+$0x0], $0xffff  }
0x25f: {  	v12 =	vld.idx.msk [tilespmem:v14+s2+$0x0], $0xffff;
	v13 =	vadd.s32 $0x4400, v6  }
0x260: {  	v14 =	vadd.s32 $0x4400, v5  }
0x261: {  	s8 =	sadd.s32 $0x12400, s21  }
0x262: {  	s9 =	sor.u32 s19, s8  }
0x263: {  	s4 =	sor.u32 s20, s8;
	[tilespmem:s9+$0x0] =	vst v11  }
0x264: {  	[tilespmem:s4+$0x0] =	vst v12;
	v11 =	vld.idx.msk [tilespmem:v13+s2+$0x0], $0xffff  }
0x265: {  	v12 =	vld.idx.msk [tilespmem:v14+s2+$0x0], $0xffff;
	v13 =	vadd.s32 $0x4800, v6  }
0x266: {  	v14 =	vadd.s32 $0x4800, v5  }
0x267: {  	s10 =	sadd.s32 $0x12480, s21  }
0x268: {  	s11 =	sor.u32 s19, s10  }
0x269: {  	s4 =	sor.u32 s20, s10;
	[tilespmem:s11+$0x0] =	vst v11  }
0x26a: {  	[tilespmem:s4+$0x0] =	vst v12;
	v11 =	vld.idx.msk [tilespmem:v13+s2+$0x0], $0xffff  }
0x26b: {  	v12 =	vld.idx.msk [tilespmem:v14+s2+$0x0], $0xffff;
	v13 =	vadd.s32 $0x4C00, v6  }
0x26c: {  	v14 =	vadd.s32 $0x4C00, v5  }
0x26d: {  	s12 =	sadd.s32 $0x12500, s21  }
0x26e: {  	s23 =	sor.u32 s19, s12  }
0x26f: {  	s4 =	sor.u32 s20, s12;
	[tilespmem:s23+$0x0] =	vst v11  }
0x270: {  	[tilespmem:s4+$0x0] =	vst v12;
	v11 =	vld.idx.msk [tilespmem:v13+s2+$0x0], $0xffff  }
0x271: {  	v12 =	vld.idx.msk [tilespmem:v14+s2+$0x0], $0xffff;
	v13 =	vadd.s32 $0x5000, v6  }
0x272: {  	v14 =	vadd.s32 $0x5000, v5  }
0x273: {  	s24 =	sadd.s32 $0x12580, s21  }
0x274: {  	s26 =	sor.u32 s19, s24  }
0x275: {  	s4 =	sor.u32 s20, s24;
	[tilespmem:s26+$0x0] =	vst v11  }
0x276: {  	[tilespmem:s4+$0x0] =	vst v12;
	v11 =	vld.idx.msk [tilespmem:v13+s2+$0x0], $0xffff  }
0x277: {  	v12 =	vld.idx.msk [tilespmem:v14+s2+$0x0], $0xffff;
	v13 =	vadd.s32 $0x5400, v6  }
0x278: {  	v14 =	vadd.s32 $0x5400, v5  }
0x279: {  	s6 =	sadd.s32 $0x12600, s21  }
0x27a: {  	s7 =	sor.u32 s19, s6  }
0x27b: {  	s4 =	sor.u32 s20, s6;
	[tilespmem:s7+$0x0] =	vst v11  }
0x27c: {  	[tilespmem:s4+$0x0] =	vst v12;
	v11 =	vld.idx.msk [tilespmem:v13+s2+$0x0], $0xffff  }
0x27d: {  	v12 =	vld.idx.msk [tilespmem:v14+s2+$0x0], $0xffff;
	v13 =	vadd.s32 $0x5800, v6  }
0x27e: {  	v14 =	vadd.s32 $0x5800, v5  }
0x27f: {  	s8 =	sadd.s32 $0x12680, s21  }
0x280: {  	s9 =	sor.u32 s19, s8  }
0x281: {  	s4 =	sor.u32 s20, s8;
	[tilespmem:s9+$0x0] =	vst v11  }
0x282: {  	[tilespmem:s4+$0x0] =	vst v12;
	v11 =	vld.idx.msk [tilespmem:v13+s2+$0x0], $0xffff  }
0x283: {  	v12 =	vld.idx.msk [tilespmem:v14+s2+$0x0], $0xffff;
	v13 =	vadd.s32 $0x5C00, v6  }
0x284: {  	v14 =	vadd.s32 $0x5C00, v5  }
0x285: {  	s10 =	sadd.s32 $0x12700, s21  }
0x286: {  	s11 =	sor.u32 s19, s10  }
0x287: {  	s4 =	sor.u32 s20, s10;
	[tilespmem:s11+$0x0] =	vst v11  }
0x288: {  	[tilespmem:s4+$0x0] =	vst v12;
	v11 =	vld.idx.msk [tilespmem:v13+s2+$0x0], $0xffff  }
0x289: {  	v12 =	vld.idx.msk [tilespmem:v14+s2+$0x0], $0xffff;
	v13 =	vadd.s32 $0x6000, v6  }
0x28a: {  	v14 =	vadd.s32 $0x6000, v5  }
0x28b: {  	s12 =	sadd.s32 $0x12780, s21  }
0x28c: {  	s23 =	sor.u32 s19, s12  }
0x28d: {  	s4 =	sor.u32 s20, s12;
	[tilespmem:s23+$0x0] =	vst v11  }
0x28e: {  	[tilespmem:s4+$0x0] =	vst v12;
	v11 =	vld.idx.msk [tilespmem:v13+s2+$0x0], $0xffff  }
0x28f: {  	v12 =	vld.idx.msk [tilespmem:v14+s2+$0x0], $0xffff;
	v13 =	vadd.s32 $0x6400, v6  }
0x290: {  	v14 =	vadd.s32 $0x6400, v5  }
0x291: {  	s24 =	sadd.s32 $0x13400, s21  }
0x292: {  	s26 =	sor.u32 s19, s24  }
0x293: {  	s4 =	sor.u32 s20, s24;
	[tilespmem:s26+$0x0] =	vst v11  }
0x294: {  	[tilespmem:s4+$0x0] =	vst v12;
	v11 =	vld.idx.msk [tilespmem:v13+s2+$0x0], $0xffff  }
0x295: {  	v12 =	vld.idx.msk [tilespmem:v14+s2+$0x0], $0xffff;
	v13 =	vadd.s32 $0x6800, v6  }
0x296: {  	v14 =	vadd.s32 $0x6800, v5  }
0x297: {  	s6 =	sadd.s32 $0x13480, s21  }
0x298: {  	s7 =	sor.u32 s19, s6  }
0x299: {  	s4 =	sor.u32 s20, s6;
	[tilespmem:s7+$0x0] =	vst v11  }
0x29a: {  	[tilespmem:s4+$0x0] =	vst v12;
	v11 =	vld.idx.msk [tilespmem:v13+s2+$0x0], $0xffff  }
0x29b: {  	v12 =	vld.idx.msk [tilespmem:v14+s2+$0x0], $0xffff;
	v13 =	vadd.s32 $0x6C00, v6  }
0x29c: {  	v14 =	vadd.s32 $0x6C00, v5  }
0x29d: {  	s8 =	sadd.s32 $0x13500, s21  }
0x29e: {  	s9 =	sor.u32 s19, s8  }
0x29f: {  	s4 =	sor.u32 s20, s8;
	[tilespmem:s9+$0x0] =	vst v11  }
0x2a0: {  	[tilespmem:s4+$0x0] =	vst v12;
	v11 =	vld.idx.msk [tilespmem:v13+s2+$0x0], $0xffff  }
0x2a1: {  	v12 =	vld.idx.msk [tilespmem:v14+s2+$0x0], $0xffff;
	v13 =	vadd.s32 $0x7000, v6  }
0x2a2: {  	v14 =	vadd.s32 $0x7000, v5  }
0x2a3: {  	s10 =	sadd.s32 $0x13580, s21  }
0x2a4: {  	s11 =	sor.u32 s19, s10  }
0x2a5: {  	s4 =	sor.u32 s20, s10;
	[tilespmem:s11+$0x0] =	vst v11  }
0x2a6: {  	[tilespmem:s4+$0x0] =	vst v12;
	v11 =	vld.idx.msk [tilespmem:v13+s2+$0x0], $0xffff  }
0x2a7: {  	v12 =	vld.idx.msk [tilespmem:v14+s2+$0x0], $0xffff;
	v13 =	vadd.s32 $0x7400, v6  }
0x2a8: {  	v14 =	vadd.s32 $0x7400, v5  }
0x2a9: {  	s12 =	sadd.s32 $0x13600, s21  }
0x2aa: {  	s23 =	sor.u32 s19, s12  }
0x2ab: {  	v15 =	vadd.s32 $0x7800, v4;
	s4 =	sor.u32 s20, s12;
	[tilespmem:s23+$0x0] =	vst v11  }
0x2ac: {  	v11 =	vadd.s32 $0x7800, v3;
	[tilespmem:s4+$0x0] =	vst v12;
	v12 =	vld.idx.msk [tilespmem:v13+s2+$0x0], $0xffff  }
0x2ad: {  	s24 =	sadd.s32 $0x13680, s18;
	v13 =	vld.idx.msk [tilespmem:v14+s2+$0x0], $0xffff;
	v14 =	vadd.s32 $0x7800, v6  }
0x2ae: {  	v16 =	vadd.s32 $0x7800, v5;
	s26 =	sor.u32 s17, s24  }
0x2af: {  	s6 =	sadd.s32 $0x13680, s21;
	[tilespmem:s26+$0x0] =	vst v9;
	s4 =	sor.u32 s16, s24  }
0x2b0: {  	v9 =	vld.idx.msk [tilespmem:v15+s2+$0x0], $0xffff;
	s7 =	sor.u32 s19, s6;
	[tilespmem:s4+$0x0] =	vst v10  }
0x2b1: {  	s5 =	sor.u32 s20, s6;
	v10 =	vld.idx.msk [tilespmem:v11+s2+$0x0], $0xffff;
	v11 =	vadd.s32 $0x7C00, v4;
	[tilespmem:s7+$0x0] =	vst v12  }
0x2b2: {  	v12 =	vadd.s32 $0x7C00, v3;
	[tilespmem:s5+$0x0] =	vst v13;
	v13 =	vld.idx.msk [tilespmem:v14+s2+$0x0], $0xffff  }
0x2b3: {  	v15 =	vadd.s32 $0x7C00, v6;
	s8 =	sadd.s32 $0x13700, s18;
	v14 =	vld.idx.msk [tilespmem:v16+s2+$0x0], $0xffff  }
0x2b4: {  	s9 =	sor.u32 s17, s8;
	v16 =	vadd.s32 $0x7C00, v5  }
0x2b5: {  	s10 =	sadd.s32 $0x13700, s21;
	[tilespmem:s9+$0x0] =	vst v9;
	s4 =	sor.u32 s16, s8  }
0x2b6: {  	s11 =	sor.u32 s19, s10;
	[tilespmem:s4+$0x0] =	vst v10;
	v9 =	vld.idx.msk [tilespmem:v11+s2+$0x0], $0xffff  }
0x2b7: {  	s5 =	sor.u32 s20, s10;
	v11 =	vadd.s32 $0x8000, v4;
	v10 =	vld.idx.msk [tilespmem:v12+s2+$0x0], $0xffff;
	[tilespmem:s11+$0x0] =	vst v13  }
0x2b8: {  	v12 =	vadd.s32 $0x8000, v3;
	[tilespmem:s5+$0x0] =	vst v14;
	v13 =	vld.idx.msk [tilespmem:v15+s2+$0x0], $0xffff  }
0x2b9: {  	s12 =	sadd.s32 $0x13780, s18;
	v14 =	vld.idx.msk [tilespmem:v16+s2+$0x0], $0xffff;
	v15 =	vadd.s32 $0x8000, v6  }
0x2ba: {  	s23 =	sor.u32 s17, s12;
	v16 =	vadd.s32 $0x8000, v5  }
0x2bb: {  	s24 =	sadd.s32 $0x13780, s21;
	s4 =	sor.u32 s16, s12;
	[tilespmem:s23+$0x0] =	vst v9  }
0x2bc: {  	s26 =	sor.u32 s19, s24;
	[tilespmem:s4+$0x0] =	vst v10;
	v9 =	vld.idx.msk [tilespmem:v11+s2+$0x0], $0xffff  }
0x2bd: {  	s5 =	sor.u32 s20, s24;
	v11 =	vadd.s32 $0x8400, v4;
	v10 =	vld.idx.msk [tilespmem:v12+s2+$0x0], $0xffff;
	[tilespmem:s26+$0x0] =	vst v13  }
0x2be: {  	v12 =	vadd.s32 $0x8400, v3;
	[tilespmem:s5+$0x0] =	vst v14;
	v13 =	vld.idx.msk [tilespmem:v15+s2+$0x0], $0xffff  }
0x2bf: {  	s6 =	sadd.s32 $0x14400, s18;
	v14 =	vld.idx.msk [tilespmem:v16+s2+$0x0], $0xffff;
	v15 =	vadd.s32 $0x8400, v6  }
0x2c0: {  	s7 =	sor.u32 s17, s6;
	v16 =	vadd.s32 $0x8400, v5  }
0x2c1: {  	s8 =	sadd.s32 $0x14400, s21;
	s4 =	sor.u32 s16, s6;
	[tilespmem:s7+$0x0] =	vst v9  }
0x2c2: {  	s9 =	sor.u32 s19, s8;
	[tilespmem:s4+$0x0] =	vst v10;
	v9 =	vld.idx.msk [tilespmem:v11+s2+$0x0], $0xffff  }
0x2c3: {  	s5 =	sor.u32 s20, s8;
	v11 =	vadd.s32 $0x8800, v4;
	v10 =	vld.idx.msk [tilespmem:v12+s2+$0x0], $0xffff;
	[tilespmem:s9+$0x0] =	vst v13  }
0x2c4: {  	v12 =	vadd.s32 $0x8800, v3;
	[tilespmem:s5+$0x0] =	vst v14;
	v13 =	vld.idx.msk [tilespmem:v15+s2+$0x0], $0xffff  }
0x2c5: {  	s10 =	sadd.s32 $0x14480, s18;
	v14 =	vld.idx.msk [tilespmem:v16+s2+$0x0], $0xffff;
	v15 =	vadd.s32 $0x8800, v6  }
0x2c6: {  	s11 =	sor.u32 s17, s10;
	v16 =	vadd.s32 $0x8800, v5  }
0x2c7: {  	s12 =	sadd.s32 $0x14480, s21;
	s4 =	sor.u32 s16, s10;
	[tilespmem:s11+$0x0] =	vst v9  }
0x2c8: {  	s23 =	sor.u32 s19, s12;
	[tilespmem:s4+$0x0] =	vst v10;
	v9 =	vld.idx.msk [tilespmem:v11+s2+$0x0], $0xffff  }
0x2c9: {  	s5 =	sor.u32 s20, s12;
	v11 =	vadd.s32 $0x8C00, v4;
	v10 =	vld.idx.msk [tilespmem:v12+s2+$0x0], $0xffff;
	[tilespmem:s23+$0x0] =	vst v13  }
0x2ca: {  	v12 =	vadd.s32 $0x8C00, v3;
	[tilespmem:s5+$0x0] =	vst v14;
	v13 =	vld.idx.msk [tilespmem:v15+s2+$0x0], $0xffff  }
0x2cb: {  	s24 =	sadd.s32 $0x14500, s18;
	v14 =	vld.idx.msk [tilespmem:v16+s2+$0x0], $0xffff;
	v15 =	vadd.s32 $0x8C00, v6  }
0x2cc: {  	s26 =	sor.u32 s17, s24;
	v16 =	vadd.s32 $0x8C00, v5  }
0x2cd: {  	s6 =	sadd.s32 $0x14500, s21;
	s4 =	sor.u32 s16, s24;
	[tilespmem:s26+$0x0] =	vst v9  }
0x2ce: {  	s7 =	sor.u32 s19, s6;
	[tilespmem:s4+$0x0] =	vst v10;
	v9 =	vld.idx.msk [tilespmem:v11+s2+$0x0], $0xffff  }
0x2cf: {  	s5 =	sor.u32 s20, s6;
	v11 =	vadd.s32 $0x9000, v4;
	v10 =	vld.idx.msk [tilespmem:v12+s2+$0x0], $0xffff;
	[tilespmem:s7+$0x0] =	vst v13  }
0x2d0: {  	v12 =	vadd.s32 $0x9000, v3;
	[tilespmem:s5+$0x0] =	vst v14;
	v13 =	vld.idx.msk [tilespmem:v15+s2+$0x0], $0xffff  }
0x2d1: {  	s8 =	sadd.s32 $0x14580, s18;
	v14 =	vld.idx.msk [tilespmem:v16+s2+$0x0], $0xffff;
	v15 =	vadd.s32 $0x9000, v6  }
0x2d2: {  	s9 =	sor.u32 s17, s8;
	v16 =	vadd.s32 $0x9000, v5  }
0x2d3: {  	s10 =	sadd.s32 $0x14580, s21;
	s4 =	sor.u32 s16, s8;
	[tilespmem:s9+$0x0] =	vst v9  }
0x2d4: {  	s11 =	sor.u32 s19, s10;
	[tilespmem:s4+$0x0] =	vst v10;
	v9 =	vld.idx.msk [tilespmem:v11+s2+$0x0], $0xffff  }
0x2d5: {  	s5 =	sor.u32 s20, s10;
	v11 =	vadd.s32 $0x9400, v4;
	v10 =	vld.idx.msk [tilespmem:v12+s2+$0x0], $0xffff;
	[tilespmem:s11+$0x0] =	vst v13  }
0x2d6: {  	v12 =	vadd.s32 $0x9400, v3;
	[tilespmem:s5+$0x0] =	vst v14;
	v13 =	vld.idx.msk [tilespmem:v15+s2+$0x0], $0xffff  }
0x2d7: {  	s12 =	sadd.s32 $0x14600, s18;
	v14 =	vld.idx.msk [tilespmem:v16+s2+$0x0], $0xffff;
	v15 =	vadd.s32 $0x9400, v6  }
0x2d8: {  	s23 =	sor.u32 s17, s12;
	v16 =	vadd.s32 $0x9400, v5  }
0x2d9: {  	s24 =	sadd.s32 $0x14600, s21;
	s4 =	sor.u32 s16, s12;
	[tilespmem:s23+$0x0] =	vst v9  }
0x2da: {  	s26 =	sor.u32 s19, s24;
	[tilespmem:s4+$0x0] =	vst v10;
	v9 =	vld.idx.msk [tilespmem:v11+s2+$0x0], $0xffff  }
0x2db: {  	s5 =	sor.u32 s20, s24;
	v11 =	vadd.s32 $0x9800, v4;
	v10 =	vld.idx.msk [tilespmem:v12+s2+$0x0], $0xffff;
	[tilespmem:s26+$0x0] =	vst v13  }
0x2dc: {  	v12 =	vadd.s32 $0x9800, v3;
	[tilespmem:s5+$0x0] =	vst v14;
	v13 =	vld.idx.msk [tilespmem:v15+s2+$0x0], $0xffff  }
0x2dd: {  	s6 =	sadd.s32 $0x14680, s18;
	v14 =	vld.idx.msk [tilespmem:v16+s2+$0x0], $0xffff;
	v15 =	vadd.s32 $0x9800, v6  }
0x2de: {  	s7 =	sor.u32 s17, s6;
	v16 =	vadd.s32 $0x9800, v5  }
0x2df: {  	s8 =	sadd.s32 $0x14680, s21;
	s4 =	sor.u32 s16, s6;
	[tilespmem:s7+$0x0] =	vst v9  }
0x2e0: {  	s9 =	sor.u32 s19, s8;
	v9 =	vld.idx.msk [tilespmem:v11+s2+$0x0], $0xffff;
	[tilespmem:s4+$0x0] =	vst v10  }
0x2e1: {  	s5 =	sor.u32 s20, s8;
	v10 =	vadd.s32 $0x9C00, v4;
	v11 =	vld.idx.msk [tilespmem:v12+s2+$0x0], $0xffff;
	[tilespmem:s9+$0x0] =	vst v13  }
0x2e2: {  	v12 =	vadd.s32 $0x9C00, v3;
	[tilespmem:s5+$0x0] =	vst v14;
	v13 =	vld.idx.msk [tilespmem:v15+s2+$0x0], $0xffff  }
0x2e3: {  	s10 =	sadd.s32 $0x14700, s18;
	v14 =	vadd.s32 $0x9C00, v6;
	v15 =	vld.idx.msk [tilespmem:v16+s2+$0x0], $0xffff  }
0x2e4: {  	s11 =	sor.u32 s17, s10;
	v16 =	vadd.s32 $0x9C00, v5  }
0x2e5: {  	s12 =	sadd.s32 $0x14700, s21;
	s4 =	sor.u32 s16, s10;
	[tilespmem:s11+$0x0] =	vst v9  }
0x2e6: {  	s23 =	sor.u32 s19, s12;
	v9 =	vld.idx.msk [tilespmem:v10+s2+$0x0], $0xffff;
	[tilespmem:s4+$0x0] =	vst v11  }
0x2e7: {  	s5 =	sor.u32 s20, s12;
	v10 =	vadd.s32 $0xA000, v4;
	v11 =	vld.idx.msk [tilespmem:v12+s2+$0x0], $0xffff;
	[tilespmem:s23+$0x0] =	vst v13  }
0x2e8: {  	v12 =	vadd.s32 $0xA000, v3;
	[tilespmem:s5+$0x0] =	vst v15;
	v13 =	vld.idx.msk [tilespmem:v14+s2+$0x0], $0xffff  }
0x2e9: {  	s24 =	sadd.s32 $0x14780, s18;
	v14 =	vadd.s32 $0xA000, v6;
	v15 =	vld.idx.msk [tilespmem:v16+s2+$0x0], $0xffff  }
0x2ea: {  	s26 =	sor.u32 s17, s24;
	v16 =	vadd.s32 $0xA000, v5  }
0x2eb: {  	s6 =	sadd.s32 $0x14780, s21;
	s4 =	sor.u32 s16, s24;
	[tilespmem:s26+$0x0] =	vst v9  }
0x2ec: {  	s7 =	sor.u32 s19, s6;
	v9 =	vld.idx.msk [tilespmem:v10+s2+$0x0], $0xffff;
	[tilespmem:s4+$0x0] =	vst v11  }
0x2ed: {  	s5 =	sor.u32 s20, s6;
	v10 =	vadd.s32 $0xA400, v4;
	v11 =	vld.idx.msk [tilespmem:v12+s2+$0x0], $0xffff;
	[tilespmem:s7+$0x0] =	vst v13  }
0x2ee: {  	v12 =	vadd.s32 $0xA400, v3;
	[tilespmem:s5+$0x0] =	vst v15;
	v13 =	vld.idx.msk [tilespmem:v14+s2+$0x0], $0xffff  }
0x2ef: {  	s8 =	sadd.s32 $0x15400, s18;
	v14 =	vadd.s32 $0xA400, v6;
	v15 =	vld.idx.msk [tilespmem:v16+s2+$0x0], $0xffff  }
0x2f0: {  	s9 =	sor.u32 s17, s8;
	v16 =	vadd.s32 $0xA400, v5  }
0x2f1: {  	s10 =	sadd.s32 $0x15400, s21;
	s4 =	sor.u32 s16, s8;
	[tilespmem:s9+$0x0] =	vst v9  }
0x2f2: {  	s11 =	sor.u32 s19, s10;
	v9 =	vld.idx.msk [tilespmem:v10+s2+$0x0], $0xffff;
	[tilespmem:s4+$0x0] =	vst v11  }
0x2f3: {  	s5 =	sor.u32 s20, s10;
	v10 =	vadd.s32 $0xA800, v4;
	v11 =	vld.idx.msk [tilespmem:v12+s2+$0x0], $0xffff;
	[tilespmem:s11+$0x0] =	vst v13  }
0x2f4: {  	v12 =	vadd.s32 $0xA800, v3;
	[tilespmem:s5+$0x0] =	vst v15;
	v13 =	vld.idx.msk [tilespmem:v14+s2+$0x0], $0xffff  }
0x2f5: {  	s12 =	sadd.s32 $0x15480, s18;
	v14 =	vadd.s32 $0xA800, v6;
	v15 =	vld.idx.msk [tilespmem:v16+s2+$0x0], $0xffff  }
0x2f6: {  	s23 =	sor.u32 s17, s12;
	v16 =	vadd.s32 $0xA800, v5  }
0x2f7: {  	s24 =	sadd.s32 $0x15480, s21;
	s4 =	sor.u32 s16, s12;
	[tilespmem:s23+$0x0] =	vst v9  }
0x2f8: {  	s26 =	sor.u32 s19, s24;
	v9 =	vld.idx.msk [tilespmem:v10+s2+$0x0], $0xffff;
	[tilespmem:s4+$0x0] =	vst v11  }
0x2f9: {  	s5 =	sor.u32 s20, s24;
	v10 =	vadd.s32 $0xAC00, v4;
	v11 =	vld.idx.msk [tilespmem:v12+s2+$0x0], $0xffff;
	[tilespmem:s26+$0x0] =	vst v13  }
0x2fa: {  	v12 =	vadd.s32 $0xAC00, v3;
	[tilespmem:s5+$0x0] =	vst v15;
	v13 =	vld.idx.msk [tilespmem:v14+s2+$0x0], $0xffff  }
0x2fb: {  	s5 =	sadd.s32 $0x15500, s18;
	v14 =	vadd.s32 $0xAC00, v6;
	v15 =	vld.idx.msk [tilespmem:v16+s2+$0x0], $0xffff  }
0x2fc: {  	s6 =	sor.u32 s17, s5;
	v16 =	vadd.s32 $0xAC00, v5  }
0x2fd: {  	s7 =	sadd.s32 $0x15500, s21;
	s4 =	sor.u32 s16, s5;
	[tilespmem:s6+$0x0] =	vst v9  }
0x2fe: {  	s8 =	sor.u32 s19, s7;
	v9 =	vld.idx.msk [tilespmem:v10+s2+$0x0], $0xffff;
	[tilespmem:s4+$0x0] =	vst v11  }
0x2ff: {  	s5 =	sor.u32 s20, s7;
	v10 =	vadd.s32 $0xB000, v4;
	v11 =	vld.idx.msk [tilespmem:v12+s2+$0x0], $0xffff;
	[tilespmem:s8+$0x0] =	vst v13  }
0x300: {  	v12 =	vadd.s32 $0xB000, v3;
	[tilespmem:s5+$0x0] =	vst v15;
	v13 =	vld.idx.msk [tilespmem:v14+s2+$0x0], $0xffff  }
0x301: {  	s9 =	sadd.s32 $0x15580, s18;
	v14 =	vadd.s32 $0xB000, v6;
	v15 =	vld.idx.msk [tilespmem:v16+s2+$0x0], $0xffff  }
0x302: {  	s10 =	sor.u32 s17, s9;
	v16 =	vadd.s32 $0xB000, v5  }
0x303: {  	v17 =	vadd.s32 $0xC000, v1;
	s11 =	sadd.s32 $0x15580, s21;
	s4 =	sor.u32 s16, s9;
	[tilespmem:s10+$0x0] =	vst v9  }
0x304: {  	s12 =	sor.u32 s19, s11;
	v9 =	vadd.s32 $0xE800, v2;
	v10 =	vld.idx.msk [tilespmem:v10+s2+$0x0], $0xffff;
	[tilespmem:s4+$0x0] =	vst v11  }
0x305: {  	s5 =	sor.u32 s20, s11;
	v11 =	vadd.s32 $0xB400, v4;
	v12 =	vld.idx.msk [tilespmem:v12+s2+$0x0], $0xffff;
	[tilespmem:s12+$0x0] =	vst v13  }
0x306: {  	v13 =	vadd.s32 $0xB400, v3;
	[tilespmem:s5+$0x0] =	vst v15;
	v14 =	vld.idx.msk [tilespmem:v14+s2+$0x0], $0xffff  }
0x307: {  	s3 =	sor.u32 s22, s3;
	[tilespmem:s1+$0x0] =	vst v7;
	v7 =	vadd.s32 $0xB400, v6;
	s23 =	sadd.s32 $0x15600, s18;
	v15 =	vld.idx.msk [tilespmem:v16+s2+$0x0], $0xffff  }
0x308: {  	[tilespmem:s3+$0x0] =	vst v8;
	v8 =	vadd.s32 $0xB400, v5;
	s24 =	sor.u32 s17, s23;
	v16 =	vld.idx.msk [tilespmem:v17+s2+$0x0], $0xffff  }
0x309: {  	s1 =	sor.u32 s16, s23;
	s26 =	sadd.s32 $0x15600, s21;
	v17 =	vadd.s32 $0xC000, v0;
	v9 =	vld.idx.msk [tilespmem:v9+s2+$0x0], $0xffff;
	[tilespmem:s24+$0x0] =	vst v10  }
0x30a: {  	s4 =	sor.u32 s19, s26;
	v10 =	vadd.s32 $0xC400, v1;
	v11 =	vld.idx.msk [tilespmem:v11+s2+$0x0], $0xffff;
	[tilespmem:s1+$0x0] =	vst v12  }
0x30b: {  	s3 =	sor.u32 s20, s26;
	s5 =	sadd.s32 $0x16400, s15;
	v12 =	vadd.s32 $0xB800, v4;
	v13 =	vld.idx.msk [tilespmem:v13+s2+$0x0], $0xffff;
	[tilespmem:s4+$0x0] =	vst v14  }
0x30c: {  	s6 =	sor.u32 s14, s5;
	v14 =	vadd.s32 $0xB800, v3;
	[tilespmem:s3+$0x0] =	vst v15;
	v7 =	vld.idx.msk [tilespmem:v7+s2+$0x0], $0xffff  }
0x30d: {  	s7 =	sadd.s32 $0x15680, s18;
	[tilespmem:s6+$0x0] =	vst v16;
	v15 =	vadd.s32 $0xB800, v6;
	v8 =	vld.idx.msk [tilespmem:v8+s2+$0x0], $0xffff  }
0x30e: {  	s8 =	sor.u32 s17, s7;
	v16 =	vld.idx.msk [tilespmem:v17+s2+$0x0], $0xffff;
	[tilespmem:s0+$0x0] =	vst v9;
	v9 =	vadd.s32 $0xB800, v5  }
0x30f: {  	s9 =	sadd.s32 $0x15680, s21;
	s1 =	sor.u32 s16, s7;
	v17 =	vadd.s32 $0xEC00, v2;
	v10 =	vld.idx.msk [tilespmem:v10+s2+$0x0], $0xffff;
	[tilespmem:s8+$0x0] =	vst v11  }
0x310: {  	s10 =	sor.u32 s19, s9;
	v11 =	vadd.s32 $0xC400, v0;
	v12 =	vld.idx.msk [tilespmem:v12+s2+$0x0], $0xffff;
	[tilespmem:s1+$0x0] =	vst v13  }
0x311: {  	s0 =	sor.u32 s20, s9;
	v13 =	vadd.s32 $0xBC00, v4;
	v14 =	vld.idx.msk [tilespmem:v14+s2+$0x0], $0xffff;
	[tilespmem:s10+$0x0] =	vst v7  }
0x312: {  	s12 =	sadd.s32 $0x16480, s15;
	s11 =	sor.u32 s22, s5;
	v7 =	vadd.s32 $0xBC00, v3;
	[tilespmem:s0+$0x0] =	vst v8;
	v15 =	vld.idx.msk [tilespmem:v15+s2+$0x0], $0xffff  }
0x313: {  	s23 =	sor.u32 s14, s12;
	s24 =	sadd.s32 $0x15700, s18;
	[tilespmem:s11+$0x0] =	vst v16;
	v8 =	vadd.s32 $0xBC00, v6;
	v9 =	vld.idx.msk [tilespmem:v9+s2+$0x0], $0xffff  }
0x314: {  	s26 =	sor.u32 s17, s24;
	v16 =	vld.idx.msk [tilespmem:v17+s2+$0x0], $0xffff;
	[tilespmem:s23+$0x0] =	vst v10;
	v10 =	vadd.s32 $0xBC00, v5  }
0x315: {  	s4 =	sadd.s32 $0x15700, s21;
	s1 =	sor.u32 s16, s24;
	v17 =	vadd.s32 $0xC800, v1;
	v11 =	vld.idx.msk [tilespmem:v11+s2+$0x0], $0xffff;
	[tilespmem:s26+$0x0] =	vst v12  }
0x316: {  	s5 =	sor.u32 s19, s4;
	v12 =	vadd.s32 $0xF000, v2;
	v13 =	vld.idx.msk [tilespmem:v13+s2+$0x0], $0xffff;
	[tilespmem:s1+$0x0] =	vst v14  }
0x317: {  	s0 =	sor.u32 s20, s4;
	v14 =	vadd.s32 $0xC000, v4;
	v7 =	vld.idx.msk [tilespmem:v7+s2+$0x0], $0xffff;
	[tilespmem:s5+$0x0] =	vst v15  }
0x318: {  	v15 =	vadd.s32 $0xC000, v3;
	[tilespmem:s0+$0x0] =	vst v9;
	v8 =	vld.idx.msk [tilespmem:v8+s2+$0x0], $0xffff  }
0x319: {  	s7 =	sadd.s32 $0x15780, s18;
	s6 =	sor.u32 s22, s12;
	[tilespmem:s30+$0x0] =	vst v16;
	v9 =	vadd.s32 $0xC000, v6;
	v10 =	vld.idx.msk [tilespmem:v10+s2+$0x0], $0xffff  }
0x31a: {  	s8 =	sor.u32 s17, s7;
	v16 =	vld.idx.msk [tilespmem:v17+s2+$0x0], $0xffff;
	[tilespmem:s6+$0x0] =	vst v11;
	v11 =	vadd.s32 $0xC000, v5  }
0x31b: {  	s9 =	sadd.s32 $0x15780, s21;
	v17 =	vadd.s32 $0xC800, v0;
	s1 =	sor.u32 s16, s7;
	v12 =	vld.idx.msk [tilespmem:v12+s2+$0x0], $0xffff;
	[tilespmem:s8+$0x0] =	vst v13  }
0x31c: {  	s10 =	sor.u32 s19, s9;
	v13 =	vadd.s32 $0xCC00, v1;
	v14 =	vld.idx.msk [tilespmem:v14+s2+$0x0], $0xffff;
	[tilespmem:s1+$0x0] =	vst v7  }
0x31d: {  	s11 =	sadd.s32 $0x16500, s15;
	s0 =	sor.u32 s20, s9;
	v7 =	vadd.s32 $0xC400, v4;
	v15 =	vld.idx.msk [tilespmem:v15+s2+$0x0], $0xffff;
	[tilespmem:s10+$0x0] =	vst v8  }
0x31e: {  	s12 =	sor.u32 s14, s11;
	v8 =	vadd.s32 $0xC400, v3;
	[tilespmem:s0+$0x0] =	vst v10;
	v9 =	vld.idx.msk [tilespmem:v9+s2+$0x0], $0xffff  }
0x31f: {  	s23 =	sadd.s32 $0x16400, s18;
	[tilespmem:s12+$0x0] =	vst v16;
	v10 =	vadd.s32 $0xC400, v6;
	v11 =	vld.idx.msk [tilespmem:v11+s2+$0x0], $0xffff  }
0x320: {  	s24 =	sor.u32 s17, s23;
	v16 =	vld.idx.msk [tilespmem:v17+s2+$0x0], $0xffff;
	[tilespmem:s29+$0x0] =	vst v12;
	v12 =	vadd.s32 $0xC400, v5  }
0x321: {  	s26 =	sadd.s32 $0x16400, s21;
	v17 =	vadd.s32 $0xF400, v2;
	s0 =	sor.u32 s16, s23;
	v13 =	vld.idx.msk [tilespmem:v13+s2+$0x0], $0xffff;
	[tilespmem:s24+$0x0] =	vst v14  }
0x322: {  	s4 =	sor.u32 s19, s26;
	v14 =	vadd.s32 $0xCC00, v0;
	v7 =	vld.idx.msk [tilespmem:v7+s2+$0x0], $0xffff;
	[tilespmem:s0+$0x0] =	vst v15  }
0x323: {  	s1 =	sor.u32 s20, s26;
	v15 =	vadd.s32 $0xC800, v4;
	v8 =	vld.idx.msk [tilespmem:v8+s2+$0x0], $0xffff;
	[tilespmem:s4+$0x0] =	vst v9  }
0x324: {  	s5 =	sor.u32 s22, s11;
	s6 =	sadd.s32 $0x16580, s15;
	v9 =	vadd.s32 $0xC800, v3;
	[tilespmem:s1+$0x0] =	vst v11;
	v10 =	vld.idx.msk [tilespmem:v10+s2+$0x0], $0xffff  }
0x325: {  	s7 =	sor.u32 s14, s6;
	s8 =	sadd.s32 $0x16480, s18;
	[tilespmem:s5+$0x0] =	vst v16;
	v11 =	vadd.s32 $0xC800, v6;
	v12 =	vld.idx.msk [tilespmem:v12+s2+$0x0], $0xffff  }
0x326: {  	s9 =	sor.u32 s17, s8;
	v16 =	vld.idx.msk [tilespmem:v17+s2+$0x0], $0xffff;
	[tilespmem:s7+$0x0] =	vst v13;
	v13 =	vadd.s32 $0xC800, v5  }
0x327: {  	s10 =	sadd.s32 $0x16480, s21;
	v17 =	vadd.s32 $0xD000, v1;
	s1 =	sor.u32 s16, s8;
	v14 =	vld.idx.msk [tilespmem:v14+s2+$0x0], $0xffff;
	[tilespmem:s9+$0x0] =	vst v7  }
0x328: {  	s11 =	sor.u32 s19, s10;
	v7 =	vadd.s32 $0xF800, v2;
	v15 =	vld.idx.msk [tilespmem:v15+s2+$0x0], $0xffff;
	[tilespmem:s1+$0x0] =	vst v8  }
0x329: {  	s0 =	sor.u32 s20, s10;
	v8 =	vadd.s32 $0xCC00, v4;
	v9 =	vld.idx.msk [tilespmem:v9+s2+$0x0], $0xffff;
	[tilespmem:s11+$0x0] =	vst v10  }
0x32a: {  	v10 =	vadd.s32 $0xCC00, v3;
	[tilespmem:s0+$0x0] =	vst v12;
	v11 =	vld.idx.msk [tilespmem:v11+s2+$0x0], $0xffff  }
0x32b: {  	s12 =	sor.u32 s22, s6;
	s23 =	sadd.s32 $0x16500, s18;
	[tilespmem:s28+$0x0] =	vst v16;
	v12 =	vadd.s32 $0xCC00, v6;
	v13 =	vld.idx.msk [tilespmem:v13+s2+$0x0], $0xffff  }
0x32c: {  	s24 =	sor.u32 s17, s23;
	v16 =	vld.idx.msk [tilespmem:v17+s2+$0x0], $0xffff;
	[tilespmem:s12+$0x0] =	vst v14;
	v14 =	vadd.s32 $0xCC00, v5  }
0x32d: {  	s26 =	sadd.s32 $0x16500, s21;
	v17 =	vadd.s32 $0xD000, v0;
	s1 =	sor.u32 s16, s23;
	v7 =	vld.idx.msk [tilespmem:v7+s2+$0x0], $0xffff;
	[tilespmem:s24+$0x0] =	vst v15  }
0x32e: {  	s3 =	sor.u32 s19, s26;
	v15 =	vadd.s32 $0xD400, v1;
	v8 =	vld.idx.msk [tilespmem:v8+s2+$0x0], $0xffff;
	[tilespmem:s1+$0x0] =	vst v9  }
0x32f: {  	s4 =	sadd.s32 $0x16600, s15;
	s0 =	sor.u32 s20, s26;
	v9 =	vadd.s32 $0xD000, v4;
	v10 =	vld.idx.msk [tilespmem:v10+s2+$0x0], $0xffff;
	[tilespmem:s3+$0x0] =	vst v11  }
0x330: {  	s5 =	sor.u32 s14, s4;
	v11 =	vadd.s32 $0xD000, v3;
	[tilespmem:s0+$0x0] =	vst v13;
	v12 =	vld.idx.msk [tilespmem:v12+s2+$0x0], $0xffff  }
0x331: {  	s6 =	sadd.s32 $0x16580, s18;
	[tilespmem:s5+$0x0] =	vst v16;
	v13 =	vadd.s32 $0xD000, v6;
	v14 =	vld.idx.msk [tilespmem:v14+s2+$0x0], $0xffff  }
0x332: {  	s7 =	sor.u32 s17, s6;
	v16 =	vld.idx.msk [tilespmem:v17+s2+$0x0], $0xffff;
	[tilespmem:s25+$0x0] =	vst v7;
	v7 =	vadd.s32 $0xD000, v5  }
0x333: {  	s8 =	sadd.s32 $0x16580, s21;
	v2 =	vadd.s32 $0xFC00, v2;
	s0 =	sor.u32 s16, s6;
	v15 =	vld.idx.msk [tilespmem:v15+s2+$0x0], $0xffff;
	[tilespmem:s7+$0x0] =	vst v8  }
0x334: {  	s9 =	sor.u32 s19, s8;
	v8 =	vadd.s32 $0xD400, v0;
	v9 =	vld.idx.msk [tilespmem:v9+s2+$0x0], $0xffff;
	[tilespmem:s0+$0x0] =	vst v10  }
0x335: {  	s1 =	sor.u32 s20, s8;
	v10 =	vadd.s32 $0xD400, v4;
	v11 =	vld.idx.msk [tilespmem:v11+s2+$0x0], $0xffff;
	[tilespmem:s9+$0x0] =	vst v12  }
0x336: {  	s10 =	sor.u32 s22, s4;
	s11 =	sadd.s32 $0x16680, s15;
	v12 =	vadd.s32 $0xD400, v3;
	[tilespmem:s1+$0x0] =	vst v14;
	v13 =	vld.idx.msk [tilespmem:v13+s2+$0x0], $0xffff  }
0x337: {  	s23 =	sadd.s32 $0x16600, s18;
	s12 =	sor.u32 s14, s11;
	[tilespmem:s10+$0x0] =	vst v16;
	v14 =	vadd.s32 $0xD400, v6;
	v7 =	vld.idx.msk [tilespmem:v7+s2+$0x0], $0xffff  }
0x338: {  	s24 =	sor.u32 s17, s23;
	v2 =	vld.idx.msk [tilespmem:v2+s2+$0x0], $0xffff;
	[tilespmem:s12+$0x0] =	vst v15;
	v15 =	vadd.s32 $0xD400, v5  }
0x339: {  	v16 =	vadd.s32 $0xD800, v1;
	s25 =	sadd.s32 $0x16600, s21;
	s1 =	sor.u32 s16, s23;
	v8 =	vld.idx.msk [tilespmem:v8+s2+$0x0], $0xffff;
	[tilespmem:s24+$0x0] =	vst v9  }
0x33a: {  	s26 =	sor.u32 s19, s25;
	v9 =	vadd.s32 $0xD800, v0;
	v10 =	vld.idx.msk [tilespmem:v10+s2+$0x0], $0xffff;
	[tilespmem:s1+$0x0] =	vst v11  }
0x33b: {  	s0 =	sor.u32 s20, s25;
	v11 =	vadd.s32 $0xD800, v4;
	v12 =	vld.idx.msk [tilespmem:v12+s2+$0x0], $0xffff;
	[tilespmem:s26+$0x0] =	vst v13  }
0x33c: {  	v13 =	vadd.s32 $0xD800, v3;
	[tilespmem:s0+$0x0] =	vst v7;
	v14 =	vld.idx.msk [tilespmem:v14+s2+$0x0], $0xffff  }
0x33d: {  	s3 =	sadd.s32 $0x16680, s18;
	[tilespmem:s13+$0x0] =	vst v2;
	v2 =	vadd.s32 $0xD800, v6;
	s1 =	sor.u32 s22, s11;
	v7 =	vld.idx.msk [tilespmem:v15+s2+$0x0], $0xffff  }
0x33e: {  	s4 =	sor.u32 s17, s3;
	v15 =	vld.idx.msk [tilespmem:v16+s2+$0x0], $0xffff;
	[tilespmem:s1+$0x0] =	vst v8;
	v8 =	vadd.s32 $0xD800, v5  }
0x33f: {  	s5 =	sadd.s32 $0x16680, s21;
	v16 =	vadd.s32 $0xDC00, v1;
	s1 =	sor.u32 s16, s3;
	v9 =	vld.idx.msk [tilespmem:v9+s2+$0x0], $0xffff;
	[tilespmem:s4+$0x0] =	vst v10  }
0x340: {  	s6 =	sor.u32 s19, s5;
	v10 =	vadd.s32 $0xDC00, v0;
	v11 =	vld.idx.msk [tilespmem:v11+s2+$0x0], $0xffff;
	[tilespmem:s1+$0x0] =	vst v12  }
0x341: {  	s7 =	sadd.s32 $0x16700, s15;
	s0 =	sor.u32 s20, s5;
	v12 =	vadd.s32 $0xDC00, v4;
	v13 =	vld.idx.msk [tilespmem:v13+s2+$0x0], $0xffff;
	[tilespmem:s6+$0x0] =	vst v14  }
0x342: {  	s8 =	sor.u32 s14, s7;
	v14 =	vadd.s32 $0xDC00, v3;
	[tilespmem:s0+$0x0] =	vst v7;
	v2 =	vld.idx.msk [tilespmem:v2+s2+$0x0], $0xffff  }
0x343: {  	s10 =	sadd.s32 $0x16700, s18;
	s9 =	sor.u32 s22, s7;
	[tilespmem:s8+$0x0] =	vst v15;
	v7 =	vadd.s32 $0xDC00, v6;
	v8 =	vld.idx.msk [tilespmem:v8+s2+$0x0], $0xffff  }
0x344: {  	s11 =	sor.u32 s17, s10;
	v15 =	vld.idx.msk [tilespmem:v16+s2+$0x0], $0xffff;
	[tilespmem:s9+$0x0] =	vst v9;
	v9 =	vadd.s32 $0xDC00, v5  }
0x345: {  	s12 =	sadd.s32 $0x16700, s21;
	s1 =	sor.u32 s16, s10;
	v16 =	vadd.s32 $0xE000, v1;
	v10 =	vld.idx.msk [tilespmem:v10+s2+$0x0], $0xffff;
	[tilespmem:s11+$0x0] =	vst v11  }
0x346: {  	s13 =	sor.u32 s19, s12;
	v11 =	vadd.s32 $0xE000, v0;
	v12 =	vld.idx.msk [tilespmem:v12+s2+$0x0], $0xffff;
	[tilespmem:s1+$0x0] =	vst v13  }
0x347: {  	s23 =	sadd.s32 $0x16780, s15;
	s0 =	sor.u32 s20, s12;
	v13 =	vadd.s32 $0xE000, v4;
	v14 =	vld.idx.msk [tilespmem:v14+s2+$0x0], $0xffff;
	[tilespmem:s13+$0x0] =	vst v2  }
0x348: {  	s24 =	sor.u32 s14, s23;
	v2 =	vadd.s32 $0xE000, v3;
	[tilespmem:s0+$0x0] =	vst v8;
	v7 =	vld.idx.msk [tilespmem:v7+s2+$0x0], $0xffff  }
0x349: {  	s25 =	sor.u32 s22, s23;
	s26 =	sadd.s32 $0x16780, s18;
	[tilespmem:s24+$0x0] =	vst v15;
	v8 =	vadd.s32 $0xE000, v6;
	v9 =	vld.idx.msk [tilespmem:v9+s2+$0x0], $0xffff  }
0x34a: {  	s3 =	sor.u32 s17, s26;
	v15 =	vld.idx.msk [tilespmem:v16+s2+$0x0], $0xffff;
	[tilespmem:s25+$0x0] =	vst v10;
	v10 =	vadd.s32 $0xE000, v5  }
0x34b: {  	s4 =	sadd.s32 $0x16780, s21;
	s1 =	sor.u32 s16, s26;
	v16 =	vadd.s32 $0xE400, v1;
	v11 =	vld.idx.msk [tilespmem:v11+s2+$0x0], $0xffff;
	[tilespmem:s3+$0x0] =	vst v12  }
0x34c: {  	s5 =	sor.u32 s19, s4;
	v12 =	vadd.s32 $0xE400, v0;
	v13 =	vld.idx.msk [tilespmem:v13+s2+$0x0], $0xffff;
	[tilespmem:s1+$0x0] =	vst v14  }
0x34d: {  	s6 =	sadd.s32 $0x17400, s15;
	s0 =	sor.u32 s20, s4;
	v14 =	vadd.s32 $0xE400, v4;
	v2 =	vld.idx.msk [tilespmem:v2+s2+$0x0], $0xffff;
	[tilespmem:s5+$0x0] =	vst v7  }
0x34e: {  	s7 =	sor.u32 s14, s6;
	v7 =	vadd.s32 $0xE400, v3;
	[tilespmem:s0+$0x0] =	vst v9;
	v8 =	vld.idx.msk [tilespmem:v8+s2+$0x0], $0xffff  }
0x34f: {  	s8 =	sor.u32 s22, s6;
	s9 =	sadd.s32 $0x17400, s18;
	[tilespmem:s7+$0x0] =	vst v15;
	v9 =	vadd.s32 $0xE400, v6;
	v10 =	vld.idx.msk [tilespmem:v10+s2+$0x0], $0xffff  }
0x350: {  	s10 =	sor.u32 s17, s9;
	v15 =	vld.idx.msk [tilespmem:v16+s2+$0x0], $0xffff;
	[tilespmem:s8+$0x0] =	vst v11;
	v11 =	vadd.s32 $0xE400, v5  }
0x351: {  	s11 =	sadd.s32 $0x17400, s21;
	s1 =	sor.u32 s16, s9;
	v16 =	vadd.s32 $0xE800, v1;
	v12 =	vld.idx.msk [tilespmem:v12+s2+$0x0], $0xffff;
	[tilespmem:s10+$0x0] =	vst v13  }
0x352: {  	s12 =	sor.u32 s19, s11;
	v13 =	vadd.s32 $0xE800, v0;
	v14 =	vld.idx.msk [tilespmem:v14+s2+$0x0], $0xffff;
	[tilespmem:s1+$0x0] =	vst v2  }
0x353: {  	s13 =	sadd.s32 $0x17480, s15;
	s0 =	sor.u32 s20, s11;
	v2 =	vadd.s32 $0xE800, v4;
	v7 =	vld.idx.msk [tilespmem:v7+s2+$0x0], $0xffff;
	[tilespmem:s12+$0x0] =	vst v8  }
0x354: {  	s23 =	sor.u32 s14, s13;
	v8 =	vadd.s32 $0xE800, v3;
	[tilespmem:s0+$0x0] =	vst v10;
	v9 =	vld.idx.msk [tilespmem:v9+s2+$0x0], $0xffff  }
0x355: {  	s24 =	sor.u32 s22, s13;
	s25 =	sadd.s32 $0x17480, s18;
	[tilespmem:s23+$0x0] =	vst v15;
	v10 =	vadd.s32 $0xE800, v6;
	v11 =	vld.idx.msk [tilespmem:v11+s2+$0x0], $0xffff  }
0x356: {  	s26 =	sor.u32 s17, s25;
	v15 =	vld.idx.msk [tilespmem:v16+s2+$0x0], $0xffff;
	[tilespmem:s24+$0x0] =	vst v12;
	v12 =	vadd.s32 $0xE800, v5  }
0x357: {  	s3 =	sadd.s32 $0x17480, s21;
	s1 =	sor.u32 s16, s25;
	v16 =	vadd.s32 $0xEC00, v1;
	v13 =	vld.idx.msk [tilespmem:v13+s2+$0x0], $0xffff;
	[tilespmem:s26+$0x0] =	vst v14  }
0x358: {  	s4 =	sor.u32 s19, s3;
	v14 =	vadd.s32 $0xEC00, v0;
	v2 =	vld.idx.msk [tilespmem:v2+s2+$0x0], $0xffff;
	[tilespmem:s1+$0x0] =	vst v7  }
0x359: {  	s5 =	sadd.s32 $0x17500, s15;
	s0 =	sor.u32 s20, s3;
	v7 =	vadd.s32 $0xEC00, v4;
	v8 =	vld.idx.msk [tilespmem:v8+s2+$0x0], $0xffff;
	[tilespmem:s4+$0x0] =	vst v9  }
0x35a: {  	s6 =	sor.u32 s14, s5;
	v9 =	vadd.s32 $0xEC00, v3;
	[tilespmem:s0+$0x0] =	vst v11;
	v10 =	vld.idx.msk [tilespmem:v10+s2+$0x0], $0xffff  }
0x35b: {  	s7 =	sor.u32 s22, s5;
	s8 =	sadd.s32 $0x17500, s18;
	[tilespmem:s6+$0x0] =	vst v15;
	v11 =	vadd.s32 $0xEC00, v6;
	v12 =	vld.idx.msk [tilespmem:v12+s2+$0x0], $0xffff  }
0x35c: {  	s9 =	sor.u32 s17, s8;
	v15 =	vld.idx.msk [tilespmem:v16+s2+$0x0], $0xffff;
	[tilespmem:s7+$0x0] =	vst v13;
	v13 =	vadd.s32 $0xEC00, v5  }
0x35d: {  	s10 =	sadd.s32 $0x17500, s21;
	s1 =	sor.u32 s16, s8;
	v16 =	vadd.s32 $0xF000, v1;
	v14 =	vld.idx.msk [tilespmem:v14+s2+$0x0], $0xffff;
	[tilespmem:s9+$0x0] =	vst v2  }
0x35e: {  	s11 =	sor.u32 s19, s10;
	v2 =	vadd.s32 $0xF000, v0;
	v7 =	vld.idx.msk [tilespmem:v7+s2+$0x0], $0xffff;
	[tilespmem:s1+$0x0] =	vst v8  }
0x35f: {  	s12 =	sadd.s32 $0x17580, s15;
	s0 =	sor.u32 s20, s10;
	v8 =	vadd.s32 $0xF000, v4;
	v9 =	vld.idx.msk [tilespmem:v9+s2+$0x0], $0xffff;
	[tilespmem:s11+$0x0] =	vst v10  }
0x360: {  	s13 =	sor.u32 s14, s12;
	v10 =	vadd.s32 $0xF000, v3;
	[tilespmem:s0+$0x0] =	vst v12;
	v11 =	vld.idx.msk [tilespmem:v11+s2+$0x0], $0xffff  }
0x361: {  	s23 =	sor.u32 s22, s12;
	s24 =	sadd.s32 $0x17580, s18;
	[tilespmem:s13+$0x0] =	vst v15;
	v12 =	vadd.s32 $0xF000, v6;
	v13 =	vld.idx.msk [tilespmem:v13+s2+$0x0], $0xffff  }
0x362: {  	s25 =	sor.u32 s17, s24;
	v15 =	vld.idx.msk [tilespmem:v16+s2+$0x0], $0xffff;
	[tilespmem:s23+$0x0] =	vst v14;
	v14 =	vadd.s32 $0xF000, v5  }
0x363: {  	s26 =	sadd.s32 $0x17580, s21;
	s1 =	sor.u32 s16, s24;
	v16 =	vadd.s32 $0xF400, v1;
	v2 =	vld.idx.msk [tilespmem:v2+s2+$0x0], $0xffff;
	[tilespmem:s25+$0x0] =	vst v7  }
0x364: {  	s3 =	sor.u32 s19, s26;
	v7 =	vadd.s32 $0xF400, v0;
	v8 =	vld.idx.msk [tilespmem:v8+s2+$0x0], $0xffff;
	[tilespmem:s1+$0x0] =	vst v9  }
0x365: {  	s4 =	sadd.s32 $0x17600, s15;
	s0 =	sor.u32 s20, s26;
	v9 =	vadd.s32 $0xF400, v4;
	v10 =	vld.idx.msk [tilespmem:v10+s2+$0x0], $0xffff;
	[tilespmem:s3+$0x0] =	vst v11  }
0x366: {  	s5 =	sor.u32 s14, s4;
	v11 =	vadd.s32 $0xF400, v3;
	[tilespmem:s0+$0x0] =	vst v13;
	v12 =	vld.idx.msk [tilespmem:v12+s2+$0x0], $0xffff  }
0x367: {  	s6 =	sor.u32 s22, s4;
	s7 =	sadd.s32 $0x17600, s18;
	[tilespmem:s5+$0x0] =	vst v15;
	v13 =	vadd.s32 $0xF400, v6;
	v14 =	vld.idx.msk [tilespmem:v14+s2+$0x0], $0xffff  }
0x368: {  	s8 =	sor.u32 s17, s7;
	v15 =	vld.idx.msk [tilespmem:v16+s2+$0x0], $0xffff;
	[tilespmem:s6+$0x0] =	vst v2;
	v2 =	vadd.s32 $0xF400, v5  }
0x369: {  	s9 =	sadd.s32 $0x17600, s21;
	s1 =	sor.u32 s16, s7;
	v16 =	vadd.s32 $0xF800, v1;
	v7 =	vld.idx.msk [tilespmem:v7+s2+$0x0], $0xffff;
	[tilespmem:s8+$0x0] =	vst v8  }
0x36a: {  	s10 =	sor.u32 s19, s9;
	v8 =	vadd.s32 $0xF800, v0;
	v9 =	vld.idx.msk [tilespmem:v9+s2+$0x0], $0xffff;
	[tilespmem:s1+$0x0] =	vst v10  }
0x36b: {  	s11 =	sadd.s32 $0x17680, s15;
	s0 =	sor.u32 s20, s9;
	v10 =	vadd.s32 $0xF800, v4;
	v11 =	vld.idx.msk [tilespmem:v11+s2+$0x0], $0xffff;
	[tilespmem:s10+$0x0] =	vst v12  }
0x36c: {  	s12 =	sor.u32 s14, s11;
	v12 =	vadd.s32 $0xF800, v3;
	[tilespmem:s0+$0x0] =	vst v14;
	v13 =	vld.idx.msk [tilespmem:v13+s2+$0x0], $0xffff  }
0x36d: {  	s13 =	sor.u32 s22, s11;
	s23 =	sadd.s32 $0x17680, s18;
	[tilespmem:s12+$0x0] =	vst v15;
	v14 =	vadd.s32 $0xF800, v6;
	v2 =	vld.idx.msk [tilespmem:v2+s2+$0x0], $0xffff  }
0x36e: {  	s24 =	sor.u32 s17, s23;
	v15 =	vld.idx.msk [tilespmem:v16+s2+$0x0], $0xffff;
	[tilespmem:s13+$0x0] =	vst v7;
	v7 =	vadd.s32 $0xF800, v5  }
0x36f: {  	s26 =	sadd.s32 $0x17680, s21;
	s25 =	sor.u32 s16, s23;
	v1 =	vadd.s32 $0xFC00, v1;
	v8 =	vld.idx.msk [tilespmem:v8+s2+$0x0], $0xffff;
	[tilespmem:s24+$0x0] =	vst v9  }
0x370: {  	s3 =	sor.u32 s19, s26;
	v0 =	vadd.s32 $0xFC00, v0;
	v9 =	vld.idx.msk [tilespmem:v10+s2+$0x0], $0xffff;
	[tilespmem:s25+$0x0] =	vst v11  }
0x371: {  	s4 =	sadd.s32 $0x17700, s15;
	s5 =	sor.u32 s20, s26;
	v4 =	vadd.s32 $0xFC00, v4;
	v10 =	vld.idx.msk [tilespmem:v12+s2+$0x0], $0xffff;
	[tilespmem:s3+$0x0] =	vst v13  }
0x372: {  	s6 =	sor.u32 s14, s4;
	v3 =	vadd.s32 $0xFC00, v3;
	[tilespmem:s5+$0x0] =	vst v2;
	v11 =	vld.idx.msk [tilespmem:v14+s2+$0x0], $0xffff  }
0x373: {  	s7 =	sor.u32 s22, s4;
	s8 =	sadd.s32 $0x17700, s18;
	[tilespmem:s6+$0x0] =	vst v15;
	v2 =	vadd.s32 $0xFC00, v6;
	v6 =	vld.idx.msk [tilespmem:v7+s2+$0x0], $0xffff  }
0x374: {  	s9 =	sor.u32 s17, s8;
	v5 =	vadd.s32 $0xFC00, v5;
	v1 =	vld.idx.msk [tilespmem:v1+s2+$0x0], $0xffff;
	[tilespmem:s7+$0x0] =	vst v8  }
0x375: {  	s1 =	sor.u32 s16, s8;
	s10 =	sadd.s32 $0x17700, s21;
	v0 =	vld.idx.msk [tilespmem:v0+s2+$0x0], $0xffff;
	[tilespmem:s9+$0x0] =	vst v9  }
0x376: {  	s11 =	sor.u32 s19, s10;
	v4 =	vld.idx.msk [tilespmem:v4+s2+$0x0], $0xffff;
	[tilespmem:s1+$0x0] =	vst v10  }
0x377: {  	s12 =	sadd.s32 $0x17780, s15;
	s0 =	sor.u32 s20, s10;
	v3 =	vld.idx.msk [tilespmem:v3+s2+$0x0], $0xffff;
	[tilespmem:s11+$0x0] =	vst v11  }
0x378: {  	s13 =	sor.u32 s14, s12;
	[tilespmem:s0+$0x0] =	vst v6;
	v2 =	vld.idx.msk [tilespmem:v2+s2+$0x0], $0xffff  }
0x379: {  	s15 =	sadd.s32 $0x17780, s18;
	s14 =	sor.u32 s22, s12;
	[tilespmem:s13+$0x0] =	vst v1;
	v1 =	vld.idx.msk [tilespmem:v5+s2+$0x0], $0xffff  }
0x37a: {  	s18 =	sor.u32 s17, s15;
	[tilespmem:s14+$0x0] =	vst v0  }
0x37b: {  	s22 =	sadd.s32 $0x17780, s21;
	s1 =	sor.u32 s16, s15;
	[tilespmem:s18+$0x0] =	vst v4  }
0x37c: {  	s23 =	sor.u32 s19, s22;
	[tilespmem:s1+$0x0] =	vst v3  }
0x37d: {  	s0 =	sor.u32 s20, s22;
	[tilespmem:s23+$0x0] =	vst v2  }
0x37e: {  	s26 =	simm.s32 $0x10400;
	s24 =	simm.s32 $0x1000;
	[tilespmem:s0+$0x0] =	vst v1  }
0x37f: {  	s25 =	simm.s32 $0x2000;
	s5 =	simm.s32 $0x1;
	s0 =	rddreg [dreg:$0x5]  }
0x380: {  	[hbm4b:s0+s24] =	stream.strided.scatter [tilespmem:s26], [sflag:$0x1], $0x8000, s25, s24, $0x38;
	[tilespmem:$0x18400] =	vst v63  }
0x381: {  	_ =	swait.ge [sflag:s5], $0x8000  }
0x382: {  	s6 =	simm.s32 $0x0;
	[sflag:s5] =	ssyncset.done $0x0  }
0x383: {  	s7 =	sand.u32 $0x1E0, s6;
	[sflag:s5] =	ssyncadd.s32 $0xFFFF8000  }
0x384: {  	v7 =	vld [tilespmem:s7+$0x10200]  }
0x385: {  	s8 =	simm.s32 $0x10210  }
0x386: {  	v2 =	vld [tilespmem:s8+$0x0];
	_ =	sdelay $0x5  }
0x387: {  	v0 =	vld.idx.msk [tilespmem:v7+s2+$0x0], $0xffff  }
0x388: {  	v1 =	vadd.s32 $0x400, v7  }
0x389: {  	s24 =	sand.u32 $0xC00, s6;
	v3 =	vld.idx.msk [tilespmem:v2+s2+$0x0], $0xffff  }
0x38a: {  	s22 =	sand.u32 $0x60, s6;
	s9 =	sadd.s32 $0x10400, s24;
	v4 =	vadd.s32 $0x400, v2  }
0x38b: {  	s10 =	sor.u32 s22, s9  }
0x38c: {  	s23 =	sor.u32 $0x10, s22;
	[tilespmem:s10+$0x0] =	vst v0  }
0x38d: {  	s1 =	sor.u32 s23, s9;
	v0 =	vld.idx.msk [tilespmem:v1+s2+$0x0], $0xffff  }
0x38e: {  	[tilespmem:s1+$0x0] =	vst v3;
	v1 =	vadd.s32 $0x800, v7  }
0x38f: {  	v3 =	vld.idx.msk [tilespmem:v4+s2+$0x0], $0xffff  }
0x390: {  	v4 =	vadd.s32 $0x800, v2;
	_ =	sdelay $0x1  }
0x391: {  	[tilespmem:s10+$0x80] =	vst v0  }
0x392: {  	v0 =	vld.idx.msk [tilespmem:v1+s2+$0x0], $0xffff  }
0x393: {  	[tilespmem:s1+$0x80] =	vst v3;
	v1 =	vadd.s32 $0xC00, v7  }
0x394: {  	v3 =	vld.idx.msk [tilespmem:v4+s2+$0x0], $0xffff  }
0x395: {  	v4 =	vadd.s32 $0xC00, v2;
	_ =	sdelay $0x1  }
0x396: {  	[tilespmem:s10+$0x100] =	vst v0  }
0x397: {  	v0 =	vld.idx.msk [tilespmem:v1+s2+$0x0], $0xffff  }
0x398: {  	[tilespmem:s1+$0x100] =	vst v3;
	v1 =	vadd.s32 $0x1000, v7  }
0x399: {  	v3 =	vld.idx.msk [tilespmem:v4+s2+$0x0], $0xffff  }
0x39a: {  	v4 =	vadd.s32 $0x1000, v2;
	_ =	sdelay $0x1  }
0x39b: {  	[tilespmem:s10+$0x180] =	vst v0  }
0x39c: {  	v0 =	vld.idx.msk [tilespmem:v1+s2+$0x0], $0xffff  }
0x39d: {  	[tilespmem:s1+$0x180] =	vst v3;
	v1 =	vadd.s32 $0x1400, v7  }
0x39e: {  	v3 =	vld.idx.msk [tilespmem:v4+s2+$0x0], $0xffff  }
0x39f: {  	v4 =	vadd.s32 $0x1400, v2;
	_ =	sdelay $0x1  }
0x3a0: {  	[tilespmem:s10+$0x200] =	vst v0  }
0x3a1: {  	v0 =	vld.idx.msk [tilespmem:v1+s2+$0x0], $0xffff  }
0x3a2: {  	[tilespmem:s1+$0x200] =	vst v3;
	v1 =	vadd.s32 $0x1800, v7  }
0x3a3: {  	v3 =	vld.idx.msk [tilespmem:v4+s2+$0x0], $0xffff  }
0x3a4: {  	v4 =	vadd.s32 $0x1800, v2;
	_ =	sdelay $0x1  }
0x3a5: {  	[tilespmem:s10+$0x280] =	vst v0  }
0x3a6: {  	v0 =	vld.idx.msk [tilespmem:v1+s2+$0x0], $0xffff  }
0x3a7: {  	s11 =	sand.u32 $0x3, s6;
	[tilespmem:s1+$0x280] =	vst v3;
	v1 =	vadd.s32 $0x1C00, v7  }
0x3a8: {  	s1 =	sshll.u32 s11, $0x5;
	v3 =	vld.idx.msk [tilespmem:v4+s2+$0x0], $0xffff  }
0x3a9: {  	v4 =	vadd.s32 $0x1C00, v2;
	s1 =	sadd.s32 $0x0, s1  }
0x3aa: {  	s12 =	sor.u32 $0x300, s1  }
0x3ab: {  	s1 =	sadd.s32 $0x10, s1;
	[tilespmem:s12+$0x10400] =	vst v0  }
0x3ac: {  	s13 =	sor.u32 $0x300, s1;
	v0 =	vld.idx.msk [tilespmem:v1+s2+$0x0], $0xffff  }
0x3ad: {  	[tilespmem:s13+$0x10400] =	vst v3;
	v1 =	vadd.s32 $0x2000, v7  }
0x3ae: {  	v3 =	vld.idx.msk [tilespmem:v4+s2+$0x0], $0xffff  }
0x3af: {  	s0 =	sor.u32 s6, s6;
	v4 =	vadd.s32 $0x2000, v2  }
0x3b0: {  	s0 =	sor.u32 $0x380, s0  }
0x3b1: {  	[tilespmem:s0+$0x10400] =	vst v0  }
0x3b2: {  	s14 =	sor.u32 $0x380, s1;
	v0 =	vld.idx.msk [tilespmem:v1+s2+$0x0], $0xffff  }
0x3b3: {  	[tilespmem:s14+$0x10400] =	vst v3;
	v1 =	vadd.s32 $0x2400, v7  }
0x3b4: {  	v3 =	vld.idx.msk [tilespmem:v4+s2+$0x0], $0xffff  }
0x3b5: {  	s15 =	sadd.s32 $0x11400, s24;
	v4 =	vadd.s32 $0x2400, v2  }
0x3b6: {  	s16 =	sor.u32 s22, s15  }
0x3b7: {  	[tilespmem:s16+$0x0] =	vst v0  }
0x3b8: {  	s0 =	sor.u32 s23, s15;
	v0 =	vld.idx.msk [tilespmem:v1+s2+$0x0], $0xffff  }
0x3b9: {  	[tilespmem:s0+$0x0] =	vst v3;
	v1 =	vadd.s32 $0x2800, v7  }
0x3ba: {  	v3 =	vld.idx.msk [tilespmem:v4+s2+$0x0], $0xffff  }
0x3bb: {  	s17 =	sadd.s32 $0x11480, s24;
	v4 =	vadd.s32 $0x2800, v2  }
0x3bc: {  	s18 =	sor.u32 s22, s17  }
0x3bd: {  	[tilespmem:s18+$0x0] =	vst v0  }
0x3be: {  	s0 =	sor.u32 s23, s17;
	v0 =	vld.idx.msk [tilespmem:v1+s2+$0x0], $0xffff  }
0x3bf: {  	[tilespmem:s0+$0x0] =	vst v3;
	v1 =	vadd.s32 $0x2C00, v7  }
0x3c0: {  	v3 =	vld.idx.msk [tilespmem:v4+s2+$0x0], $0xffff  }
0x3c1: {  	s19 =	sadd.s32 $0x11500, s24;
	v4 =	vadd.s32 $0x2C00, v2  }
0x3c2: {  	s20 =	sor.u32 s22, s19  }
0x3c3: {  	[tilespmem:s20+$0x0] =	vst v0  }
0x3c4: {  	s0 =	sor.u32 s23, s19;
	v0 =	vld.idx.msk [tilespmem:v1+s2+$0x0], $0xffff  }
0x3c5: {  	[tilespmem:s0+$0x0] =	vst v3;
	v1 =	vadd.s32 $0x3000, v7  }
0x3c6: {  	v3 =	vld.idx.msk [tilespmem:v4+s2+$0x0], $0xffff  }
0x3c7: {  	s21 =	sadd.s32 $0x11580, s24;
	v4 =	vadd.s32 $0x3000, v2  }
0x3c8: {  	s25 =	sor.u32 s22, s21  }
0x3c9: {  	[tilespmem:s25+$0x0] =	vst v0  }
0x3ca: {  	s0 =	sor.u32 s23, s21;
	v0 =	vld.idx.msk [tilespmem:v1+s2+$0x0], $0xffff  }
0x3cb: {  	[tilespmem:s0+$0x0] =	vst v3;
	v1 =	vadd.s32 $0x3400, v7  }
0x3cc: {  	v3 =	vld.idx.msk [tilespmem:v4+s2+$0x0], $0xffff  }
0x3cd: {  	s26 =	sadd.s32 $0x11600, s24;
	v4 =	vadd.s32 $0x3400, v2  }
0x3ce: {  	s3 =	sor.u32 s22, s26  }
0x3cf: {  	[tilespmem:s3+$0x0] =	vst v0  }
0x3d0: {  	s0 =	sor.u32 s23, s26;
	v0 =	vld.idx.msk [tilespmem:v1+s2+$0x0], $0xffff  }
0x3d1: {  	[tilespmem:s0+$0x0] =	vst v3;
	v1 =	vadd.s32 $0x3800, v7  }
0x3d2: {  	v3 =	vld.idx.msk [tilespmem:v4+s2+$0x0], $0xffff  }
0x3d3: {  	s4 =	sadd.s32 $0x11680, s24;
	v4 =	vadd.s32 $0x3800, v2  }
0x3d4: {  	s5 =	sor.u32 s22, s4  }
0x3d5: {  	[tilespmem:s5+$0x0] =	vst v0  }
0x3d6: {  	s0 =	sor.u32 s23, s4;
	v0 =	vld.idx.msk [tilespmem:v1+s2+$0x0], $0xffff  }
0x3d7: {  	[tilespmem:s0+$0x0] =	vst v3;
	v1 =	vadd.s32 $0x3C00, v7  }
0x3d8: {  	v3 =	vld.idx.msk [tilespmem:v4+s2+$0x0], $0xffff  }
0x3d9: {  	s6 =	sadd.s32 $0x11700, s24;
	v4 =	vadd.s32 $0x3C00, v2  }
0x3da: {  	s7 =	sor.u32 s22, s6  }
0x3db: {  	[tilespmem:s7+$0x0] =	vst v0  }
0x3dc: {  	s0 =	sor.u32 s23, s6;
	v1 =	vld.idx.msk [tilespmem:v1+s2+$0x0], $0xffff  }
0x3dd: {  	[tilespmem:s0+$0x0] =	vst v3;
	v3 =	vadd.s32 $0x4000, v7  }
0x3de: {  	v4 =	vld.idx.msk [tilespmem:v4+s2+$0x0], $0xffff  }
0x3df: {  	s8 =	sadd.s32 $0x11780, s24;
	v5 =	vadd.s32 $0x4000, v2  }
0x3e0: {  	s10 =	sor.u32 s22, s8  }
0x3e1: {  	[tilespmem:s10+$0x0] =	vst v1  }
0x3e2: {  	s9 =	simm.s32 $0x10230;
	s0 =	sor.u32 s23, s8;
	v1 =	vld.idx.msk [tilespmem:v3+s2+$0x0], $0xffff  }
0x3e3: {  	v0 =	vld [tilespmem:s9+$0x0];
	[tilespmem:s0+$0x0] =	vst v4;
	v3 =	vadd.s32 $0x4400, v7  }
0x3e4: {  	v4 =	vld.idx.msk [tilespmem:v5+s2+$0x0], $0xffff  }
0x3e5: {  	s11 =	sadd.s32 $0x12400, s24;
	v5 =	vadd.s32 $0x4400, v2  }
0x3e6: {  	s12 =	sor.u32 s22, s11  }
0x3e7: {  	s0 =	simm.s32 $0x20;
	[tilespmem:s12+$0x0] =	vst v1  }
0x3e8: {  	s1 =	sor.u32 s23, s11;
	s13 =	sand.u32 $0x1E0, s0;
	v3 =	vld.idx.msk [tilespmem:v3+s2+$0x0], $0xffff  }
0x3e9: {  	v1 =	vld [tilespmem:s13+$0x10200];
	[tilespmem:s1+$0x0] =	vst v4;
	v4 =	vadd.s32 $0x4800, v7  }
0x3ea: {  	v5 =	vld.idx.msk [tilespmem:v5+s2+$0x0], $0xffff  }
0x3eb: {  	v6 =	vadd.s32 $0x4800, v2;
	s14 =	sadd.s32 $0x12480, s24  }
0x3ec: {  	s15 =	sor.u32 s22, s14  }
0x3ed: {  	[tilespmem:s15+$0x0] =	vst v3  }
0x3ee: {  	s1 =	sor.u32 s23, s14;
	v3 =	vld.idx.msk [tilespmem:v4+s2+$0x0], $0xffff  }
0x3ef: {  	[tilespmem:s1+$0x0] =	vst v5;
	v4 =	vadd.s32 $0x4C00, v7  }
0x3f0: {  	v5 =	vld.idx.msk [tilespmem:v6+s2+$0x0], $0xffff  }
0x3f1: {  	s16 =	sadd.s32 $0x12500, s24;
	v6 =	vadd.s32 $0x4C00, v2;
	v8 =	vld.idx.msk [tilespmem:v1+s2+$0x0], $0xffff  }
0x3f2: {  	s17 =	sor.u32 s22, s16;
	v9 =	vld.idx.msk [tilespmem:v0+s2+$0x0], $0xffff;
	v10 =	vadd.s32 $0x400, v1;
	s1 =	simm.s32 $0x100  }
0x3f3: {  	s14 =	sand.u32 $0xC00, s1;
	[tilespmem:s17+$0x0] =	vst v3;
	v3 =	vadd.s32 $0x400, v0  }
0x3f4: {  	s3 =	sor.u32 s23, s16;
	s13 =	sand.u32 $0x60, s0;
	s18 =	sadd.s32 $0x10400, s14;
	v4 =	vld.idx.msk [tilespmem:v4+s2+$0x0], $0xffff  }
0x3f5: {  	s15 =	sor.u32 $0x10, s13;
	s19 =	sor.u32 s13, s18;
	[tilespmem:s3+$0x0] =	vst v5;
	v5 =	vadd.s32 $0x5000, v7  }
0x3f6: {  	s20 =	sor.u32 s15, s18;
	[tilespmem:s19+$0x0] =	vst v8;
	v6 =	vld.idx.msk [tilespmem:v6+s2+$0x0], $0xffff  }
0x3f7: {  	s21 =	sadd.s32 $0x12580, s24;
	[tilespmem:s20+$0x0] =	vst v9;
	v8 =	vadd.s32 $0x5000, v2;
	v10 =	vld.idx.msk [tilespmem:v10+s2+$0x0], $0xffff  }
0x3f8: {  	s25 =	sor.u32 s22, s21;
	v9 =	vadd.s32 $0x800, v1;
	v3 =	vld.idx.msk [tilespmem:v3+s2+$0x0], $0xffff  }
0x3f9: {  	[tilespmem:s25+$0x0] =	vst v4;
	v4 =	vadd.s32 $0x800, v0  }
0x3fa: {  	s4 =	sor.u32 s23, s21;
	v5 =	vld.idx.msk [tilespmem:v5+s2+$0x0], $0xffff  }
0x3fb: {  	[tilespmem:s4+$0x0] =	vst v6;
	v6 =	vadd.s32 $0x5400, v7  }
0x3fc: {  	[tilespmem:s19+$0x80] =	vst v10;
	v8 =	vld.idx.msk [tilespmem:v8+s2+$0x0], $0xffff  }
0x3fd: {  	s26 =	sadd.s32 $0x12600, s24;
	v10 =	vadd.s32 $0x5400, v2;
	v9 =	vld.idx.msk [tilespmem:v9+s2+$0x0], $0xffff;
	[tilespmem:s20+$0x80] =	vst v3  }
0x3fe: {  	s7 =	sor.u32 s22, s26;
	v3 =	vld.idx.msk [tilespmem:v4+s2+$0x0], $0xffff;
	v4 =	vadd.s32 $0xC00, v1  }
0x3ff: {  	[tilespmem:s7+$0x0] =	vst v5;
	v5 =	vadd.s32 $0xC00, v0  }
0x400: {  	s4 =	sor.u32 s23, s26;
	v6 =	vld.idx.msk [tilespmem:v6+s2+$0x0], $0xffff  }
0x401: {  	[tilespmem:s4+$0x0] =	vst v8;
	v8 =	vadd.s32 $0x5800, v7  }
0x402: {  	[tilespmem:s19+$0x100] =	vst v9;
	v10 =	vld.idx.msk [tilespmem:v10+s2+$0x0], $0xffff  }
0x403: {  	s8 =	sadd.s32 $0x12680, s24;
	v9 =	vadd.s32 $0x5800, v2;
	v4 =	vld.idx.msk [tilespmem:v4+s2+$0x0], $0xffff;
	[tilespmem:s20+$0x100] =	vst v3  }
0x404: {  	s9 =	sor.u32 s22, s8;
	v3 =	vld.idx.msk [tilespmem:v5+s2+$0x0], $0xffff;
	v5 =	vadd.s32 $0x1000, v1  }
0x405: {  	[tilespmem:s9+$0x0] =	vst v6;
	v6 =	vadd.s32 $0x1000, v0  }
0x406: {  	s4 =	sor.u32 s23, s8;
	v8 =	vld.idx.msk [tilespmem:v8+s2+$0x0], $0xffff  }
0x407: {  	[tilespmem:s4+$0x0] =	vst v10;
	v10 =	vadd.s32 $0x5C00, v7  }
0x408: {  	v9 =	vld.idx.msk [tilespmem:v9+s2+$0x0], $0xffff;
	[tilespmem:s19+$0x180] =	vst v4  }
0x409: {  	s10 =	sadd.s32 $0x12700, s24;
	v4 =	vadd.s32 $0x5C00, v2;
	v5 =	vld.idx.msk [tilespmem:v5+s2+$0x0], $0xffff;
	[tilespmem:s20+$0x180] =	vst v3  }
0x40a: {  	s11 =	sor.u32 s22, s10;
	v3 =	vld.idx.msk [tilespmem:v6+s2+$0x0], $0xffff;
	v6 =	vadd.s32 $0x1400, v1  }
0x40b: {  	[tilespmem:s11+$0x0] =	vst v8;
	v8 =	vadd.s32 $0x1400, v0  }
0x40c: {  	s4 =	sor.u32 s23, s10;
	v10 =	vld.idx.msk [tilespmem:v10+s2+$0x0], $0xffff  }
0x40d: {  	[tilespmem:s4+$0x0] =	vst v9;
	v9 =	vadd.s32 $0x6000, v7  }
0x40e: {  	v4 =	vld.idx.msk [tilespmem:v4+s2+$0x0], $0xffff;
	[tilespmem:s19+$0x200] =	vst v5  }
0x40f: {  	s12 =	sadd.s32 $0x12780, s24;
	v5 =	vadd.s32 $0x6000, v2;
	v6 =	vld.idx.msk [tilespmem:v6+s2+$0x0], $0xffff;
	[tilespmem:s20+$0x200] =	vst v3  }
0x410: {  	s16 =	sor.u32 s22, s12;
	v3 =	vld.idx.msk [tilespmem:v8+s2+$0x0], $0xffff;
	v8 =	vadd.s32 $0x1800, v1  }
0x411: {  	[tilespmem:s16+$0x0] =	vst v10;
	v10 =	vadd.s32 $0x1800, v0  }
0x412: {  	s4 =	sor.u32 s23, s12;
	v9 =	vld.idx.msk [tilespmem:v9+s2+$0x0], $0xffff  }
0x413: {  	[tilespmem:s4+$0x0] =	vst v4;
	v4 =	vadd.s32 $0x6400, v7  }
0x414: {  	v5 =	vld.idx.msk [tilespmem:v5+s2+$0x0], $0xffff;
	[tilespmem:s19+$0x280] =	vst v6  }
0x415: {  	s18 =	simm.s32 $0x1;
	s17 =	sadd.s32 $0x13400, s24;
	v6 =	vadd.s32 $0x6400, v2;
	v8 =	vld.idx.msk [tilespmem:v8+s2+$0x0], $0xffff;
	[tilespmem:s20+$0x280] =	vst v3  }
0x416: {  	s4 =	sand.u32 $0x3, s18;
	s19 =	sor.u32 s22, s17;
	v3 =	vld.idx.msk [tilespmem:v10+s2+$0x0], $0xffff;
	v10 =	vadd.s32 $0x1C00, v1  }
0x417: {  	s4 =	sshll.u32 s4, $0x5;
	[tilespmem:s19+$0x0] =	vst v9;
	v9 =	vadd.s32 $0x1C00, v0  }
0x418: {  	s3 =	sor.u32 s23, s17;
	s4 =	sadd.s32 $0x100, s4;
	v4 =	vld.idx.msk [tilespmem:v4+s2+$0x0], $0xffff  }
0x419: {  	s20 =	sor.u32 $0x300, s4;
	s4 =	sadd.s32 $0x10, s4;
	[tilespmem:s3+$0x0] =	vst v5;
	v5 =	vadd.s32 $0x6800, v7  }
0x41a: {  	s21 =	sor.u32 $0x300, s4;
	v6 =	vld.idx.msk [tilespmem:v6+s2+$0x0], $0xffff;
	[tilespmem:s20+$0x10400] =	vst v8  }
0x41b: {  	s25 =	sadd.s32 $0x13480, s24;
	v8 =	vadd.s32 $0x6800, v2;
	v10 =	vld.idx.msk [tilespmem:v10+s2+$0x0], $0xffff;
	[tilespmem:s21+$0x10400] =	vst v3  }
0x41c: {  	s26 =	sor.u32 s22, s25;
	v3 =	vld.idx.msk [tilespmem:v9+s2+$0x0], $0xffff;
	v9 =	vadd.s32 $0x2000, v1  }
0x41d: {  	[tilespmem:s26+$0x0] =	vst v4;
	v4 =	vadd.s32 $0x2000, v0  }
0x41e: {  	s0 =	sor.u32 s1, s0;
	s3 =	sor.u32 s23, s25;
	v5 =	vld.idx.msk [tilespmem:v5+s2+$0x0], $0xffff  }
0x41f: {  	s0 =	sor.u32 $0x380, s0;
	[tilespmem:s3+$0x0] =	vst v6;
	v6 =	vadd.s32 $0x6C00, v7  }
0x420: {  	s6 =	sor.u32 $0x380, s4;
	v8 =	vld.idx.msk [tilespmem:v8+s2+$0x0], $0xffff;
	[tilespmem:s0+$0x10400] =	vst v10  }
0x421: {  	s7 =	sadd.s32 $0x13500, s24;
	v10 =	vadd.s32 $0x6C00, v2;
	v9 =	vld.idx.msk [tilespmem:v9+s2+$0x0], $0xffff;
	[tilespmem:s6+$0x10400] =	vst v3  }
0x422: {  	s8 =	sor.u32 s22, s7;
	v3 =	vld.idx.msk [tilespmem:v4+s2+$0x0], $0xffff;
	v4 =	vadd.s32 $0x2400, v1  }
0x423: {  	[tilespmem:s8+$0x0] =	vst v5;
	v5 =	vadd.s32 $0x2400, v0  }
0x424: {  	s9 =	sadd.s32 $0x11400, s14;
	s0 =	sor.u32 s23, s7;
	v6 =	vld.idx.msk [tilespmem:v6+s2+$0x0], $0xffff  }
0x425: {  	s10 =	sor.u32 s13, s9;
	[tilespmem:s0+$0x0] =	vst v8;
	v8 =	vadd.s32 $0x7000, v7  }
0x426: {  	s1 =	sor.u32 s15, s9;
	v10 =	vld.idx.msk [tilespmem:v10+s2+$0x0], $0xffff;
	[tilespmem:s10+$0x0] =	vst v9  }
0x427: {  	s11 =	sadd.s32 $0x13580, s24;
	v9 =	vadd.s32 $0x7000, v2;
	v4 =	vld.idx.msk [tilespmem:v4+s2+$0x0], $0xffff;
	[tilespmem:s1+$0x0] =	vst v3  }
0x428: {  	s12 =	sor.u32 s22, s11;
	v3 =	vld.idx.msk [tilespmem:v5+s2+$0x0], $0xffff;
	v5 =	vadd.s32 $0x2800, v1  }
0x429: {  	[tilespmem:s12+$0x0] =	vst v6;
	v6 =	vadd.s32 $0x2800, v0  }
0x42a: {  	s16 =	sadd.s32 $0x11480, s14;
	s0 =	sor.u32 s23, s11;
	v8 =	vld.idx.msk [tilespmem:v8+s2+$0x0], $0xffff  }
0x42b: {  	s17 =	sor.u32 s13, s16;
	[tilespmem:s0+$0x0] =	vst v10;
	v10 =	vadd.s32 $0x7400, v7  }
0x42c: {  	s1 =	sor.u32 s15, s16;
	v9 =	vld.idx.msk [tilespmem:v9+s2+$0x0], $0xffff;
	[tilespmem:s17+$0x0] =	vst v4  }
0x42d: {  	s18 =	sadd.s32 $0x13600, s24;
	v4 =	vadd.s32 $0x7400, v2;
	v5 =	vld.idx.msk [tilespmem:v5+s2+$0x0], $0xffff;
	[tilespmem:s1+$0x0] =	vst v3  }
0x42e: {  	s19 =	sor.u32 s22, s18;
	v3 =	vld.idx.msk [tilespmem:v6+s2+$0x0], $0xffff;
	v6 =	vadd.s32 $0x2C00, v1  }
0x42f: {  	[tilespmem:s19+$0x0] =	vst v8;
	v8 =	vadd.s32 $0x2C00, v0  }
0x430: {  	s20 =	sadd.s32 $0x11500, s14;
	s0 =	sor.u32 s23, s18;
	v10 =	vld.idx.msk [tilespmem:v10+s2+$0x0], $0xffff  }
0x431: {  	s21 =	sor.u32 s13, s20;
	[tilespmem:s0+$0x0] =	vst v9;
	v9 =	vadd.s32 $0x7800, v7  }
0x432: {  	s1 =	sor.u32 s15, s20;
	v4 =	vld.idx.msk [tilespmem:v4+s2+$0x0], $0xffff;
	[tilespmem:s21+$0x0] =	vst v5  }
0x433: {  	s25 =	sadd.s32 $0x13680, s24;
	v5 =	vadd.s32 $0x7800, v2;
	v6 =	vld.idx.msk [tilespmem:v6+s2+$0x0], $0xffff;
	[tilespmem:s1+$0x0] =	vst v3  }
0x434: {  	s26 =	sor.u32 s22, s25;
	v3 =	vld.idx.msk [tilespmem:v8+s2+$0x0], $0xffff;
	v8 =	vadd.s32 $0x3000, v1  }
0x435: {  	[tilespmem:s26+$0x0] =	vst v10;
	v10 =	vadd.s32 $0x3000, v0  }
0x436: {  	s3 =	sadd.s32 $0x11580, s14;
	s0 =	sor.u32 s23, s25;
	v9 =	vld.idx.msk [tilespmem:v9+s2+$0x0], $0xffff  }
0x437: {  	s4 =	sor.u32 s13, s3;
	[tilespmem:s0+$0x0] =	vst v4;
	v4 =	vadd.s32 $0x7C00, v7  }
0x438: {  	s1 =	sor.u32 s15, s3;
	v5 =	vld.idx.msk [tilespmem:v5+s2+$0x0], $0xffff;
	[tilespmem:s4+$0x0] =	vst v6  }
0x439: {  	s5 =	sadd.s32 $0x13700, s24;
	v6 =	vadd.s32 $0x7C00, v2;
	v8 =	vld.idx.msk [tilespmem:v8+s2+$0x0], $0xffff;
	[tilespmem:s1+$0x0] =	vst v3  }
0x43a: {  	s6 =	sor.u32 s22, s5;
	v3 =	vld.idx.msk [tilespmem:v10+s2+$0x0], $0xffff;
	v10 =	vadd.s32 $0x3400, v1  }
0x43b: {  	[tilespmem:s6+$0x0] =	vst v9;
	v9 =	vadd.s32 $0x3400, v0  }
0x43c: {  	s7 =	sadd.s32 $0x11600, s14;
	s0 =	sor.u32 s23, s5;
	v4 =	vld.idx.msk [tilespmem:v4+s2+$0x0], $0xffff  }
0x43d: {  	s8 =	sor.u32 s13, s7;
	[tilespmem:s0+$0x0] =	vst v5;
	v5 =	vadd.s32 $0x8000, v7  }
0x43e: {  	s1 =	sor.u32 s15, s7;
	v6 =	vld.idx.msk [tilespmem:v6+s2+$0x0], $0xffff;
	[tilespmem:s8+$0x0] =	vst v8  }
0x43f: {  	s9 =	sadd.s32 $0x13780, s24;
	v8 =	vadd.s32 $0x8000, v2;
	v10 =	vld.idx.msk [tilespmem:v10+s2+$0x0], $0xffff;
	[tilespmem:s1+$0x0] =	vst v3  }
0x440: {  	s10 =	sor.u32 s22, s9;
	v3 =	vld.idx.msk [tilespmem:v9+s2+$0x0], $0xffff;
	v9 =	vadd.s32 $0x3800, v1  }
0x441: {  	[tilespmem:s10+$0x0] =	vst v4;
	v4 =	vadd.s32 $0x3800, v0  }
0x442: {  	s11 =	sadd.s32 $0x11680, s14;
	s0 =	sor.u32 s23, s9;
	v5 =	vld.idx.msk [tilespmem:v5+s2+$0x0], $0xffff  }
0x443: {  	s12 =	sor.u32 s13, s11;
	[tilespmem:s0+$0x0] =	vst v6;
	v6 =	vadd.s32 $0x8400, v7  }
0x444: {  	s1 =	sor.u32 s15, s11;
	v8 =	vld.idx.msk [tilespmem:v8+s2+$0x0], $0xffff;
	[tilespmem:s12+$0x0] =	vst v10  }
0x445: {  	s16 =	sadd.s32 $0x14400, s24;
	v10 =	vadd.s32 $0x8400, v2;
	v9 =	vld.idx.msk [tilespmem:v9+s2+$0x0], $0xffff;
	[tilespmem:s1+$0x0] =	vst v3  }
0x446: {  	s17 =	sor.u32 s22, s16;
	v3 =	vld.idx.msk [tilespmem:v4+s2+$0x0], $0xffff;
	v4 =	vadd.s32 $0x3C00, v1  }
0x447: {  	[tilespmem:s17+$0x0] =	vst v5;
	v5 =	vadd.s32 $0x3C00, v0  }
0x448: {  	s18 =	sadd.s32 $0x11700, s14;
	s0 =	sor.u32 s23, s16;
	v6 =	vld.idx.msk [tilespmem:v6+s2+$0x0], $0xffff  }
0x449: {  	s19 =	sor.u32 s13, s18;
	[tilespmem:s0+$0x0] =	vst v8;
	v8 =	vadd.s32 $0x8800, v7  }
0x44a: {  	s1 =	sor.u32 s15, s18;
	v10 =	vld.idx.msk [tilespmem:v10+s2+$0x0], $0xffff;
	[tilespmem:s19+$0x0] =	vst v9  }
0x44b: {  	s20 =	sadd.s32 $0x14480, s24;
	v9 =	vadd.s32 $0x8800, v2;
	v4 =	vld.idx.msk [tilespmem:v4+s2+$0x0], $0xffff;
	[tilespmem:s1+$0x0] =	vst v3  }
0x44c: {  	s21 =	sor.u32 s22, s20;
	v3 =	vld.idx.msk [tilespmem:v5+s2+$0x0], $0xffff;
	v5 =	vadd.s32 $0x4000, v1  }
0x44d: {  	[tilespmem:s21+$0x0] =	vst v6;
	v6 =	vadd.s32 $0x4000, v0  }
0x44e: {  	s25 =	sadd.s32 $0x11780, s14;
	s0 =	sor.u32 s23, s20;
	v8 =	vld.idx.msk [tilespmem:v8+s2+$0x0], $0xffff  }
0x44f: {  	s26 =	sor.u32 s13, s25;
	[tilespmem:s0+$0x0] =	vst v10;
	v10 =	vadd.s32 $0x8C00, v7  }
0x450: {  	s1 =	sor.u32 s15, s25;
	v9 =	vld.idx.msk [tilespmem:v9+s2+$0x0], $0xffff;
	[tilespmem:s26+$0x0] =	vst v4  }
0x451: {  	s3 =	sadd.s32 $0x14500, s24;
	v4 =	vadd.s32 $0x8C00, v2;
	v5 =	vld.idx.msk [tilespmem:v5+s2+$0x0], $0xffff;
	[tilespmem:s1+$0x0] =	vst v3  }
0x452: {  	v11 =	vadd.s32 $0x4400, v1;
	s4 =	sor.u32 s22, s3;
	v6 =	vld.idx.msk [tilespmem:v6+s2+$0x0], $0xffff  }
0x453: {  	[tilespmem:s4+$0x0] =	vst v8;
	v8 =	vadd.s32 $0x4400, v0  }
0x454: {  	s5 =	simm.s32 $0x10250;
	s6 =	sadd.s32 $0x12400, s14;
	s0 =	sor.u32 s23, s3;
	v10 =	vld.idx.msk [tilespmem:v10+s2+$0x0], $0xffff  }
0x455: {  	s7 =	sor.u32 s13, s6;
	v3 =	vld [tilespmem:s5+$0x0];
	[tilespmem:s0+$0x0] =	vst v9;
	v9 =	vadd.s32 $0x9000, v7  }
0x456: {  	s8 =	sor.u32 s15, s6;
	v12 =	vld.idx.msk [tilespmem:v4+s2+$0x0], $0xffff;
	[tilespmem:s7+$0x0] =	vst v5  }
0x457: {  	s9 =	sadd.s32 $0x14580, s24;
	s0 =	simm.s32 $0x40;
	v5 =	vld.idx.msk [tilespmem:v11+s2+$0x0], $0xffff;
	[tilespmem:s8+$0x0] =	vst v6  }
0x458: {  	s11 =	sor.u32 s22, s9;
	s10 =	sand.u32 $0x1E0, s0;
	v6 =	vld.idx.msk [tilespmem:v8+s2+$0x0], $0xffff;
	v8 =	vadd.s32 $0x4800, v1  }
0x459: {  	v4 =	vld [tilespmem:s10+$0x10200];
	[tilespmem:s11+$0x0] =	vst v10;
	v10 =	vadd.s32 $0x4800, v0  }
0x45a: {  	s12 =	sadd.s32 $0x12480, s14;
	v11 =	vadd.s32 $0x9000, v2;
	v9 =	vld.idx.msk [tilespmem:v9+s2+$0x0], $0xffff  }
0x45b: {  	v13 =	vadd.s32 $0x9400, v7;
	s16 =	sor.u32 s13, s12  }
0x45c: {  	s3 =	sor.u32 s15, s12;
	[tilespmem:s16+$0x0] =	vst v5  }
0x45d: {  	s17 =	sadd.s32 $0x14600, s24;
	s1 =	sor.u32 s23, s9;
	v5 =	vld.idx.msk [tilespmem:v8+s2+$0x0], $0xffff;
	[tilespmem:s3+$0x0] =	vst v6  }
0x45e: {  	s18 =	sor.u32 s22, s17;
	[tilespmem:s1+$0x0] =	vst v12;
	v8 =	vadd.s32 $0x4C00, v1;
	v6 =	vld.idx.msk [tilespmem:v10+s2+$0x0], $0xffff  }
0x45f: {  	v10 =	vld.idx.msk [tilespmem:v11+s2+$0x0], $0xffff;
	[tilespmem:s18+$0x0] =	vst v9;
	v9 =	vadd.s32 $0x4C00, v0  }
0x460: {  	s19 =	sadd.s32 $0x12500, s14;
	v11 =	vadd.s32 $0x9400, v2;
	v12 =	vld.idx.msk [tilespmem:v13+s2+$0x0], $0xffff  }
0x461: {  	v14 =	vadd.s32 $0x9800, v7;
	s20 =	sor.u32 s13, s19;
	v13 =	vld.idx.msk [tilespmem:v4+s2+$0x0], $0xffff  }
0x462: {  	s21 =	sor.u32 s15, s19;
	v15 =	vld.idx.msk [tilespmem:v3+s2+$0x0], $0xffff;
	s1 =	simm.s32 $0x200;
	v16 =	vadd.s32 $0x400, v4;
	[tilespmem:s20+$0x0] =	vst v5  }
0x463: {  	s25 =	sadd.s32 $0x14680, s24;
	s16 =	sand.u32 $0xC00, s1;
	s3 =	sor.u32 s23, s17;
	v5 =	vadd.s32 $0x400, v3;
	v8 =	vld.idx.msk [tilespmem:v8+s2+$0x0], $0xffff;
	[tilespmem:s21+$0x0] =	vst v6  }
0x464: {  	s7 =	sor.u32 s22, s25;
	s17 =	sand.u32 $0x60, s0;
	s26 =	sadd.s32 $0x10400, s16;
	[tilespmem:s3+$0x0] =	vst v10;
	v6 =	vld.idx.msk [tilespmem:v9+s2+$0x0], $0xffff;
	v9 =	vadd.s32 $0x5000, v1  }
0x465: {  	s18 =	sor.u32 $0x10, s17;
	s3 =	sor.u32 s17, s26;
	v10 =	vld.idx.msk [tilespmem:v11+s2+$0x0], $0xffff;
	v11 =	vadd.s32 $0x5000, v0;
	[tilespmem:s7+$0x0] =	vst v12  }
0x466: {  	s8 =	sadd.s32 $0x12580, s14;
	s5 =	sor.u32 s18, s26;
	[tilespmem:s3+$0x0] =	vst v13;
	v13 =	vadd.s32 $0x9800, v2;
	v12 =	vld.idx.msk [tilespmem:v14+s2+$0x0], $0xffff  }
0x467: {  	s9 =	sor.u32 s13, s8;
	[tilespmem:s5+$0x0] =	vst v15;
	v15 =	vadd.s32 $0x9C00, v7;
	v14 =	vld.idx.msk [tilespmem:v16+s2+$0x0], $0xffff  }
0x468: {  	s6 =	sor.u32 s15, s8;
	v16 =	vadd.s32 $0x800, v4;
	v5 =	vld.idx.msk [tilespmem:v5+s2+$0x0], $0xffff;
	[tilespmem:s9+$0x0] =	vst v8  }
0x469: {  	s4 =	sor.u32 s23, s25;
	s10 =	sadd.s32 $0x14700, s24;
	v8 =	vadd.s32 $0x800, v3;
	v9 =	vld.idx.msk [tilespmem:v9+s2+$0x0], $0xffff;
	[tilespmem:s6+$0x0] =	vst v6  }
0x46a: {  	s11 =	sor.u32 s22, s10;
	[tilespmem:s4+$0x0] =	vst v10;
	v10 =	vadd.s32 $0x5400, v1;
	v6 =	vld.idx.msk [tilespmem:v11+s2+$0x0], $0xffff  }
0x46b: {  	v11 =	vld.idx.msk [tilespmem:v13+s2+$0x0], $0xffff;
	[tilespmem:s11+$0x0] =	vst v12;
	v12 =	vadd.s32 $0x5400, v0  }
0x46c: {  	s12 =	sadd.s32 $0x12600, s14;
	[tilespmem:s3+$0x80] =	vst v14;
	v14 =	vadd.s32 $0x9C00, v2;
	v13 =	vld.idx.msk [tilespmem:v15+s2+$0x0], $0xffff  }
0x46d: {  	s19 =	sor.u32 s13, s12;
	v15 =	vld.idx.msk [tilespmem:v16+s2+$0x0], $0xffff;
	[tilespmem:s5+$0x80] =	vst v5;
	v5 =	vadd.s32 $0xA000, v7  }
0x46e: {  	s4 =	sor.u32 s15, s12;
	v16 =	vadd.s32 $0xC00, v4;
	v8 =	vld.idx.msk [tilespmem:v8+s2+$0x0], $0xffff;
	[tilespmem:s19+$0x0] =	vst v9  }
0x46f: {  	s20 =	sadd.s32 $0x14780, s24;
	s6 =	sor.u32 s23, s10;
	v9 =	vadd.s32 $0xC00, v3;
	v10 =	vld.idx.msk [tilespmem:v10+s2+$0x0], $0xffff;
	[tilespmem:s4+$0x0] =	vst v6  }
0x470: {  	s21 =	sor.u32 s22, s20;
	[tilespmem:s6+$0x0] =	vst v11;
	v11 =	vadd.s32 $0x5800, v1;
	v6 =	vld.idx.msk [tilespmem:v12+s2+$0x0], $0xffff  }
0x471: {  	v12 =	vld.idx.msk [tilespmem:v14+s2+$0x0], $0xffff;
	[tilespmem:s21+$0x0] =	vst v13;
	v13 =	vadd.s32 $0x5800, v0  }
0x472: {  	s25 =	sadd.s32 $0x12680, s14;
	v14 =	vadd.s32 $0xA000, v2;
	[tilespmem:s3+$0x100] =	vst v15;
	v5 =	vld.idx.msk [tilespmem:v5+s2+$0x0], $0xffff  }
0x473: {  	s26 =	sor.u32 s13, s25;
	v15 =	vld.idx.msk [tilespmem:v16+s2+$0x0], $0xffff;
	[tilespmem:s5+$0x100] =	vst v8;
	v8 =	vadd.s32 $0xA400, v7  }
0x474: {  	s6 =	sor.u32 s15, s25;
	v16 =	vadd.s32 $0x1000, v4;
	v9 =	vld.idx.msk [tilespmem:v9+s2+$0x0], $0xffff;
	[tilespmem:s26+$0x0] =	vst v10  }
0x475: {  	s8 =	sadd.s32 $0x15400, s24;
	s4 =	sor.u32 s23, s20;
	v10 =	vadd.s32 $0x1000, v3;
	v11 =	vld.idx.msk [tilespmem:v11+s2+$0x0], $0xffff;
	[tilespmem:s6+$0x0] =	vst v6  }
0x476: {  	s9 =	sor.u32 s22, s8;
	[tilespmem:s4+$0x0] =	vst v12;
	v12 =	vadd.s32 $0x5C00, v1;
	v6 =	vld.idx.msk [tilespmem:v13+s2+$0x0], $0xffff  }
0x477: {  	v13 =	vadd.s32 $0x5C00, v0;
	[tilespmem:s9+$0x0] =	vst v5;
	v5 =	vld.idx.msk [tilespmem:v14+s2+$0x0], $0xffff  }
0x478: {  	s10 =	sadd.s32 $0x12700, s14;
	[tilespmem:s3+$0x180] =	vst v15;
	v14 =	vadd.s32 $0xA400, v2;
	v8 =	vld.idx.msk [tilespmem:v8+s2+$0x0], $0xffff  }
0x479: {  	s11 =	sor.u32 s13, s10;
	v15 =	vld.idx.msk [tilespmem:v16+s2+$0x0], $0xffff;
	[tilespmem:s5+$0x180] =	vst v9;
	v9 =	vadd.s32 $0xA800, v7  }
0x47a: {  	s4 =	sor.u32 s15, s10;
	v16 =	vadd.s32 $0x1400, v4;
	v10 =	vld.idx.msk [tilespmem:v10+s2+$0x0], $0xffff;
	[tilespmem:s11+$0x0] =	vst v11  }
0x47b: {  	s12 =	sadd.s32 $0x15480, s24;
	s6 =	sor.u32 s23, s8;
	v11 =	vadd.s32 $0x1400, v3;
	v12 =	vld.idx.msk [tilespmem:v12+s2+$0x0], $0xffff;
	[tilespmem:s4+$0x0] =	vst v6  }
0x47c: {  	s19 =	sor.u32 s22, s12;
	v6 =	vld.idx.msk [tilespmem:v13+s2+$0x0], $0xffff;
	[tilespmem:s6+$0x0] =	vst v5;
	v5 =	vadd.s32 $0x6000, v1  }
0x47d: {  	v13 =	vadd.s32 $0x6000, v0;
	[tilespmem:s19+$0x0] =	vst v8;
	v8 =	vld.idx.msk [tilespmem:v14+s2+$0x0], $0xffff  }
0x47e: {  	s20 =	sadd.s32 $0x12780, s14;
	[tilespmem:s3+$0x200] =	vst v15;
	v14 =	vadd.s32 $0xA800, v2;
	v9 =	vld.idx.msk [tilespmem:v9+s2+$0x0], $0xffff  }
0x47f: {  	s21 =	sor.u32 s13, s20;
	v15 =	vld.idx.msk [tilespmem:v16+s2+$0x0], $0xffff;
	[tilespmem:s5+$0x200] =	vst v10;
	v10 =	vadd.s32 $0xAC00, v7  }
0x480: {  	s6 =	sor.u32 s15, s20;
	v16 =	vadd.s32 $0x1800, v4;
	v11 =	vld.idx.msk [tilespmem:v11+s2+$0x0], $0xffff;
	[tilespmem:s21+$0x0] =	vst v12  }
0x481: {  	s25 =	sadd.s32 $0x15500, s24;
	s4 =	sor.u32 s23, s12;
	v12 =	vadd.s32 $0x1800, v3;
	v5 =	vld.idx.msk [tilespmem:v5+s2+$0x0], $0xffff;
	[tilespmem:s6+$0x0] =	vst v6  }
0x482: {  	s26 =	sor.u32 s22, s25;
	v6 =	vld.idx.msk [tilespmem:v13+s2+$0x0], $0xffff;
	[tilespmem:s4+$0x0] =	vst v8;
	v8 =	vadd.s32 $0x6400, v1  }
0x483: {  	v13 =	vadd.s32 $0x6400, v0;
	[tilespmem:s26+$0x0] =	vst v9;
	v9 =	vld.idx.msk [tilespmem:v14+s2+$0x0], $0xffff  }
0x484: {  	s4 =	sadd.s32 $0x13400, s14;
	[tilespmem:s3+$0x280] =	vst v15;
	v14 =	vadd.s32 $0xAC00, v2;
	v10 =	vld.idx.msk [tilespmem:v10+s2+$0x0], $0xffff  }
0x485: {  	s8 =	simm.s32 $0x2;
	s7 =	sor.u32 s13, s4;
	v15 =	vld.idx.msk [tilespmem:v16+s2+$0x0], $0xffff;
	[tilespmem:s5+$0x280] =	vst v11;
	v11 =	vadd.s32 $0xB000, v7  }
0x486: {  	s3 =	sor.u32 s15, s4;
	s5 =	sand.u32 $0x3, s8;
	v16 =	vadd.s32 $0x1C00, v4;
	v12 =	vld.idx.msk [tilespmem:v12+s2+$0x0], $0xffff;
	[tilespmem:s7+$0x0] =	vst v5  }
0x487: {  	s10 =	sadd.s32 $0x15580, s24;
	s9 =	sor.u32 s23, s25;
	s5 =	sshll.u32 s5, $0x5;
	v5 =	vadd.s32 $0x1C00, v3;
	v8 =	vld.idx.msk [tilespmem:v8+s2+$0x0], $0xffff;
	[tilespmem:s3+$0x0] =	vst v6  }
0x488: {  	s11 =	sor.u32 s22, s10;
	s5 =	sadd.s32 $0x200, s5;
	v6 =	vld.idx.msk [tilespmem:v13+s2+$0x0], $0xffff;
	[tilespmem:s9+$0x0] =	vst v9;
	v9 =	vadd.s32 $0x6800, v1  }
0x489: {  	s12 =	sor.u32 $0x300, s5;
	s5 =	sadd.s32 $0x10, s5;
	v13 =	vadd.s32 $0x6800, v0;
	[tilespmem:s11+$0x0] =	vst v10;
	v10 =	vld.idx.msk [tilespmem:v14+s2+$0x0], $0xffff  }
0x48a: {  	s20 =	sadd.s32 $0x13480, s14;
	s19 =	sor.u32 $0x300, s5;
	[tilespmem:s12+$0x10400] =	vst v15;
	v14 =	vadd.s32 $0xB000, v2;
	v11 =	vld.idx.msk [tilespmem:v11+s2+$0x0], $0xffff  }
0x48b: {  	s21 =	sor.u32 s13, s20;
	v15 =	vld.idx.msk [tilespmem:v16+s2+$0x0], $0xffff;
	[tilespmem:s19+$0x10400] =	vst v12;
	v12 =	vadd.s32 $0xB400, v7  }
0x48c: {  	s6 =	sor.u32 s15, s20;
	v16 =	vadd.s32 $0x2000, v4;
	v5 =	vld.idx.msk [tilespmem:v5+s2+$0x0], $0xffff;
	[tilespmem:s21+$0x0] =	vst v8  }
0x48d: {  	s25 =	sadd.s32 $0x15600, s24;
	s3 =	sor.u32 s23, s10;
	v9 =	vld.idx.msk [tilespmem:v9+s2+$0x0], $0xffff;
	[tilespmem:s6+$0x0] =	vst v6  }
0x48e: {  	s0 =	sor.u32 s1, s0;
	s26 =	sor.u32 s22, s25;
	v8 =	vadd.s32 $0x2000, v3;
	v6 =	vld.idx.msk [tilespmem:v13+s2+$0x0], $0xffff;
	[tilespmem:s3+$0x0] =	vst v10  }
0x48f: {  	s0 =	sor.u32 $0x380, s0;
	v10 =	vadd.s32 $0x6C00, v1;
	[tilespmem:s26+$0x0] =	vst v11;
	v11 =	vld.idx.msk [tilespmem:v14+s2+$0x0], $0xffff  }
0x490: {  	v13 =	vadd.s32 $0x6C00, v0;
	[tilespmem:s0+$0x10400] =	vst v15;
	v12 =	vld.idx.msk [tilespmem:v12+s2+$0x0], $0xffff  }
0x491: {  	s8 =	simm.s32 $0x10270;
	s7 =	sadd.s32 $0x13500, s14;
	s6 =	sor.u32 $0x380, s5;
	v15 =	vadd.s32 $0xB400, v2;
	v14 =	vld.idx.msk [tilespmem:v16+s2+$0x0], $0xffff  }
0x492: {  	s9 =	sor.u32 s13, s7;
	[tilespmem:s6+$0x10400] =	vst v5;
	v16 =	vadd.s32 $0xB800, v7;
	v5 =	vld [tilespmem:s8+$0x0]  }
0x493: {  	v17 =	vadd.s32 $0x2400, v4;
	s0 =	sor.u32 s15, s7;
	v8 =	vld.idx.msk [tilespmem:v8+s2+$0x0], $0xffff;
	[tilespmem:s9+$0x0] =	vst v9  }
0x494: {  	s10 =	sor.u32 s23, s25;
	s11 =	sadd.s32 $0x15680, s24;
	v9 =	vadd.s32 $0x2400, v3;
	v10 =	vld.idx.msk [tilespmem:v10+s2+$0x0], $0xffff;
	[tilespmem:s0+$0x0] =	vst v6  }
0x495: {  	s12 =	sadd.s32 $0x11400, s16;
	s19 =	sor.u32 s22, s11;
	v6 =	vld.idx.msk [tilespmem:v13+s2+$0x0], $0xffff;
	[tilespmem:s10+$0x0] =	vst v11;
	v11 =	vadd.s32 $0x7000, v1  }
0x496: {  	s20 =	sor.u32 s17, s12;
	v13 =	vadd.s32 $0x7000, v0;
	[tilespmem:s19+$0x0] =	vst v12;
	v12 =	vld.idx.msk [tilespmem:v15+s2+$0x0], $0xffff  }
0x497: {  	s21 =	sadd.s32 $0x13580, s14;
	s3 =	sor.u32 s18, s12;
	[tilespmem:s20+$0x0] =	vst v14;
	v15 =	vadd.s32 $0xB800, v2;
	v14 =	vld.idx.msk [tilespmem:v16+s2+$0x0], $0xffff  }
0x498: {  	s25 =	sor.u32 s13, s21;
	v16 =	vld.idx.msk [tilespmem:v17+s2+$0x0], $0xffff;
	[tilespmem:s3+$0x0] =	vst v8;
	v8 =	vadd.s32 $0xBC00, v7  }
0x499: {  	s1 =	sor.u32 s15, s21;
	v17 =	vadd.s32 $0x2800, v4;
	v9 =	vld.idx.msk [tilespmem:v9+s2+$0x0], $0xffff;
	[tilespmem:s25+$0x0] =	vst v10  }
0x49a: {  	s26 =	sadd.s32 $0x15700, s24;
	s0 =	sor.u32 s23, s11;
	v10 =	vadd.s32 $0x2800, v3;
	v11 =	vld.idx.msk [tilespmem:v11+s2+$0x0], $0xffff;
	[tilespmem:s1+$0x0] =	vst v6  }
0x49b: {  	s5 =	sadd.s32 $0x11480, s16;
	s6 =	sor.u32 s22, s26;
	v6 =	vld.idx.msk [tilespmem:v13+s2+$0x0], $0xffff;
	[tilespmem:s0+$0x0] =	vst v12;
	v12 =	vadd.s32 $0x7400, v1  }
0x49c: {  	s7 =	sor.u32 s17, s5;
	[tilespmem:s6+$0x0] =	vst v14;
	v13 =	vld.idx.msk [tilespmem:v15+s2+$0x0], $0xffff;
	v14 =	vadd.s32 $0x7400, v0  }
0x49d: {  	s8 =	sadd.s32 $0x13600, s14;
	s3 =	sor.u32 s18, s5;
	[tilespmem:s7+$0x0] =	vst v16;
	v15 =	vadd.s32 $0xBC00, v2;
	v8 =	vld.idx.msk [tilespmem:v8+s2+$0x0], $0xffff  }
0x49e: {  	s9 =	sor.u32 s13, s8;
	v16 =	vld.idx.msk [tilespmem:v17+s2+$0x0], $0xffff;
	[tilespmem:s3+$0x0] =	vst v9;
	v9 =	vadd.s32 $0xC000, v7  }
0x49f: {  	s0 =	sor.u32 s15, s8;
	v17 =	vadd.s32 $0x2C00, v4;
	v10 =	vld.idx.msk [tilespmem:v10+s2+$0x0], $0xffff;
	[tilespmem:s9+$0x0] =	vst v11  }
0x4a0: {  	s10 =	sadd.s32 $0x15780, s24;
	s1 =	sor.u32 s23, s26;
	v11 =	vadd.s32 $0x2C00, v3;
	v12 =	vld.idx.msk [tilespmem:v12+s2+$0x0], $0xffff;
	[tilespmem:s0+$0x0] =	vst v6  }
0x4a1: {  	s11 =	sadd.s32 $0x11500, s16;
	s12 =	sor.u32 s22, s10;
	v6 =	vld.idx.msk [tilespmem:v14+s2+$0x0], $0xffff;
	[tilespmem:s1+$0x0] =	vst v13;
	v13 =	vadd.s32 $0x7800, v1  }
0x4a2: {  	s19 =	sor.u32 s17, s11;
	v14 =	vadd.s32 $0x7800, v0;
	[tilespmem:s12+$0x0] =	vst v8;
	v8 =	vld.idx.msk [tilespmem:v15+s2+$0x0], $0xffff  }
0x4a3: {  	s20 =	sadd.s32 $0x13680, s14;
	s3 =	sor.u32 s18, s11;
	[tilespmem:s19+$0x0] =	vst v16;
	v15 =	vadd.s32 $0xC000, v2;
	v9 =	vld.idx.msk [tilespmem:v9+s2+$0x0], $0xffff  }
0x4a4: {  	s21 =	sor.u32 s13, s20;
	v16 =	vld.idx.msk [tilespmem:v17+s2+$0x0], $0xffff;
	[tilespmem:s3+$0x0] =	vst v10;
	v10 =	vadd.s32 $0xC400, v7  }
0x4a5: {  	s1 =	sor.u32 s15, s20;
	v17 =	vadd.s32 $0x3000, v4;
	v11 =	vld.idx.msk [tilespmem:v11+s2+$0x0], $0xffff;
	[tilespmem:s21+$0x0] =	vst v12  }
0x4a6: {  	s25 =	sadd.s32 $0x16400, s24;
	s0 =	sor.u32 s23, s10;
	v12 =	vadd.s32 $0x3000, v3;
	v13 =	vld.idx.msk [tilespmem:v13+s2+$0x0], $0xffff;
	[tilespmem:s1+$0x0] =	vst v6  }
0x4a7: {  	s26 =	sadd.s32 $0x11580, s16;
	s5 =	sor.u32 s22, s25;
	v6 =	vld.idx.msk [tilespmem:v14+s2+$0x0], $0xffff;
	[tilespmem:s0+$0x0] =	vst v8;
	v8 =	vadd.s32 $0x7C00, v1  }
0x4a8: {  	s6 =	sor.u32 s17, s26;
	v14 =	vadd.s32 $0x7C00, v0;
	[tilespmem:s5+$0x0] =	vst v9;
	v9 =	vld.idx.msk [tilespmem:v15+s2+$0x0], $0xffff  }
0x4a9: {  	s7 =	sadd.s32 $0x13700, s14;
	s3 =	sor.u32 s18, s26;
	[tilespmem:s6+$0x0] =	vst v16;
	v15 =	vadd.s32 $0xC400, v2;
	v10 =	vld.idx.msk [tilespmem:v10+s2+$0x0], $0xffff  }
0x4aa: {  	s8 =	sor.u32 s13, s7;
	v16 =	vld.idx.msk [tilespmem:v17+s2+$0x0], $0xffff;
	[tilespmem:s3+$0x0] =	vst v11;
	v11 =	vadd.s32 $0xC800, v7  }
0x4ab: {  	s0 =	sor.u32 s15, s7;
	v17 =	vadd.s32 $0x3400, v4;
	v12 =	vld.idx.msk [tilespmem:v12+s2+$0x0], $0xffff;
	[tilespmem:s8+$0x0] =	vst v13  }
0x4ac: {  	s9 =	sadd.s32 $0x16480, s24;
	s1 =	sor.u32 s23, s25;
	v13 =	vadd.s32 $0x3400, v3;
	v8 =	vld.idx.msk [tilespmem:v8+s2+$0x0], $0xffff;
	[tilespmem:s0+$0x0] =	vst v6  }
0x4ad: {  	s10 =	sadd.s32 $0x11600, s16;
	s11 =	sor.u32 s22, s9;
	v6 =	vld.idx.msk [tilespmem:v14+s2+$0x0], $0xffff;
	[tilespmem:s1+$0x0] =	vst v9;
	v9 =	vadd.s32 $0x8000, v1  }
0x4ae: {  	s12 =	sor.u32 s17, s10;
	v14 =	vadd.s32 $0x8000, v0;
	[tilespmem:s11+$0x0] =	vst v10;
	v10 =	vld.idx.msk [tilespmem:v15+s2+$0x0], $0xffff  }
0x4af: {  	s19 =	sadd.s32 $0x13780, s14;
	s3 =	sor.u32 s18, s10;
	[tilespmem:s12+$0x0] =	vst v16;
	v15 =	vadd.s32 $0xC800, v2;
	v11 =	vld.idx.msk [tilespmem:v11+s2+$0x0], $0xffff  }
0x4b0: {  	s20 =	sor.u32 s13, s19;
	v16 =	vld.idx.msk [tilespmem:v17+s2+$0x0], $0xffff;
	[tilespmem:s3+$0x0] =	vst v12;
	v12 =	vadd.s32 $0xCC00, v7  }
0x4b1: {  	s1 =	sor.u32 s15, s19;
	v17 =	vadd.s32 $0x3800, v4;
	v13 =	vld.idx.msk [tilespmem:v13+s2+$0x0], $0xffff;
	[tilespmem:s20+$0x0] =	vst v8  }
0x4b2: {  	s21 =	sadd.s32 $0x16500, s24;
	s0 =	sor.u32 s23, s9;
	v8 =	vadd.s32 $0x3800, v3;
	v9 =	vld.idx.msk [tilespmem:v9+s2+$0x0], $0xffff;
	[tilespmem:s1+$0x0] =	vst v6  }
0x4b3: {  	s25 =	sadd.s32 $0x11680, s16;
	s26 =	sor.u32 s22, s21;
	v6 =	vld.idx.msk [tilespmem:v14+s2+$0x0], $0xffff;
	[tilespmem:s0+$0x0] =	vst v10;
	v10 =	vadd.s32 $0x8400, v1  }
0x4b4: {  	s5 =	sor.u32 s17, s25;
	v14 =	vadd.s32 $0x8400, v0;
	[tilespmem:s26+$0x0] =	vst v11;
	v11 =	vld.idx.msk [tilespmem:v15+s2+$0x0], $0xffff  }
0x4b5: {  	s6 =	sadd.s32 $0x14400, s14;
	s3 =	sor.u32 s18, s25;
	[tilespmem:s5+$0x0] =	vst v16;
	v15 =	vadd.s32 $0xCC00, v2;
	v12 =	vld.idx.msk [tilespmem:v12+s2+$0x0], $0xffff  }
0x4b6: {  	s7 =	sor.u32 s13, s6;
	v16 =	vld.idx.msk [tilespmem:v17+s2+$0x0], $0xffff;
	[tilespmem:s3+$0x0] =	vst v13;
	v13 =	vadd.s32 $0xD000, v7  }
0x4b7: {  	s0 =	sor.u32 s15, s6;
	v17 =	vadd.s32 $0x3C00, v4;
	v8 =	vld.idx.msk [tilespmem:v8+s2+$0x0], $0xffff;
	[tilespmem:s7+$0x0] =	vst v9  }
0x4b8: {  	s8 =	sadd.s32 $0x16580, s24;
	s1 =	sor.u32 s23, s21;
	v9 =	vadd.s32 $0x3C00, v3;
	v10 =	vld.idx.msk [tilespmem:v10+s2+$0x0], $0xffff;
	[tilespmem:s0+$0x0] =	vst v6  }
0x4b9: {  	s9 =	sadd.s32 $0x11700, s16;
	s10 =	sor.u32 s22, s8;
	v6 =	vld.idx.msk [tilespmem:v14+s2+$0x0], $0xffff;
	[tilespmem:s1+$0x0] =	vst v11;
	v11 =	vadd.s32 $0x8800, v1  }
0x4ba: {  	s11 =	sor.u32 s17, s9;
	v14 =	vadd.s32 $0x8800, v0;
	[tilespmem:s10+$0x0] =	vst v12;
	v12 =	vld.idx.msk [tilespmem:v15+s2+$0x0], $0xffff  }
0x4bb: {  	s12 =	sadd.s32 $0x14480, s14;
	s3 =	sor.u32 s18, s9;
	[tilespmem:s11+$0x0] =	vst v16;
	v15 =	vadd.s32 $0xD000, v2;
	v13 =	vld.idx.msk [tilespmem:v13+s2+$0x0], $0xffff  }
0x4bc: {  	s19 =	sor.u32 s13, s12;
	v16 =	vld.idx.msk [tilespmem:v17+s2+$0x0], $0xffff;
	[tilespmem:s3+$0x0] =	vst v8;
	v8 =	vadd.s32 $0xD400, v7  }
0x4bd: {  	s1 =	sor.u32 s15, s12;
	v17 =	vadd.s32 $0x4000, v4;
	v9 =	vld.idx.msk [tilespmem:v9+s2+$0x0], $0xffff;
	[tilespmem:s19+$0x0] =	vst v10  }
0x4be: {  	s20 =	sadd.s32 $0x16600, s24;
	s0 =	sor.u32 s23, s8;
	v10 =	vadd.s32 $0x4000, v3;
	v11 =	vld.idx.msk [tilespmem:v11+s2+$0x0], $0xffff;
	[tilespmem:s1+$0x0] =	vst v6  }
0x4bf: {  	s21 =	sadd.s32 $0x11780, s16;
	s25 =	sor.u32 s22, s20;
	v6 =	vld.idx.msk [tilespmem:v14+s2+$0x0], $0xffff;
	[tilespmem:s0+$0x0] =	vst v12;
	v12 =	vadd.s32 $0x8C00, v1  }
0x4c0: {  	s26 =	sor.u32 s17, s21;
	[tilespmem:s25+$0x0] =	vst v13;
	v13 =	vld.idx.msk [tilespmem:v15+s2+$0x0], $0xffff  }
0x4c1: {  	s5 =	sadd.s32 $0x14500, s14;
	s3 =	sor.u32 s18, s21;
	v14 =	vadd.s32 $0x8C00, v0;
	[tilespmem:s26+$0x0] =	vst v16;
	v8 =	vld.idx.msk [tilespmem:v8+s2+$0x0], $0xffff  }
0x4c2: {  	s6 =	sor.u32 s13, s5;
	v15 =	vadd.s32 $0xD400, v2;
	v16 =	vld.idx.msk [tilespmem:v17+s2+$0x0], $0xffff;
	[tilespmem:s3+$0x0] =	vst v9  }
0x4c3: {  	s28 =	simm.s32 $0x60;
	s0 =	sor.u32 s15, s5;
	v9 =	vadd.s32 $0xD800, v7;
	v10 =	vld.idx.msk [tilespmem:v10+s2+$0x0], $0xffff;
	[tilespmem:s6+$0x0] =	vst v11  }
0x4c4: {  	s7 =	sadd.s32 $0x16680, s24;
	s12 =	sand.u32 $0x1E0, s28;
	s1 =	sor.u32 s23, s20;
	v17 =	vadd.s32 $0x4400, v4;
	v12 =	vld.idx.msk [tilespmem:v12+s2+$0x0], $0xffff;
	[tilespmem:s0+$0x0] =	vst v6  }
0x4c5: {  	s8 =	sadd.s32 $0x12400, s16;
	s9 =	sor.u32 s22, s7;
	v11 =	vadd.s32 $0x4400, v3;
	v6 =	vld [tilespmem:s12+$0x10200];
	[tilespmem:s1+$0x0] =	vst v13  }
0x4c6: {  	s10 =	sor.u32 s17, s8;
	v14 =	vld.idx.msk [tilespmem:v14+s2+$0x0], $0xffff;
	v13 =	vadd.s32 $0x9000, v1;
	[tilespmem:s9+$0x0] =	vst v8  }
0x4c7: {  	s3 =	sor.u32 s18, s8;
	v8 =	vld.idx.msk [tilespmem:v15+s2+$0x0], $0xffff;
	[tilespmem:s10+$0x0] =	vst v16;
	v15 =	vadd.s32 $0x9000, v0  }
0x4c8: {  	s11 =	sadd.s32 $0x14580, s14;
	v9 =	vld.idx.msk [tilespmem:v9+s2+$0x0], $0xffff;
	[tilespmem:s3+$0x0] =	vst v10;
	v10 =	vadd.s32 $0xD800, v2  }
0x4c9: {  	s19 =	sor.u32 s13, s11;
	v16 =	vld.idx.msk [tilespmem:v17+s2+$0x0], $0xffff;
	v17 =	vadd.s32 $0xDC00, v7  }
0x4ca: {  	v18 =	vadd.s32 $0x4800, v4;
	s1 =	sor.u32 s15, s11;
	v11 =	vld.idx.msk [tilespmem:v11+s2+$0x0], $0xffff;
	[tilespmem:s19+$0x0] =	vst v12  }
0x4cb: {  	s20 =	sadd.s32 $0x16700, s24;
	s0 =	sor.u32 s23, s7;
	v13 =	vld.idx.msk [tilespmem:v13+s2+$0x0], $0xffff;
	[tilespmem:s1+$0x0] =	vst v14  }
0x4cc: {  	s21 =	sadd.s32 $0x12480, s16;
	s25 =	sor.u32 s22, s20;
	v12 =	vadd.s32 $0x4800, v3;
	v14 =	vld.idx.msk [tilespmem:v15+s2+$0x0], $0xffff;
	[tilespmem:s0+$0x0] =	vst v8  }
0x4cd: {  	s26 =	sor.u32 s17, s21;
	v8 =	vadd.s32 $0x9400, v1;
	[tilespmem:s25+$0x0] =	vst v9;
	v9 =	vld.idx.msk [tilespmem:v10+s2+$0x0], $0xffff  }
0x4ce: {  	s3 =	sor.u32 s18, s21;
	[tilespmem:s26+$0x0] =	vst v16;
	v10 =	vld.idx.msk [tilespmem:v17+s2+$0x0], $0xffff  }
0x4cf: {  	s5 =	sadd.s32 $0x14600, s14;
	v15 =	vld.idx.msk [tilespmem:v18+s2+$0x0], $0xffff;
	[tilespmem:s3+$0x0] =	vst v11;
	v11 =	vadd.s32 $0x9400, v0  }
0x4d0: {  	s6 =	sor.u32 s13, s5;
	v16 =	vadd.s32 $0xE000, v7;
	v17 =	vld.idx.msk [tilespmem:v5+s2+$0x0], $0xffff  }
0x4d1: {  	s7 =	sor.u32 s15, s5;
	v18 =	vadd.s32 $0x4C00, v4;
	v12 =	vld.idx.msk [tilespmem:v12+s2+$0x0], $0xffff;
	[tilespmem:s6+$0x0] =	vst v13  }
0x4d2: {  	s1 =	sor.u32 s23, s20;
	s0 =	sadd.s32 $0x16780, s24;
	v13 =	vadd.s32 $0x4C00, v3;
	v8 =	vld.idx.msk [tilespmem:v8+s2+$0x0], $0xffff;
	[tilespmem:s7+$0x0] =	vst v14  }
0x4d3: {  	s31 =	simm.s32 $0x300;
	v19 =	vadd.s32 $0xDC00, v2;
	s8 =	sadd.s32 $0x12500, s16;
	s9 =	sor.u32 s22, s0;
	v14 =	vld.idx.msk [tilespmem:v6+s2+$0x0], $0xffff;
	[tilespmem:s1+$0x0] =	vst v9  }
0x4d4: {  	v20 =	vadd.s32 $0x9800, v1;
	s10 =	sor.u32 s17, s8;
	s21 =	sand.u32 $0x60, s28;
	s20 =	sand.u32 $0xC00, s31;
	v11 =	vld.idx.msk [tilespmem:v11+s2+$0x0], $0xffff;
	[tilespmem:s9+$0x0] =	vst v10  }
0x4d5: {  	s19 =	sor.u32 $0x10, s21;
	s12 =	sadd.s32 $0x10400, s20;
	s3 =	sor.u32 s18, s8;
	v10 =	vadd.s32 $0x400, v6;
	[tilespmem:s10+$0x0] =	vst v15;
	v15 =	vld.idx.msk [tilespmem:v16+s2+$0x0], $0xffff  }
0x4d6: {  	s11 =	sadd.s32 $0x14680, s14;
	s6 =	sor.u32 s19, s12;
	v16 =	vadd.s32 $0x400, v5;
	v18 =	vld.idx.msk [tilespmem:v18+s2+$0x0], $0xffff;
	[tilespmem:s3+$0x0] =	vst v12  }
0x4d7: {  	s25 =	sor.u32 s13, s11;
	[tilespmem:s6+$0x0] =	vst v17;
	v17 =	vadd.s32 $0x9800, v0;
	v9 =	vld.idx.msk [tilespmem:v13+s2+$0x0], $0xffff  }
0x4d8: {  	s5 =	sor.u32 s21, s12;
	v12 =	vadd.s32 $0xE400, v7;
	[tilespmem:s25+$0x0] =	vst v8;
	v8 =	vld.idx.msk [tilespmem:v19+s2+$0x0], $0xffff  }
0x4d9: {  	v13 =	vadd.s32 $0x5000, v4;
	[tilespmem:s5+$0x0] =	vst v14;
	v19 =	vld.idx.msk [tilespmem:v20+s2+$0x0], $0xffff  }
0x4da: {  	s1 =	sadd.s32 $0x17400, s24;
	s3 =	sor.u32 s15, s11;
	v14 =	vadd.s32 $0x5000, v3;
	v10 =	vld.idx.msk [tilespmem:v10+s2+$0x0], $0xffff  }
0x4db: {  	s26 =	sadd.s32 $0x12580, s16;
	s8 =	sor.u32 s22, s1;
	v20 =	vadd.s32 $0x9C00, v1;
	[tilespmem:s3+$0x0] =	vst v11;
	v16 =	vld.idx.msk [tilespmem:v16+s2+$0x0], $0xffff  }
0x4dc: {  	s9 =	sor.u32 s17, s26;
	[tilespmem:s8+$0x0] =	vst v15;
	v15 =	vadd.s32 $0x800, v6;
	v17 =	vld.idx.msk [tilespmem:v17+s2+$0x0], $0xffff  }
0x4dd: {  	s4 =	sor.u32 s18, s26;
	s10 =	sadd.s32 $0x14700, s14;
	[tilespmem:s9+$0x0] =	vst v18;
	v18 =	vadd.s32 $0x800, v5;
	v12 =	vld.idx.msk [tilespmem:v12+s2+$0x0], $0xffff  }
0x4de: {  	s11 =	sor.u32 s13, s10;
	v11 =	vadd.s32 $0xE800, v7;
	v13 =	vld.idx.msk [tilespmem:v13+s2+$0x0], $0xffff;
	[tilespmem:s4+$0x0] =	vst v9  }
0x4df: {  	v9 =	vld.idx.msk [tilespmem:v14+s2+$0x0], $0xffff;
	v14 =	vadd.s32 $0x5400, v4;
	[tilespmem:s11+$0x0] =	vst v19  }
0x4e0: {  	s3 =	sadd.s32 $0x17480, s24;
	[tilespmem:s5+$0x80] =	vst v10;
	v10 =	vadd.s32 $0x5400, v3;
	v19 =	vld.idx.msk [tilespmem:v20+s2+$0x0], $0xffff  }
0x4e1: {  	s12 =	sadd.s32 $0x12600, s16;
	s25 =	sor.u32 s22, s3;
	v15 =	vld.idx.msk [tilespmem:v15+s2+$0x0], $0xffff;
	[tilespmem:s6+$0x80] =	vst v16;
	v16 =	vadd.s32 $0x9C00, v0  }
0x4e2: {  	s9 =	sor.u32 s17, s12;
	v20 =	vadd.s32 $0xA000, v1;
	v18 =	vld.idx.msk [tilespmem:v18+s2+$0x0], $0xffff;
	[tilespmem:s25+$0x0] =	vst v12  }
0x4e3: {  	s7 =	sor.u32 s18, s12;
	v12 =	vadd.s32 $0xC00, v6;
	[tilespmem:s9+$0x0] =	vst v13;
	v11 =	vld.idx.msk [tilespmem:v11+s2+$0x0], $0xffff  }
0x4e4: {  	s26 =	sadd.s32 $0x14780, s14;
	s4 =	sor.u32 s15, s10;
	v13 =	vadd.s32 $0xC00, v5;
	v14 =	vld.idx.msk [tilespmem:v14+s2+$0x0], $0xffff;
	[tilespmem:s7+$0x0] =	vst v9  }
0x4e5: {  	s11 =	sor.u32 s13, s26;
	[tilespmem:s4+$0x0] =	vst v17;
	v17 =	vadd.s32 $0x5800, v4;
	v9 =	vld.idx.msk [tilespmem:v10+s2+$0x0], $0xffff  }
0x4e6: {  	v10 =	vadd.s32 $0xEC00, v7;
	[tilespmem:s11+$0x0] =	vst v19;
	v16 =	vld.idx.msk [tilespmem:v16+s2+$0x0], $0xffff  }
0x4e7: {  	s12 =	sadd.s32 $0x12680, s16;
	[tilespmem:s5+$0x100] =	vst v15;
	v15 =	vadd.s32 $0x5800, v3;
	v19 =	vld.idx.msk [tilespmem:v20+s2+$0x0], $0xffff  }
0x4e8: {  	s10 =	sor.u32 s17, s12;
	s7 =	sadd.s32 $0x17500, s24;
	v12 =	vld.idx.msk [tilespmem:v12+s2+$0x0], $0xffff;
	[tilespmem:s6+$0x100] =	vst v18;
	v18 =	vadd.s32 $0xA000, v0  }
0x4e9: {  	s25 =	sor.u32 s22, s7;
	v20 =	vadd.s32 $0xA400, v1;
	v13 =	vld.idx.msk [tilespmem:v13+s2+$0x0], $0xffff;
	[tilespmem:s10+$0x0] =	vst v14  }
0x4ea: {  	s4 =	sor.u32 s18, s12;
	[tilespmem:s25+$0x0] =	vst v11;
	v11 =	vadd.s32 $0x1000, v6;
	v17 =	vld.idx.msk [tilespmem:v17+s2+$0x0], $0xffff  }
0x4eb: {  	s8 =	sor.u32 s15, s26;
	v14 =	vadd.s32 $0x1000, v5;
	v10 =	vld.idx.msk [tilespmem:v10+s2+$0x0], $0xffff;
	[tilespmem:s4+$0x0] =	vst v9;
	s4 =	sadd.s32 $0x15400, s14  }
0x4ec: {  	v9 =	vld.idx.msk [tilespmem:v15+s2+$0x0], $0xffff;
	s26 =	sor.u32 s13, s4;
	[tilespmem:s8+$0x0] =	vst v16;
	v15 =	vadd.s32 $0xF000, v7  }
0x4ed: {  	v16 =	vadd.s32 $0x5C00, v4;
	[tilespmem:s26+$0x0] =	vst v19;
	v18 =	vld.idx.msk [tilespmem:v18+s2+$0x0], $0xffff  }
0x4ee: {  	s25 =	sadd.s32 $0x17580, s24;
	[tilespmem:s5+$0x180] =	vst v12;
	v12 =	vadd.s32 $0x5C00, v3;
	v19 =	vld.idx.msk [tilespmem:v20+s2+$0x0], $0xffff  }
0x4ef: {  	s10 =	sadd.s32 $0x12700, s16;
	s11 =	sor.u32 s22, s25;
	v11 =	vld.idx.msk [tilespmem:v11+s2+$0x0], $0xffff;
	[tilespmem:s6+$0x180] =	vst v13;
	v13 =	vadd.s32 $0xA400, v0  }
0x4f0: {  	s12 =	sor.u32 s17, s10;
	v20 =	vadd.s32 $0xA800, v1;
	v14 =	vld.idx.msk [tilespmem:v14+s2+$0x0], $0xffff;
	[tilespmem:s11+$0x0] =	vst v10  }
0x4f1: {  	s8 =	sor.u32 s18, s10;
	[tilespmem:s12+$0x0] =	vst v17;
	v10 =	vadd.s32 $0x1400, v6;
	v15 =	vld.idx.msk [tilespmem:v15+s2+$0x0], $0xffff  }
0x4f2: {  	s4 =	sor.u32 s15, s4;
	v17 =	vadd.s32 $0x1400, v5;
	v16 =	vld.idx.msk [tilespmem:v16+s2+$0x0], $0xffff;
	[tilespmem:s8+$0x0] =	vst v9;
	s8 =	sadd.s32 $0x15480, s14  }
0x4f3: {  	v9 =	vld.idx.msk [tilespmem:v12+s2+$0x0], $0xffff;
	s26 =	sor.u32 s13, s8;
	[tilespmem:s4+$0x0] =	vst v18;
	v12 =	vadd.s32 $0xF400, v7  }
0x4f4: {  	v18 =	vadd.s32 $0x6000, v4;
	[tilespmem:s26+$0x0] =	vst v19;
	v13 =	vld.idx.msk [tilespmem:v13+s2+$0x0], $0xffff  }
0x4f5: {  	[tilespmem:s5+$0x200] =	vst v11;
	v11 =	vadd.s32 $0x6000, v3;
	s26 =	sadd.s32 $0x17600, s24;
	v19 =	vld.idx.msk [tilespmem:v20+s2+$0x0], $0xffff  }
0x4f6: {  	s10 =	sadd.s32 $0x12780, s16;
	[tilespmem:s6+$0x200] =	vst v14;
	v14 =	vadd.s32 $0xA800, v0;
	s11 =	sor.u32 s22, s26;
	v10 =	vld.idx.msk [tilespmem:v10+s2+$0x0], $0xffff  }
0x4f7: {  	s12 =	sor.u32 s17, s10;
	v20 =	vadd.s32 $0xAC00, v1;
	v17 =	vld.idx.msk [tilespmem:v17+s2+$0x0], $0xffff;
	[tilespmem:s11+$0x0] =	vst v15  }
0x4f8: {  	s4 =	sor.u32 s18, s10;
	v15 =	vadd.s32 $0x1800, v6;
	[tilespmem:s12+$0x0] =	vst v16;
	v12 =	vld.idx.msk [tilespmem:v12+s2+$0x0], $0xffff  }
0x4f9: {  	s8 =	sor.u32 s15, s8;
	v16 =	vadd.s32 $0x1800, v5;
	v18 =	vld.idx.msk [tilespmem:v18+s2+$0x0], $0xffff;
	[tilespmem:s4+$0x0] =	vst v9;
	s4 =	sadd.s32 $0x15500, s14  }
0x4fa: {  	v9 =	vld.idx.msk [tilespmem:v11+s2+$0x0], $0xffff;
	s11 =	sor.u32 s13, s4;
	[tilespmem:s8+$0x0] =	vst v13;
	v11 =	vadd.s32 $0xF800, v7  }
0x4fb: {  	v13 =	vadd.s32 $0x6400, v4;
	[tilespmem:s11+$0x0] =	vst v19;
	v14 =	vld.idx.msk [tilespmem:v14+s2+$0x0], $0xffff  }
0x4fc: {  	[tilespmem:s5+$0x280] =	vst v10;
	v10 =	vadd.s32 $0x6400, v3;
	v19 =	vld.idx.msk [tilespmem:v20+s2+$0x0], $0xffff;
	s5 =	sadd.s32 $0x17680, s24  }
0x4fd: {  	s12 =	sadd.s32 $0x13400, s16;
	[tilespmem:s6+$0x280] =	vst v17;
	v17 =	vadd.s32 $0xAC00, v0;
	v15 =	vld.idx.msk [tilespmem:v15+s2+$0x0], $0xffff;
	s9 =	sor.u32 s22, s5  }
0x4fe: {  	s10 =	sor.u32 s17, s12;
	s11 =	simm.s32 $0x3;
	v20 =	vadd.s32 $0xB000, v1;
	v16 =	vld.idx.msk [tilespmem:v16+s2+$0x0], $0xffff;
	[tilespmem:s9+$0x0] =	vst v12  }
0x4ff: {  	s6 =	sor.u32 s18, s12;
	s12 =	sand.u32 $0x3, s11;
	v12 =	vadd.s32 $0x1C00, v6;
	[tilespmem:s10+$0x0] =	vst v18;
	v11 =	vld.idx.msk [tilespmem:v11+s2+$0x0], $0xffff  }
0x500: {  	s4 =	sor.u32 s15, s4;
	s8 =	sshll.u32 s12, $0x5;
	v18 =	vadd.s32 $0x1C00, v5;
	v13 =	vld.idx.msk [tilespmem:v13+s2+$0x0], $0xffff;
	[tilespmem:s6+$0x0] =	vst v9;
	s6 =	sadd.s32 $0x15580, s14  }
0x501: {  	v7 =	vadd.s32 $0xFC00, v7;
	s8 =	sadd.s32 $0x300, s8;
	s10 =	sor.u32 s13, s6;
	[tilespmem:s4+$0x0] =	vst v14;
	v9 =	vld.idx.msk [tilespmem:v10+s2+$0x0], $0xffff  }
0x502: {  	s12 =	sor.u32 $0x300, s8;
	s8 =	sadd.s32 $0x10, s8;
	v10 =	vadd.s32 $0x6800, v4;
	[tilespmem:s10+$0x0] =	vst v19;
	v14 =	vld.idx.msk [tilespmem:v17+s2+$0x0], $0xffff  }
0x503: {  	s9 =	sor.u32 $0x300, s8;
	[tilespmem:s12+$0x10400] =	vst v15;
	v15 =	vadd.s32 $0x6800, v3;
	v17 =	vld.idx.msk [tilespmem:v20+s2+$0x0], $0xffff;
	s12 =	sadd.s32 $0x17700, s24  }
0x504: {  	s30 =	sor.u32 s23, s25;
	s4 =	sadd.s32 $0x13480, s16;
	[tilespmem:s9+$0x10400] =	vst v16;
	v16 =	vadd.s32 $0xB000, v0;
	v12 =	vld.idx.msk [tilespmem:v12+s2+$0x0], $0xffff;
	s9 =	sor.u32 s22, s12  }
0x505: {  	[tilespmem:s9+$0x0] =	vst v11;
	s9 =	sor.u32 s23, s1;
	s1 =	sor.u32 s23, s3;
	v11 =	vld.idx.msk [tilespmem:v18+s2+$0x0], $0xffff;
	v18 =	vadd.s32 $0xB400, v1;
	s3 =	sor.u32 s17, s4  }
0x506: {  	s25 =	sor.u32 s31, s28;
	s10 =	sor.u32 s23, s0;
	v19 =	vadd.s32 $0x2000, v6;
	s4 =	sor.u32 s18, s4;
	[tilespmem:s3+$0x0] =	vst v13;
	v20 =	vld.idx.msk [tilespmem:v7+s2+$0x0], $0xffff  }
0x507: {  	v21 =	vadd.s32 $0x2000, v5;
	s0 =	sor.u32 s23, s7;
	s7 =	sor.u32 s15, s6;
	s6 =	sadd.s32 $0x15600, s14;
	v13 =	vld.idx.msk [tilespmem:v10+s2+$0x0], $0xffff;
	[tilespmem:s4+$0x0] =	vst v9  }
0x508: {  	s29 =	sor.u32 s23, s26;
	s26 =	sor.u32 s23, s5;
	s5 =	sor.u32 s13, s6;
	[tilespmem:s7+$0x0] =	vst v14;
	v14 =	vld.idx.msk [tilespmem:v15+s2+$0x0], $0xffff  }
0x509: {  	s3 =	simm.s32 $0x6;
	s4 =	sor.u32 $0x380, s8;
	s7 =	sor.u32 $0x380, s25;
	[tilespmem:s5+$0x0] =	vst v17;
	v9 =	vld.idx.msk [tilespmem:v16+s2+$0x0], $0xffff;
	v15 =	vadd.s32 $0x6C00, v4  }
0x50a: {  	s25 =	sor.u32 s23, s12;
	s8 =	sadd.s32 $0x17780, s24;
	s12 =	sadd.s32 $0x13500, s16;
	v16 =	vadd.s32 $0x6C00, v3;
	[tilespmem:s7+$0x10400] =	vst v12;
	v7 =	vld.idx.msk [tilespmem:v18+s2+$0x0], $0xffff  }
0x50b: {  	s24 =	sor.u32 s22, s8;
	s22 =	sor.u32 s23, s8;
	s23 =	simm.s32 $0x10290;
	v17 =	vld.idx.msk [tilespmem:v19+s2+$0x0], $0xffff;
	[tilespmem:s4+$0x10400] =	vst v11;
	v11 =	vadd.s32 $0xB400, v0  }
0x50c: {  	v10 =	vadd.s32 $0xB800, v1;
	s5 =	sor.u32 s17, s12;
	s7 =	sor.u32 s15, s6;
	s6 =	sor.u32 s18, s12;
	v18 =	vld.idx.msk [tilespmem:v21+s2+$0x0], $0xffff;
	[tilespmem:s24+$0x0] =	vst v20  }
.LBB2_4:
0x50d: {  	v12 =	vld [tilespmem:s23+$0x0];
	v19 =	vadd.s32 $0x2400, v6;
	[tilespmem:s5+$0x0] =	vst v13;
	s5 =	smov.u32 s20;
	s24 =	smov.u32 s13;
	s13 =	smov.u32 s17  }
0x50e: {  	v13 =	vadd.s32 $0x2400, v5;
	s4 =	sadd.s32 $0x15680, s14;
	s17 =	smov.u32 s21;
	v15 =	vld.idx.msk [tilespmem:v15+s2+$0x0], $0xffff;
	[tilespmem:s6+$0x0] =	vst v14;
	s6 =	smov.u32 s15  }
0x50f: {  	s8 =	sadd.s32 $0x11400, s5;
	s12 =	sor.u32 s24, s4;
	v14 =	vld.idx.msk [tilespmem:v16+s2+$0x0], $0xffff;
	[tilespmem:s7+$0x0] =	vst v9;
	s4 =	sor.u32 s6, s4;
	v9 =	vadd.s32 $0xE000, v2  }
0x510: {  	s15 =	smov.u32 s18;
	s7 =	sor.u32 s17, s8;
	s8 =	sor.u32 s19, s8;
	v16 =	vadd.s32 $0x7000, v4;
	[tilespmem:s12+$0x0] =	vst v7;
	v7 =	vld.idx.msk [tilespmem:v11+s2+$0x0], $0xffff  }
0x511: {  	s18 =	smov.u32 s19;
	v11 =	vadd.s32 $0x7000, v3;
	[tilespmem:s7+$0x0] =	vst v17;
	v10 =	vld.idx.msk [tilespmem:v10+s2+$0x0], $0xffff  }
0x512: {  	s7 =	sadd.s32 $0x13580, s16;
	v17 =	vld.idx.msk [tilespmem:v19+s2+$0x0], $0xffff;
	[tilespmem:s8+$0x0] =	vst v18;
	v18 =	vadd.s32 $0xB800, v0  }
0x513: {  	s8 =	sor.u32 s13, s7;
	s7 =	sor.u32 s15, s7;
	v19 =	vadd.s32 $0xBC00, v1;
	v13 =	vld.idx.msk [tilespmem:v13+s2+$0x0], $0xffff;
	[tilespmem:s10+$0x0] =	vst v8  }
0x514: {  	v8 =	vadd.s32 $0x2800, v6;
	[tilespmem:s8+$0x0] =	vst v15;
	v9 =	vld.idx.msk [tilespmem:v9+s2+$0x0], $0xffff  }
0x515: {  	v15 =	vadd.s32 $0x2800, v5;
	v16 =	vld.idx.msk [tilespmem:v16+s2+$0x0], $0xffff;
	[tilespmem:s7+$0x0] =	vst v14;
	s7 =	sadd.s32 $0x15700, s14  }
0x516: {  	s8 =	sadd.s32 $0x11480, s5;
	v11 =	vld.idx.msk [tilespmem:v11+s2+$0x0], $0xffff;
	s10 =	sor.u32 s24, s7;
	[tilespmem:s4+$0x0] =	vst v7;
	s4 =	sor.u32 s6, s7;
	v7 =	vadd.s32 $0xE400, v2  }
0x517: {  	v14 =	vadd.s32 $0x7400, v4;
	s7 =	sor.u32 s17, s8;
	s8 =	sor.u32 s18, s8;
	[tilespmem:s10+$0x0] =	vst v10;
	v10 =	vld.idx.msk [tilespmem:v18+s2+$0x0], $0xffff  }
0x518: {  	[tilespmem:s7+$0x0] =	vst v17;
	v17 =	vadd.s32 $0x7400, v3;
	v18 =	vld.idx.msk [tilespmem:v19+s2+$0x0], $0xffff  }
0x519: {  	s7 =	sadd.s32 $0x13600, s16;
	v8 =	vld.idx.msk [tilespmem:v8+s2+$0x0], $0xffff;
	[tilespmem:s8+$0x0] =	vst v13;
	v13 =	vadd.s32 $0xBC00, v0  }
0x51a: {  	v19 =	vadd.s32 $0xC000, v1;
	s8 =	sor.u32 s13, s7;
	s7 =	sor.u32 s15, s7;
	v15 =	vld.idx.msk [tilespmem:v15+s2+$0x0], $0xffff;
	[tilespmem:s9+$0x0] =	vst v9  }
0x51b: {  	v9 =	vadd.s32 $0x2C00, v6;
	[tilespmem:s8+$0x0] =	vst v16;
	v7 =	vld.idx.msk [tilespmem:v7+s2+$0x0], $0xffff  }
0x51c: {  	v16 =	vadd.s32 $0x2C00, v5;
	v14 =	vld.idx.msk [tilespmem:v14+s2+$0x0], $0xffff;
	[tilespmem:s7+$0x0] =	vst v11;
	s7 =	sadd.s32 $0x15780, s14  }
0x51d: {  	s8 =	sadd.s32 $0x11500, s5;
	v11 =	vld.idx.msk [tilespmem:v17+s2+$0x0], $0xffff;
	s9 =	sor.u32 s24, s7;
	[tilespmem:s4+$0x0] =	vst v10;
	s4 =	sor.u32 s6, s7;
	v10 =	vadd.s32 $0xE800, v2  }
0x51e: {  	s7 =	sor.u32 s17, s8;
	s8 =	sor.u32 s18, s8;
	v17 =	vadd.s32 $0x7800, v4;
	[tilespmem:s9+$0x0] =	vst v18;
	v13 =	vld.idx.msk [tilespmem:v13+s2+$0x0], $0xffff  }
0x51f: {  	[tilespmem:s7+$0x0] =	vst v8;
	v8 =	vadd.s32 $0x7800, v3;
	v18 =	vld.idx.msk [tilespmem:v19+s2+$0x0], $0xffff  }
0x520: {  	s7 =	sadd.s32 $0x13680, s16;
	v9 =	vld.idx.msk [tilespmem:v9+s2+$0x0], $0xffff;
	[tilespmem:s8+$0x0] =	vst v15;
	v15 =	vadd.s32 $0xC000, v0  }
0x521: {  	v19 =	vadd.s32 $0xC400, v1;
	s8 =	sor.u32 s13, s7;
	s7 =	sor.u32 s15, s7;
	v16 =	vld.idx.msk [tilespmem:v16+s2+$0x0], $0xffff;
	[tilespmem:s1+$0x0] =	vst v7  }
0x522: {  	v7 =	vadd.s32 $0x3000, v6;
	[tilespmem:s8+$0x0] =	vst v14;
	v10 =	vld.idx.msk [tilespmem:v10+s2+$0x0], $0xffff  }
0x523: {  	s1 =	sadd.s32 $0x16400, s14;
	v14 =	vadd.s32 $0x3000, v5;
	v17 =	vld.idx.msk [tilespmem:v17+s2+$0x0], $0xffff;
	[tilespmem:s7+$0x0] =	vst v11  }
0x524: {  	s8 =	sor.u32 s24, s1;
	s1 =	sor.u32 s6, s1;
	s7 =	sadd.s32 $0x11580, s5;
	v11 =	vadd.s32 $0xEC00, v2;
	v8 =	vld.idx.msk [tilespmem:v8+s2+$0x0], $0xffff;
	[tilespmem:s4+$0x0] =	vst v13  }
0x525: {  	s4 =	sor.u32 s17, s7;
	s7 =	sor.u32 s18, s7;
	v13 =	vadd.s32 $0x7C00, v4;
	[tilespmem:s8+$0x0] =	vst v18;
	v15 =	vld.idx.msk [tilespmem:v15+s2+$0x0], $0xffff  }
0x526: {  	[tilespmem:s4+$0x0] =	vst v9;
	v9 =	vadd.s32 $0x7C00, v3;
	v18 =	vld.idx.msk [tilespmem:v19+s2+$0x0], $0xffff  }
0x527: {  	s4 =	sadd.s32 $0x13700, s16;
	v7 =	vld.idx.msk [tilespmem:v7+s2+$0x0], $0xffff;
	[tilespmem:s7+$0x0] =	vst v16;
	v16 =	vadd.s32 $0xC400, v0  }
0x528: {  	v19 =	vadd.s32 $0xC800, v1;
	s7 =	sor.u32 s13, s4;
	s4 =	sor.u32 s15, s4;
	v14 =	vld.idx.msk [tilespmem:v14+s2+$0x0], $0xffff;
	[tilespmem:s0+$0x0] =	vst v10  }
0x529: {  	v10 =	vadd.s32 $0x3400, v6;
	[tilespmem:s7+$0x0] =	vst v17;
	v11 =	vld.idx.msk [tilespmem:v11+s2+$0x0], $0xffff  }
0x52a: {  	s0 =	sadd.s32 $0x16480, s14;
	v17 =	vadd.s32 $0x3400, v5;
	v13 =	vld.idx.msk [tilespmem:v13+s2+$0x0], $0xffff;
	[tilespmem:s4+$0x0] =	vst v8  }
0x52b: {  	s7 =	sor.u32 s24, s0;
	s0 =	sor.u32 s6, s0;
	s4 =	sadd.s32 $0x11600, s5;
	v8 =	vld.idx.msk [tilespmem:v9+s2+$0x0], $0xffff;
	[tilespmem:s1+$0x0] =	vst v15;
	v9 =	vadd.s32 $0xF000, v2  }
0x52c: {  	s1 =	sor.u32 s17, s4;
	s4 =	sor.u32 s18, s4;
	v15 =	vadd.s32 $0x8000, v4;
	[tilespmem:s7+$0x0] =	vst v18;
	v16 =	vld.idx.msk [tilespmem:v16+s2+$0x0], $0xffff  }
0x52d: {  	[tilespmem:s1+$0x0] =	vst v7;
	v7 =	vadd.s32 $0x8000, v3;
	v18 =	vld.idx.msk [tilespmem:v19+s2+$0x0], $0xffff  }
0x52e: {  	s1 =	sadd.s32 $0x13780, s16;
	v10 =	vld.idx.msk [tilespmem:v10+s2+$0x0], $0xffff;
	[tilespmem:s4+$0x0] =	vst v14;
	v14 =	vadd.s32 $0xC800, v0  }
0x52f: {  	v19 =	vadd.s32 $0xCC00, v1;
	s4 =	sor.u32 s13, s1;
	s1 =	sor.u32 s15, s1;
	v17 =	vld.idx.msk [tilespmem:v17+s2+$0x0], $0xffff;
	[tilespmem:s30+$0x0] =	vst v11  }
0x530: {  	v11 =	vadd.s32 $0x3800, v6;
	[tilespmem:s4+$0x0] =	vst v13;
	v9 =	vld.idx.msk [tilespmem:v9+s2+$0x0], $0xffff  }
0x531: {  	v13 =	vadd.s32 $0x3800, v5;
	v15 =	vld.idx.msk [tilespmem:v15+s2+$0x0], $0xffff;
	[tilespmem:s1+$0x0] =	vst v8;
	s1 =	sadd.s32 $0x16500, s14  }
0x532: {  	s4 =	sadd.s32 $0x11680, s5;
	v8 =	vadd.s32 $0xF400, v2;
	v7 =	vld.idx.msk [tilespmem:v7+s2+$0x0], $0xffff;
	s7 =	sor.u32 s24, s1;
	[tilespmem:s0+$0x0] =	vst v16;
	s0 =	sor.u32 s6, s1  }
0x533: {  	s1 =	sor.u32 s17, s4;
	s4 =	sor.u32 s18, s4;
	v16 =	vadd.s32 $0x8400, v4;
	[tilespmem:s7+$0x0] =	vst v18;
	v14 =	vld.idx.msk [tilespmem:v14+s2+$0x0], $0xffff  }
0x534: {  	[tilespmem:s1+$0x0] =	vst v10;
	v10 =	vadd.s32 $0x8400, v3;
	v18 =	vld.idx.msk [tilespmem:v19+s2+$0x0], $0xffff  }
0x535: {  	s1 =	sadd.s32 $0x14400, s16;
	v11 =	vld.idx.msk [tilespmem:v11+s2+$0x0], $0xffff;
	[tilespmem:s4+$0x0] =	vst v17;
	v17 =	vadd.s32 $0xCC00, v0  }
0x536: {  	v19 =	vadd.s32 $0xD000, v1;
	s4 =	sor.u32 s13, s1;
	s1 =	sor.u32 s15, s1;
	v13 =	vld.idx.msk [tilespmem:v13+s2+$0x0], $0xffff;
	[tilespmem:s29+$0x0] =	vst v9  }
0x537: {  	v9 =	vadd.s32 $0x3C00, v6;
	[tilespmem:s4+$0x0] =	vst v15;
	v8 =	vld.idx.msk [tilespmem:v8+s2+$0x0], $0xffff  }
0x538: {  	v15 =	vadd.s32 $0x3C00, v5;
	v16 =	vld.idx.msk [tilespmem:v16+s2+$0x0], $0xffff;
	[tilespmem:s1+$0x0] =	vst v7;
	s1 =	sadd.s32 $0x16580, s14  }
0x539: {  	s4 =	sadd.s32 $0x11700, s5;
	v7 =	vld.idx.msk [tilespmem:v10+s2+$0x0], $0xffff;
	s7 =	sor.u32 s24, s1;
	[tilespmem:s0+$0x0] =	vst v14;
	s0 =	sor.u32 s6, s1;
	v10 =	vadd.s32 $0xF800, v2  }
0x53a: {  	s1 =	sor.u32 s17, s4;
	s4 =	sor.u32 s18, s4;
	v14 =	vadd.s32 $0x8800, v4;
	[tilespmem:s7+$0x0] =	vst v18;
	v17 =	vld.idx.msk [tilespmem:v17+s2+$0x0], $0xffff  }
0x53b: {  	[tilespmem:s1+$0x0] =	vst v11;
	v11 =	vadd.s32 $0x8800, v3;
	v18 =	vld.idx.msk [tilespmem:v19+s2+$0x0], $0xffff  }
0x53c: {  	s1 =	sadd.s32 $0x14480, s16;
	v9 =	vld.idx.msk [tilespmem:v9+s2+$0x0], $0xffff;
	[tilespmem:s4+$0x0] =	vst v13;
	v13 =	vadd.s32 $0xD000, v0  }
0x53d: {  	v19 =	vadd.s32 $0xD400, v1;
	s4 =	sor.u32 s13, s1;
	s1 =	sor.u32 s15, s1;
	v15 =	vld.idx.msk [tilespmem:v15+s2+$0x0], $0xffff;
	[tilespmem:s26+$0x0] =	vst v8  }
0x53e: {  	v8 =	vadd.s32 $0x4000, v6;
	[tilespmem:s4+$0x0] =	vst v16;
	v10 =	vld.idx.msk [tilespmem:v10+s2+$0x0], $0xffff  }
0x53f: {  	v16 =	vadd.s32 $0x4000, v5;
	v14 =	vld.idx.msk [tilespmem:v14+s2+$0x0], $0xffff;
	[tilespmem:s1+$0x0] =	vst v7;
	s1 =	sadd.s32 $0x16600, s14  }
0x540: {  	s4 =	sadd.s32 $0x11780, s5;
	v7 =	vld.idx.msk [tilespmem:v11+s2+$0x0], $0xffff;
	s7 =	sor.u32 s24, s1;
	[tilespmem:s0+$0x0] =	vst v17;
	s0 =	sor.u32 s6, s1;
	v11 =	vadd.s32 $0xFC00, v2;
	v2 =	vmovc v0;
	v0 =	vmovc v3;
	v3 =	vmov v5;
	v5 =	vmov v12  }
0x541: {  	s1 =	sor.u32 s17, s4;
	s4 =	sor.u32 s18, s4;
	v12 =	vadd.s32 $0x8C00, v4;
	[tilespmem:s7+$0x0] =	vst v18;
	v13 =	vld.idx.msk [tilespmem:v13+s2+$0x0], $0xffff  }
0x542: {  	[tilespmem:s1+$0x0] =	vst v9;
	v9 =	vadd.s32 $0x8C00, v0;
	v17 =	vld.idx.msk [tilespmem:v19+s2+$0x0], $0xffff  }
0x543: {  	s1 =	sadd.s32 $0x14500, s16;
	v8 =	vld.idx.msk [tilespmem:v8+s2+$0x0], $0xffff;
	[tilespmem:s4+$0x0] =	vst v15;
	v15 =	vadd.s32 $0xD400, v2  }
0x544: {  	v18 =	vadd.s32 $0xD800, v1;
	s4 =	sor.u32 s13, s1;
	s1 =	sor.u32 s15, s1;
	v16 =	vld.idx.msk [tilespmem:v16+s2+$0x0], $0xffff;
	[tilespmem:s25+$0x0] =	vst v10  }
0x545: {  	v10 =	vadd.s32 $0x4400, v6;
	[tilespmem:s4+$0x0] =	vst v14;
	v11 =	vld.idx.msk [tilespmem:v11+s2+$0x0], $0xffff  }
0x546: {  	v14 =	vadd.s32 $0x4400, v3;
	v12 =	vld.idx.msk [tilespmem:v12+s2+$0x0], $0xffff;
	[tilespmem:s1+$0x0] =	vst v7;
	s1 =	sadd.s32 $0x16680, s14  }
0x547: {  	s4 =	sadd.s32 $0x12400, s5;
	v9 =	vld.idx.msk [tilespmem:v9+s2+$0x0], $0xffff;
	s7 =	sor.u32 s24, s1;
	[tilespmem:s0+$0x0] =	vst v13;
	s0 =	sor.u32 s6, s1  }
0x548: {  	s1 =	sor.u32 s17, s4;
	s4 =	sor.u32 s18, s4;
	v13 =	vadd.s32 $0x9000, v4;
	[tilespmem:s7+$0x0] =	vst v17;
	v15 =	vld.idx.msk [tilespmem:v15+s2+$0x0], $0xffff  }
0x549: {  	[tilespmem:s1+$0x0] =	vst v8;
	v8 =	vadd.s32 $0x9000, v0;
	v17 =	vld.idx.msk [tilespmem:v18+s2+$0x0], $0xffff  }
0x54a: {  	s28 =	sadd.s32 $0x20, s28;
	s1 =	sadd.s32 $0x14580, s16;
	v10 =	vld.idx.msk [tilespmem:v10+s2+$0x0], $0xffff;
	[tilespmem:s4+$0x0] =	vst v16;
	v16 =	vadd.s32 $0xD800, v2  }
0x54b: {  	v18 =	vadd.s32 $0xDC00, v1;
	s4 =	sand.u32 $0x1E0, s28;
	s7 =	sor.u32 s13, s1;
	s1 =	sor.u32 s15, s1;
	v14 =	vld.idx.msk [tilespmem:v14+s2+$0x0], $0xffff;
	[tilespmem:s22+$0x0] =	vst v11  }
0x54c: {  	s3 =	sadd.s32 $0x2, s3;
	v11 =	vadd.s32 $0x4800, v6;
	v7 =	vld [tilespmem:s4+$0x10200];
	[tilespmem:s7+$0x0] =	vst v12  }
0x54d: {  	p0 =	slt.u32 s3, $0x1E;
	v12 =	vadd.s32 $0x4800, v3;
	v13 =	vld.idx.msk [tilespmem:v13+s2+$0x0], $0xffff;
	[tilespmem:s1+$0x0] =	vst v9;
	s1 =	sadd.s32 $0x16700, s14  }
0x54e: {  	s4 =	sadd.s32 $0x12480, s5;
	v8 =	vld.idx.msk [tilespmem:v8+s2+$0x0], $0xffff;
	s7 =	sor.u32 s24, s1;
	[tilespmem:s0+$0x0] =	vst v15;
	s0 =	sor.u32 s6, s1  }
0x54f: {  	v9 =	vadd.s32 $0x9400, v4;
	s1 =	sor.u32 s17, s4;
	s4 =	sor.u32 s18, s4;
	[tilespmem:s7+$0x0] =	vst v17;
	v15 =	vld.idx.msk [tilespmem:v16+s2+$0x0], $0xffff  }
0x550: {  	[tilespmem:s1+$0x0] =	vst v10;
	v10 =	vld.idx.msk [tilespmem:v18+s2+$0x0], $0xffff  }
0x551: {  	s1 =	sadd.s32 $0x14600, s16;
	v11 =	vld.idx.msk [tilespmem:v11+s2+$0x0], $0xffff;
	[tilespmem:s4+$0x0] =	vst v14;
	v14 =	vadd.s32 $0x9400, v0  }
0x552: {  	v16 =	vadd.s32 $0xE000, v1;
	s4 =	sor.u32 s13, s1;
	s1 =	sor.u32 s15, s1;
	v12 =	vld.idx.msk [tilespmem:v12+s2+$0x0], $0xffff  }
0x553: {  	v18 =	vadd.s32 $0x4C00, v6;
	v17 =	vld.idx.msk [tilespmem:v5+s2+$0x0], $0xffff;
	[tilespmem:s4+$0x0] =	vst v13  }
0x554: {  	v13 =	vadd.s32 $0x4C00, v3;
	v9 =	vld.idx.msk [tilespmem:v9+s2+$0x0], $0xffff;
	[tilespmem:s1+$0x0] =	vst v8;
	s1 =	sadd.s32 $0x16780, s14  }
0x555: {  	s4 =	sadd.s32 $0x12500, s5;
	v8 =	vadd.s32 $0xDC00, v2;
	v19 =	vld.idx.msk [tilespmem:v7+s2+$0x0], $0xffff;
	s7 =	sor.u32 s24, s1;
	[tilespmem:s0+$0x0] =	vst v15;
	s10 =	sor.u32 s6, s1  }
0x556: {  	s0 =	sor.u32 s17, s4;
	s1 =	sor.u32 s18, s4;
	v15 =	vadd.s32 $0x9800, v4;
	v14 =	vld.idx.msk [tilespmem:v14+s2+$0x0], $0xffff;
	[tilespmem:s7+$0x0] =	vst v10  }
0x557: {  	s31 =	sadd.s32 $0x100, s31;
	v10 =	vadd.s32 $0x400, v7;
	[tilespmem:s0+$0x0] =	vst v11;
	v11 =	vld.idx.msk [tilespmem:v16+s2+$0x0], $0xffff  }
0x558: {  	s20 =	sand.u32 $0xC00, s31;
	v16 =	vadd.s32 $0x400, v5;
	s0 =	sadd.s32 $0x14680, s16;
	v18 =	vld.idx.msk [tilespmem:v18+s2+$0x0], $0xffff;
	[tilespmem:s1+$0x0] =	vst v12  }
0x559: {  	s21 =	sand.u32 $0x60, s28;
	s1 =	sadd.s32 $0x10400, s20;
	s4 =	sor.u32 s13, s0;
	v12 =	vld.idx.msk [tilespmem:v13+s2+$0x0], $0xffff;
	v13 =	vadd.s32 $0xE400, v1  }
0x55a: {  	v20 =	vadd.s32 $0x5000, v6;
	s19 =	sor.u32 $0x10, s21;
	s0 =	sor.u32 s15, s0;
	s7 =	sor.u32 s21, s1;
	[tilespmem:s4+$0x0] =	vst v9;
	v8 =	vld.idx.msk [tilespmem:v8+s2+$0x0], $0xffff  }
0x55b: {  	s22 =	sor.u32 s19, s1;
	s1 =	sadd.s32 $0x17400, s14;
	v9 =	vadd.s32 $0x5000, v3;
	[tilespmem:s7+$0x0] =	vst v19;
	v15 =	vld.idx.msk [tilespmem:v15+s2+$0x0], $0xffff  }
0x55c: {  	s4 =	sadd.s32 $0x12580, s5;
	s8 =	sor.u32 s24, s1;
	s9 =	sor.u32 s6, s1;
	v10 =	vld.idx.msk [tilespmem:v10+s2+$0x0], $0xffff;
	[tilespmem:s22+$0x0] =	vst v17;
	v17 =	vadd.s32 $0x9800, v0  }
0x55d: {  	s1 =	sor.u32 s17, s4;
	s4 =	sor.u32 s18, s4;
	v19 =	vadd.s32 $0x9C00, v4;
	v16 =	vld.idx.msk [tilespmem:v16+s2+$0x0], $0xffff;
	[tilespmem:s8+$0x0] =	vst v11  }
0x55e: {  	v11 =	vadd.s32 $0x800, v7;
	[tilespmem:s1+$0x0] =	vst v18;
	v13 =	vld.idx.msk [tilespmem:v13+s2+$0x0], $0xffff  }
0x55f: {  	v18 =	vadd.s32 $0x800, v5;
	s1 =	sadd.s32 $0x14700, s16;
	v20 =	vld.idx.msk [tilespmem:v20+s2+$0x0], $0xffff;
	[tilespmem:s4+$0x0] =	vst v12  }
0x560: {  	s4 =	sor.u32 s13, s1;
	v12 =	vadd.s32 $0xE800, v1;
	v9 =	vld.idx.msk [tilespmem:v9+s2+$0x0], $0xffff;
	[tilespmem:s0+$0x0] =	vst v14;
	s0 =	sor.u32 s15, s1  }
0x561: {  	v14 =	vadd.s32 $0x5400, v6;
	[tilespmem:s4+$0x0] =	vst v15;
	v15 =	vld.idx.msk [tilespmem:v17+s2+$0x0], $0xffff  }
0x562: {  	s1 =	sadd.s32 $0x17480, s14;
	[tilespmem:s7+$0x80] =	vst v10;
	v10 =	vadd.s32 $0x5400, v3;
	v17 =	vld.idx.msk [tilespmem:v19+s2+$0x0], $0xffff  }
0x563: {  	s4 =	sadd.s32 $0x12600, s5;
	s8 =	sor.u32 s24, s1;
	s1 =	sor.u32 s6, s1;
	v11 =	vld.idx.msk [tilespmem:v11+s2+$0x0], $0xffff;
	[tilespmem:s22+$0x80] =	vst v16;
	v16 =	vadd.s32 $0x9C00, v0  }
0x564: {  	s12 =	sor.u32 s17, s4;
	s4 =	sor.u32 s18, s4;
	v19 =	vadd.s32 $0xA000, v4;
	v18 =	vld.idx.msk [tilespmem:v18+s2+$0x0], $0xffff;
	[tilespmem:s8+$0x0] =	vst v13  }
0x565: {  	v13 =	vadd.s32 $0xC00, v7;
	[tilespmem:s12+$0x0] =	vst v20;
	v12 =	vld.idx.msk [tilespmem:v12+s2+$0x0], $0xffff  }
0x566: {  	v20 =	vadd.s32 $0xC00, v5;
	v14 =	vld.idx.msk [tilespmem:v14+s2+$0x0], $0xffff;
	[tilespmem:s4+$0x0] =	vst v9;
	s4 =	sadd.s32 $0x14780, s16  }
0x567: {  	v9 =	vld.idx.msk [tilespmem:v10+s2+$0x0], $0xffff;
	s8 =	sor.u32 s13, s4;
	[tilespmem:s0+$0x0] =	vst v15;
	s4 =	sor.u32 s15, s4;
	v10 =	vadd.s32 $0xEC00, v1  }
0x568: {  	v15 =	vadd.s32 $0x5800, v6;
	[tilespmem:s8+$0x0] =	vst v17;
	v16 =	vld.idx.msk [tilespmem:v16+s2+$0x0], $0xffff  }
0x569: {  	s0 =	sadd.s32 $0x17500, s14;
	[tilespmem:s7+$0x100] =	vst v11;
	v11 =	vadd.s32 $0x5800, v3;
	v17 =	vld.idx.msk [tilespmem:v19+s2+$0x0], $0xffff  }
0x56a: {  	s8 =	sadd.s32 $0x12680, s5;
	s12 =	sor.u32 s24, s0;
	s0 =	sor.u32 s6, s0;
	v13 =	vld.idx.msk [tilespmem:v13+s2+$0x0], $0xffff;
	[tilespmem:s22+$0x100] =	vst v18;
	v18 =	vadd.s32 $0xA000, v0  }
0x56b: {  	s25 =	sor.u32 s17, s8;
	s8 =	sor.u32 s18, s8;
	v19 =	vld.idx.msk [tilespmem:v20+s2+$0x0], $0xffff;
	v20 =	vadd.s32 $0xA400, v4;
	[tilespmem:s12+$0x0] =	vst v12  }
0x56c: {  	v12 =	vadd.s32 $0x1000, v7;
	[tilespmem:s25+$0x0] =	vst v14;
	v10 =	vld.idx.msk [tilespmem:v10+s2+$0x0], $0xffff  }
0x56d: {  	v14 =	vadd.s32 $0x1000, v5;
	v15 =	vld.idx.msk [tilespmem:v15+s2+$0x0], $0xffff;
	[tilespmem:s8+$0x0] =	vst v9;
	s8 =	sadd.s32 $0x15400, s16  }
0x56e: {  	v9 =	vld.idx.msk [tilespmem:v11+s2+$0x0], $0xffff;
	s12 =	sor.u32 s13, s8;
	[tilespmem:s4+$0x0] =	vst v16;
	s4 =	sor.u32 s15, s8;
	v11 =	vadd.s32 $0xF000, v1  }
0x56f: {  	v16 =	vadd.s32 $0x5C00, v6;
	[tilespmem:s12+$0x0] =	vst v17;
	v17 =	vld.idx.msk [tilespmem:v18+s2+$0x0], $0xffff  }
0x570: {  	s8 =	sadd.s32 $0x17580, s14;
	[tilespmem:s7+$0x180] =	vst v13;
	v13 =	vadd.s32 $0x5C00, v3;
	v18 =	vld.idx.msk [tilespmem:v20+s2+$0x0], $0xffff  }
0x571: {  	s12 =	sadd.s32 $0x12700, s5;
	s25 =	sor.u32 s24, s8;
	s30 =	sor.u32 s6, s8;
	v12 =	vld.idx.msk [tilespmem:v12+s2+$0x0], $0xffff;
	[tilespmem:s22+$0x180] =	vst v19;
	v19 =	vadd.s32 $0xA400, v0  }
0x572: {  	s8 =	sor.u32 s17, s12;
	s12 =	sor.u32 s18, s12;
	v20 =	vadd.s32 $0xA800, v4;
	v14 =	vld.idx.msk [tilespmem:v14+s2+$0x0], $0xffff;
	[tilespmem:s25+$0x0] =	vst v10  }
0x573: {  	v10 =	vadd.s32 $0x1400, v7;
	[tilespmem:s8+$0x0] =	vst v15;
	v11 =	vld.idx.msk [tilespmem:v11+s2+$0x0], $0xffff  }
0x574: {  	v15 =	vadd.s32 $0x1400, v5;
	s8 =	sadd.s32 $0x15480, s16;
	v16 =	vld.idx.msk [tilespmem:v16+s2+$0x0], $0xffff;
	[tilespmem:s12+$0x0] =	vst v9  }
0x575: {  	s12 =	sor.u32 s13, s8;
	v9 =	vld.idx.msk [tilespmem:v13+s2+$0x0], $0xffff;
	[tilespmem:s4+$0x0] =	vst v17;
	s4 =	sor.u32 s15, s8;
	v13 =	vadd.s32 $0xF400, v1  }
0x576: {  	v17 =	vadd.s32 $0x6000, v6;
	[tilespmem:s12+$0x0] =	vst v18;
	v18 =	vld.idx.msk [tilespmem:v19+s2+$0x0], $0xffff  }
0x577: {  	s8 =	sadd.s32 $0x17600, s14;
	[tilespmem:s7+$0x200] =	vst v12;
	v12 =	vadd.s32 $0x6000, v3;
	v19 =	vld.idx.msk [tilespmem:v20+s2+$0x0], $0xffff  }
0x578: {  	s12 =	sadd.s32 $0x12780, s5;
	s25 =	sor.u32 s24, s8;
	s29 =	sor.u32 s6, s8;
	v10 =	vld.idx.msk [tilespmem:v10+s2+$0x0], $0xffff;
	[tilespmem:s22+$0x200] =	vst v14;
	v14 =	vadd.s32 $0xA800, v0  }
0x579: {  	s8 =	sor.u32 s17, s12;
	s12 =	sor.u32 s18, s12;
	v20 =	vadd.s32 $0xAC00, v4;
	v15 =	vld.idx.msk [tilespmem:v15+s2+$0x0], $0xffff;
	[tilespmem:s25+$0x0] =	vst v11  }
0x57a: {  	v11 =	vadd.s32 $0x1800, v7;
	[tilespmem:s8+$0x0] =	vst v16;
	v13 =	vld.idx.msk [tilespmem:v13+s2+$0x0], $0xffff  }
0x57b: {  	v16 =	vadd.s32 $0x1800, v5;
	s8 =	sadd.s32 $0x15500, s16;
	v17 =	vld.idx.msk [tilespmem:v17+s2+$0x0], $0xffff;
	[tilespmem:s12+$0x0] =	vst v9  }
0x57c: {  	s12 =	sor.u32 s13, s8;
	v9 =	vld.idx.msk [tilespmem:v12+s2+$0x0], $0xffff;
	[tilespmem:s4+$0x0] =	vst v18;
	s4 =	sor.u32 s15, s8;
	v12 =	vadd.s32 $0xF800, v1  }
0x57d: {  	v18 =	vadd.s32 $0x6400, v6;
	[tilespmem:s12+$0x0] =	vst v19;
	v14 =	vld.idx.msk [tilespmem:v14+s2+$0x0], $0xffff  }
0x57e: {  	[tilespmem:s7+$0x280] =	vst v10;
	v10 =	vadd.s32 $0x6400, v3;
	v19 =	vld.idx.msk [tilespmem:v20+s2+$0x0], $0xffff;
	s7 =	sadd.s32 $0x17680, s14  }
0x57f: {  	s8 =	sadd.s32 $0x13400, s5;
	v11 =	vld.idx.msk [tilespmem:v11+s2+$0x0], $0xffff;
	[tilespmem:s22+$0x280] =	vst v15;
	v15 =	vadd.s32 $0xAC00, v0;
	s12 =	sor.u32 s24, s7;
	s26 =	sor.u32 s6, s7  }
0x580: {  	s11 =	sadd.s32 $0x1, s11;
	v20 =	vadd.s32 $0xB000, v4;
	s7 =	sor.u32 s17, s8;
	s8 =	sor.u32 s18, s8;
	v16 =	vld.idx.msk [tilespmem:v16+s2+$0x0], $0xffff;
	[tilespmem:s12+$0x0] =	vst v13  }
0x581: {  	s12 =	sand.u32 $0x3, s11;
	v13 =	vadd.s32 $0x1C00, v7;
	[tilespmem:s7+$0x0] =	vst v17;
	v12 =	vld.idx.msk [tilespmem:v12+s2+$0x0], $0xffff  }
0x582: {  	s7 =	sshll.u32 s12, $0x5;
	v17 =	vadd.s32 $0x1C00, v5;
	v18 =	vld.idx.msk [tilespmem:v18+s2+$0x0], $0xffff;
	[tilespmem:s8+$0x0] =	vst v9;
	s8 =	sadd.s32 $0x15580, s16  }
0x583: {  	s7 =	sadd.s32 s7, s31;
	v9 =	vld.idx.msk [tilespmem:v10+s2+$0x0], $0xffff;
	s12 =	sor.u32 s13, s8;
	[tilespmem:s4+$0x0] =	vst v14;
	s4 =	sor.u32 s15, s8;
	v10 =	vadd.s32 $0xFC00, v1;
	v1 =	vmovc v4;
	v4 =	vmov v6;
	v6 =	vmov v7  }
0x584: {  	s8 =	sor.u32 $0x300, s7;
	s7 =	sadd.s32 $0x10, s7;
	v7 =	vadd.s32 $0x6800, v4;
	[tilespmem:s12+$0x0] =	vst v19;
	v15 =	vld.idx.msk [tilespmem:v15+s2+$0x0], $0xffff  }
0x585: {  	s12 =	sor.u32 $0x380, s7;
	[tilespmem:s8+$0x10400] =	vst v11;
	s8 =	sor.u32 $0x300, s7;
	v11 =	vadd.s32 $0x6800, v3;
	v19 =	vld.idx.msk [tilespmem:v20+s2+$0x0], $0xffff;
	s7 =	sadd.s32 $0x17700, s14  }
0x586: {  	v20 =	vld.idx.msk [tilespmem:v13+s2+$0x0], $0xffff;
	[tilespmem:s8+$0x10400] =	vst v16;
	s8 =	sadd.s32 $0x13480, s5;
	v16 =	vadd.s32 $0xB000, v0;
	s22 =	sor.u32 s24, s7;
	s25 =	sor.u32 s6, s7  }
0x587: {  	v21 =	vld.idx.msk [tilespmem:v17+s2+$0x0], $0xffff;
	s7 =	sor.u32 s17, s8;
	s8 =	sor.u32 s18, s8;
	v17 =	vadd.s32 $0xB400, v1;
	[tilespmem:s22+$0x0] =	vst v12  }
0x588: {  	v12 =	vadd.s32 $0x2000, v6;
	[tilespmem:s7+$0x0] =	vst v18;
	v22 =	vld.idx.msk [tilespmem:v10+s2+$0x0], $0xffff  }
0x589: {  	v10 =	vadd.s32 $0x2000, v5;
	s7 =	sadd.s32 $0x15600, s16;
	v13 =	vld.idx.msk [tilespmem:v7+s2+$0x0], $0xffff;
	[tilespmem:s8+$0x0] =	vst v9;
	s8 =	sor.u32 s31, s28  }
.Ltmp1:
0x58a: {  	s22 =	sor.u32 s13, s7;
	s7 =	sor.u32 s15, s7;
	v14 =	vld.idx.msk [tilespmem:v11+s2+$0x0], $0xffff;
	[tilespmem:s4+$0x0] =	vst v15;
	(pc) =	sbr.rel @p0 .LBB2_4-.Ltmp1, $4  }
0x58b: {  	s4 =	sor.u32 $0x380, s8;
	v15 =	vadd.s32 $0x6C00, v4;
	[tilespmem:s22+$0x0] =	vst v19;
	v9 =	vld.idx.msk [tilespmem:v16+s2+$0x0], $0xffff  }
0x58c: {  	v16 =	vadd.s32 $0x6C00, v3;
	[tilespmem:s4+$0x10400] =	vst v20;
	v7 =	vld.idx.msk [tilespmem:v17+s2+$0x0], $0xffff;
	s4 =	sadd.s32 $0x17780, s14;
	s14 =	smov.u32 s16;
	s16 =	smov.u32 s5  }
0x58d: {  	v11 =	vadd.s32 $0xB400, v0;
	v17 =	vld.idx.msk [tilespmem:v12+s2+$0x0], $0xffff;
	[tilespmem:s12+$0x10400] =	vst v21;
	s8 =	sadd.s32 $0x13500, s16;
	s12 =	sor.u32 s24, s4;
	s22 =	sor.u32 s6, s4  }
0x58e: {  	s23 =	sadd.s32 $0x20, s23;
	v18 =	vld.idx.msk [tilespmem:v10+s2+$0x0], $0xffff;
	s5 =	sor.u32 s17, s8;
	s6 =	sor.u32 s18, s8;
	v10 =	vadd.s32 $0xB800, v1;
	[tilespmem:s12+$0x0] =	vst v22  }
0x58f: {  	v12 =	vadd.s32 $0x2400, v6  }
0x590: {  	v19 =	vadd.s32 $0x2400, v5  }
0x591: {  	s3 =	sadd.s32 $0x11400, s20  }
0x592: {  	s4 =	sor.u32 s21, s3  }
0x593: {  	s3 =	sor.u32 s19, s3;
	[tilespmem:s4+$0x0] =	vst v17  }
0x594: {  	[tilespmem:s3+$0x0] =	vst v18;
	v12 =	vld.idx.msk [tilespmem:v12+s2+$0x0], $0xffff  }
0x595: {  	v38 =	vadd.s32 $0x2800, v6;
	v37 =	vld.idx.msk [tilespmem:v19+s2+$0x0], $0xffff  }
0x596: {  	v39 =	vadd.s32 $0x2800, v5  }
0x597: {  	s28 =	sadd.s32 $0x11480, s20  }
0x598: {  	s31 =	sor.u32 s21, s28  }
0x599: {  	s3 =	sor.u32 s19, s28;
	[tilespmem:s31+$0x0] =	vst v12  }
0x59a: {  	[tilespmem:s3+$0x0] =	vst v37;
	v12 =	vld.idx.msk [tilespmem:v38+s2+$0x0], $0xffff  }
0x59b: {  	v40 =	vadd.s32 $0x2C00, v6;
	v17 =	vld.idx.msk [tilespmem:v39+s2+$0x0], $0xffff  }
0x59c: {  	v41 =	vadd.s32 $0x2C00, v5  }
0x59d: {  	s4 =	sadd.s32 $0x11500, s20  }
0x59e: {  	s8 =	sor.u32 s21, s4  }
0x59f: {  	s3 =	sor.u32 s19, s4;
	[tilespmem:s8+$0x0] =	vst v12  }
0x5a0: {  	[tilespmem:s3+$0x0] =	vst v17;
	v12 =	vld.idx.msk [tilespmem:v40+s2+$0x0], $0xffff  }
0x5a1: {  	v42 =	vadd.s32 $0x3000, v6;
	v17 =	vld.idx.msk [tilespmem:v41+s2+$0x0], $0xffff  }
0x5a2: {  	v43 =	vadd.s32 $0x3000, v5  }
0x5a3: {  	s11 =	sadd.s32 $0x11580, s20  }
0x5a4: {  	s12 =	sor.u32 s21, s11  }
0x5a5: {  	s3 =	sor.u32 s19, s11;
	[tilespmem:s12+$0x0] =	vst v12  }
0x5a6: {  	[tilespmem:s3+$0x0] =	vst v17;
	v12 =	vld.idx.msk [tilespmem:v42+s2+$0x0], $0xffff  }
0x5a7: {  	v44 =	vadd.s32 $0x3400, v6;
	v17 =	vld.idx.msk [tilespmem:v43+s2+$0x0], $0xffff  }
0x5a8: {  	v45 =	vadd.s32 $0x3400, v5  }
0x5a9: {  	s23 =	sadd.s32 $0x11600, s20  }
0x5aa: {  	s24 =	sor.u32 s21, s23  }
0x5ab: {  	s3 =	sor.u32 s19, s23;
	[tilespmem:s24+$0x0] =	vst v12  }
0x5ac: {  	[tilespmem:s3+$0x0] =	vst v17;
	v12 =	vld.idx.msk [tilespmem:v44+s2+$0x0], $0xffff  }
0x5ad: {  	v46 =	vadd.s32 $0x3800, v6;
	v17 =	vld.idx.msk [tilespmem:v45+s2+$0x0], $0xffff  }
0x5ae: {  	v47 =	vadd.s32 $0x3800, v5  }
0x5af: {  	s28 =	sadd.s32 $0x11680, s20  }
0x5b0: {  	s31 =	sor.u32 s21, s28  }
0x5b1: {  	s3 =	sor.u32 s19, s28;
	[tilespmem:s31+$0x0] =	vst v12  }
0x5b2: {  	[tilespmem:s3+$0x0] =	vst v17;
	v12 =	vld.idx.msk [tilespmem:v46+s2+$0x0], $0xffff  }
0x5b3: {  	v48 =	vadd.s32 $0x3C00, v6;
	v17 =	vld.idx.msk [tilespmem:v47+s2+$0x0], $0xffff  }
0x5b4: {  	v49 =	vadd.s32 $0x3C00, v5  }
0x5b5: {  	s4 =	sadd.s32 $0x11700, s20  }
0x5b6: {  	s8 =	sor.u32 s21, s4  }
0x5b7: {  	s3 =	sor.u32 s19, s4;
	[tilespmem:s8+$0x0] =	vst v12  }
0x5b8: {  	[tilespmem:s3+$0x0] =	vst v17;
	v12 =	vld.idx.msk [tilespmem:v48+s2+$0x0], $0xffff  }
0x5b9: {  	v50 =	vadd.s32 $0x4000, v6;
	v17 =	vld.idx.msk [tilespmem:v49+s2+$0x0], $0xffff  }
0x5ba: {  	v51 =	vadd.s32 $0x4000, v5  }
0x5bb: {  	s11 =	sadd.s32 $0x11780, s20  }
0x5bc: {  	s12 =	sor.u32 s21, s11  }
0x5bd: {  	s3 =	sor.u32 s19, s11;
	[tilespmem:s12+$0x0] =	vst v12  }
0x5be: {  	[tilespmem:s3+$0x0] =	vst v17;
	v12 =	vld.idx.msk [tilespmem:v50+s2+$0x0], $0xffff  }
0x5bf: {  	v52 =	vadd.s32 $0x4400, v6;
	v17 =	vld.idx.msk [tilespmem:v51+s2+$0x0], $0xffff  }
0x5c0: {  	v53 =	vadd.s32 $0x4400, v5  }
0x5c1: {  	s23 =	sadd.s32 $0x12400, s20  }
0x5c2: {  	s24 =	sor.u32 s21, s23  }
0x5c3: {  	s3 =	sor.u32 s19, s23;
	[tilespmem:s24+$0x0] =	vst v12  }
0x5c4: {  	[tilespmem:s3+$0x0] =	vst v17;
	v12 =	vld.idx.msk [tilespmem:v52+s2+$0x0], $0xffff  }
0x5c5: {  	v54 =	vadd.s32 $0x4800, v6;
	v17 =	vld.idx.msk [tilespmem:v53+s2+$0x0], $0xffff  }
0x5c6: {  	v55 =	vadd.s32 $0x4800, v5  }
0x5c7: {  	s28 =	sadd.s32 $0x12480, s20  }
0x5c8: {  	s31 =	sor.u32 s21, s28  }
0x5c9: {  	s3 =	sor.u32 s19, s28;
	[tilespmem:s31+$0x0] =	vst v12  }
0x5ca: {  	[tilespmem:s3+$0x0] =	vst v17;
	v12 =	vld.idx.msk [tilespmem:v54+s2+$0x0], $0xffff  }
0x5cb: {  	v56 =	vadd.s32 $0x4C00, v6;
	v17 =	vld.idx.msk [tilespmem:v55+s2+$0x0], $0xffff  }
0x5cc: {  	v57 =	vadd.s32 $0x4C00, v5  }
0x5cd: {  	s4 =	sadd.s32 $0x12500, s20  }
0x5ce: {  	s8 =	sor.u32 s21, s4  }
0x5cf: {  	s3 =	sor.u32 s19, s4;
	[tilespmem:s8+$0x0] =	vst v12  }
0x5d0: {  	[tilespmem:s3+$0x0] =	vst v17;
	v12 =	vld.idx.msk [tilespmem:v56+s2+$0x0], $0xffff  }
0x5d1: {  	v58 =	vadd.s32 $0x5000, v6;
	v17 =	vld.idx.msk [tilespmem:v57+s2+$0x0], $0xffff  }
0x5d2: {  	v59 =	vadd.s32 $0x5000, v5  }
0x5d3: {  	s11 =	sadd.s32 $0x12580, s20  }
0x5d4: {  	s12 =	sor.u32 s21, s11  }
0x5d5: {  	s3 =	sor.u32 s19, s11;
	[tilespmem:s12+$0x0] =	vst v12  }
0x5d6: {  	[tilespmem:s3+$0x0] =	vst v17;
	v12 =	vld.idx.msk [tilespmem:v58+s2+$0x0], $0xffff  }
0x5d7: {  	v60 =	vadd.s32 $0x5400, v6;
	v17 =	vld.idx.msk [tilespmem:v59+s2+$0x0], $0xffff  }
0x5d8: {  	v61 =	vadd.s32 $0x5400, v5  }
0x5d9: {  	s23 =	sadd.s32 $0x12600, s20  }
0x5da: {  	s24 =	sor.u32 s21, s23  }
0x5db: {  	s3 =	sor.u32 s19, s23;
	[tilespmem:s24+$0x0] =	vst v12  }
0x5dc: {  	[tilespmem:s3+$0x0] =	vst v17;
	v12 =	vld.idx.msk [tilespmem:v60+s2+$0x0], $0xffff  }
0x5dd: {  	v62 =	vadd.s32 $0x5800, v6;
	v17 =	vld.idx.msk [tilespmem:v61+s2+$0x0], $0xffff  }
0x5de: {  	v63 =	vadd.s32 $0x5800, v5  }
0x5df: {  	s28 =	sadd.s32 $0x12680, s20  }
0x5e0: {  	s31 =	sor.u32 s21, s28  }
0x5e1: {  	s3 =	sor.u32 s19, s28;
	[tilespmem:s31+$0x0] =	vst v12  }
0x5e2: {  	[tilespmem:s3+$0x0] =	vst v17;
	v12 =	vld.idx.msk [tilespmem:v62+s2+$0x0], $0xffff  }
0x5e3: {  	v21 =	vadd.s32 $0x5C00, v6;
	v17 =	vld.idx.msk [tilespmem:v63+s2+$0x0], $0xffff  }
0x5e4: {  	v22 =	vadd.s32 $0x5C00, v5  }
0x5e5: {  	s8 =	sadd.s32 $0x12700, s20  }
0x5e6: {  	s11 =	sor.u32 s21, s8  }
0x5e7: {  	s3 =	sor.u32 s19, s8;
	[tilespmem:s11+$0x0] =	vst v12  }
0x5e8: {  	[tilespmem:s3+$0x0] =	vst v17;
	v12 =	vld.idx.msk [tilespmem:v21+s2+$0x0], $0xffff  }
0x5e9: {  	v23 =	vadd.s32 $0x6000, v6;
	v17 =	vld.idx.msk [tilespmem:v22+s2+$0x0], $0xffff  }
0x5ea: {  	v24 =	vadd.s32 $0x6000, v5  }
0x5eb: {  	s12 =	sadd.s32 $0x12780, s20  }
0x5ec: {  	s23 =	sor.u32 s21, s12  }
0x5ed: {  	s3 =	sor.u32 s19, s12;
	[tilespmem:s23+$0x0] =	vst v12  }
0x5ee: {  	[tilespmem:s3+$0x0] =	vst v17;
	v12 =	vld.idx.msk [tilespmem:v23+s2+$0x0], $0xffff  }
0x5ef: {  	v25 =	vadd.s32 $0x6400, v6;
	v17 =	vld.idx.msk [tilespmem:v24+s2+$0x0], $0xffff  }
0x5f0: {  	v26 =	vadd.s32 $0x6400, v5  }
0x5f1: {  	s24 =	sadd.s32 $0x13400, s20  }
0x5f2: {  	s28 =	sor.u32 s21, s24  }
0x5f3: {  	s3 =	sor.u32 s19, s24;
	[tilespmem:s28+$0x0] =	vst v12  }
0x5f4: {  	[tilespmem:s3+$0x0] =	vst v17;
	v12 =	vld.idx.msk [tilespmem:v25+s2+$0x0], $0xffff  }
0x5f5: {  	v27 =	vadd.s32 $0x6800, v6;
	v17 =	vld.idx.msk [tilespmem:v26+s2+$0x0], $0xffff  }
0x5f6: {  	v28 =	vadd.s32 $0x6800, v5  }
0x5f7: {  	s31 =	sadd.s32 $0x13480, s20  }
0x5f8: {  	s8 =	sor.u32 s21, s31  }
0x5f9: {  	s3 =	sor.u32 s19, s31;
	[tilespmem:s8+$0x0] =	vst v12  }
0x5fa: {  	[tilespmem:s3+$0x0] =	vst v17;
	v12 =	vld.idx.msk [tilespmem:v27+s2+$0x0], $0xffff  }
0x5fb: {  	v29 =	vadd.s32 $0x6C00, v6;
	v17 =	vld.idx.msk [tilespmem:v28+s2+$0x0], $0xffff  }
0x5fc: {  	v30 =	vadd.s32 $0x6C00, v5  }
0x5fd: {  	[tilespmem:s5+$0x0] =	vst v13;
	s11 =	sadd.s32 $0x13500, s20  }
0x5fe: {  	[tilespmem:s6+$0x0] =	vst v14;
	v13 =	vld.idx.msk [tilespmem:v15+s2+$0x0], $0xffff;
	s12 =	sor.u32 s21, s11  }
0x5ff: {  	v31 =	vadd.s32 $0x7000, v4;
	v14 =	vld.idx.msk [tilespmem:v16+s2+$0x0], $0xffff;
	s3 =	sor.u32 s19, s11;
	[tilespmem:s12+$0x0] =	vst v12  }
0x600: {  	v32 =	vadd.s32 $0x7000, v3;
	[tilespmem:s3+$0x0] =	vst v17;
	v33 =	vld.idx.msk [tilespmem:v29+s2+$0x0], $0xffff  }
0x601: {  	v34 =	vadd.s32 $0x7000, v6;
	s23 =	sadd.s32 $0x13580, s16;
	v17 =	vld.idx.msk [tilespmem:v30+s2+$0x0], $0xffff  }
0x602: {  	v35 =	vadd.s32 $0x7000, v5;
	s24 =	sor.u32 s17, s23  }
0x603: {  	[tilespmem:s24+$0x0] =	vst v13;
	s28 =	sadd.s32 $0x13580, s20;
	s3 =	sor.u32 s18, s23  }
0x604: {  	v13 =	vld.idx.msk [tilespmem:v31+s2+$0x0], $0xffff;
	s31 =	sor.u32 s21, s28;
	[tilespmem:s3+$0x0] =	vst v14  }
0x605: {  	v36 =	vadd.s32 $0x7400, v4;
	s4 =	sor.u32 s19, s28;
	v12 =	vld.idx.msk [tilespmem:v32+s2+$0x0], $0xffff;
	[tilespmem:s31+$0x0] =	vst v33  }
0x606: {  	v37 =	vadd.s32 $0x7400, v3;
	[tilespmem:s4+$0x0] =	vst v17;
	v16 =	vld.idx.msk [tilespmem:v34+s2+$0x0], $0xffff  }
0x607: {  	v38 =	vadd.s32 $0x7400, v6;
	s4 =	sadd.s32 $0x13600, s16;
	v17 =	vld.idx.msk [tilespmem:v35+s2+$0x0], $0xffff  }
0x608: {  	v39 =	vadd.s32 $0x7400, v5;
	s5 =	sor.u32 s17, s4  }
0x609: {  	s6 =	sadd.s32 $0x13600, s20;
	s3 =	sor.u32 s18, s4;
	[tilespmem:s5+$0x0] =	vst v13  }
0x60a: {  	s8 =	sor.u32 s21, s6;
	[tilespmem:s3+$0x0] =	vst v12;
	v13 =	vld.idx.msk [tilespmem:v36+s2+$0x0], $0xffff  }
0x60b: {  	v40 =	vadd.s32 $0x7800, v4;
	s4 =	sor.u32 s19, s6;
	v12 =	vld.idx.msk [tilespmem:v37+s2+$0x0], $0xffff;
	[tilespmem:s8+$0x0] =	vst v16  }
0x60c: {  	v41 =	vadd.s32 $0x7800, v3;
	[tilespmem:s4+$0x0] =	vst v17;
	v16 =	vld.idx.msk [tilespmem:v38+s2+$0x0], $0xffff  }
0x60d: {  	v42 =	vadd.s32 $0x7800, v6;
	s11 =	sadd.s32 $0x13680, s16;
	v17 =	vld.idx.msk [tilespmem:v39+s2+$0x0], $0xffff  }
0x60e: {  	v43 =	vadd.s32 $0x7800, v5;
	s12 =	sor.u32 s17, s11  }
0x60f: {  	s23 =	sadd.s32 $0x13680, s20;
	s3 =	sor.u32 s18, s11;
	[tilespmem:s12+$0x0] =	vst v13  }
0x610: {  	s24 =	sor.u32 s21, s23;
	[tilespmem:s3+$0x0] =	vst v12;
	v13 =	vld.idx.msk [tilespmem:v40+s2+$0x0], $0xffff  }
0x611: {  	v44 =	vadd.s32 $0x7C00, v4;
	s4 =	sor.u32 s19, s23;
	v12 =	vld.idx.msk [tilespmem:v41+s2+$0x0], $0xffff;
	[tilespmem:s24+$0x0] =	vst v16  }
0x612: {  	v45 =	vadd.s32 $0x7C00, v3;
	[tilespmem:s4+$0x0] =	vst v17;
	v16 =	vld.idx.msk [tilespmem:v42+s2+$0x0], $0xffff  }
0x613: {  	v46 =	vadd.s32 $0x7C00, v6;
	s28 =	sadd.s32 $0x13700, s16;
	v17 =	vld.idx.msk [tilespmem:v43+s2+$0x0], $0xffff  }
0x614: {  	v47 =	vadd.s32 $0x7C00, v5;
	s31 =	sor.u32 s17, s28  }
0x615: {  	s5 =	sadd.s32 $0x13700, s20;
	s3 =	sor.u32 s18, s28;
	[tilespmem:s31+$0x0] =	vst v13  }
0x616: {  	s6 =	sor.u32 s21, s5;
	[tilespmem:s3+$0x0] =	vst v12;
	v13 =	vld.idx.msk [tilespmem:v44+s2+$0x0], $0xffff  }
0x617: {  	v48 =	vadd.s32 $0x8000, v4;
	s4 =	sor.u32 s19, s5;
	v12 =	vld.idx.msk [tilespmem:v45+s2+$0x0], $0xffff;
	[tilespmem:s6+$0x0] =	vst v16  }
0x618: {  	v49 =	vadd.s32 $0x8000, v3;
	[tilespmem:s4+$0x0] =	vst v17;
	v16 =	vld.idx.msk [tilespmem:v46+s2+$0x0], $0xffff  }
0x619: {  	v50 =	vadd.s32 $0x8000, v6;
	s8 =	sadd.s32 $0x13780, s16;
	v17 =	vld.idx.msk [tilespmem:v47+s2+$0x0], $0xffff  }
0x61a: {  	v51 =	vadd.s32 $0x8000, v5;
	s11 =	sor.u32 s17, s8  }
0x61b: {  	s12 =	sadd.s32 $0x13780, s20;
	s3 =	sor.u32 s18, s8;
	[tilespmem:s11+$0x0] =	vst v13  }
0x61c: {  	s23 =	sor.u32 s21, s12;
	[tilespmem:s3+$0x0] =	vst v12;
	v13 =	vld.idx.msk [tilespmem:v48+s2+$0x0], $0xffff  }
0x61d: {  	v52 =	vadd.s32 $0x8400, v4;
	s4 =	sor.u32 s19, s12;
	v12 =	vld.idx.msk [tilespmem:v49+s2+$0x0], $0xffff;
	[tilespmem:s23+$0x0] =	vst v16  }
0x61e: {  	v53 =	vadd.s32 $0x8400, v3;
	[tilespmem:s4+$0x0] =	vst v17;
	v16 =	vld.idx.msk [tilespmem:v50+s2+$0x0], $0xffff  }
0x61f: {  	v54 =	vadd.s32 $0x8400, v6;
	s24 =	sadd.s32 $0x14400, s16;
	v17 =	vld.idx.msk [tilespmem:v51+s2+$0x0], $0xffff  }
0x620: {  	v55 =	vadd.s32 $0x8400, v5;
	s28 =	sor.u32 s17, s24  }
0x621: {  	s31 =	sadd.s32 $0x14400, s20;
	s3 =	sor.u32 s18, s24;
	[tilespmem:s28+$0x0] =	vst v13  }
0x622: {  	s5 =	sor.u32 s21, s31;
	[tilespmem:s3+$0x0] =	vst v12;
	v13 =	vld.idx.msk [tilespmem:v52+s2+$0x0], $0xffff  }
0x623: {  	v56 =	vadd.s32 $0x8800, v4;
	s4 =	sor.u32 s19, s31;
	v12 =	vld.idx.msk [tilespmem:v53+s2+$0x0], $0xffff;
	[tilespmem:s5+$0x0] =	vst v16  }
0x624: {  	v57 =	vadd.s32 $0x8800, v3;
	[tilespmem:s4+$0x0] =	vst v17;
	v16 =	vld.idx.msk [tilespmem:v54+s2+$0x0], $0xffff  }
0x625: {  	v58 =	vadd.s32 $0x8800, v6;
	s6 =	sadd.s32 $0x14480, s16;
	v17 =	vld.idx.msk [tilespmem:v55+s2+$0x0], $0xffff  }
0x626: {  	v59 =	vadd.s32 $0x8800, v5;
	s8 =	sor.u32 s17, s6  }
0x627: {  	s11 =	sadd.s32 $0x14480, s20;
	s3 =	sor.u32 s18, s6;
	[tilespmem:s8+$0x0] =	vst v13  }
0x628: {  	s12 =	sor.u32 s21, s11;
	[tilespmem:s3+$0x0] =	vst v12;
	v13 =	vld.idx.msk [tilespmem:v56+s2+$0x0], $0xffff  }
0x629: {  	v60 =	vadd.s32 $0x8C00, v4;
	s4 =	sor.u32 s19, s11;
	v12 =	vld.idx.msk [tilespmem:v57+s2+$0x0], $0xffff;
	[tilespmem:s12+$0x0] =	vst v16  }
0x62a: {  	v61 =	vadd.s32 $0x8C00, v3;
	[tilespmem:s4+$0x0] =	vst v17;
	v16 =	vld.idx.msk [tilespmem:v58+s2+$0x0], $0xffff  }
0x62b: {  	v62 =	vadd.s32 $0x8C00, v6;
	s23 =	sadd.s32 $0x14500, s16;
	v17 =	vld.idx.msk [tilespmem:v59+s2+$0x0], $0xffff  }
0x62c: {  	v63 =	vadd.s32 $0x8C00, v5;
	s24 =	sor.u32 s17, s23  }
0x62d: {  	s28 =	sadd.s32 $0x14500, s20;
	s3 =	sor.u32 s18, s23;
	[tilespmem:s24+$0x0] =	vst v13  }
0x62e: {  	s31 =	sor.u32 s21, s28;
	[tilespmem:s3+$0x0] =	vst v12;
	v13 =	vld.idx.msk [tilespmem:v60+s2+$0x0], $0xffff  }
0x62f: {  	v21 =	vadd.s32 $0x9000, v4;
	s4 =	sor.u32 s19, s28;
	v12 =	vld.idx.msk [tilespmem:v61+s2+$0x0], $0xffff;
	[tilespmem:s31+$0x0] =	vst v16  }
0x630: {  	v22 =	vadd.s32 $0x9000, v3;
	[tilespmem:s4+$0x0] =	vst v17;
	v16 =	vld.idx.msk [tilespmem:v62+s2+$0x0], $0xffff  }
0x631: {  	v23 =	vadd.s32 $0x9000, v6;
	s5 =	sadd.s32 $0x14580, s16;
	v17 =	vld.idx.msk [tilespmem:v63+s2+$0x0], $0xffff  }
0x632: {  	v24 =	vadd.s32 $0x9000, v5;
	s6 =	sor.u32 s17, s5  }
0x633: {  	s8 =	sadd.s32 $0x14580, s20;
	s3 =	sor.u32 s18, s5;
	[tilespmem:s6+$0x0] =	vst v13  }
0x634: {  	s11 =	sor.u32 s21, s8;
	[tilespmem:s3+$0x0] =	vst v12;
	v13 =	vld.idx.msk [tilespmem:v21+s2+$0x0], $0xffff  }
0x635: {  	v25 =	vadd.s32 $0x9400, v4;
	s4 =	sor.u32 s19, s8;
	v12 =	vld.idx.msk [tilespmem:v22+s2+$0x0], $0xffff;
	[tilespmem:s11+$0x0] =	vst v16  }
0x636: {  	v26 =	vadd.s32 $0x9400, v3;
	[tilespmem:s4+$0x0] =	vst v17;
	v16 =	vld.idx.msk [tilespmem:v23+s2+$0x0], $0xffff  }
0x637: {  	v27 =	vadd.s32 $0x9400, v6;
	s12 =	sadd.s32 $0x14600, s16;
	v17 =	vld.idx.msk [tilespmem:v24+s2+$0x0], $0xffff  }
0x638: {  	v28 =	vadd.s32 $0x9400, v5;
	s23 =	sor.u32 s17, s12  }
0x639: {  	s24 =	sadd.s32 $0x14600, s20;
	s3 =	sor.u32 s18, s12;
	[tilespmem:s23+$0x0] =	vst v13  }
0x63a: {  	s28 =	sor.u32 s21, s24;
	[tilespmem:s3+$0x0] =	vst v12;
	v13 =	vld.idx.msk [tilespmem:v25+s2+$0x0], $0xffff  }
0x63b: {  	v29 =	vadd.s32 $0x9800, v4;
	s4 =	sor.u32 s19, s24;
	v30 =	vld.idx.msk [tilespmem:v26+s2+$0x0], $0xffff;
	[tilespmem:s28+$0x0] =	vst v16  }
0x63c: {  	v31 =	vadd.s32 $0x9800, v3;
	[tilespmem:s4+$0x0] =	vst v17;
	v16 =	vld.idx.msk [tilespmem:v27+s2+$0x0], $0xffff  }
0x63d: {  	v32 =	vadd.s32 $0x9800, v6;
	s31 =	sadd.s32 $0x14680, s16;
	v33 =	vld.idx.msk [tilespmem:v28+s2+$0x0], $0xffff  }
0x63e: {  	v34 =	vadd.s32 $0x9800, v5;
	s5 =	sor.u32 s17, s31  }
0x63f: {  	s6 =	sadd.s32 $0x14680, s20;
	s3 =	sor.u32 s18, s31;
	[tilespmem:s5+$0x0] =	vst v13  }
0x640: {  	s8 =	sor.u32 s21, s6;
	[tilespmem:s3+$0x0] =	vst v30;
	v12 =	vld.idx.msk [tilespmem:v29+s2+$0x0], $0xffff  }
0x641: {  	v35 =	vadd.s32 $0x9C00, v4;
	s11 =	sor.u32 s19, s6;
	v14 =	vld.idx.msk [tilespmem:v31+s2+$0x0], $0xffff;
	[tilespmem:s8+$0x0] =	vst v16  }
0x642: {  	v36 =	vadd.s32 $0x9C00, v3;
	[tilespmem:s11+$0x0] =	vst v33;
	v16 =	vld.idx.msk [tilespmem:v32+s2+$0x0], $0xffff  }
0x643: {  	v37 =	vadd.s32 $0x9C00, v6;
	s12 =	sadd.s32 $0x14700, s16;
	v18 =	vld.idx.msk [tilespmem:v34+s2+$0x0], $0xffff  }
0x644: {  	v38 =	vadd.s32 $0x9C00, v5;
	s23 =	sor.u32 s17, s12  }
0x645: {  	s24 =	sadd.s32 $0x14700, s20;
	s3 =	sor.u32 s18, s12;
	[tilespmem:s23+$0x0] =	vst v12  }
0x646: {  	s28 =	sor.u32 s21, s24;
	[tilespmem:s3+$0x0] =	vst v14;
	v12 =	vld.idx.msk [tilespmem:v35+s2+$0x0], $0xffff  }
0x647: {  	v39 =	vadd.s32 $0xA000, v4;
	s4 =	sor.u32 s19, s24;
	v14 =	vld.idx.msk [tilespmem:v36+s2+$0x0], $0xffff;
	[tilespmem:s28+$0x0] =	vst v16  }
0x648: {  	v40 =	vadd.s32 $0xA000, v3;
	[tilespmem:s4+$0x0] =	vst v18;
	v16 =	vld.idx.msk [tilespmem:v37+s2+$0x0], $0xffff  }
0x649: {  	v41 =	vadd.s32 $0xA000, v6;
	s31 =	sadd.s32 $0x14780, s16;
	v18 =	vld.idx.msk [tilespmem:v38+s2+$0x0], $0xffff  }
0x64a: {  	v42 =	vadd.s32 $0xA000, v5;
	s5 =	sor.u32 s17, s31  }
0x64b: {  	s6 =	sadd.s32 $0x14780, s20;
	s3 =	sor.u32 s18, s31;
	[tilespmem:s5+$0x0] =	vst v12  }
0x64c: {  	s8 =	sor.u32 s21, s6;
	[tilespmem:s3+$0x0] =	vst v14;
	v12 =	vld.idx.msk [tilespmem:v39+s2+$0x0], $0xffff  }
0x64d: {  	v43 =	vadd.s32 $0xA400, v4;
	s4 =	sor.u32 s19, s6;
	v14 =	vld.idx.msk [tilespmem:v40+s2+$0x0], $0xffff;
	[tilespmem:s8+$0x0] =	vst v16  }
0x64e: {  	v44 =	vadd.s32 $0xA400, v3;
	[tilespmem:s4+$0x0] =	vst v18;
	v16 =	vld.idx.msk [tilespmem:v41+s2+$0x0], $0xffff  }
0x64f: {  	[tilespmem:s10+$0x0] =	vst v8;
	v45 =	vadd.s32 $0xA400, v6;
	s23 =	sadd.s32 $0x15400, s16;
	v46 =	vld.idx.msk [tilespmem:v42+s2+$0x0], $0xffff  }
0x650: {  	[tilespmem:s7+$0x0] =	vst v9;
	v47 =	vadd.s32 $0xA400, v5;
	s24 =	sor.u32 s17, s23  }
0x651: {  	v11 =	vld.idx.msk [tilespmem:v11+s2+$0x0], $0xffff;
	s28 =	sadd.s32 $0x15400, s20;
	s5 =	sor.u32 s18, s23;
	[tilespmem:s24+$0x0] =	vst v12  }
0x652: {  	v48 =	vadd.s32 $0xE000, v2;
	s31 =	sor.u32 s21, s28;
	[tilespmem:s5+$0x0] =	vst v14;
	v13 =	vld.idx.msk [tilespmem:v43+s2+$0x0], $0xffff  }
0x653: {  	v49 =	vadd.s32 $0xA800, v4;
	s11 =	sadd.s32 $0x15680, s14;
	s4 =	sor.u32 s19, s28;
	v15 =	vld.idx.msk [tilespmem:v44+s2+$0x0], $0xffff;
	[tilespmem:s31+$0x0] =	vst v16  }
0x654: {  	v50 =	vadd.s32 $0xA800, v3;
	s12 =	sor.u32 s13, s11;
	[tilespmem:s4+$0x0] =	vst v46;
	v9 =	vld.idx.msk [tilespmem:v45+s2+$0x0], $0xffff  }
0x655: {  	v51 =	vadd.s32 $0xA800, v6;
	[tilespmem:s12+$0x0] =	vst v7;
	s6 =	sadd.s32 $0x15480, s16;
	s3 =	sor.u32 s15, s11;
	v7 =	vld.idx.msk [tilespmem:v47+s2+$0x0], $0xffff  }
0x656: {  	v52 =	vadd.s32 $0xA800, v5;
	v10 =	vld.idx.msk [tilespmem:v10+s2+$0x0], $0xffff;
	s7 =	sor.u32 s17, s6;
	[tilespmem:s3+$0x0] =	vst v11  }
0x657: {  	v53 =	vadd.s32 $0xB800, v0;
	s8 =	sadd.s32 $0x15480, s20;
	v12 =	vld.idx.msk [tilespmem:v48+s2+$0x0], $0xffff;
	s4 =	sor.u32 s18, s6;
	[tilespmem:s7+$0x0] =	vst v13  }
0x658: {  	v54 =	vadd.s32 $0xBC00, v1;
	s10 =	sor.u32 s21, s8;
	[tilespmem:s4+$0x0] =	vst v15;
	v14 =	vld.idx.msk [tilespmem:v49+s2+$0x0], $0xffff  }
0x659: {  	v55 =	vadd.s32 $0xAC00, v4;
	s11 =	sadd.s32 $0x15700, s14;
	s3 =	sor.u32 s19, s8;
	v15 =	vld.idx.msk [tilespmem:v50+s2+$0x0], $0xffff;
	[tilespmem:s10+$0x0] =	vst v9  }
0x65a: {  	v56 =	vadd.s32 $0xAC00, v3;
	s12 =	sor.u32 s13, s11;
	[tilespmem:s3+$0x0] =	vst v7;
	v8 =	vld.idx.msk [tilespmem:v51+s2+$0x0], $0xffff  }
0x65b: {  	v57 =	vadd.s32 $0xAC00, v6;
	s23 =	sadd.s32 $0x15500, s16;
	[tilespmem:s12+$0x0] =	vst v10;
	v11 =	vld.idx.msk [tilespmem:v52+s2+$0x0], $0xffff  }
0x65c: {  	v59 =	vadd.s32 $0xAC00, v5;
	v58 =	vld.idx.msk [tilespmem:v53+s2+$0x0], $0xffff;
	s24 =	sor.u32 s17, s23;
	[tilespmem:s9+$0x0] =	vst v12  }
0x65d: {  	v60 =	vadd.s32 $0xE400, v2;
	s28 =	sadd.s32 $0x15500, s20;
	v13 =	vld.idx.msk [tilespmem:v54+s2+$0x0], $0xffff;
	s3 =	sor.u32 s18, s23;
	[tilespmem:s24+$0x0] =	vst v14  }
0x65e: {  	v61 =	vadd.s32 $0xBC00, v0;
	s31 =	sor.u32 s21, s28;
	[tilespmem:s3+$0x0] =	vst v15;
	v9 =	vld.idx.msk [tilespmem:v55+s2+$0x0], $0xffff  }
0x65f: {  	v62 =	vadd.s32 $0xB000, v4;
	s5 =	sor.u32 s19, s28;
	v7 =	vld.idx.msk [tilespmem:v56+s2+$0x0], $0xffff;
	[tilespmem:s31+$0x0] =	vst v8  }
0x660: {  	v63 =	vadd.s32 $0xB000, v3;
	s6 =	sadd.s32 $0x15780, s14;
	s4 =	sor.u32 s15, s11;
	[tilespmem:s5+$0x0] =	vst v11;
	v10 =	vld.idx.msk [tilespmem:v57+s2+$0x0], $0xffff  }
0x661: {  	v20 =	vadd.s32 $0xB000, v6;
	s8 =	sadd.s32 $0x15580, s16;
	s7 =	sor.u32 s13, s6;
	[tilespmem:s4+$0x0] =	vst v58;
	v12 =	vld.idx.msk [tilespmem:v59+s2+$0x0], $0xffff  }
0x662: {  	v22 =	vadd.s32 $0xB000, v5;
	s9 =	sor.u32 s17, s8;
	v21 =	vld.idx.msk [tilespmem:v60+s2+$0x0], $0xffff;
	[tilespmem:s7+$0x0] =	vst v13  }
0x663: {  	v23 =	vadd.s32 $0xC000, v1;
	s10 =	sadd.s32 $0x15580, s20;
	v14 =	vld.idx.msk [tilespmem:v61+s2+$0x0], $0xffff;
	s3 =	sor.u32 s18, s8;
	[tilespmem:s9+$0x0] =	vst v9  }
0x664: {  	v24 =	vadd.s32 $0xE800, v2;
	s11 =	sor.u32 s21, s10;
	[tilespmem:s3+$0x0] =	vst v7;
	v15 =	vld.idx.msk [tilespmem:v62+s2+$0x0], $0xffff  }
0x665: {  	v25 =	vadd.s32 $0xB400, v4;
	s12 =	sor.u32 s19, s10;
	v8 =	vld.idx.msk [tilespmem:v63+s2+$0x0], $0xffff;
	[tilespmem:s11+$0x0] =	vst v10  }
0x666: {  	v26 =	vadd.s32 $0xB400, v3;
	[tilespmem:s12+$0x0] =	vst v12;
	v11 =	vld.idx.msk [tilespmem:v20+s2+$0x0], $0xffff  }
0x667: {  	v27 =	vadd.s32 $0xB400, v6;
	s23 =	sor.u32 s15, s6;
	[tilespmem:s1+$0x0] =	vst v21;
	s24 =	sadd.s32 $0x15600, s16;
	v13 =	vld.idx.msk [tilespmem:v22+s2+$0x0], $0xffff  }
0x668: {  	v29 =	vadd.s32 $0xB400, v5;
	v28 =	vld.idx.msk [tilespmem:v23+s2+$0x0], $0xffff;
	s28 =	sor.u32 s17, s24;
	[tilespmem:s23+$0x0] =	vst v14  }
0x669: {  	v30 =	vadd.s32 $0xC000, v0;
	s1 =	sor.u32 s18, s24;
	s31 =	sadd.s32 $0x15600, s20;
	v9 =	vld.idx.msk [tilespmem:v24+s2+$0x0], $0xffff;
	[tilespmem:s28+$0x0] =	vst v15  }
0x66a: {  	v31 =	vadd.s32 $0xC400, v1;
	s4 =	sor.u32 s21, s31;
	[tilespmem:s1+$0x0] =	vst v8;
	v7 =	vld.idx.msk [tilespmem:v25+s2+$0x0], $0xffff  }
0x66b: {  	v32 =	vadd.s32 $0xB800, v4;
	s5 =	sadd.s32 $0x16400, s14;
	s3 =	sor.u32 s19, s31;
	v10 =	vld.idx.msk [tilespmem:v26+s2+$0x0], $0xffff;
	[tilespmem:s4+$0x0] =	vst v11  }
0x66c: {  	v33 =	vadd.s32 $0xB800, v3;
	s6 =	sor.u32 s13, s5;
	[tilespmem:s3+$0x0] =	vst v13;
	v12 =	vld.idx.msk [tilespmem:v27+s2+$0x0], $0xffff  }
0x66d: {  	v34 =	vadd.s32 $0xB800, v6;
	s7 =	sadd.s32 $0x15680, s16;
	[tilespmem:s6+$0x0] =	vst v28;
	v14 =	vld.idx.msk [tilespmem:v29+s2+$0x0], $0xffff  }
0x66e: {  	v36 =	vadd.s32 $0xB800, v5;
	s8 =	sor.u32 s17, s7;
	v35 =	vld.idx.msk [tilespmem:v30+s2+$0x0], $0xffff;
	[tilespmem:s0+$0x0] =	vst v9  }
0x66f: {  	v37 =	vadd.s32 $0xEC00, v2;
	s9 =	sadd.s32 $0x15680, s20;
	v15 =	vld.idx.msk [tilespmem:v31+s2+$0x0], $0xffff;
	s3 =	sor.u32 s18, s7;
	[tilespmem:s8+$0x0] =	vst v7  }
0x670: {  	v38 =	vadd.s32 $0xC400, v0;
	s10 =	sor.u32 s21, s9;
	[tilespmem:s3+$0x0] =	vst v10;
	v8 =	vld.idx.msk [tilespmem:v32+s2+$0x0], $0xffff  }
0x671: {  	v39 =	vadd.s32 $0xBC00, v4;
	s0 =	sor.u32 s19, s9;
	v11 =	vld.idx.msk [tilespmem:v33+s2+$0x0], $0xffff;
	[tilespmem:s10+$0x0] =	vst v12  }
0x672: {  	v40 =	vadd.s32 $0xBC00, v3;
	s11 =	sadd.s32 $0x16480, s14;
	s1 =	sor.u32 s15, s5;
	[tilespmem:s0+$0x0] =	vst v14;
	v13 =	vld.idx.msk [tilespmem:v34+s2+$0x0], $0xffff  }
0x673: {  	v41 =	vadd.s32 $0xBC00, v6;
	s23 =	sadd.s32 $0x15700, s16;
	s12 =	sor.u32 s13, s11;
	[tilespmem:s1+$0x0] =	vst v35;
	v9 =	vld.idx.msk [tilespmem:v36+s2+$0x0], $0xffff  }
0x674: {  	v43 =	vadd.s32 $0xBC00, v5;
	s24 =	sor.u32 s17, s23;
	v42 =	vld.idx.msk [tilespmem:v37+s2+$0x0], $0xffff;
	[tilespmem:s12+$0x0] =	vst v15  }
0x675: {  	v44 =	vadd.s32 $0xC800, v1;
	s28 =	sadd.s32 $0x15700, s20;
	s1 =	sor.u32 s18, s23;
	v7 =	vld.idx.msk [tilespmem:v38+s2+$0x0], $0xffff;
	[tilespmem:s24+$0x0] =	vst v8  }
0x676: {  	v45 =	vadd.s32 $0xF000, v2;
	s31 =	sor.u32 s21, s28;
	[tilespmem:s1+$0x0] =	vst v11;
	v10 =	vld.idx.msk [tilespmem:v39+s2+$0x0], $0xffff  }
0x677: {  	v46 =	vadd.s32 $0xC000, v4;
	s0 =	sor.u32 s19, s28;
	v12 =	vld.idx.msk [tilespmem:v40+s2+$0x0], $0xffff;
	[tilespmem:s31+$0x0] =	vst v13  }
0x678: {  	v47 =	vadd.s32 $0xC000, v3;
	[tilespmem:s0+$0x0] =	vst v9;
	v13 =	vld.idx.msk [tilespmem:v41+s2+$0x0], $0xffff  }
0x679: {  	v48 =	vadd.s32 $0xC000, v6;
	s4 =	sadd.s32 $0x15780, s16;
	[tilespmem:s30+$0x0] =	vst v42;
	s3 =	sor.u32 s15, s11;
	v15 =	vld.idx.msk [tilespmem:v43+s2+$0x0], $0xffff  }
0x67a: {  	v50 =	vadd.s32 $0xC000, v5;
	s5 =	sor.u32 s17, s4;
	v49 =	vld.idx.msk [tilespmem:v44+s2+$0x0], $0xffff;
	[tilespmem:s3+$0x0] =	vst v7  }
0x67b: {  	v51 =	vadd.s32 $0xC800, v0;
	s6 =	sadd.s32 $0x15780, s20;
	v8 =	vld.idx.msk [tilespmem:v45+s2+$0x0], $0xffff;
	s1 =	sor.u32 s18, s4;
	[tilespmem:s5+$0x0] =	vst v10  }
0x67c: {  	v52 =	vadd.s32 $0xCC00, v1;
	s7 =	sor.u32 s21, s6;
	[tilespmem:s1+$0x0] =	vst v12;
	v11 =	vld.idx.msk [tilespmem:v46+s2+$0x0], $0xffff  }
0x67d: {  	v53 =	vadd.s32 $0xC400, v4;
	s8 =	sadd.s32 $0x16500, s14;
	s0 =	sor.u32 s19, s6;
	v9 =	vld.idx.msk [tilespmem:v47+s2+$0x0], $0xffff;
	[tilespmem:s7+$0x0] =	vst v13  }
0x67e: {  	v54 =	vadd.s32 $0xC400, v3;
	s9 =	sor.u32 s13, s8;
	[tilespmem:s0+$0x0] =	vst v15;
	v14 =	vld.idx.msk [tilespmem:v48+s2+$0x0], $0xffff  }
0x67f: {  	v55 =	vadd.s32 $0xC400, v6;
	s10 =	sadd.s32 $0x16400, s16;
	[tilespmem:s9+$0x0] =	vst v49;
	v7 =	vld.idx.msk [tilespmem:v50+s2+$0x0], $0xffff  }
0x680: {  	v57 =	vadd.s32 $0xC400, v5;
	s11 =	sor.u32 s17, s10;
	v56 =	vld.idx.msk [tilespmem:v51+s2+$0x0], $0xffff;
	[tilespmem:s29+$0x0] =	vst v8  }
0x681: {  	v58 =	vadd.s32 $0xF400, v2;
	s12 =	sadd.s32 $0x16400, s20;
	v10 =	vld.idx.msk [tilespmem:v52+s2+$0x0], $0xffff;
	s0 =	sor.u32 s18, s10;
	[tilespmem:s11+$0x0] =	vst v11  }
0x682: {  	v59 =	vadd.s32 $0xCC00, v0;
	s23 =	sor.u32 s21, s12;
	[tilespmem:s0+$0x0] =	vst v9;
	v12 =	vld.idx.msk [tilespmem:v53+s2+$0x0], $0xffff  }
0x683: {  	v60 =	vadd.s32 $0xC800, v4;
	s3 =	sor.u32 s19, s12;
	v13 =	vld.idx.msk [tilespmem:v54+s2+$0x0], $0xffff;
	[tilespmem:s23+$0x0] =	vst v14  }
0x684: {  	v61 =	vadd.s32 $0xC800, v3;
	s28 =	sadd.s32 $0x16580, s14;
	s24 =	sor.u32 s15, s8;
	[tilespmem:s3+$0x0] =	vst v7;
	v15 =	vld.idx.msk [tilespmem:v55+s2+$0x0], $0xffff  }
0x685: {  	v62 =	vadd.s32 $0xC800, v6;
	s30 =	sadd.s32 $0x16480, s16;
	s29 =	sor.u32 s13, s28;
	[tilespmem:s24+$0x0] =	vst v56;
	v8 =	vld.idx.msk [tilespmem:v57+s2+$0x0], $0xffff  }
0x686: {  	v20 =	vadd.s32 $0xC800, v5;
	s31 =	sor.u32 s17, s30;
	v63 =	vld.idx.msk [tilespmem:v58+s2+$0x0], $0xffff;
	[tilespmem:s29+$0x0] =	vst v10  }
0x687: {  	v21 =	vadd.s32 $0xD000, v1;
	s4 =	sadd.s32 $0x16480, s20;
	v11 =	vld.idx.msk [tilespmem:v59+s2+$0x0], $0xffff;
	s0 =	sor.u32 s18, s30;
	[tilespmem:s31+$0x0] =	vst v12  }
0x688: {  	v22 =	vadd.s32 $0xF800, v2;
	s5 =	sor.u32 s21, s4;
	[tilespmem:s0+$0x0] =	vst v13;
	v9 =	vld.idx.msk [tilespmem:v60+s2+$0x0], $0xffff  }
0x689: {  	v23 =	vadd.s32 $0xCC00, v4;
	s6 =	sor.u32 s19, s4;
	v14 =	vld.idx.msk [tilespmem:v61+s2+$0x0], $0xffff;
	[tilespmem:s5+$0x0] =	vst v15  }
0x68a: {  	v24 =	vadd.s32 $0xCC00, v3;
	[tilespmem:s6+$0x0] =	vst v8;
	v7 =	vld.idx.msk [tilespmem:v62+s2+$0x0], $0xffff  }
0x68b: {  	v25 =	vadd.s32 $0xCC00, v6;
	s8 =	sadd.s32 $0x16500, s16;
	s7 =	sor.u32 s15, s28;
	[tilespmem:s26+$0x0] =	vst v63;
	v10 =	vld.idx.msk [tilespmem:v20+s2+$0x0], $0xffff  }
0x68c: {  	v27 =	vadd.s32 $0xCC00, v5;
	s9 =	sor.u32 s17, s8;
	v26 =	vld.idx.msk [tilespmem:v21+s2+$0x0], $0xffff;
	[tilespmem:s7+$0x0] =	vst v11  }
0x68d: {  	v28 =	vadd.s32 $0xD000, v0;
	s1 =	sor.u32 s18, s8;
	s10 =	sadd.s32 $0x16500, s20;
	v12 =	vld.idx.msk [tilespmem:v22+s2+$0x0], $0xffff;
	[tilespmem:s9+$0x0] =	vst v9  }
0x68e: {  	v29 =	vadd.s32 $0xD400, v1;
	s11 =	sor.u32 s21, s10;
	[tilespmem:s1+$0x0] =	vst v14;
	v13 =	vld.idx.msk [tilespmem:v23+s2+$0x0], $0xffff  }
0x68f: {  	v30 =	vadd.s32 $0xD000, v4;
	s12 =	sadd.s32 $0x16600, s14;
	s0 =	sor.u32 s19, s10;
	v8 =	vld.idx.msk [tilespmem:v24+s2+$0x0], $0xffff;
	[tilespmem:s11+$0x0] =	vst v7  }
0x690: {  	v31 =	vadd.s32 $0xD000, v3;
	s23 =	sor.u32 s13, s12;
	[tilespmem:s0+$0x0] =	vst v10;
	v32 =	vld.idx.msk [tilespmem:v25+s2+$0x0], $0xffff  }
0x691: {  	v33 =	vadd.s32 $0xD000, v6;
	s24 =	sadd.s32 $0x16580, s16;
	[tilespmem:s23+$0x0] =	vst v26;
	v11 =	vld.idx.msk [tilespmem:v27+s2+$0x0], $0xffff  }
0x692: {  	v35 =	vadd.s32 $0xD000, v5;
	s26 =	sor.u32 s17, s24;
	v34 =	vld.idx.msk [tilespmem:v28+s2+$0x0], $0xffff;
	[tilespmem:s25+$0x0] =	vst v12  }
0x693: {  	v36 =	vadd.s32 $0xFC00, v2;
	s28 =	sadd.s32 $0x16580, s20;
	v9 =	vld.idx.msk [tilespmem:v29+s2+$0x0], $0xffff;
	s0 =	sor.u32 s18, s24;
	[tilespmem:s26+$0x0] =	vst v13  }
0x694: {  	v37 =	vadd.s32 $0xD400, v0;
	s29 =	sor.u32 s21, s28;
	[tilespmem:s0+$0x0] =	vst v8;
	v7 =	vld.idx.msk [tilespmem:v30+s2+$0x0], $0xffff  }
0x695: {  	v38 =	vadd.s32 $0xD400, v4;
	s3 =	sor.u32 s19, s28;
	v10 =	vld.idx.msk [tilespmem:v31+s2+$0x0], $0xffff;
	[tilespmem:s29+$0x0] =	vst v32  }
0x696: {  	v39 =	vadd.s32 $0xD400, v3;
	s30 =	sor.u32 s15, s12;
	s31 =	sadd.s32 $0x16680, s14;
	[tilespmem:s3+$0x0] =	vst v11;
	v15 =	vld.idx.msk [tilespmem:v33+s2+$0x0], $0xffff  }
0x697: {  	v40 =	vadd.s32 $0xD400, v6;
	s4 =	sor.u32 s13, s31;
	s5 =	sadd.s32 $0x16600, s16;
	[tilespmem:s30+$0x0] =	vst v34;
	v12 =	vld.idx.msk [tilespmem:v35+s2+$0x0], $0xffff  }
0x698: {  	v41 =	vadd.s32 $0xD400, v5;
	s6 =	sor.u32 s17, s5;
	v2 =	vld.idx.msk [tilespmem:v36+s2+$0x0], $0xffff;
	[tilespmem:s4+$0x0] =	vst v9  }
0x699: {  	v42 =	vadd.s32 $0xD800, v1;
	s7 =	sadd.s32 $0x16600, s20;
	v13 =	vld.idx.msk [tilespmem:v37+s2+$0x0], $0xffff;
	s0 =	sor.u32 s18, s5;
	[tilespmem:s6+$0x0] =	vst v7  }
0x69a: {  	v43 =	vadd.s32 $0xD800, v0;
	s8 =	sor.u32 s21, s7;
	[tilespmem:s0+$0x0] =	vst v10;
	v8 =	vld.idx.msk [tilespmem:v38+s2+$0x0], $0xffff  }
0x69b: {  	v44 =	vadd.s32 $0xD800, v4;
	s9 =	sor.u32 s19, s7;
	v14 =	vld.idx.msk [tilespmem:v39+s2+$0x0], $0xffff;
	[tilespmem:s8+$0x0] =	vst v15  }
0x69c: {  	v45 =	vadd.s32 $0xD800, v3;
	[tilespmem:s9+$0x0] =	vst v12;
	v11 =	vld.idx.msk [tilespmem:v40+s2+$0x0], $0xffff  }
0x69d: {  	v46 =	vadd.s32 $0xD800, v6;
	s10 =	sor.u32 s15, s31;
	s11 =	sadd.s32 $0x16680, s16;
	[tilespmem:s22+$0x0] =	vst v2;
	v9 =	vld.idx.msk [tilespmem:v41+s2+$0x0], $0xffff  }
0x69e: {  	v48 =	vadd.s32 $0xD800, v5;
	s12 =	sor.u32 s17, s11;
	v47 =	vld.idx.msk [tilespmem:v42+s2+$0x0], $0xffff;
	[tilespmem:s10+$0x0] =	vst v13  }
0x69f: {  	v49 =	vadd.s32 $0xDC00, v1;
	s1 =	sor.u32 s18, s11;
	s22 =	sadd.s32 $0x16680, s20;
	v7 =	vld.idx.msk [tilespmem:v43+s2+$0x0], $0xffff;
	[tilespmem:s12+$0x0] =	vst v8  }
0x6a0: {  	v50 =	vadd.s32 $0xDC00, v0;
	s23 =	sor.u32 s21, s22;
	[tilespmem:s1+$0x0] =	vst v14;
	v10 =	vld.idx.msk [tilespmem:v44+s2+$0x0], $0xffff  }
0x6a1: {  	v51 =	vadd.s32 $0xDC00, v4;
	s24 =	sadd.s32 $0x16700, s14;
	s0 =	sor.u32 s19, s22;
	v12 =	vld.idx.msk [tilespmem:v45+s2+$0x0], $0xffff;
	[tilespmem:s23+$0x0] =	vst v11  }
0x6a2: {  	v52 =	vadd.s32 $0xDC00, v3;
	s25 =	sor.u32 s13, s24;
	[tilespmem:s0+$0x0] =	vst v9;
	v2 =	vld.idx.msk [tilespmem:v46+s2+$0x0], $0xffff  }
0x6a3: {  	v53 =	vadd.s32 $0xDC00, v6;
	s26 =	sadd.s32 $0x16700, s16;
	[tilespmem:s25+$0x0] =	vst v47;
	s1 =	sor.u32 s15, s24;
	v13 =	vld.idx.msk [tilespmem:v48+s2+$0x0], $0xffff  }
0x6a4: {  	v54 =	vadd.s32 $0xDC00, v5;
	s28 =	sor.u32 s17, s26;
	v15 =	vld.idx.msk [tilespmem:v49+s2+$0x0], $0xffff;
	[tilespmem:s1+$0x0] =	vst v7  }
0x6a5: {  	v55 =	vadd.s32 $0xE000, v1;
	s29 =	sadd.s32 $0x16700, s20;
	v8 =	vld.idx.msk [tilespmem:v50+s2+$0x0], $0xffff;
	s0 =	sor.u32 s18, s26;
	[tilespmem:s28+$0x0] =	vst v10  }
0x6a6: {  	v56 =	vadd.s32 $0xE000, v0;
	s30 =	sor.u32 s21, s29;
	[tilespmem:s0+$0x0] =	vst v12;
	v11 =	vld.idx.msk [tilespmem:v51+s2+$0x0], $0xffff  }
0x6a7: {  	v57 =	vadd.s32 $0xE000, v4;
	s31 =	sadd.s32 $0x16780, s14;
	s1 =	sor.u32 s19, s29;
	v9 =	vld.idx.msk [tilespmem:v52+s2+$0x0], $0xffff;
	[tilespmem:s30+$0x0] =	vst v2  }
0x6a8: {  	v58 =	vadd.s32 $0xE000, v3;
	s3 =	sor.u32 s13, s31;
	[tilespmem:s1+$0x0] =	vst v13;
	v59 =	vld.idx.msk [tilespmem:v53+s2+$0x0], $0xffff  }
0x6a9: {  	v60 =	vadd.s32 $0xE000, v6;
	s4 =	sadd.s32 $0x16780, s16;
	[tilespmem:s3+$0x0] =	vst v15;
	s0 =	sor.u32 s15, s31;
	v7 =	vld.idx.msk [tilespmem:v54+s2+$0x0], $0xffff  }
0x6aa: {  	v61 =	vadd.s32 $0xE000, v5;
	s5 =	sor.u32 s17, s4;
	v15 =	vld.idx.msk [tilespmem:v55+s2+$0x0], $0xffff;
	[tilespmem:s0+$0x0] =	vst v8  }
0x6ab: {  	v62 =	vadd.s32 $0xE400, v1;
	s6 =	sadd.s32 $0x16780, s20;
	v10 =	vld.idx.msk [tilespmem:v56+s2+$0x0], $0xffff;
	s1 =	sor.u32 s18, s4;
	[tilespmem:s5+$0x0] =	vst v11  }
0x6ac: {  	v63 =	vadd.s32 $0xE400, v0;
	s7 =	sor.u32 s21, s6;
	[tilespmem:s1+$0x0] =	vst v9;
	v2 =	vld.idx.msk [tilespmem:v57+s2+$0x0], $0xffff  }
0x6ad: {  	v20 =	vadd.s32 $0xE400, v4;
	s8 =	sadd.s32 $0x17400, s14;
	s0 =	sor.u32 s19, s6;
	v12 =	vld.idx.msk [tilespmem:v58+s2+$0x0], $0xffff;
	[tilespmem:s7+$0x0] =	vst v59  }
0x6ae: {  	v21 =	vadd.s32 $0xE400, v3;
	s9 =	sor.u32 s13, s8;
	[tilespmem:s0+$0x0] =	vst v7;
	v13 =	vld.idx.msk [tilespmem:v60+s2+$0x0], $0xffff  }
0x6af: {  	v22 =	vadd.s32 $0xE400, v6;
	s10 =	sadd.s32 $0x17400, s16;
	[tilespmem:s9+$0x0] =	vst v15;
	s1 =	sor.u32 s15, s8;
	v8 =	vld.idx.msk [tilespmem:v61+s2+$0x0], $0xffff  }
0x6b0: {  	v23 =	vadd.s32 $0xE400, v5;
	s11 =	sor.u32 s17, s10;
	v15 =	vld.idx.msk [tilespmem:v62+s2+$0x0], $0xffff;
	[tilespmem:s1+$0x0] =	vst v10  }
0x6b1: {  	v24 =	vadd.s32 $0xE800, v1;
	s12 =	sadd.s32 $0x17400, s20;
	v11 =	vld.idx.msk [tilespmem:v63+s2+$0x0], $0xffff;
	s0 =	sor.u32 s18, s10;
	[tilespmem:s11+$0x0] =	vst v2  }
0x6b2: {  	v25 =	vadd.s32 $0xE800, v0;
	s22 =	sor.u32 s21, s12;
	[tilespmem:s0+$0x0] =	vst v12;
	v9 =	vld.idx.msk [tilespmem:v20+s2+$0x0], $0xffff  }
0x6b3: {  	v26 =	vadd.s32 $0xE800, v4;
	s23 =	sadd.s32 $0x17480, s14;
	s1 =	sor.u32 s19, s12;
	v7 =	vld.idx.msk [tilespmem:v21+s2+$0x0], $0xffff;
	[tilespmem:s22+$0x0] =	vst v13  }
0x6b4: {  	v27 =	vadd.s32 $0xE800, v3;
	s24 =	sor.u32 s13, s23;
	[tilespmem:s1+$0x0] =	vst v8;
	v13 =	vld.idx.msk [tilespmem:v22+s2+$0x0], $0xffff  }
0x6b5: {  	v28 =	vadd.s32 $0xE800, v6;
	s25 =	sadd.s32 $0x17480, s16;
	[tilespmem:s24+$0x0] =	vst v15;
	s0 =	sor.u32 s15, s23;
	v10 =	vld.idx.msk [tilespmem:v23+s2+$0x0], $0xffff  }
0x6b6: {  	v29 =	vadd.s32 $0xE800, v5;
	s26 =	sor.u32 s17, s25;
	v15 =	vld.idx.msk [tilespmem:v24+s2+$0x0], $0xffff;
	[tilespmem:s0+$0x0] =	vst v11  }
0x6b7: {  	v30 =	vadd.s32 $0xEC00, v1;
	s28 =	sadd.s32 $0x17480, s20;
	v2 =	vld.idx.msk [tilespmem:v25+s2+$0x0], $0xffff;
	s1 =	sor.u32 s18, s25;
	[tilespmem:s26+$0x0] =	vst v9  }
0x6b8: {  	v31 =	vadd.s32 $0xEC00, v0;
	s29 =	sor.u32 s21, s28;
	[tilespmem:s1+$0x0] =	vst v7;
	v12 =	vld.idx.msk [tilespmem:v26+s2+$0x0], $0xffff  }
0x6b9: {  	v32 =	vadd.s32 $0xEC00, v4;
	s30 =	sadd.s32 $0x17500, s14;
	s0 =	sor.u32 s19, s28;
	v8 =	vld.idx.msk [tilespmem:v27+s2+$0x0], $0xffff;
	[tilespmem:s29+$0x0] =	vst v13  }
0x6ba: {  	v33 =	vadd.s32 $0xEC00, v3;
	s31 =	sor.u32 s13, s30;
	[tilespmem:s0+$0x0] =	vst v10;
	v13 =	vld.idx.msk [tilespmem:v28+s2+$0x0], $0xffff  }
0x6bb: {  	v34 =	vadd.s32 $0xEC00, v6;
	s3 =	sadd.s32 $0x17500, s16;
	[tilespmem:s31+$0x0] =	vst v15;
	s1 =	sor.u32 s15, s30;
	v11 =	vld.idx.msk [tilespmem:v29+s2+$0x0], $0xffff  }
0x6bc: {  	v35 =	vadd.s32 $0xEC00, v5;
	s4 =	sor.u32 s17, s3;
	v15 =	vld.idx.msk [tilespmem:v30+s2+$0x0], $0xffff;
	[tilespmem:s1+$0x0] =	vst v2  }
0x6bd: {  	v36 =	vadd.s32 $0xF000, v1;
	s5 =	sadd.s32 $0x17500, s20;
	v9 =	vld.idx.msk [tilespmem:v31+s2+$0x0], $0xffff;
	s0 =	sor.u32 s18, s3;
	[tilespmem:s4+$0x0] =	vst v12  }
0x6be: {  	v37 =	vadd.s32 $0xF000, v0;
	s6 =	sor.u32 s21, s5;
	[tilespmem:s0+$0x0] =	vst v8;
	v7 =	vld.idx.msk [tilespmem:v32+s2+$0x0], $0xffff  }
0x6bf: {  	v38 =	vadd.s32 $0xF000, v4;
	s7 =	sadd.s32 $0x17580, s14;
	s1 =	sor.u32 s19, s5;
	v10 =	vld.idx.msk [tilespmem:v33+s2+$0x0], $0xffff;
	[tilespmem:s6+$0x0] =	vst v13  }
0x6c0: {  	v39 =	vadd.s32 $0xF000, v3;
	s8 =	sor.u32 s13, s7;
	[tilespmem:s1+$0x0] =	vst v11;
	v13 =	vld.idx.msk [tilespmem:v34+s2+$0x0], $0xffff  }
0x6c1: {  	v40 =	vadd.s32 $0xF000, v6;
	s9 =	sadd.s32 $0x17580, s16;
	[tilespmem:s8+$0x0] =	vst v15;
	s0 =	sor.u32 s15, s7;
	v2 =	vld.idx.msk [tilespmem:v35+s2+$0x0], $0xffff  }
0x6c2: {  	v41 =	vadd.s32 $0xF000, v5;
	s10 =	sor.u32 s17, s9;
	v15 =	vld.idx.msk [tilespmem:v36+s2+$0x0], $0xffff;
	[tilespmem:s0+$0x0] =	vst v9  }
0x6c3: {  	v42 =	vadd.s32 $0xF400, v1;
	s11 =	sadd.s32 $0x17580, s20;
	v12 =	vld.idx.msk [tilespmem:v37+s2+$0x0], $0xffff;
	s1 =	sor.u32 s18, s9;
	[tilespmem:s10+$0x0] =	vst v7  }
0x6c4: {  	v43 =	vadd.s32 $0xF400, v0;
	s12 =	sor.u32 s21, s11;
	[tilespmem:s1+$0x0] =	vst v10;
	v8 =	vld.idx.msk [tilespmem:v38+s2+$0x0], $0xffff  }
0x6c5: {  	v44 =	vadd.s32 $0xF400, v4;
	s22 =	sadd.s32 $0x17600, s14;
	s0 =	sor.u32 s19, s11;
	v11 =	vld.idx.msk [tilespmem:v39+s2+$0x0], $0xffff;
	[tilespmem:s12+$0x0] =	vst v13  }
0x6c6: {  	v45 =	vadd.s32 $0xF400, v3;
	s23 =	sor.u32 s13, s22;
	[tilespmem:s0+$0x0] =	vst v2;
	v13 =	vld.idx.msk [tilespmem:v40+s2+$0x0], $0xffff  }
0x6c7: {  	v46 =	vadd.s32 $0xF400, v6;
	s24 =	sadd.s32 $0x17600, s16;
	[tilespmem:s23+$0x0] =	vst v15;
	s1 =	sor.u32 s15, s22;
	v9 =	vld.idx.msk [tilespmem:v41+s2+$0x0], $0xffff  }
0x6c8: {  	v47 =	vadd.s32 $0xF400, v5;
	s25 =	sor.u32 s17, s24;
	v15 =	vld.idx.msk [tilespmem:v42+s2+$0x0], $0xffff;
	[tilespmem:s1+$0x0] =	vst v12  }
0x6c9: {  	v48 =	vadd.s32 $0xF800, v1;
	s26 =	sadd.s32 $0x17600, s20;
	v7 =	vld.idx.msk [tilespmem:v43+s2+$0x0], $0xffff;
	s0 =	sor.u32 s18, s24;
	[tilespmem:s25+$0x0] =	vst v8  }
0x6ca: {  	v49 =	vadd.s32 $0xF800, v0;
	s28 =	sor.u32 s21, s26;
	[tilespmem:s0+$0x0] =	vst v11;
	v10 =	vld.idx.msk [tilespmem:v44+s2+$0x0], $0xffff  }
0x6cb: {  	v50 =	vadd.s32 $0xF800, v4;
	s29 =	sadd.s32 $0x17680, s14;
	s1 =	sor.u32 s19, s26;
	v2 =	vld.idx.msk [tilespmem:v45+s2+$0x0], $0xffff;
	[tilespmem:s28+$0x0] =	vst v13  }
0x6cc: {  	v51 =	vadd.s32 $0xF800, v3;
	s30 =	sor.u32 s13, s29;
	[tilespmem:s1+$0x0] =	vst v9;
	v13 =	vld.idx.msk [tilespmem:v46+s2+$0x0], $0xffff  }
0x6cd: {  	v52 =	vadd.s32 $0xF800, v6;
	s31 =	sadd.s32 $0x17680, s16;
	[tilespmem:s30+$0x0] =	vst v15;
	s0 =	sor.u32 s15, s29;
	v12 =	vld.idx.msk [tilespmem:v47+s2+$0x0], $0xffff  }
0x6ce: {  	v53 =	vadd.s32 $0xF800, v5;
	s3 =	sor.u32 s17, s31;
	v15 =	vld.idx.msk [tilespmem:v48+s2+$0x0], $0xffff;
	[tilespmem:s0+$0x0] =	vst v7  }
0x6cf: {  	v54 =	vadd.s32 $0xFC00, v1;
	s4 =	sadd.s32 $0x17680, s20;
	v8 =	vld.idx.msk [tilespmem:v49+s2+$0x0], $0xffff;
	s1 =	sor.u32 s18, s31;
	[tilespmem:s3+$0x0] =	vst v10  }
0x6d0: {  	v55 =	vadd.s32 $0xFC00, v0;
	s5 =	sor.u32 s21, s4;
	[tilespmem:s1+$0x0] =	vst v2;
	v10 =	vld.idx.msk [tilespmem:v50+s2+$0x0], $0xffff  }
0x6d1: {  	v56 =	vadd.s32 $0xFC00, v4;
	s6 =	sadd.s32 $0x17700, s14;
	s0 =	sor.u32 s19, s4;
	v57 =	vld.idx.msk [tilespmem:v51+s2+$0x0], $0xffff;
	[tilespmem:s5+$0x0] =	vst v13  }
0x6d2: {  	v58 =	vadd.s32 $0xFC00, v3;
	s7 =	sor.u32 s13, s6;
	[tilespmem:s0+$0x0] =	vst v12;
	v59 =	vld.idx.msk [tilespmem:v52+s2+$0x0], $0xffff  }
0x6d3: {  	v60 =	vadd.s32 $0xFC00, v6;
	s8 =	sadd.s32 $0x17700, s16;
	[tilespmem:s7+$0x0] =	vst v15;
	s1 =	sor.u32 s15, s6;
	v7 =	vld.idx.msk [tilespmem:v53+s2+$0x0], $0xffff  }
0x6d4: {  	v61 =	vadd.s32 $0xFC00, v5;
	s9 =	sor.u32 s17, s8;
	v1 =	vld.idx.msk [tilespmem:v54+s2+$0x0], $0xffff;
	[tilespmem:s1+$0x0] =	vst v8  }
0x6d5: {  	s10 =	sadd.s32 $0x17700, s20;
	v0 =	vld.idx.msk [tilespmem:v55+s2+$0x0], $0xffff;
	s0 =	sor.u32 s18, s8;
	[tilespmem:s9+$0x0] =	vst v10  }
0x6d6: {  	s11 =	sor.u32 s21, s10;
	[tilespmem:s0+$0x0] =	vst v57;
	v2 =	vld.idx.msk [tilespmem:v56+s2+$0x0], $0xffff  }
0x6d7: {  	s12 =	sadd.s32 $0x17780, s14;
	s1 =	sor.u32 s19, s10;
	v3 =	vld.idx.msk [tilespmem:v58+s2+$0x0], $0xffff;
	[tilespmem:s11+$0x0] =	vst v59  }
0x6d8: {  	s14 =	sor.u32 s13, s12;
	[tilespmem:s1+$0x0] =	vst v7;
	v62 =	vld.idx.msk [tilespmem:v60+s2+$0x0], $0xffff  }
0x6d9: {  	s22 =	sadd.s32 $0x17780, s16;
	[tilespmem:s14+$0x0] =	vst v1;
	s0 =	sor.u32 s15, s12;
	v63 =	vld.idx.msk [tilespmem:v61+s2+$0x0], $0xffff  }
0x6da: {  	s23 =	sor.u32 s17, s22;
	[tilespmem:s0+$0x0] =	vst v0  }
0x6db: {  	s24 =	sadd.s32 $0x17780, s20;
	s1 =	sor.u32 s18, s22;
	[tilespmem:s23+$0x0] =	vst v2  }
0x6dc: {  	s25 =	sor.u32 s21, s24;
	[tilespmem:s1+$0x0] =	vst v3  }
0x6dd: {  	s0 =	sor.u32 s19, s24;
	[tilespmem:s25+$0x0] =	vst v62  }
0x6de: {  	s26 =	simm.s32 $0x1000;
	s29 =	simm.s32 $0x10400;
	[tilespmem:s0+$0x0] =	vst v63  }
0x6df: {  	s28 =	simm.s32 $0x2000;
	s3 =	simm.s32 $0x1;
	s0 =	rddreg [dreg:$0x7]  }
0x6e0: {  	[hbm4b:s0+s26] =	stream.strided.scatter [tilespmem:s29], [sflag:$0x1], $0x8000, s28, s26, $0x38;
	[tilespmem:$0x18400] =	vst v63  }
0x6e1: {  	_ =	swait.ge [sflag:s3], $0x8000  }
0x6e2: {  	s30 =	rddreg [dreg:$0x9]  }
0x6e3: {  	s31 =	rddreg [dreg:$0x8];
	s1 =	sadd.s32 $0x1, s30  }
0x6e4: {  	p0 =	sne.s32 s1, s31  }
.Ltmp2:
0x6e5: {  	_ = 	snop;
	(pc) =	sbr.rel @p0 .LBB2_1-.Ltmp2, $3  }
0x6e6: {  	_ =	sdelay $0x1  }
0x6e7: {  	[sflag:s3] =	ssyncset.done $0x0  }
0x6e8: {  	[sflag:s3] =	ssyncadd.s32 $0xFFFF8000  }
0x6e9: {  	_ =	sfence.sel $0x180000  }
0x6ea: {  	[bflag:$0x0] =	sbarrier.arrive $0xFFFF  }
0x6eb: {  	_ =	strace $0x90000047  }
0x6ec: {  	s0 =	stileid.u32;
	[bflag:$0x2] =	sbarrier.arrive $0xFFFF  }
0x6ed: {  	p0 =	sne.s32 s0, $0x0;
	s0 =	rddreg [dreg:$0x2]  }
0x6ee: {  	s0 =	sadd.s32 @!p0 $0x100000, s0  }
0x6ef: {  	[sflag:s0] =	ssyncadd.tile.s32 @!p0 $0x1;
	_ =	shalt  }
.Lfunc_end2:
_tile_overlayer_lowered:
.L_overlay_start_2:
0x6f0: {  	(tag) =	ssettag $0x2  }
0x6f1: {  	s0 =	rddreg [dreg:$0x0];
	s2 =	stileid.u32  }
0x6f2: {  	s1 =	rddreg [dreg:$0x1];
	p0 =	sne.s32 s2, $0x0  }
0x6f3: {  	s3 =	rddreg [dreg:$0x2];
	[bflag:$0x3] =	sbarrier.arrive $0xFFFF;
	s2 =	simm.s32 @!p0 $0x1C01  }
0x6f4: {  	[timem:s3], [sflag:s2] =	dma.local @!p0 [hbm:s0], s1  }
0x6f5: {  	s0 =	simm.s32 @!p0 $0x1  }
0x6f6: {  	_ =	swait.ge @!p0 [sflag:s0], s1  }
0x6f7: {  	s1 =	ssub.s32 @!p0 $0x0, s1;
	[sflag:s0] =	ssyncset.done @!p0 $0x0  }
0x6f8: {  	[sflag:s0] =	ssyncadd.s32 @!p0 s1  }
0x6f9: {  	[bflag:$0x3] =	sbarrier.arrive $0xFFFF  }
0x6fa: {  	_ =	shalt  }

</sc_bundles>
